<compile_context>
chip_gen: v7x
topology: tpu7x:2x2x1
jax: 0.10.2.dev20260603
libtpu: 0.0.44.dev20260713+nightly
codegen_flags: <defaults>
</compile_context>

<pallas_src>
import functools

import jax
import jax.numpy as jnp
from jax import lax
from jax.experimental import pallas as pl
from jax.experimental.pallas import tpu as pltpu
from jax.experimental.pallas import tpu_sc as plsc

_B = 16
_C = 128
_T = 200
_H = 64
_N = _B * _C
_E = 131072
_F32 = jnp.float32

_NC = 2
_NS = 16
_NW = _NC * _NS
_ECHUNK = 128
_NCHUNK = _E // (_NW * _ECHUNK)
_NSLICE = _N // _NS

_BN_SCALE = float(1.0 / (1.0 + 1e-5) ** 0.5)




def _gru_dir_jnp(x_seq, wih, whh, bih, bhh, reverse):
    h0 = jnp.zeros((x_seq.shape[0], whh.shape[-1]), x_seq.dtype)
    xs = jnp.swapaxes(x_seq, 0, 1)
    if reverse:
        xs = xs[::-1]

    def step(h, xt):
        gi = xt @ wih.T + bih
        gh = h @ whh.T + bhh
        ir, iz, inn = jnp.split(gi, 3, axis=-1)
        hr, hz, hn = jnp.split(gh, 3, axis=-1)
        r = jax.nn.sigmoid(ir + hr)
        zg = jax.nn.sigmoid(iz + hz)
        ng = jnp.tanh(inn + r * hn)
        hnew = (1.0 - zg) * ng + zg * h
        return hnew, hnew

    _, hs = jax.lax.scan(step, h0, xs)
    if reverse:
        hs = hs[::-1]
    return jnp.swapaxes(hs, 0, 1)


def _gru_branch(x, wih0, whh0, bih0, bhh0, wih1, whh1, bih1, bhh1,
                proj_w, proj_b):
    eeg_time = x.reshape(_N, _T, 1)
    h = jnp.concatenate([
        _gru_dir_jnp(eeg_time, wih0[0], whh0[0], bih0[0], bhh0[0], False),
        _gru_dir_jnp(eeg_time, wih0[1], whh0[1], bih0[1], bhh0[1], True),
    ], axis=-1)
    h = jnp.concatenate([
        _gru_dir_jnp(h, wih1[0], whh1[0], bih1[0], bhh1[0], False),
        _gru_dir_jnp(h, wih1[1], whh1[1], bih1[1], bhh1[1], True),
    ], axis=-1)
    return h[:, -1, :] @ proj_w + proj_b




def _sc_mesh():
    return plsc.VectorSubcoreMesh(core_axis_name="c", subcore_axis_name="s",
                                  num_cores=_NC, num_subcores=_NS)


def _deg_sc(dst3, ew3):
    @functools.partial(
        pl.kernel,
        out_type=jax.ShapeDtypeStruct((_NC, _N), _F32),
        mesh=_sc_mesh(),
        scratch_types=[
            pltpu.VMEM((_NCHUNK, _ECHUNK), jnp.int32),
            pltpu.VMEM((_NCHUNK * _ECHUNK,), _F32),
            pltpu.VMEM((_NSLICE,), _F32),
            pltpu.VMEM_SHARED((_N,), _F32),
        ],
        compiler_params=pltpu.CompilerParams(needs_layout_passes=False),
    )
    def k(dst_hbm, ew_hbm, out_hbm, dstv, ewv, zv, acc):
        cid = lax.axis_index("c")
        sid = lax.axis_index("s")
        wid = sid * _NC + cid

        def zr(i, _):
            zv[pl.ds(i * 16, 16)] = jnp.zeros((16,), _F32)
            return 0

        lax.fori_loop(0, _NSLICE // 16, zr, 0)
        pltpu.sync_copy(zv, acc.at[pl.ds(sid * _NSLICE, _NSLICE)])
        plsc.subcore_barrier()

        pltpu.sync_copy(dst_hbm.at[wid], dstv)
        pltpu.sync_copy(ew_hbm.at[wid], ewv)

        def chunk(j, _):
            pltpu.sync_copy(ewv.at[pl.ds(j * _ECHUNK, _ECHUNK)],
                            acc.at[dstv.at[j]], add=True)
            return 0

        lax.fori_loop(0, _NCHUNK, chunk, 0)
        plsc.subcore_barrier()
        pltpu.sync_copy(acc.at[pl.ds(sid * _NSLICE, _NSLICE)],
                        out_hbm.at[cid, pl.ds(sid * _NSLICE, _NSLICE)])

    return k(dst3, ew3)


def _scat_sc(table, src3, dst3, ew3):
    @functools.partial(
        pl.kernel,
        out_type=jax.ShapeDtypeStruct((_NC, _N, 2 * _H), _F32),
        mesh=_sc_mesh(),
        scratch_types=[
            pltpu.VMEM((_NCHUNK, _ECHUNK), jnp.int32),
            pltpu.VMEM((_NCHUNK, _ECHUNK), jnp.int32),
            pltpu.VMEM((_NCHUNK * _ECHUNK,), _F32),
            pltpu.VMEM((_ECHUNK, 2 * _H), _F32),
            pltpu.VMEM((_ECHUNK, 2 * _H), _F32),
            pltpu.VMEM_SHARED((_N, 2 * _H), _F32),
            pltpu.SemaphoreType.DMA,
            pltpu.SemaphoreType.DMA,
        ],
        compiler_params=pltpu.CompilerParams(needs_layout_passes=False),
    )
    def k(table_hbm, src_hbm, dst_hbm, ew_hbm, out_hbm,
          srcv, dstv, ewv, rows, rows_b, acc, sem, sem_b):
        cid = lax.axis_index("c")
        sid = lax.axis_index("s")
        wid = sid * _NC + cid

        def zr(r, _):
            for kk in range(2 * _H // 16):
                rows[r, pl.ds(kk * 16, 16)] = jnp.zeros((16,), _F32)
            return 0

        lax.fori_loop(0, _ECHUNK, zr, 0)
        pltpu.sync_copy(rows, acc.at[pl.ds(sid * _NSLICE, _NSLICE)])
        plsc.subcore_barrier()

        pltpu.sync_copy(src_hbm.at[wid], srcv)
        pltpu.sync_copy(dst_hbm.at[wid], dstv)
        pltpu.sync_copy(ew_hbm.at[wid], ewv)

        lane = lax.broadcasted_iota(jnp.int32, (16,), 0)

        def scale_scatter(j, buf):
            def sgrp(g, _):
                ew16 = ewv[pl.ds(j * _ECHUNK + g * 16, 16)]
                for r16 in range(16):
                    oh = jnp.where(lane == r16, 1.0, 0.0).astype(_F32)
                    sv = jnp.broadcast_to(jnp.sum(ew16 * oh), (16,))
                    row = g * 16 + r16
                    for kk in range(_H // 16):
                        sl = pl.ds(kk * 16, 16)
                        buf[row, sl] = buf[row, sl] * sv
                return 0

            lax.fori_loop(0, _ECHUNK // 16, sgrp, 0)
            pltpu.sync_copy(buf, acc.at[dstv.at[j]], add=True)

        pltpu.async_copy(table_hbm.at[srcv.at[0]], rows, sem)

        def chunk2(jj, _):
            j = 2 * jj
            pltpu.make_async_copy(table_hbm.at[srcv.at[j]], rows, sem).wait()
            pltpu.async_copy(table_hbm.at[srcv.at[j + 1]], rows_b, sem_b)
            scale_scatter(j, rows)
            pltpu.make_async_copy(table_hbm.at[srcv.at[j + 1]], rows_b,
                                  sem_b).wait()

            @pl.when(jj < _NCHUNK // 2 - 1)
            def _():
                pltpu.async_copy(table_hbm.at[srcv.at[j + 2]], rows, sem)

            scale_scatter(j + 1, rows_b)
            return 0

        lax.fori_loop(0, _NCHUNK // 2, chunk2, 0)
        plsc.subcore_barrier()
        pltpu.sync_copy(acc.at[pl.ds(sid * _NSLICE, _NSLICE)],
                        out_hbm.at[cid, pl.ds(sid * _NSLICE, _NSLICE)])

    return k(table, src3, dst3, ew3)




def _pre_body(deg3_ref, x_ref, w1_ref, dinv_ref, xws1_ref):
    deg = deg3_ref[0] + deg3_ref[1] + 1.0
    dinv = lax.rsqrt(deg)
    dinv_ref[...] = dinv
    xw = jnp.dot(x_ref[...], w1_ref[...], preferred_element_type=_F32)
    xws1_ref[...] = jnp.concatenate(
        [xw * dinv, jnp.zeros((_N, _H), _F32)], axis=1)


def _pre_tc(deg3, x2d, w1):
    return pl.pallas_call(
        _pre_body,
        out_shape=[
            jax.ShapeDtypeStruct((_N, 1), _F32),
            jax.ShapeDtypeStruct((_N, 2 * _H), _F32),
        ],
    )(deg3, x2d, w1)


def _mid_body(pp_ref, xws1_ref, dinv_ref, b1_ref, bn1w_ref, bn1b_ref,
              w2_ref, xws2_ref):
    s = ((pp_ref[0, :, :_H] + pp_ref[1, :, :_H] + xws1_ref[:, :_H])
         * dinv_ref[...] + b1_ref[...])
    g = jnp.maximum(s * (bn1w_ref[...] * _BN_SCALE) + bn1b_ref[...], 0.0)
    xw2 = jnp.dot(g, w2_ref[...], preferred_element_type=_F32)
    xws2_ref[...] = jnp.concatenate(
        [xw2 * dinv_ref[...], jnp.zeros((_N, _H), _F32)], axis=1)


def _mid_tc(pp1, xws1, dinv, b1, bn1w, bn1b, w2):
    return pl.pallas_call(
        _mid_body,
        out_shape=jax.ShapeDtypeStruct((_N, 2 * _H), _F32),
    )(pp1, xws1, dinv, b1, bn1w, bn1b, w2)


def _fin_body(pp_ref, xws2_ref, dinv_ref, b2_ref, bn2w_ref, bn2b_ref,
              gru_ref, fw1_ref, fb1_ref, fw2_ref, fb2_ref,
              pw1_ref, pb1_ref, pw2_ref, pb2_ref, out_ref):
    s = ((pp_ref[0, :, :_H] + pp_ref[1, :, :_H] + xws2_ref[:, :_H])
         * dinv_ref[...] + b2_ref[...])
    g = jnp.maximum(s * (bn2w_ref[...] * _BN_SCALE) + bn2b_ref[...], 0.0)
    fused = jnp.concatenate([gru_ref[...], g], axis=1)
    y = jnp.maximum(jnp.dot(fused, fw1_ref[...],
                            preferred_element_type=_F32) + fb1_ref[...], 0.0)
    y = jnp.maximum(jnp.dot(y, fw2_ref[...],
                            preferred_element_type=_F32) + fb2_ref[...], 0.0)
    rows = lax.broadcasted_iota(jnp.int32, (_B, _N), 1)
    bidx = lax.broadcasted_iota(jnp.int32, (_B, _N), 0)
    pool = jnp.where(rows // _C == bidx, 1.0 / _C, 0.0).astype(_F32)
    pooled = jnp.dot(pool, y, preferred_element_type=_F32,
                     precision=lax.Precision.HIGHEST)
    hp = jnp.maximum(jnp.dot(pooled, pw1_ref[...],
                             preferred_element_type=_F32) + pb1_ref[...], 0.0)
    out_ref[...] = (jnp.dot(hp, pw2_ref[...],
                            preferred_element_type=_F32) + pb2_ref[...])


def _fin_tc(pp2, xws2, dinv, b2, bn2w, bn2b, gru_feat,
            fw1, fb1, fw2, fb2, pw1, pb1, pw2, pb2):
    return pl.pallas_call(
        _fin_body,
        out_shape=jax.ShapeDtypeStruct((_B, 1), _F32),
    )(pp2, xws2, dinv, b2, bn2w, bn2b, gru_feat,
      fw1, fb1, fw2, fb2, pw1, pb1, pw2, pb2)




def kernel(x, edge_index, edge_weights, gru_wih0, gru_whh0, gru_bih0,
           gru_bhh0, gru_wih1, gru_whh1, gru_bih1, gru_bhh1, proj_w, proj_b,
           gcn_w1, gcn_b1, gcn_w2, gcn_b2, bn1_w, bn1_b, bn2_w, bn2_b,
           fus_w1, fus_b1, fus_w2, fus_b2, pred_w1, pred_b1, pred_w2,
           pred_b2):
    x2d = x.reshape(_N, _T)
    ei = edge_index.astype(jnp.int32)
    src3 = ei[0].reshape(_NW, _NCHUNK, _ECHUNK)
    dst3 = ei[1].reshape(_NW, _NCHUNK, _ECHUNK)
    ew3 = edge_weights.reshape(_NW, _NCHUNK * _ECHUNK)

    degp = _deg_sc(dst3, ew3)
    deg3 = degp.reshape(_NC, _N, 1)
    dinv, xws1 = _pre_tc(deg3, x2d, gcn_w1)
    pp1 = _scat_sc(xws1, src3, dst3, ew3)
    xws2 = _mid_tc(pp1, xws1, dinv, gcn_b1, bn1_w, bn1_b, gcn_w2)
    pp2 = _scat_sc(xws2, src3, dst3, ew3)

    gru_feat = _gru_branch(x, gru_wih0, gru_whh0, gru_bih0, gru_bhh0,
                           gru_wih1, gru_whh1, gru_bih1, gru_bhh1,
                           proj_w, proj_b)
    out2d = _fin_tc(pp2, xws2, dinv, gcn_b2, bn2_w, bn2_b, gru_feat,
                    fus_w1, fus_b1, fus_w2, fus_b2,
                    pred_w1, pred_b1, pred_w2, pred_b2)
    return out2d.reshape(_B)

# --- scband reference (transcript-rebuilt; emitter-appended) ---
"""Pipeline reference for scband-dual-branch-eegmodel-78623671320902 (READ-ONLY COPY).

The authoritative reference and input builder live on the scoring server;
editing this copy changes nothing except your own understanding.
"""

import jax, jax.numpy as jnp
import numpy as np

B = 16
C = 128
T = 200
H = 64
N = B * C
E = 131072


def _gru_dir(x, wih, whh, bih, bhh, reverse):
    h0 = jnp.zeros((x.shape[0], whh.shape[-1]), x.dtype)
    xs = jnp.swapaxes(x, 0, 1)
    if reverse:
        xs = xs[::-1]

    def step(h, xt):
        gi = xt @ wih.T + bih
        gh = h @ whh.T + bhh
        ir, iz, inn = jnp.split(gi, 3, axis=-1)
        hr, hz, hn = jnp.split(gh, 3, axis=-1)
        r = jax.nn.sigmoid(ir + hr)
        zg = jax.nn.sigmoid(iz + hz)
        ng = jnp.tanh(inn + r * hn)
        hnew = (1.0 - zg) * ng + zg * h
        return hnew, hnew

    _, hs = jax.lax.scan(step, h0, xs)
    if reverse:
        hs = hs[::-1]
    return jnp.swapaxes(hs, 0, 1)


def _bigru(x, wih, whh, bih, bhh):
    f = _gru_dir(x, wih[0], whh[0], bih[0], bhh[0], False)
    b = _gru_dir(x, wih[1], whh[1], bih[1], bhh[1], True)
    return jnp.concatenate([f, b], axis=-1)


def _gcn(x, W, b, src, dst, ew, num_nodes):
    sl = jnp.arange(num_nodes)
    s = jnp.concatenate([src, sl])
    d = jnp.concatenate([dst, sl])
    ewa = jnp.concatenate([ew, jnp.ones((num_nodes,), x.dtype)])
    deg = jnp.zeros((num_nodes,), x.dtype).at[d].add(ewa)
    deg_safe = jnp.where(deg > 0, deg, 1.0)
    dinv = jnp.where(deg > 0, 1.0 / jnp.sqrt(deg_safe), 0.0)
    norm = dinv[s] * ewa * dinv[d]
    xw = x @ W
    out = jnp.zeros((num_nodes, xw.shape[1]), x.dtype).at[d].add(norm[:, None] * xw[s])
    return out + b


def _bn(x, w, b):
    # eval-mode BatchNorm1d with default running stats (mean=0, var=1)
    return x / jnp.sqrt(1.0 + 1e-5) * w + b


def _forward(edge_index, x, edge_weights, gru_wih0, gru_whh0, gru_bih0, gru_bhh0, gru_wih1, gru_whh1, gru_bih1, gru_bhh1, proj_w, proj_b, gcn_w1, gcn_b1, gcn_w2, gcn_b2, bn1_w, bn1_b, bn2_w, bn2_b, fus_w1, fus_b1, fus_w2, fus_b2, pred_w1, pred_b1, pred_w2, pred_b2):
    src = edge_index[0]
    dst = edge_index[1]
    eeg = x[:, :C, :]
    eeg_time = eeg.reshape(B * C, T, 1)
    h = _bigru(eeg_time, gru_wih0, gru_whh0, gru_bih0, gru_bhh0)
    h = _bigru(h, gru_wih1, gru_whh1, gru_bih1, gru_bhh1)
    gru_last = h[:, -1, :]
    gru_feat = (gru_last @ proj_w + proj_b).reshape(B, C, H)
    node = eeg.reshape(B * C, T)
    g = jax.nn.relu(_bn(_gcn(node, gcn_w1, gcn_b1, src, dst, edge_weights, B * C), bn1_w, bn1_b))
    g = jax.nn.relu(_bn(_gcn(g, gcn_w2, gcn_b2, src, dst, edge_weights, B * C), bn2_w, bn2_b))
    g = g.reshape(B, C, H)
    fused = jnp.concatenate([gru_feat, g], axis=-1)
    fused = jax.nn.relu(fused @ fus_w1 + fus_b1)
    fused = jax.nn.relu(fused @ fus_w2 + fus_b2)
    pooled = fused.mean(axis=1)
    hp = jax.nn.relu(pooled @ pred_w1 + pred_b1)
    out = hp @ pred_w2 + pred_b2
    return out[:, 0]


def setup_inputs(seed: int = 0):
    key = jax.random.key(seed)
    ks = jax.random.split(key, 20)

    def w(i, shape, scale=0.08):
        return jax.random.normal(ks[i], shape, dtype=jnp.float32) * scale

    def z(*s):
        return jnp.zeros(s, jnp.float32)

    def o(*s):
        return jnp.ones(s, jnp.float32)

    inp = {}
    inp["x"] = jax.random.normal(ks[0], (B, C, T), dtype=jnp.float32)
    inp["edge_index"] = jax.random.randint(ks[1], (2, E), 0, N)
    inp["edge_weights"] = jax.random.uniform(ks[2], (E,), dtype=jnp.float32)
    inp["gru_wih0"] = w(3, (2, 3 * H, 1))
    inp["gru_whh0"] = w(4, (2, 3 * H, H))
    inp["gru_bih0"] = z(2, 3 * H)
    inp["gru_bhh0"] = z(2, 3 * H)
    inp["gru_wih1"] = w(5, (2, 3 * H, 2 * H))
    inp["gru_whh1"] = w(6, (2, 3 * H, H))
    inp["gru_bih1"] = z(2, 3 * H)
    inp["gru_bhh1"] = z(2, 3 * H)
    inp["proj_w"] = w(7, (2 * H, H))
    inp["proj_b"] = z(H)
    inp["gcn_w1"] = w(8, (T, H))
    inp["gcn_b1"] = z(H)
    inp["gcn_w2"] = w(9, (H, H))
    inp["gcn_b2"] = z(H)
    inp["bn1_w"] = o(H)
    inp["bn1_b"] = z(H)
    inp["bn2_w"] = o(H)
    inp["bn2_b"] = z(H)
    inp["fus_w1"] = w(10, (2 * H, 128))
    inp["fus_b1"] = z(128)
    inp["fus_w2"] = w(11, (128, 128))
    inp["fus_b2"] = z(128)
    inp["pred_w1"] = w(12, (128, 64))
    inp["pred_b1"] = z(64)
    inp["pred_w2"] = w(13, (64, 1))
    inp["pred_b2"] = z(1)
    return inp


def reference(x, edge_index, edge_weights, gru_wih0, gru_whh0, gru_bih0, gru_bhh0, gru_wih1, gru_whh1, gru_bih1, gru_bhh1, proj_w, proj_b, gcn_w1, gcn_b1, gcn_w2, gcn_b2, bn1_w, bn1_b, bn2_w, bn2_b, fus_w1, fus_b1, fus_w2, fus_b2, pred_w1, pred_b1, pred_w2, pred_b2):
    return _forward(edge_index, x, edge_weights, gru_wih0, gru_whh0, gru_bih0, gru_bhh0, gru_wih1, gru_whh1, gru_bih1, gru_bhh1, proj_w, proj_b, gcn_w1, gcn_b1, gcn_w2, gcn_b2, bn1_w, bn1_b, bn2_w, bn2_b, fus_w1, fus_b1, fus_w2, fus_b2, pred_w1, pred_b1, pred_w2, pred_b2)

if __name__ == "__main__":
    import jax
    _d = setup_inputs()
    print(jax.jit(kernel)(*tuple(_d.values())))

</pallas_src>

<mosaic_0001>
#map = affine_map<(d0, d1) -> (0, 0)>
#map1 = affine_map<(d0, d1) -> (0, 0, 0)>
module attributes {stable_mosaic.version = 14 : i64} {
  func.func @k(%arg0: i32, %arg1: i32, %arg2: memref<2048x128xf32, #tpu.memory_space<hbm>>, %arg3: memref<32x32x128xi32, #tpu.memory_space<hbm>>, %arg4: memref<32x32x128xi32, #tpu.memory_space<hbm>>, %arg5: memref<32x4096xf32, #tpu.memory_space<hbm>>, %arg6: memref<2x2048x128xf32, #tpu.memory_space<hbm>>, %arg7: memref<32x128xi32, #tpu.memory_space<vmem>>, %arg8: memref<32x128xi32, #tpu.memory_space<vmem>>, %arg9: memref<4096xf32, #tpu.memory_space<vmem>>, %arg10: memref<128x128xf32, #tpu.memory_space<vmem>>, %arg11: memref<128x128xf32, #tpu.memory_space<vmem>>, %arg12: memref<2048x128xf32, #tpu.memory_space<vmem_shared>>, %arg13: memref<!tpu.dma_semaphore, #tpu.memory_space<semaphore_mem>>, %arg14: memref<!tpu.dma_semaphore, #tpu.memory_space<semaphore_mem>>) attributes {dimension_semantics = [#tpu.dimension_semantics<core_parallel>, #tpu.dimension_semantics<subcore_parallel>], iteration_bounds = array<i64: 2, 16>, scalar_prefetch = 0 : i64, scratch_operands = 8 : i64, tpu.core_type = #tpu.core_type<sc_vector_subcore>, window_params = [{transform_indices = #map}, {transform_indices = #map1}, {transform_indices = #map1}, {transform_indices = #map}, {transform_indices = #map1}]} {
    %mul3A = arith.constant 2 : i32
    %mul3A_0 = arith.muli %arg1, %mul3A : i32
    %add3A = arith.addi %mul3A_0, %arg0 : i32
    %scan3A = arith.constant 0 : i32
    %scan3A_1 = arith.constant 0 : i32
    %scan3A_2 = arith.constant 128 : i32
    %scan3A_3 = arith.addi %scan3A_1, %scan3A_2 : i32
    %scan3A_4 = arith.constant 1 : i32
    %scan3A_5 = scf.for %scan3A_27 = %scan3A_1 to %scan3A_3 step %scan3A_4 iter_args(%scan3A_28 = %scan3A) -> (i32)  : i32 {
      %broadcast_in_dim3A = arith.constant 0.000000e+00 : f32
      %broadcast_in_dim3A_29 = vector.broadcast %broadcast_in_dim3A : f32 to vector<16xf32>
      %swap3A = arith.index_cast %scan3A_27 : i32 to index
      %swap3A_30 = arith.constant 0 : index
      %swap3A_31 = tpu.vector_load %arg10[%swap3A, %swap3A_30] {strides = array<i32>} : memref<128x128xf32, #tpu.memory_space<vmem>>, vector<16xf32>,
      tpu.vector_store %arg10[%swap3A, %swap3A_30], %broadcast_in_dim3A_29 {strides = array<i32>} : memref<128x128xf32, #tpu.memory_space<vmem>>, vector<16xf32>,
      %broadcast_in_dim3A_32 = arith.constant 0.000000e+00 : f32
      %broadcast_in_dim3A_33 = vector.broadcast %broadcast_in_dim3A_32 : f32 to vector<16xf32>
      %swap3A_34 = arith.index_cast %scan3A_27 : i32 to index
      %swap3A_35 = arith.constant 16 : index
      %swap3A_36 = tpu.vector_load %arg10[%swap3A_34, %swap3A_35] {strides = array<i32>} : memref<128x128xf32, #tpu.memory_space<vmem>>, vector<16xf32>,
      tpu.vector_store %arg10[%swap3A_34, %swap3A_35], %broadcast_in_dim3A_33 {strides = array<i32>} : memref<128x128xf32, #tpu.memory_space<vmem>>, vector<16xf32>,
      %broadcast_in_dim3A_37 = arith.constant 0.000000e+00 : f32
      %broadcast_in_dim3A_38 = vector.broadcast %broadcast_in_dim3A_37 : f32 to vector<16xf32>
      %swap3A_39 = arith.index_cast %scan3A_27 : i32 to index
      %swap3A_40 = arith.constant 32 : index
      %swap3A_41 = tpu.vector_load %arg10[%swap3A_39, %swap3A_40] {strides = array<i32>} : memref<128x128xf32, #tpu.memory_space<vmem>>, vector<16xf32>,
      tpu.vector_store %arg10[%swap3A_39, %swap3A_40], %broadcast_in_dim3A_38 {strides = array<i32>} : memref<128x128xf32, #tpu.memory_space<vmem>>, vector<16xf32>,
      %broadcast_in_dim3A_42 = arith.constant 0.000000e+00 : f32
      %broadcast_in_dim3A_43 = vector.broadcast %broadcast_in_dim3A_42 : f32 to vector<16xf32>
      %swap3A_44 = arith.index_cast %scan3A_27 : i32 to index
      %swap3A_45 = arith.constant 48 : index
      %swap3A_46 = tpu.vector_load %arg10[%swap3A_44, %swap3A_45] {strides = array<i32>} : memref<128x128xf32, #tpu.memory_space<vmem>>, vector<16xf32>,
      tpu.vector_store %arg10[%swap3A_44, %swap3A_45], %broadcast_in_dim3A_43 {strides = array<i32>} : memref<128x128xf32, #tpu.memory_space<vmem>>, vector<16xf32>,
      %broadcast_in_dim3A_47 = arith.constant 0.000000e+00 : f32
      %broadcast_in_dim3A_48 = vector.broadcast %broadcast_in_dim3A_47 : f32 to vector<16xf32>
      %swap3A_49 = arith.index_cast %scan3A_27 : i32 to index
      %swap3A_50 = arith.constant 64 : index
      %swap3A_51 = tpu.vector_load %arg10[%swap3A_49, %swap3A_50] {strides = array<i32>} : memref<128x128xf32, #tpu.memory_space<vmem>>, vector<16xf32>,
      tpu.vector_store %arg10[%swap3A_49, %swap3A_50], %broadcast_in_dim3A_48 {strides = array<i32>} : memref<128x128xf32, #tpu.memory_space<vmem>>, vector<16xf32>,
      %broadcast_in_dim3A_52 = arith.constant 0.000000e+00 : f32
      %broadcast_in_dim3A_53 = vector.broadcast %broadcast_in_dim3A_52 : f32 to vector<16xf32>
      %swap3A_54 = arith.index_cast %scan3A_27 : i32 to index
      %swap3A_55 = arith.constant 80 : index
      %swap3A_56 = tpu.vector_load %arg10[%swap3A_54, %swap3A_55] {strides = array<i32>} : memref<128x128xf32, #tpu.memory_space<vmem>>, vector<16xf32>,
      tpu.vector_store %arg10[%swap3A_54, %swap3A_55], %broadcast_in_dim3A_53 {strides = array<i32>} : memref<128x128xf32, #tpu.memory_space<vmem>>, vector<16xf32>,
      %broadcast_in_dim3A_57 = arith.constant 0.000000e+00 : f32
      %broadcast_in_dim3A_58 = vector.broadcast %broadcast_in_dim3A_57 : f32 to vector<16xf32>
      %swap3A_59 = arith.index_cast %scan3A_27 : i32 to index
      %swap3A_60 = arith.constant 96 : index
      %swap3A_61 = tpu.vector_load %arg10[%swap3A_59, %swap3A_60] {strides = array<i32>} : memref<128x128xf32, #tpu.memory_space<vmem>>, vector<16xf32>,
      tpu.vector_store %arg10[%swap3A_59, %swap3A_60], %broadcast_in_dim3A_58 {strides = array<i32>} : memref<128x128xf32, #tpu.memory_space<vmem>>, vector<16xf32>,
      %broadcast_in_dim3A_62 = arith.constant 0.000000e+00 : f32
      %broadcast_in_dim3A_63 = vector.broadcast %broadcast_in_dim3A_62 : f32 to vector<16xf32>
      %swap3A_64 = arith.index_cast %scan3A_27 : i32 to index
      %swap3A_65 = arith.constant 112 : index
      %swap3A_66 = tpu.vector_load %arg10[%swap3A_64, %swap3A_65] {strides = array<i32>} : memref<128x128xf32, #tpu.memory_space<vmem>>, vector<16xf32>,
      tpu.vector_store %arg10[%swap3A_64, %swap3A_65], %broadcast_in_dim3A_63 {strides = array<i32>} : memref<128x128xf32, #tpu.memory_space<vmem>>, vector<16xf32>,
      %scan3A_67 = arith.constant 0 : i32
      scf.yield %scan3A_67 : i32
    }
    %scan3A_6 = arith.constant 128 : i32
    %mul3A_7 = arith.constant 128 : i32
    %mul3A_8 = arith.muli %arg1, %mul3A_7 : i32
    "tpu.region"() ({
      %run_scoped3A = tpu.sem_alloc : memref<!tpu.dma_semaphore, #tpu.memory_space<semaphore_mem>>
      %dma_start3A_27 = arith.constant 0 : i32
      %dma_start3A_28 = tpu.memref_slice %arg12[%mul3A_8, %dma_start3A_27] : memref<2048x128xf32, #tpu.memory_space<vmem_shared>> -> memref<128x128xf32, #tpu.memory_space<vmem_shared>>
      %dma_start3A_29 = arith.constant 0 : i32
      %dma_start3A_30 = tpu.memref_slice %arg12[%mul3A_8, %dma_start3A_29] : memref<2048x128xf32, #tpu.memory_space<vmem_shared>> -> memref<128x128xf32, #tpu.memory_space<vmem_shared>>
      tpu.enqueue_dma source(%arg10 : memref<128x128xf32, #tpu.memory_space<vmem>>) target(%dma_start3A_30 : memref<128x128xf32, #tpu.memory_space<vmem_shared>>) target_semaphore(%run_scoped3A : memref<!tpu.dma_semaphore, #tpu.memory_space<semaphore_mem>>)
      %dma_wait3A = arith.constant 0 : i32
      %dma_wait3A_31 = tpu.memref_slice %arg12[%mul3A_8, %dma_wait3A] : memref<2048x128xf32, #tpu.memory_space<vmem_shared>> -> memref<128x128xf32, #tpu.memory_space<vmem_shared>>
      %dma_wait3A_32 = arith.constant 0 : i32
      %dma_wait3A_33 = tpu.memref_slice %arg12[%mul3A_8, %dma_wait3A_32] : memref<2048x128xf32, #tpu.memory_space<vmem_shared>> -> memref<128x128xf32, #tpu.memory_space<vmem_shared>>
      tpu.wait_dma2 semaphore(%run_scoped3A : memref<!tpu.dma_semaphore, #tpu.memory_space<semaphore_mem>>) src(%arg10 : memref<128x128xf32, #tpu.memory_space<vmem>>) dst(%dma_wait3A_33 : memref<128x128xf32, #tpu.memory_space<vmem_shared>>)
      tpu.yield
    }) : () -> ()
    %barrier3A = arith.constant 0 : index
    tpu.barrier barrier_id(%barrier3A)
    "tpu.region"() ({
      %run_scoped3A = tpu.sem_alloc : memref<!tpu.dma_semaphore, #tpu.memory_space<semaphore_mem>>
      %dma_start3A_27 = arith.constant 0 : i32
      %dma_start3A_28 = arith.constant 0 : i32
      %dma_start3A_29 = tpu.memref_slice %arg3[%add3A, %dma_start3A_27, %dma_start3A_28] : memref<32x32x128xi32, #tpu.memory_space<hbm>> -> memref<1x32x128xi32, #tpu.memory_space<hbm>>
      %dma_start3A_30 = tpu.memref_squeeze %dma_start3A_29 : memref<1x32x128xi32, #tpu.memory_space<hbm>> -> memref<32x128xi32, #tpu.memory_space<hbm>>
      %dma_start3A_31 = arith.constant 0 : i32
      %dma_start3A_32 = arith.constant 0 : i32
      %dma_start3A_33 = tpu.memref_slice %arg3[%add3A, %dma_start3A_31, %dma_start3A_32] : memref<32x32x128xi32, #tpu.memory_space<hbm>> -> memref<1x32x128xi32, #tpu.memory_space<hbm>>
      %dma_start3A_34 = tpu.memref_squeeze %dma_start3A_33 : memref<1x32x128xi32, #tpu.memory_space<hbm>> -> memref<32x128xi32, #tpu.memory_space<hbm>>
      tpu.enqueue_dma source(%dma_start3A_34 : memref<32x128xi32, #tpu.memory_space<hbm>>) target(%arg7 : memref<32x128xi32, #tpu.memory_space<vmem>>) target_semaphore(%run_scoped3A : memref<!tpu.dma_semaphore, #tpu.memory_space<semaphore_mem>>)
      %dma_wait3A = arith.constant 0 : i32
      %dma_wait3A_35 = arith.constant 0 : i32
      %dma_wait3A_36 = tpu.memref_slice %arg3[%add3A, %dma_wait3A, %dma_wait3A_35] : memref<32x32x128xi32, #tpu.memory_space<hbm>> -> memref<1x32x128xi32, #tpu.memory_space<hbm>>
      %dma_wait3A_37 = tpu.memref_squeeze %dma_wait3A_36 : memref<1x32x128xi32, #tpu.memory_space<hbm>> -> memref<32x128xi32, #tpu.memory_space<hbm>>
      %dma_wait3A_38 = arith.constant 0 : i32
      %dma_wait3A_39 = arith.constant 0 : i32
      %dma_wait3A_40 = tpu.memref_slice %arg3[%add3A, %dma_wait3A_38, %dma_wait3A_39] : memref<32x32x128xi32, #tpu.memory_space<hbm>> -> memref<1x32x128xi32, #tpu.memory_space<hbm>>
      %dma_wait3A_41 = tpu.memref_squeeze %dma_wait3A_40 : memref<1x32x128xi32, #tpu.memory_space<hbm>> -> memref<32x128xi32, #tpu.memory_space<hbm>>
      tpu.wait_dma2 semaphore(%run_scoped3A : memref<!tpu.dma_semaphore, #tpu.memory_space<semaphore_mem>>) src(%dma_wait3A_41 : memref<32x128xi32, #tpu.memory_space<hbm>>) dst(%arg7 : memref<32x128xi32, #tpu.memory_space<vmem>>)
      tpu.yield
    }) : () -> ()
    "tpu.region"() ({
      %run_scoped3A = tpu.sem_alloc : memref<!tpu.dma_semaphore, #tpu.memory_space<semaphore_mem>>
      %dma_start3A_27 = arith.constant 0 : i32
      %dma_start3A_28 = arith.constant 0 : i32
      %dma_start3A_29 = tpu.memref_slice %arg4[%add3A, %dma_start3A_27, %dma_start3A_28] : memref<32x32x128xi32, #tpu.memory_space<hbm>> -> memref<1x32x128xi32, #tpu.memory_space<hbm>>
      %dma_start3A_30 = tpu.memref_squeeze %dma_start3A_29 : memref<1x32x128xi32, #tpu.memory_space<hbm>> -> memref<32x128xi32, #tpu.memory_space<hbm>>
      %dma_start3A_31 = arith.constant 0 : i32
      %dma_start3A_32 = arith.constant 0 : i32
      %dma_start3A_33 = tpu.memref_slice %arg4[%add3A, %dma_start3A_31, %dma_start3A_32] : memref<32x32x128xi32, #tpu.memory_space<hbm>> -> memref<1x32x128xi32, #tpu.memory_space<hbm>>
      %dma_start3A_34 = tpu.memref_squeeze %dma_start3A_33 : memref<1x32x128xi32, #tpu.memory_space<hbm>> -> memref<32x128xi32, #tpu.memory_space<hbm>>
      tpu.enqueue_dma source(%dma_start3A_34 : memref<32x128xi32, #tpu.memory_space<hbm>>) target(%arg8 : memref<32x128xi32, #tpu.memory_space<vmem>>) target_semaphore(%run_scoped3A : memref<!tpu.dma_semaphore, #tpu.memory_space<semaphore_mem>>)
      %dma_wait3A = arith.constant 0 : i32
      %dma_wait3A_35 = arith.constant 0 : i32
      %dma_wait3A_36 = tpu.memref_slice %arg4[%add3A, %dma_wait3A, %dma_wait3A_35] : memref<32x32x128xi32, #tpu.memory_space<hbm>> -> memref<1x32x128xi32, #tpu.memory_space<hbm>>
      %dma_wait3A_37 = tpu.memref_squeeze %dma_wait3A_36 : memref<1x32x128xi32, #tpu.memory_space<hbm>> -> memref<32x128xi32, #tpu.memory_space<hbm>>
      %dma_wait3A_38 = arith.constant 0 : i32
      %dma_wait3A_39 = arith.constant 0 : i32
      %dma_wait3A_40 = tpu.memref_slice %arg4[%add3A, %dma_wait3A_38, %dma_wait3A_39] : memref<32x32x128xi32, #tpu.memory_space<hbm>> -> memref<1x32x128xi32, #tpu.memory_space<hbm>>
      %dma_wait3A_41 = tpu.memref_squeeze %dma_wait3A_40 : memref<1x32x128xi32, #tpu.memory_space<hbm>> -> memref<32x128xi32, #tpu.memory_space<hbm>>
      tpu.wait_dma2 semaphore(%run_scoped3A : memref<!tpu.dma_semaphore, #tpu.memory_space<semaphore_mem>>) src(%dma_wait3A_41 : memref<32x128xi32, #tpu.memory_space<hbm>>) dst(%arg8 : memref<32x128xi32, #tpu.memory_space<vmem>>)
      tpu.yield
    }) : () -> ()
    "tpu.region"() ({
      %run_scoped3A = tpu.sem_alloc : memref<!tpu.dma_semaphore, #tpu.memory_space<semaphore_mem>>
      %dma_start3A_27 = arith.constant 0 : i32
      %dma_start3A_28 = tpu.memref_slice %arg5[%add3A, %dma_start3A_27] : memref<32x4096xf32, #tpu.memory_space<hbm>> -> memref<1x4096xf32, #tpu.memory_space<hbm>>
      %dma_start3A_29 = tpu.memref_squeeze %dma_start3A_28 : memref<1x4096xf32, #tpu.memory_space<hbm>> -> memref<4096xf32, #tpu.memory_space<hbm>>
      %dma_start3A_30 = arith.constant 0 : i32
      %dma_start3A_31 = tpu.memref_slice %arg5[%add3A, %dma_start3A_30] : memref<32x4096xf32, #tpu.memory_space<hbm>> -> memref<1x4096xf32, #tpu.memory_space<hbm>>
      %dma_start3A_32 = tpu.memref_squeeze %dma_start3A_31 : memref<1x4096xf32, #tpu.memory_space<hbm>> -> memref<4096xf32, #tpu.memory_space<hbm>>
      tpu.enqueue_dma source(%dma_start3A_32 : memref<4096xf32, #tpu.memory_space<hbm>>) target(%arg9 : memref<4096xf32, #tpu.memory_space<vmem>>) target_semaphore(%run_scoped3A : memref<!tpu.dma_semaphore, #tpu.memory_space<semaphore_mem>>)
      %dma_wait3A = arith.constant 0 : i32
      %dma_wait3A_33 = tpu.memref_slice %arg5[%add3A, %dma_wait3A] : memref<32x4096xf32, #tpu.memory_space<hbm>> -> memref<1x4096xf32, #tpu.memory_space<hbm>>
      %dma_wait3A_34 = tpu.memref_squeeze %dma_wait3A_33 : memref<1x4096xf32, #tpu.memory_space<hbm>> -> memref<4096xf32, #tpu.memory_space<hbm>>
      %dma_wait3A_35 = arith.constant 0 : i32
      %dma_wait3A_36 = tpu.memref_slice %arg5[%add3A, %dma_wait3A_35] : memref<32x4096xf32, #tpu.memory_space<hbm>> -> memref<1x4096xf32, #tpu.memory_space<hbm>>
      %dma_wait3A_37 = tpu.memref_squeeze %dma_wait3A_36 : memref<1x4096xf32, #tpu.memory_space<hbm>> -> memref<4096xf32, #tpu.memory_space<hbm>>
      tpu.wait_dma2 semaphore(%run_scoped3A : memref<!tpu.dma_semaphore, #tpu.memory_space<semaphore_mem>>) src(%dma_wait3A_37 : memref<4096xf32, #tpu.memory_space<hbm>>) dst(%arg9 : memref<4096xf32, #tpu.memory_space<vmem>>)
      tpu.yield
    }) : () -> ()
    %iota3A = tpu.iota {dimensions = array<i32: 0>} : vector<16xi32>
    %dma_start3A = arith.constant 0 : i32
    %dma_start3A_9 = arith.constant 0 : i32
    %dma_start3A_10 = tpu.memref_slice %arg7[%dma_start3A, %dma_start3A_9] : memref<32x128xi32, #tpu.memory_space<vmem>> -> memref<1x128xi32, #tpu.memory_space<vmem>>
    %dma_start3A_11 = tpu.memref_squeeze %dma_start3A_10 : memref<1x128xi32, #tpu.memory_space<vmem>> -> memref<128xi32, #tpu.memory_space<vmem>>
    %dma_start3A_12 = arith.constant 0 : i32
    %dma_start3A_13 = arith.constant 0 : i32
    %dma_start3A_14 = tpu.memref_slice %arg2[%dma_start3A_12, %dma_start3A_13] : memref<2048x128xf32, #tpu.memory_space<hbm>> -> memref<2048x128xf32, #tpu.memory_space<hbm>>
    tpu.enqueue_indirect_dma source(%dma_start3A_14 : memref<2048x128xf32, #tpu.memory_space<hbm>>) target(%arg10 : memref<128x128xf32, #tpu.memory_space<vmem>>) offsets(%dma_start3A_11 : memref<128xi32, #tpu.memory_space<vmem>>) semaphore(%arg13 : memref<!tpu.dma_semaphore, #tpu.memory_space<semaphore_mem>>)
    %scan3A_15 = arith.constant 0 : i32
    %scan3A_16 = arith.constant 0 : i32
    %scan3A_17 = arith.constant 16 : i32
    %scan3A_18 = arith.addi %scan3A_16, %scan3A_17 : i32
    %scan3A_19 = arith.constant 1 : i32
    %scan3A_20 = scf.for %scan3A_27 = %scan3A_16 to %scan3A_18 step %scan3A_19 iter_args(%scan3A_28 = %scan3A_15) -> (i32)  : i32 {
      %mul3A_29 = arith.constant 2 : i32
      %mul3A_30 = arith.muli %mul3A_29, %scan3A_27 : i32
      %dma_wait3A = arith.constant 0 : i32
      %dma_wait3A_31 = tpu.memref_slice %arg7[%mul3A_30, %dma_wait3A] : memref<32x128xi32, #tpu.memory_space<vmem>> -> memref<1x128xi32, #tpu.memory_space<vmem>>
      %dma_wait3A_32 = tpu.memref_squeeze %dma_wait3A_31 : memref<1x128xi32, #tpu.memory_space<vmem>> -> memref<128xi32, #tpu.memory_space<vmem>>
      %dma_wait3A_33 = arith.constant 0 : i32
      %dma_wait3A_34 = arith.constant 0 : i32
      %dma_wait3A_35 = tpu.memref_slice %arg2[%dma_wait3A_33, %dma_wait3A_34] : memref<2048x128xf32, #tpu.memory_space<hbm>> -> memref<2048x128xf32, #tpu.memory_space<hbm>>
      tpu.wait_indirect_dma semaphore(%arg13 : memref<!tpu.dma_semaphore, #tpu.memory_space<semaphore_mem>>) src(%dma_wait3A_35 : memref<2048x128xf32, #tpu.memory_space<hbm>>) dst(%arg10 : memref<128x128xf32, #tpu.memory_space<vmem>>)
      %add3A_36 = arith.constant 1 : i32
      %add3A_37 = arith.addi %mul3A_30, %add3A_36 : i32
      %dma_start3A_38 = arith.constant 0 : i32
      %dma_start3A_39 = tpu.memref_slice %arg7[%add3A_37, %dma_start3A_38] : memref<32x128xi32, #tpu.memory_space<vmem>> -> memref<1x128xi32, #tpu.memory_space<vmem>>
      %dma_start3A_40 = tpu.memref_squeeze %dma_start3A_39 : memref<1x128xi32, #tpu.memory_space<vmem>> -> memref<128xi32, #tpu.memory_space<vmem>>
      %dma_start3A_41 = arith.constant 0 : i32
      %dma_start3A_42 = arith.constant 0 : i32
      %dma_start3A_43 = tpu.memref_slice %arg2[%dma_start3A_41, %dma_start3A_42] : memref<2048x128xf32, #tpu.memory_space<hbm>> -> memref<2048x128xf32, #tpu.memory_space<hbm>>
      tpu.enqueue_indirect_dma source(%dma_start3A_43 : memref<2048x128xf32, #tpu.memory_space<hbm>>) target(%arg11 : memref<128x128xf32, #tpu.memory_space<vmem>>) offsets(%dma_start3A_40 : memref<128xi32, #tpu.memory_space<vmem>>) semaphore(%arg14 : memref<!tpu.dma_semaphore, #tpu.memory_space<semaphore_mem>>)
      %scan3A_44 = arith.constant 0 : i32
      %scan3A_45 = arith.constant 0 : i32
      %scan3A_46 = arith.constant 8 : i32
      %scan3A_47 = arith.addi %scan3A_45, %scan3A_46 : i32
      %scan3A_48 = arith.constant 1 : i32
      %scan3A_49 = scf.for %scan3A_71 = %scan3A_45 to %scan3A_47 step %scan3A_48 iter_args(%scan3A_72 = %scan3A_44) -> (i32)  : i32 {
        %mul3A_73 = arith.constant 128 : i32
        %mul3A_74 = arith.muli %mul3A_30, %mul3A_73 : i32
        %mul3A_75 = arith.constant 16 : i32
        %mul3A_76 = arith.muli %scan3A_71, %mul3A_75 : i32
        %add3A_77 = arith.addi %mul3A_74, %mul3A_76 : i32
        %get3A = arith.index_cast %add3A_77 : i32 to index
        %get3A_78 = tpu.vector_load %arg9[%get3A] {strides = array<i32>} : memref<4096xf32, #tpu.memory_space<vmem>>, vector<16xf32>,
        %eq3A = arith.constant 0 : i32
        %eq3A_79 = vector.broadcast %eq3A : i32 to vector<16xi32>
        %eq3A_80 = arith.cmpi eq, %iota3A, %eq3A_79 : vector<16xi32>
        %jit3A = arith.constant 1.000000e+00 : f32
        %jit3A_81 = arith.constant 0.000000e+00 : f32
        %broadcast_in_dim3A = vector.broadcast %jit3A : f32 to vector<16xf32>
        %broadcast_in_dim3A_82 = vector.broadcast %jit3A_81 : f32 to vector<16xf32>
        %select_n3A = arith.select %eq3A_80, %broadcast_in_dim3A, %broadcast_in_dim3A_82 : vector<16xi1>, vector<16xf32>
        %mul3A_83 = arith.mulf %get3A_78, %select_n3A : vector<16xf32>
        %reduce_sum3A = arith.constant true
        %reduce_sum3A_84 = vector.broadcast %reduce_sum3A : i1 to vector<16xi1>
        %reduce_sum3A_85 = tpu.scan <sum>, %mul3A_83 masked %reduce_sum3A_84 : vector<16xf32>, vector<16xi1> -> vector<16xf32>
        %reduce_sum3A_86 = vector.extract %reduce_sum3A_85[15] : f32 from vector<16xf32>
        %broadcast_in_dim3A_87 = vector.broadcast %reduce_sum3A_86 : f32 to vector<16xf32>
        %mul3A_88 = arith.constant 16 : i32
        %mul3A_89 = arith.muli %scan3A_71, %mul3A_88 : i32
        %add3A_90 = arith.constant 0 : i32
        %add3A_91 = arith.addi %mul3A_89, %add3A_90 : i32
        %get3A_92 = arith.index_cast %add3A_91 : i32 to index
        %get3A_93 = arith.constant 0 : index
        %get3A_94 = tpu.vector_load %arg10[%get3A_92, %get3A_93] {strides = array<i32>} : memref<128x128xf32, #tpu.memory_space<vmem>>, vector<16xf32>,
        %mul3A_95 = arith.mulf %get3A_94, %broadcast_in_dim3A_87 : vector<16xf32>
        %swap3A = arith.index_cast %add3A_91 : i32 to index
        %swap3A_96 = arith.constant 0 : index
        %swap3A_97 = tpu.vector_load %arg10[%swap3A, %swap3A_96] {strides = array<i32>} : memref<128x128xf32, #tpu.memory_space<vmem>>, vector<16xf32>,
        tpu.vector_store %arg10[%swap3A, %swap3A_96], %mul3A_95 {strides = array<i32>} : memref<128x128xf32, #tpu.memory_space<vmem>>, vector<16xf32>,
        %get3A_98 = arith.index_cast %add3A_91 : i32 to index
        %get3A_99 = arith.constant 16 : index
        %get3A_100 = tpu.vector_load %arg10[%get3A_98, %get3A_99] {strides = array<i32>} : memref<128x128xf32, #tpu.memory_space<vmem>>, vector<16xf32>,
        %mul3A_101 = arith.mulf %get3A_100, %broadcast_in_dim3A_87 : vector<16xf32>
        %swap3A_102 = arith.index_cast %add3A_91 : i32 to index
        %swap3A_103 = arith.constant 16 : index
        %swap3A_104 = tpu.vector_load %arg10[%swap3A_102, %swap3A_103] {strides = array<i32>} : memref<128x128xf32, #tpu.memory_space<vmem>>, vector<16xf32>,
        tpu.vector_store %arg10[%swap3A_102, %swap3A_103], %mul3A_101 {strides = array<i32>} : memref<128x128xf32, #tpu.memory_space<vmem>>, vector<16xf32>,
        %get3A_105 = arith.index_cast %add3A_91 : i32 to index
        %get3A_106 = arith.constant 32 : index
        %get3A_107 = tpu.vector_load %arg10[%get3A_105, %get3A_106] {strides = array<i32>} : memref<128x128xf32, #tpu.memory_space<vmem>>, vector<16xf32>,
        %mul3A_108 = arith.mulf %get3A_107, %broadcast_in_dim3A_87 : vector<16xf32>
        %swap3A_109 = arith.index_cast %add3A_91 : i32 to index
        %swap3A_110 = arith.constant 32 : index
        %swap3A_111 = tpu.vector_load %arg10[%swap3A_109, %swap3A_110] {strides = array<i32>} : memref<128x128xf32, #tpu.memory_space<vmem>>, vector<16xf32>,
        tpu.vector_store %arg10[%swap3A_109, %swap3A_110], %mul3A_108 {strides = array<i32>} : memref<128x128xf32, #tpu.memory_space<vmem>>, vector<16xf32>,
        %get3A_112 = arith.index_cast %add3A_91 : i32 to index
        %get3A_113 = arith.constant 48 : index
        %get3A_114 = tpu.vector_load %arg10[%get3A_112, %get3A_113] {strides = array<i32>} : memref<128x128xf32, #tpu.memory_space<vmem>>, vector<16xf32>,
        %mul3A_115 = arith.mulf %get3A_114, %broadcast_in_dim3A_87 : vector<16xf32>
        %swap3A_116 = arith.index_cast %add3A_91 : i32 to index
        %swap3A_117 = arith.constant 48 : index
        %swap3A_118 = tpu.vector_load %arg10[%swap3A_116, %swap3A_117] {strides = array<i32>} : memref<128x128xf32, #tpu.memory_space<vmem>>, vector<16xf32>,
        tpu.vector_store %arg10[%swap3A_116, %swap3A_117], %mul3A_115 {strides = array<i32>} : memref<128x128xf32, #tpu.memory_space<vmem>>, vector<16xf32>,
        %eq3A_119 = arith.constant 1 : i32
        %eq3A_120 = vector.broadcast %eq3A_119 : i32 to vector<16xi32>
        %eq3A_121 = arith.cmpi eq, %iota3A, %eq3A_120 : vector<16xi32>
        %jit3A_122 = arith.constant 1.000000e+00 : f32
        %jit3A_123 = arith.constant 0.000000e+00 : f32
        %broadcast_in_dim3A_124 = vector.broadcast %jit3A_122 : f32 to vector<16xf32>
        %broadcast_in_dim3A_125 = vector.broadcast %jit3A_123 : f32 to vector<16xf32>
        %select_n3A_126 = arith.select %eq3A_121, %broadcast_in_dim3A_124, %broadcast_in_dim3A_125 : vector<16xi1>, vector<16xf32>
        %mul3A_127 = arith.mulf %get3A_78, %select_n3A_126 : vector<16xf32>
        %reduce_sum3A_128 = arith.constant true
        %reduce_sum3A_129 = vector.broadcast %reduce_sum3A_128 : i1 to vector<16xi1>
        %reduce_sum3A_130 = tpu.scan <sum>, %mul3A_127 masked %reduce_sum3A_129 : vector<16xf32>, vector<16xi1> -> vector<16xf32>
        %reduce_sum3A_131 = vector.extract %reduce_sum3A_130[15] : f32 from vector<16xf32>
        %broadcast_in_dim3A_132 = vector.broadcast %reduce_sum3A_131 : f32 to vector<16xf32>
        %mul3A_133 = arith.constant 16 : i32
        %mul3A_134 = arith.muli %scan3A_71, %mul3A_133 : i32
        %add3A_135 = arith.constant 1 : i32
        %add3A_136 = arith.addi %mul3A_134, %add3A_135 : i32
        %get3A_137 = arith.index_cast %add3A_136 : i32 to index
        %get3A_138 = arith.constant 0 : index
        %get3A_139 = tpu.vector_load %arg10[%get3A_137, %get3A_138] {strides = array<i32>} : memref<128x128xf32, #tpu.memory_space<vmem>>, vector<16xf32>,
        %mul3A_140 = arith.mulf %get3A_139, %broadcast_in_dim3A_132 : vector<16xf32>
        %swap3A_141 = arith.index_cast %add3A_136 : i32 to index
        %swap3A_142 = arith.constant 0 : index
        %swap3A_143 = tpu.vector_load %arg10[%swap3A_141, %swap3A_142] {strides = array<i32>} : memref<128x128xf32, #tpu.memory_space<vmem>>, vector<16xf32>,
        tpu.vector_store %arg10[%swap3A_141, %swap3A_142], %mul3A_140 {strides = array<i32>} : memref<128x128xf32, #tpu.memory_space<vmem>>, vector<16xf32>,
        %get3A_144 = arith.index_cast %add3A_136 : i32 to index
        %get3A_145 = arith.constant 16 : index
        %get3A_146 = tpu.vector_load %arg10[%get3A_144, %get3A_145] {strides = array<i32>} : memref<128x128xf32, #tpu.memory_space<vmem>>, vector<16xf32>,
        %mul3A_147 = arith.mulf %get3A_146, %broadcast_in_dim3A_132 : vector<16xf32>
        %swap3A_148 = arith.index_cast %add3A_136 : i32 to index
        %swap3A_149 = arith.constant 16 : index
        %swap3A_150 = tpu.vector_load %arg10[%swap3A_148, %swap3A_149] {strides = array<i32>} : memref<128x128xf32, #tpu.memory_space<vmem>>, vector<16xf32>,
        tpu.vector_store %arg10[%swap3A_148, %swap3A_149], %mul3A_147 {strides = array<i32>} : memref<128x128xf32, #tpu.memory_space<vmem>>, vector<16xf32>,
        %get3A_151 = arith.index_cast %add3A_136 : i32 to index
        %get3A_152 = arith.constant 32 : index
        %get3A_153 = tpu.vector_load %arg10[%get3A_151, %get3A_152] {strides = array<i32>} : memref<128x128xf32, #tpu.memory_space<vmem>>, vector<16xf32>,
        %mul3A_154 = arith.mulf %get3A_153, %broadcast_in_dim3A_132 : vector<16xf32>
        %swap3A_155 = arith.index_cast %add3A_136 : i32 to index
        %swap3A_156 = arith.constant 32 : index
        %swap3A_157 = tpu.vector_load %arg10[%swap3A_155, %swap3A_156] {strides = array<i32>} : memref<128x128xf32, #tpu.memory_space<vmem>>, vector<16xf32>,
        tpu.vector_store %arg10[%swap3A_155, %swap3A_156], %mul3A_154 {strides = array<i32>} : memref<128x128xf32, #tpu.memory_space<vmem>>, vector<16xf32>,
        %get3A_158 = arith.index_cast %add3A_136 : i32 to index
        %get3A_159 = arith.constant 48 : index
        %get3A_160 = tpu.vector_load %arg10[%get3A_158, %get3A_159] {strides = array<i32>} : memref<128x128xf32, #tpu.memory_space<vmem>>, vector<16xf32>,
        %mul3A_161 = arith.mulf %get3A_160, %broadcast_in_dim3A_132 : vector<16xf32>
        %swap3A_162 = arith.index_cast %add3A_136 : i32 to index
        %swap3A_163 = arith.constant 48 : index
        %swap3A_164 = tpu.vector_load %arg10[%swap3A_162, %swap3A_163] {strides = array<i32>} : memref<128x128xf32, #tpu.memory_space<vmem>>, vector<16xf32>,
        tpu.vector_store %arg10[%swap3A_162, %swap3A_163], %mul3A_161 {strides = array<i32>} : memref<128x128xf32, #tpu.memory_space<vmem>>, vector<16xf32>,
        %eq3A_165 = arith.constant 2 : i32
        %eq3A_166 = vector.broadcast %eq3A_165 : i32 to vector<16xi32>
        %eq3A_167 = arith.cmpi eq, %iota3A, %eq3A_166 : vector<16xi32>
        %jit3A_168 = arith.constant 1.000000e+00 : f32
        %jit3A_169 = arith.constant 0.000000e+00 : f32
        %broadcast_in_dim3A_170 = vector.broadcast %jit3A_168 : f32 to vector<16xf32>
        %broadcast_in_dim3A_171 = vector.broadcast %jit3A_169 : f32 to vector<16xf32>
        %select_n3A_172 = arith.select %eq3A_167, %broadcast_in_dim3A_170, %broadcast_in_dim3A_171 : vector<16xi1>, vector<16xf32>
        %mul3A_173 = arith.mulf %get3A_78, %select_n3A_172 : vector<16xf32>
        %reduce_sum3A_174 = arith.constant true
        %reduce_sum3A_175 = vector.broadcast %reduce_sum3A_174 : i1 to vector<16xi1>
        %reduce_sum3A_176 = tpu.scan <sum>, %mul3A_173 masked %reduce_sum3A_175 : vector<16xf32>, vector<16xi1> -> vector<16xf32>
        %reduce_sum3A_177 = vector.extract %reduce_sum3A_176[15] : f32 from vector<16xf32>
        %broadcast_in_dim3A_178 = vector.broadcast %reduce_sum3A_177 : f32 to vector<16xf32>
        %mul3A_179 = arith.constant 16 : i32
        %mul3A_180 = arith.muli %scan3A_71, %mul3A_179 : i32
        %add3A_181 = arith.constant 2 : i32
        %add3A_182 = arith.addi %mul3A_180, %add3A_181 : i32
        %get3A_183 = arith.index_cast %add3A_182 : i32 to index
        %get3A_184 = arith.constant 0 : index
        %get3A_185 = tpu.vector_load %arg10[%get3A_183, %get3A_184] {strides = array<i32>} : memref<128x128xf32, #tpu.memory_space<vmem>>, vector<16xf32>,
        %mul3A_186 = arith.mulf %get3A_185, %broadcast_in_dim3A_178 : vector<16xf32>
        %swap3A_187 = arith.index_cast %add3A_182 : i32 to index
        %swap3A_188 = arith.constant 0 : index
        %swap3A_189 = tpu.vector_load %arg10[%swap3A_187, %swap3A_188] {strides = array<i32>} : memref<128x128xf32, #tpu.memory_space<vmem>>, vector<16xf32>,
        tpu.vector_store %arg10[%swap3A_187, %swap3A_188], %mul3A_186 {strides = array<i32>} : memref<128x128xf32, #tpu.memory_space<vmem>>, vector<16xf32>,
        %get3A_190 = arith.index_cast %add3A_182 : i32 to index
        %get3A_191 = arith.constant 16 : index
        %get3A_192 = tpu.vector_load %arg10[%get3A_190, %get3A_191] {strides = array<i32>} : memref<128x128xf32, #tpu.memory_space<vmem>>, vector<16xf32>,
        %mul3A_193 = arith.mulf %get3A_192, %broadcast_in_dim3A_178 : vector<16xf32>
        %swap3A_194 = arith.index_cast %add3A_182 : i32 to index
        %swap3A_195 = arith.constant 16 : index
        %swap3A_196 = tpu.vector_load %arg10[%swap3A_194, %swap3A_195] {strides = array<i32>} : memref<128x128xf32, #tpu.memory_space<vmem>>, vector<16xf32>,
        tpu.vector_store %arg10[%swap3A_194, %swap3A_195], %mul3A_193 {strides = array<i32>} : memref<128x128xf32, #tpu.memory_space<vmem>>, vector<16xf32>,
        %get3A_197 = arith.index_cast %add3A_182 : i32 to index
        %get3A_198 = arith.constant 32 : index
        %get3A_199 = tpu.vector_load %arg10[%get3A_197, %get3A_198] {strides = array<i32>} : memref<128x128xf32, #tpu.memory_space<vmem>>, vector<16xf32>,
        %mul3A_200 = arith.mulf %get3A_199, %broadcast_in_dim3A_178 : vector<16xf32>
        %swap3A_201 = arith.index_cast %add3A_182 : i32 to index
        %swap3A_202 = arith.constant 32 : index
        %swap3A_203 = tpu.vector_load %arg10[%swap3A_201, %swap3A_202] {strides = array<i32>} : memref<128x128xf32, #tpu.memory_space<vmem>>, vector<16xf32>,
        tpu.vector_store %arg10[%swap3A_201, %swap3A_202], %mul3A_200 {strides = array<i32>} : memref<128x128xf32, #tpu.memory_space<vmem>>, vector<16xf32>,
        %get3A_204 = arith.index_cast %add3A_182 : i32 to index
        %get3A_205 = arith.constant 48 : index
        %get3A_206 = tpu.vector_load %arg10[%get3A_204, %get3A_205] {strides = array<i32>} : memref<128x128xf32, #tpu.memory_space<vmem>>, vector<16xf32>,
        %mul3A_207 = arith.mulf %get3A_206, %broadcast_in_dim3A_178 : vector<16xf32>
        %swap3A_208 = arith.index_cast %add3A_182 : i32 to index
        %swap3A_209 = arith.constant 48 : index
        %swap3A_210 = tpu.vector_load %arg10[%swap3A_208, %swap3A_209] {strides = array<i32>} : memref<128x128xf32, #tpu.memory_space<vmem>>, vector<16xf32>,
        tpu.vector_store %arg10[%swap3A_208, %swap3A_209], %mul3A_207 {strides = array<i32>} : memref<128x128xf32, #tpu.memory_space<vmem>>, vector<16xf32>,
        %eq3A_211 = arith.constant 3 : i32
        %eq3A_212 = vector.broadcast %eq3A_211 : i32 to vector<16xi32>
        %eq3A_213 = arith.cmpi eq, %iota3A, %eq3A_212 : vector<16xi32>
        %jit3A_214 = arith.constant 1.000000e+00 : f32
        %jit3A_215 = arith.constant 0.000000e+00 : f32
        %broadcast_in_dim3A_216 = vector.broadcast %jit3A_214 : f32 to vector<16xf32>
        %broadcast_in_dim3A_217 = vector.broadcast %jit3A_215 : f32 to vector<16xf32>
        %select_n3A_218 = arith.select %eq3A_213, %broadcast_in_dim3A_216, %broadcast_in_dim3A_217 : vector<16xi1>, vector<16xf32>
        %mul3A_219 = arith.mulf %get3A_78, %select_n3A_218 : vector<16xf32>
        %reduce_sum3A_220 = arith.constant true
        %reduce_sum3A_221 = vector.broadcast %reduce_sum3A_220 : i1 to vector<16xi1>
        %reduce_sum3A_222 = tpu.scan <sum>, %mul3A_219 masked %reduce_sum3A_221 : vector<16xf32>, vector<16xi1> -> vector<16xf32>
        %reduce_sum3A_223 = vector.extract %reduce_sum3A_222[15] : f32 from vector<16xf32>
        %broadcast_in_dim3A_224 = vector.broadcast %reduce_sum3A_223 : f32 to vector<16xf32>
        %mul3A_225 = arith.constant 16 : i32
        %mul3A_226 = arith.muli %scan3A_71, %mul3A_225 : i32
        %add3A_227 = arith.constant 3 : i32
        %add3A_228 = arith.addi %mul3A_226, %add3A_227 : i32
        %get3A_229 = arith.index_cast %add3A_228 : i32 to index
        %get3A_230 = arith.constant 0 : index
        %get3A_231 = tpu.vector_load %arg10[%get3A_229, %get3A_230] {strides = array<i32>} : memref<128x128xf32, #tpu.memory_space<vmem>>, vector<16xf32>,
        %mul3A_232 = arith.mulf %get3A_231, %broadcast_in_dim3A_224 : vector<16xf32>
        %swap3A_233 = arith.index_cast %add3A_228 : i32 to index
        %swap3A_234 = arith.constant 0 : index
        %swap3A_235 = tpu.vector_load %arg10[%swap3A_233, %swap3A_234] {strides = array<i32>} : memref<128x128xf32, #tpu.memory_space<vmem>>, vector<16xf32>,
        tpu.vector_store %arg10[%swap3A_233, %swap3A_234], %mul3A_232 {strides = array<i32>} : memref<128x128xf32, #tpu.memory_space<vmem>>, vector<16xf32>,
        %get3A_236 = arith.index_cast %add3A_228 : i32 to index
        %get3A_237 = arith.constant 16 : index
        %get3A_238 = tpu.vector_load %arg10[%get3A_236, %get3A_237] {strides = array<i32>} : memref<128x128xf32, #tpu.memory_space<vmem>>, vector<16xf32>,
        %mul3A_239 = arith.mulf %get3A_238, %broadcast_in_dim3A_224 : vector<16xf32>
        %swap3A_240 = arith.index_cast %add3A_228 : i32 to index
        %swap3A_241 = arith.constant 16 : index
        %swap3A_242 = tpu.vector_load %arg10[%swap3A_240, %swap3A_241] {strides = array<i32>} : memref<128x128xf32, #tpu.memory_space<vmem>>, vector<16xf32>,
        tpu.vector_store %arg10[%swap3A_240, %swap3A_241], %mul3A_239 {strides = array<i32>} : memref<128x128xf32, #tpu.memory_space<vmem>>, vector<16xf32>,
        %get3A_243 = arith.index_cast %add3A_228 : i32 to index
        %get3A_244 = arith.constant 32 : index
        %get3A_245 = tpu.vector_load %arg10[%get3A_243, %get3A_244] {strides = array<i32>} : memref<128x128xf32, #tpu.memory_space<vmem>>, vector<16xf32>,
        %mul3A_246 = arith.mulf %get3A_245, %broadcast_in_dim3A_224 : vector<16xf32>
        %swap3A_247 = arith.index_cast %add3A_228 : i32 to index
        %swap3A_248 = arith.constant 32 : index
        %swap3A_249 = tpu.vector_load %arg10[%swap3A_247, %swap3A_248] {strides = array<i32>} : memref<128x128xf32, #tpu.memory_space<vmem>>, vector<16xf32>,
        tpu.vector_store %arg10[%swap3A_247, %swap3A_248], %mul3A_246 {strides = array<i32>} : memref<128x128xf32, #tpu.memory_space<vmem>>, vector<16xf32>,
        %get3A_250 = arith.index_cast %add3A_228 : i32 to index
        %get3A_251 = arith.constant 48 : index
        %get3A_252 = tpu.vector_load %arg10[%get3A_250, %get3A_251] {strides = array<i32>} : memref<128x128xf32, #tpu.memory_space<vmem>>, vector<16xf32>,
        %mul3A_253 = arith.mulf %get3A_252, %broadcast_in_dim3A_224 : vector<16xf32>
        %swap3A_254 = arith.index_cast %add3A_228 : i32 to index
        %swap3A_255 = arith.constant 48 : index
        %swap3A_256 = tpu.vector_load %arg10[%swap3A_254, %swap3A_255] {strides = array<i32>} : memref<128x128xf32, #tpu.memory_space<vmem>>, vector<16xf32>,
        tpu.vector_store %arg10[%swap3A_254, %swap3A_255], %mul3A_253 {strides = array<i32>} : memref<128x128xf32, #tpu.memory_space<vmem>>, vector<16xf32>,
        %eq3A_257 = arith.constant 4 : i32
        %eq3A_258 = vector.broadcast %eq3A_257 : i32 to vector<16xi32>
        %eq3A_259 = arith.cmpi eq, %iota3A, %eq3A_258 : vector<16xi32>
        %jit3A_260 = arith.constant 1.000000e+00 : f32
        %jit3A_261 = arith.constant 0.000000e+00 : f32
        %broadcast_in_dim3A_262 = vector.broadcast %jit3A_260 : f32 to vector<16xf32>
        %broadcast_in_dim3A_263 = vector.broadcast %jit3A_261 : f32 to vector<16xf32>
        %select_n3A_264 = arith.select %eq3A_259, %broadcast_in_dim3A_262, %broadcast_in_dim3A_263 : vector<16xi1>, vector<16xf32>
        %mul3A_265 = arith.mulf %get3A_78, %select_n3A_264 : vector<16xf32>
        %reduce_sum3A_266 = arith.constant true
        %reduce_sum3A_267 = vector.broadcast %reduce_sum3A_266 : i1 to vector<16xi1>
        %reduce_sum3A_268 = tpu.scan <sum>, %mul3A_265 masked %reduce_sum3A_267 : vector<16xf32>, vector<16xi1> -> vector<16xf32>
        %reduce_sum3A_269 = vector.extract %reduce_sum3A_268[15] : f32 from vector<16xf32>
        %broadcast_in_dim3A_270 = vector.broadcast %reduce_sum3A_269 : f32 to vector<16xf32>
        %mul3A_271 = arith.constant 16 : i32
        %mul3A_272 = arith.muli %scan3A_71, %mul3A_271 : i32
        %add3A_273 = arith.constant 4 : i32
        %add3A_274 = arith.addi %mul3A_272, %add3A_273 : i32
        %get3A_275 = arith.index_cast %add3A_274 : i32 to index
        %get3A_276 = arith.constant 0 : index
        %get3A_277 = tpu.vector_load %arg10[%get3A_275, %get3A_276] {strides = array<i32>} : memref<128x128xf32, #tpu.memory_space<vmem>>, vector<16xf32>,
        %mul3A_278 = arith.mulf %get3A_277, %broadcast_in_dim3A_270 : vector<16xf32>
        %swap3A_279 = arith.index_cast %add3A_274 : i32 to index
        %swap3A_280 = arith.constant 0 : index
        %swap3A_281 = tpu.vector_load %arg10[%swap3A_279, %swap3A_280] {strides = array<i32>} : memref<128x128xf32, #tpu.memory_space<vmem>>, vector<16xf32>,
        tpu.vector_store %arg10[%swap3A_279, %swap3A_280], %mul3A_278 {strides = array<i32>} : memref<128x128xf32, #tpu.memory_space<vmem>>, vector<16xf32>,
        %get3A_282 = arith.index_cast %add3A_274 : i32 to index
        %get3A_283 = arith.constant 16 : index
        %get3A_284 = tpu.vector_load %arg10[%get3A_282, %get3A_283] {strides = array<i32>} : memref<128x128xf32, #tpu.memory_space<vmem>>, vector<16xf32>,
        %mul3A_285 = arith.mulf %get3A_284, %broadcast_in_dim3A_270 : vector<16xf32>
        %swap3A_286 = arith.index_cast %add3A_274 : i32 to index
        %swap3A_287 = arith.constant 16 : index
        %swap3A_288 = tpu.vector_load %arg10[%swap3A_286, %swap3A_287] {strides = array<i32>} : memref<128x128xf32, #tpu.memory_space<vmem>>, vector<16xf32>,
        tpu.vector_store %arg10[%swap3A_286, %swap3A_287], %mul3A_285 {strides = array<i32>} : memref<128x128xf32, #tpu.memory_space<vmem>>, vector<16xf32>,
        %get3A_289 = arith.index_cast %add3A_274 : i32 to index
        %get3A_290 = arith.constant 32 : index
        %get3A_291 = tpu.vector_load %arg10[%get3A_289, %get3A_290] {strides = array<i32>} : memref<128x128xf32, #tpu.memory_space<vmem>>, vector<16xf32>,
        %mul3A_292 = arith.mulf %get3A_291, %broadcast_in_dim3A_270 : vector<16xf32>
        %swap3A_293 = arith.index_cast %add3A_274 : i32 to index
        %swap3A_294 = arith.constant 32 : index
        %swap3A_295 = tpu.vector_load %arg10[%swap3A_293, %swap3A_294] {strides = array<i32>} : memref<128x128xf32, #tpu.memory_space<vmem>>, vector<16xf32>,
        tpu.vector_store %arg10[%swap3A_293, %swap3A_294], %mul3A_292 {strides = array<i32>} : memref<128x128xf32, #tpu.memory_space<vmem>>, vector<16xf32>,
        %get3A_296 = arith.index_cast %add3A_274 : i32 to index
        %get3A_297 = arith.constant 48 : index
        %get3A_298 = tpu.vector_load %arg10[%get3A_296, %get3A_297] {strides = array<i32>} : memref<128x128xf32, #tpu.memory_space<vmem>>, vector<16xf32>,
        %mul3A_299 = arith.mulf %get3A_298, %broadcast_in_dim3A_270 : vector<16xf32>
        %swap3A_300 = arith.index_cast %add3A_274 : i32 to index
        %swap3A_301 = arith.constant 48 : index
        %swap3A_302 = tpu.vector_load %arg10[%swap3A_300, %swap3A_301] {strides = array<i32>} : memref<128x128xf32, #tpu.memory_space<vmem>>, vector<16xf32>,
        tpu.vector_store %arg10[%swap3A_300, %swap3A_301], %mul3A_299 {strides = array<i32>} : memref<128x128xf32, #tpu.memory_space<vmem>>, vector<16xf32>,
        %eq3A_303 = arith.constant 5 : i32
        %eq3A_304 = vector.broadcast %eq3A_303 : i32 to vector<16xi32>
        %eq3A_305 = arith.cmpi eq, %iota3A, %eq3A_304 : vector<16xi32>
        %jit3A_306 = arith.constant 1.000000e+00 : f32
        %jit3A_307 = arith.constant 0.000000e+00 : f32
        %broadcast_in_dim3A_308 = vector.broadcast %jit3A_306 : f32 to vector<16xf32>
        %broadcast_in_dim3A_309 = vector.broadcast %jit3A_307 : f32 to vector<16xf32>
        %select_n3A_310 = arith.select %eq3A_305, %broadcast_in_dim3A_308, %broadcast_in_dim3A_309 : vector<16xi1>, vector<16xf32>
        %mul3A_311 = arith.mulf %get3A_78, %select_n3A_310 : vector<16xf32>
        %reduce_sum3A_312 = arith.constant true
        %reduce_sum3A_313 = vector.broadcast %reduce_sum3A_312 : i1 to vector<16xi1>
        %reduce_sum3A_314 = tpu.scan <sum>, %mul3A_311 masked %reduce_sum3A_313 : vector<16xf32>, vector<16xi1> -> vector<16xf32>
        %reduce_sum3A_315 = vector.extract %reduce_sum3A_314[15] : f32 from vector<16xf32>
        %broadcast_in_dim3A_316 = vector.broadcast %reduce_sum3A_315 : f32 to vector<16xf32>
        %mul3A_317 = arith.constant 16 : i32
        %mul3A_318 = arith.muli %scan3A_71, %mul3A_317 : i32
        %add3A_319 = arith.constant 5 : i32
        %add3A_320 = arith.addi %mul3A_318, %add3A_319 : i32
        %get3A_321 = arith.index_cast %add3A_320 : i32 to index
        %get3A_322 = arith.constant 0 : index
        %get3A_323 = tpu.vector_load %arg10[%get3A_321, %get3A_322] {strides = array<i32>} : memref<128x128xf32, #tpu.memory_space<vmem>>, vector<16xf32>,
        %mul3A_324 = arith.mulf %get3A_323, %broadcast_in_dim3A_316 : vector<16xf32>
        %swap3A_325 = arith.index_cast %add3A_320 : i32 to index
        %swap3A_326 = arith.constant 0 : index
        %swap3A_327 = tpu.vector_load %arg10[%swap3A_325, %swap3A_326] {strides = array<i32>} : memref<128x128xf32, #tpu.memory_space<vmem>>, vector<16xf32>,
        tpu.vector_store %arg10[%swap3A_325, %swap3A_326], %mul3A_324 {strides = array<i32>} : memref<128x128xf32, #tpu.memory_space<vmem>>, vector<16xf32>,
        %get3A_328 = arith.index_cast %add3A_320 : i32 to index
        %get3A_329 = arith.constant 16 : index
        %get3A_330 = tpu.vector_load %arg10[%get3A_328, %get3A_329] {strides = array<i32>} : memref<128x128xf32, #tpu.memory_space<vmem>>, vector<16xf32>,
        %mul3A_331 = arith.mulf %get3A_330, %broadcast_in_dim3A_316 : vector<16xf32>
        %swap3A_332 = arith.index_cast %add3A_320 : i32 to index
        %swap3A_333 = arith.constant 16 : index
        %swap3A_334 = tpu.vector_load %arg10[%swap3A_332, %swap3A_333] {strides = array<i32>} : memref<128x128xf32, #tpu.memory_space<vmem>>, vector<16xf32>,
        tpu.vector_store %arg10[%swap3A_332, %swap3A_333], %mul3A_331 {strides = array<i32>} : memref<128x128xf32, #tpu.memory_space<vmem>>, vector<16xf32>,
        %get3A_335 = arith.index_cast %add3A_320 : i32 to index
        %get3A_336 = arith.constant 32 : index
        %get3A_337 = tpu.vector_load %arg10[%get3A_335, %get3A_336] {strides = array<i32>} : memref<128x128xf32, #tpu.memory_space<vmem>>, vector<16xf32>,
        %mul3A_338 = arith.mulf %get3A_337, %broadcast_in_dim3A_316 : vector<16xf32>
        %swap3A_339 = arith.index_cast %add3A_320 : i32 to index
        %swap3A_340 = arith.constant 32 : index
        %swap3A_341 = tpu.vector_load %arg10[%swap3A_339, %swap3A_340] {strides = array<i32>} : memref<128x128xf32, #tpu.memory_space<vmem>>, vector<16xf32>,
        tpu.vector_store %arg10[%swap3A_339, %swap3A_340], %mul3A_338 {strides = array<i32>} : memref<128x128xf32, #tpu.memory_space<vmem>>, vector<16xf32>,
        %get3A_342 = arith.index_cast %add3A_320 : i32 to index
        %get3A_343 = arith.constant 48 : index
        %get3A_344 = tpu.vector_load %arg10[%get3A_342, %get3A_343] {strides = array<i32>} : memref<128x128xf32, #tpu.memory_space<vmem>>, vector<16xf32>,
        %mul3A_345 = arith.mulf %get3A_344, %broadcast_in_dim3A_316 : vector<16xf32>
        %swap3A_346 = arith.index_cast %add3A_320 : i32 to index
        %swap3A_347 = arith.constant 48 : index
        %swap3A_348 = tpu.vector_load %arg10[%swap3A_346, %swap3A_347] {strides = array<i32>} : memref<128x128xf32, #tpu.memory_space<vmem>>, vector<16xf32>,
        tpu.vector_store %arg10[%swap3A_346, %swap3A_347], %mul3A_345 {strides = array<i32>} : memref<128x128xf32, #tpu.memory_space<vmem>>, vector<16xf32>,
        %eq3A_349 = arith.constant 6 : i32
        %eq3A_350 = vector.broadcast %eq3A_349 : i32 to vector<16xi32>
        %eq3A_351 = arith.cmpi eq, %iota3A, %eq3A_350 : vector<16xi32>
        %jit3A_352 = arith.constant 1.000000e+00 : f32
        %jit3A_353 = arith.constant 0.000000e+00 : f32
        %broadcast_in_dim3A_354 = vector.broadcast %jit3A_352 : f32 to vector<16xf32>
        %broadcast_in_dim3A_355 = vector.broadcast %jit3A_353 : f32 to vector<16xf32>
        %select_n3A_356 = arith.select %eq3A_351, %broadcast_in_dim3A_354, %broadcast_in_dim3A_355 : vector<16xi1>, vector<16xf32>
        %mul3A_357 = arith.mulf %get3A_78, %select_n3A_356 : vector<16xf32>
        %reduce_sum3A_358 = arith.constant true
        %reduce_sum3A_359 = vector.broadcast %reduce_sum3A_358 : i1 to vector<16xi1>
        %reduce_sum3A_360 = tpu.scan <sum>, %mul3A_357 masked %reduce_sum3A_359 : vector<16xf32>, vector<16xi1> -> vector<16xf32>
        %reduce_sum3A_361 = vector.extract %reduce_sum3A_360[15] : f32 from vector<16xf32>
        %broadcast_in_dim3A_362 = vector.broadcast %reduce_sum3A_361 : f32 to vector<16xf32>
        %mul3A_363 = arith.constant 16 : i32
        %mul3A_364 = arith.muli %scan3A_71, %mul3A_363 : i32
        %add3A_365 = arith.constant 6 : i32
        %add3A_366 = arith.addi %mul3A_364, %add3A_365 : i32
        %get3A_367 = arith.index_cast %add3A_366 : i32 to index
        %get3A_368 = arith.constant 0 : index
        %get3A_369 = tpu.vector_load %arg10[%get3A_367, %get3A_368] {strides = array<i32>} : memref<128x128xf32, #tpu.memory_space<vmem>>, vector<16xf32>,
        %mul3A_370 = arith.mulf %get3A_369, %broadcast_in_dim3A_362 : vector<16xf32>
        %swap3A_371 = arith.index_cast %add3A_366 : i32 to index
        %swap3A_372 = arith.constant 0 : index
        %swap3A_373 = tpu.vector_load %arg10[%swap3A_371, %swap3A_372] {strides = array<i32>} : memref<128x128xf32, #tpu.memory_space<vmem>>, vector<16xf32>,
        tpu.vector_store %arg10[%swap3A_371, %swap3A_372], %mul3A_370 {strides = array<i32>} : memref<128x128xf32, #tpu.memory_space<vmem>>, vector<16xf32>,
        %get3A_374 = arith.index_cast %add3A_366 : i32 to index
        %get3A_375 = arith.constant 16 : index
        %get3A_376 = tpu.vector_load %arg10[%get3A_374, %get3A_375] {strides = array<i32>} : memref<128x128xf32, #tpu.memory_space<vmem>>, vector<16xf32>,
        %mul3A_377 = arith.mulf %get3A_376, %broadcast_in_dim3A_362 : vector<16xf32>
        %swap3A_378 = arith.index_cast %add3A_366 : i32 to index
        %swap3A_379 = arith.constant 16 : index
        %swap3A_380 = tpu.vector_load %arg10[%swap3A_378, %swap3A_379] {strides = array<i32>} : memref<128x128xf32, #tpu.memory_space<vmem>>, vector<16xf32>,
        tpu.vector_store %arg10[%swap3A_378, %swap3A_379], %mul3A_377 {strides = array<i32>} : memref<128x128xf32, #tpu.memory_space<vmem>>, vector<16xf32>,
        %get3A_381 = arith.index_cast %add3A_366 : i32 to index
        %get3A_382 = arith.constant 32 : index
        %get3A_383 = tpu.vector_load %arg10[%get3A_381, %get3A_382] {strides = array<i32>} : memref<128x128xf32, #tpu.memory_space<vmem>>, vector<16xf32>,
        %mul3A_384 = arith.mulf %get3A_383, %broadcast_in_dim3A_362 : vector<16xf32>
        %swap3A_385 = arith.index_cast %add3A_366 : i32 to index
        %swap3A_386 = arith.constant 32 : index
        %swap3A_387 = tpu.vector_load %arg10[%swap3A_385, %swap3A_386] {strides = array<i32>} : memref<128x128xf32, #tpu.memory_space<vmem>>, vector<16xf32>,
        tpu.vector_store %arg10[%swap3A_385, %swap3A_386], %mul3A_384 {strides = array<i32>} : memref<128x128xf32, #tpu.memory_space<vmem>>, vector<16xf32>,
        %get3A_388 = arith.index_cast %add3A_366 : i32 to index
        %get3A_389 = arith.constant 48 : index
        %get3A_390 = tpu.vector_load %arg10[%get3A_388, %get3A_389] {strides = array<i32>} : memref<128x128xf32, #tpu.memory_space<vmem>>, vector<16xf32>,
        %mul3A_391 = arith.mulf %get3A_390, %broadcast_in_dim3A_362 : vector<16xf32>
        %swap3A_392 = arith.index_cast %add3A_366 : i32 to index
        %swap3A_393 = arith.constant 48 : index
        %swap3A_394 = tpu.vector_load %arg10[%swap3A_392, %swap3A_393] {strides = array<i32>} : memref<128x128xf32, #tpu.memory_space<vmem>>, vector<16xf32>,
        tpu.vector_store %arg10[%swap3A_392, %swap3A_393], %mul3A_391 {strides = array<i32>} : memref<128x128xf32, #tpu.memory_space<vmem>>, vector<16xf32>,
        %eq3A_395 = arith.constant 7 : i32
        %eq3A_396 = vector.broadcast %eq3A_395 : i32 to vector<16xi32>
        %eq3A_397 = arith.cmpi eq, %iota3A, %eq3A_396 : vector<16xi32>
        %jit3A_398 = arith.constant 1.000000e+00 : f32
        %jit3A_399 = arith.constant 0.000000e+00 : f32
        %broadcast_in_dim3A_400 = vector.broadcast %jit3A_398 : f32 to vector<16xf32>
        %broadcast_in_dim3A_401 = vector.broadcast %jit3A_399 : f32 to vector<16xf32>
        %select_n3A_402 = arith.select %eq3A_397, %broadcast_in_dim3A_400, %broadcast_in_dim3A_401 : vector<16xi1>, vector<16xf32>
        %mul3A_403 = arith.mulf %get3A_78, %select_n3A_402 : vector<16xf32>
        %reduce_sum3A_404 = arith.constant true
        %reduce_sum3A_405 = vector.broadcast %reduce_sum3A_404 : i1 to vector<16xi1>
        %reduce_sum3A_406 = tpu.scan <sum>, %mul3A_403 masked %reduce_sum3A_405 : vector<16xf32>, vector<16xi1> -> vector<16xf32>
        %reduce_sum3A_407 = vector.extract %reduce_sum3A_406[15] : f32 from vector<16xf32>
        %broadcast_in_dim3A_408 = vector.broadcast %reduce_sum3A_407 : f32 to vector<16xf32>
        %mul3A_409 = arith.constant 16 : i32
        %mul3A_410 = arith.muli %scan3A_71, %mul3A_409 : i32
        %add3A_411 = arith.constant 7 : i32
        %add3A_412 = arith.addi %mul3A_410, %add3A_411 : i32
        %get3A_413 = arith.index_cast %add3A_412 : i32 to index
        %get3A_414 = arith.constant 0 : index
        %get3A_415 = tpu.vector_load %arg10[%get3A_413, %get3A_414] {strides = array<i32>} : memref<128x128xf32, #tpu.memory_space<vmem>>, vector<16xf32>,
        %mul3A_416 = arith.mulf %get3A_415, %broadcast_in_dim3A_408 : vector<16xf32>
        %swap3A_417 = arith.index_cast %add3A_412 : i32 to index
        %swap3A_418 = arith.constant 0 : index
        %swap3A_419 = tpu.vector_load %arg10[%swap3A_417, %swap3A_418] {strides = array<i32>} : memref<128x128xf32, #tpu.memory_space<vmem>>, vector<16xf32>,
        tpu.vector_store %arg10[%swap3A_417, %swap3A_418], %mul3A_416 {strides = array<i32>} : memref<128x128xf32, #tpu.memory_space<vmem>>, vector<16xf32>,
        %get3A_420 = arith.index_cast %add3A_412 : i32 to index
        %get3A_421 = arith.constant 16 : index
        %get3A_422 = tpu.vector_load %arg10[%get3A_420, %get3A_421] {strides = array<i32>} : memref<128x128xf32, #tpu.memory_space<vmem>>, vector<16xf32>,
        %mul3A_423 = arith.mulf %get3A_422, %broadcast_in_dim3A_408 : vector<16xf32>
        %swap3A_424 = arith.index_cast %add3A_412 : i32 to index
        %swap3A_425 = arith.constant 16 : index
        %swap3A_426 = tpu.vector_load %arg10[%swap3A_424, %swap3A_425] {strides = array<i32>} : memref<128x128xf32, #tpu.memory_space<vmem>>, vector<16xf32>,
        tpu.vector_store %arg10[%swap3A_424, %swap3A_425], %mul3A_423 {strides = array<i32>} : memref<128x128xf32, #tpu.memory_space<vmem>>, vector<16xf32>,
        %get3A_427 = arith.index_cast %add3A_412 : i32 to index
        %get3A_428 = arith.constant 32 : index
        %get3A_429 = tpu.vector_load %arg10[%get3A_427, %get3A_428] {strides = array<i32>} : memref<128x128xf32, #tpu.memory_space<vmem>>, vector<16xf32>,
        %mul3A_430 = arith.mulf %get3A_429, %broadcast_in_dim3A_408 : vector<16xf32>
        %swap3A_431 = arith.index_cast %add3A_412 : i32 to index
        %swap3A_432 = arith.constant 32 : index
        %swap3A_433 = tpu.vector_load %arg10[%swap3A_431, %swap3A_432] {strides = array<i32>} : memref<128x128xf32, #tpu.memory_space<vmem>>, vector<16xf32>,
        tpu.vector_store %arg10[%swap3A_431, %swap3A_432], %mul3A_430 {strides = array<i32>} : memref<128x128xf32, #tpu.memory_space<vmem>>, vector<16xf32>,
        %get3A_434 = arith.index_cast %add3A_412 : i32 to index
        %get3A_435 = arith.constant 48 : index
        %get3A_436 = tpu.vector_load %arg10[%get3A_434, %get3A_435] {strides = array<i32>} : memref<128x128xf32, #tpu.memory_space<vmem>>, vector<16xf32>,
        %mul3A_437 = arith.mulf %get3A_436, %broadcast_in_dim3A_408 : vector<16xf32>
        %swap3A_438 = arith.index_cast %add3A_412 : i32 to index
        %swap3A_439 = arith.constant 48 : index
        %swap3A_440 = tpu.vector_load %arg10[%swap3A_438, %swap3A_439] {strides = array<i32>} : memref<128x128xf32, #tpu.memory_space<vmem>>, vector<16xf32>,
        tpu.vector_store %arg10[%swap3A_438, %swap3A_439], %mul3A_437 {strides = array<i32>} : memref<128x128xf32, #tpu.memory_space<vmem>>, vector<16xf32>,
        %eq3A_441 = arith.constant 8 : i32
        %eq3A_442 = vector.broadcast %eq3A_441 : i32 to vector<16xi32>
        %eq3A_443 = arith.cmpi eq, %iota3A, %eq3A_442 : vector<16xi32>
        %jit3A_444 = arith.constant 1.000000e+00 : f32
        %jit3A_445 = arith.constant 0.000000e+00 : f32
        %broadcast_in_dim3A_446 = vector.broadcast %jit3A_444 : f32 to vector<16xf32>
        %broadcast_in_dim3A_447 = vector.broadcast %jit3A_445 : f32 to vector<16xf32>
        %select_n3A_448 = arith.select %eq3A_443, %broadcast_in_dim3A_446, %broadcast_in_dim3A_447 : vector<16xi1>, vector<16xf32>
        %mul3A_449 = arith.mulf %get3A_78, %select_n3A_448 : vector<16xf32>
        %reduce_sum3A_450 = arith.constant true
        %reduce_sum3A_451 = vector.broadcast %reduce_sum3A_450 : i1 to vector<16xi1>
        %reduce_sum3A_452 = tpu.scan <sum>, %mul3A_449 masked %reduce_sum3A_451 : vector<16xf32>, vector<16xi1> -> vector<16xf32>
        %reduce_sum3A_453 = vector.extract %reduce_sum3A_452[15] : f32 from vector<16xf32>
        %broadcast_in_dim3A_454 = vector.broadcast %reduce_sum3A_453 : f32 to vector<16xf32>
        %mul3A_455 = arith.constant 16 : i32
        %mul3A_456 = arith.muli %scan3A_71, %mul3A_455 : i32
        %add3A_457 = arith.constant 8 : i32
        %add3A_458 = arith.addi %mul3A_456, %add3A_457 : i32
        %get3A_459 = arith.index_cast %add3A_458 : i32 to index
        %get3A_460 = arith.constant 0 : index
        %get3A_461 = tpu.vector_load %arg10[%get3A_459, %get3A_460] {strides = array<i32>} : memref<128x128xf32, #tpu.memory_space<vmem>>, vector<16xf32>,
        %mul3A_462 = arith.mulf %get3A_461, %broadcast_in_dim3A_454 : vector<16xf32>
        %swap3A_463 = arith.index_cast %add3A_458 : i32 to index
        %swap3A_464 = arith.constant 0 : index
        %swap3A_465 = tpu.vector_load %arg10[%swap3A_463, %swap3A_464] {strides = array<i32>} : memref<128x128xf32, #tpu.memory_space<vmem>>, vector<16xf32>,
        tpu.vector_store %arg10[%swap3A_463, %swap3A_464], %mul3A_462 {strides = array<i32>} : memref<128x128xf32, #tpu.memory_space<vmem>>, vector<16xf32>,
        %get3A_466 = arith.index_cast %add3A_458 : i32 to index
        %get3A_467 = arith.constant 16 : index
        %get3A_468 = tpu.vector_load %arg10[%get3A_466, %get3A_467] {strides = array<i32>} : memref<128x128xf32, #tpu.memory_space<vmem>>, vector<16xf32>,
        %mul3A_469 = arith.mulf %get3A_468, %broadcast_in_dim3A_454 : vector<16xf32>
        %swap3A_470 = arith.index_cast %add3A_458 : i32 to index
        %swap3A_471 = arith.constant 16 : index
        %swap3A_472 = tpu.vector_load %arg10[%swap3A_470, %swap3A_471] {strides = array<i32>} : memref<128x128xf32, #tpu.memory_space<vmem>>, vector<16xf32>,
        tpu.vector_store %arg10[%swap3A_470, %swap3A_471], %mul3A_469 {strides = array<i32>} : memref<128x128xf32, #tpu.memory_space<vmem>>, vector<16xf32>,
        %get3A_473 = arith.index_cast %add3A_458 : i32 to index
        %get3A_474 = arith.constant 32 : index
        %get3A_475 = tpu.vector_load %arg10[%get3A_473, %get3A_474] {strides = array<i32>} : memref<128x128xf32, #tpu.memory_space<vmem>>, vector<16xf32>,
        %mul3A_476 = arith.mulf %get3A_475, %broadcast_in_dim3A_454 : vector<16xf32>
        %swap3A_477 = arith.index_cast %add3A_458 : i32 to index
        %swap3A_478 = arith.constant 32 : index
        %swap3A_479 = tpu.vector_load %arg10[%swap3A_477, %swap3A_478] {strides = array<i32>} : memref<128x128xf32, #tpu.memory_space<vmem>>, vector<16xf32>,
        tpu.vector_store %arg10[%swap3A_477, %swap3A_478], %mul3A_476 {strides = array<i32>} : memref<128x128xf32, #tpu.memory_space<vmem>>, vector<16xf32>,
        %get3A_480 = arith.index_cast %add3A_458 : i32 to index
        %get3A_481 = arith.constant 48 : index
        %get3A_482 = tpu.vector_load %arg10[%get3A_480, %get3A_481] {strides = array<i32>} : memref<128x128xf32, #tpu.memory_space<vmem>>, vector<16xf32>,
        %mul3A_483 = arith.mulf %get3A_482, %broadcast_in_dim3A_454 : vector<16xf32>
        %swap3A_484 = arith.index_cast %add3A_458 : i32 to index
        %swap3A_485 = arith.constant 48 : index
        %swap3A_486 = tpu.vector_load %arg10[%swap3A_484, %swap3A_485] {strides = array<i32>} : memref<128x128xf32, #tpu.memory_space<vmem>>, vector<16xf32>,
        tpu.vector_store %arg10[%swap3A_484, %swap3A_485], %mul3A_483 {strides = array<i32>} : memref<128x128xf32, #tpu.memory_space<vmem>>, vector<16xf32>,
        %eq3A_487 = arith.constant 9 : i32
        %eq3A_488 = vector.broadcast %eq3A_487 : i32 to vector<16xi32>
        %eq3A_489 = arith.cmpi eq, %iota3A, %eq3A_488 : vector<16xi32>
        %jit3A_490 = arith.constant 1.000000e+00 : f32
        %jit3A_491 = arith.constant 0.000000e+00 : f32
        %broadcast_in_dim3A_492 = vector.broadcast %jit3A_490 : f32 to vector<16xf32>
        %broadcast_in_dim3A_493 = vector.broadcast %jit3A_491 : f32 to vector<16xf32>
        %select_n3A_494 = arith.select %eq3A_489, %broadcast_in_dim3A_492, %broadcast_in_dim3A_493 : vector<16xi1>, vector<16xf32>
        %mul3A_495 = arith.mulf %get3A_78, %select_n3A_494 : vector<16xf32>
        %reduce_sum3A_496 = arith.constant true
        %reduce_sum3A_497 = vector.broadcast %reduce_sum3A_496 : i1 to vector<16xi1>
        %reduce_sum3A_498 = tpu.scan <sum>, %mul3A_495 masked %reduce_sum3A_497 : vector<16xf32>, vector<16xi1> -> vector<16xf32>
        %reduce_sum3A_499 = vector.extract %reduce_sum3A_498[15] : f32 from vector<16xf32>
        %broadcast_in_dim3A_500 = vector.broadcast %reduce_sum3A_499 : f32 to vector<16xf32>
        %mul3A_501 = arith.constant 16 : i32
        %mul3A_502 = arith.muli %scan3A_71, %mul3A_501 : i32
        %add3A_503 = arith.constant 9 : i32
        %add3A_504 = arith.addi %mul3A_502, %add3A_503 : i32
        %get3A_505 = arith.index_cast %add3A_504 : i32 to index
        %get3A_506 = arith.constant 0 : index
        %get3A_507 = tpu.vector_load %arg10[%get3A_505, %get3A_506] {strides = array<i32>} : memref<128x128xf32, #tpu.memory_space<vmem>>, vector<16xf32>,
        %mul3A_508 = arith.mulf %get3A_507, %broadcast_in_dim3A_500 : vector<16xf32>
        %swap3A_509 = arith.index_cast %add3A_504 : i32 to index
        %swap3A_510 = arith.constant 0 : index
        %swap3A_511 = tpu.vector_load %arg10[%swap3A_509, %swap3A_510] {strides = array<i32>} : memref<128x128xf32, #tpu.memory_space<vmem>>, vector<16xf32>,
        tpu.vector_store %arg10[%swap3A_509, %swap3A_510], %mul3A_508 {strides = array<i32>} : memref<128x128xf32, #tpu.memory_space<vmem>>, vector<16xf32>,
        %get3A_512 = arith.index_cast %add3A_504 : i32 to index
        %get3A_513 = arith.constant 16 : index
        %get3A_514 = tpu.vector_load %arg10[%get3A_512, %get3A_513] {strides = array<i32>} : memref<128x128xf32, #tpu.memory_space<vmem>>, vector<16xf32>,
        %mul3A_515 = arith.mulf %get3A_514, %broadcast_in_dim3A_500 : vector<16xf32>
        %swap3A_516 = arith.index_cast %add3A_504 : i32 to index
        %swap3A_517 = arith.constant 16 : index
        %swap3A_518 = tpu.vector_load %arg10[%swap3A_516, %swap3A_517] {strides = array<i32>} : memref<128x128xf32, #tpu.memory_space<vmem>>, vector<16xf32>,
        tpu.vector_store %arg10[%swap3A_516, %swap3A_517], %mul3A_515 {strides = array<i32>} : memref<128x128xf32, #tpu.memory_space<vmem>>, vector<16xf32>,
        %get3A_519 = arith.index_cast %add3A_504 : i32 to index
        %get3A_520 = arith.constant 32 : index
        %get3A_521 = tpu.vector_load %arg10[%get3A_519, %get3A_520] {strides = array<i32>} : memref<128x128xf32, #tpu.memory_space<vmem>>, vector<16xf32>,
        %mul3A_522 = arith.mulf %get3A_521, %broadcast_in_dim3A_500 : vector<16xf32>
        %swap3A_523 = arith.index_cast %add3A_504 : i32 to index
        %swap3A_524 = arith.constant 32 : index
        %swap3A_525 = tpu.vector_load %arg10[%swap3A_523, %swap3A_524] {strides = array<i32>} : memref<128x128xf32, #tpu.memory_space<vmem>>, vector<16xf32>,
        tpu.vector_store %arg10[%swap3A_523, %swap3A_524], %mul3A_522 {strides = array<i32>} : memref<128x128xf32, #tpu.memory_space<vmem>>, vector<16xf32>,
        %get3A_526 = arith.index_cast %add3A_504 : i32 to index
        %get3A_527 = arith.constant 48 : index
        %get3A_528 = tpu.vector_load %arg10[%get3A_526, %get3A_527] {strides = array<i32>} : memref<128x128xf32, #tpu.memory_space<vmem>>, vector<16xf32>,
        %mul3A_529 = arith.mulf %get3A_528, %broadcast_in_dim3A_500 : vector<16xf32>
        %swap3A_530 = arith.index_cast %add3A_504 : i32 to index
        %swap3A_531 = arith.constant 48 : index
        %swap3A_532 = tpu.vector_load %arg10[%swap3A_530, %swap3A_531] {strides = array<i32>} : memref<128x128xf32, #tpu.memory_space<vmem>>, vector<16xf32>,
        tpu.vector_store %arg10[%swap3A_530, %swap3A_531], %mul3A_529 {strides = array<i32>} : memref<128x128xf32, #tpu.memory_space<vmem>>, vector<16xf32>,
        %eq3A_533 = arith.constant 10 : i32
        %eq3A_534 = vector.broadcast %eq3A_533 : i32 to vector<16xi32>
        %eq3A_535 = arith.cmpi eq, %iota3A, %eq3A_534 : vector<16xi32>
        %jit3A_536 = arith.constant 1.000000e+00 : f32
        %jit3A_537 = arith.constant 0.000000e+00 : f32
        %broadcast_in_dim3A_538 = vector.broadcast %jit3A_536 : f32 to vector<16xf32>
        %broadcast_in_dim3A_539 = vector.broadcast %jit3A_537 : f32 to vector<16xf32>
        %select_n3A_540 = arith.select %eq3A_535, %broadcast_in_dim3A_538, %broadcast_in_dim3A_539 : vector<16xi1>, vector<16xf32>
        %mul3A_541 = arith.mulf %get3A_78, %select_n3A_540 : vector<16xf32>
        %reduce_sum3A_542 = arith.constant true
        %reduce_sum3A_543 = vector.broadcast %reduce_sum3A_542 : i1 to vector<16xi1>
        %reduce_sum3A_544 = tpu.scan <sum>, %mul3A_541 masked %reduce_sum3A_543 : vector<16xf32>, vector<16xi1> -> vector<16xf32>
        %reduce_sum3A_545 = vector.extract %reduce_sum3A_544[15] : f32 from vector<16xf32>
        %broadcast_in_dim3A_546 = vector.broadcast %reduce_sum3A_545 : f32 to vector<16xf32>
        %mul3A_547 = arith.constant 16 : i32
        %mul3A_548 = arith.muli %scan3A_71, %mul3A_547 : i32
        %add3A_549 = arith.constant 10 : i32
        %add3A_550 = arith.addi %mul3A_548, %add3A_549 : i32
        %get3A_551 = arith.index_cast %add3A_550 : i32 to index
        %get3A_552 = arith.constant 0 : index
        %get3A_553 = tpu.vector_load %arg10[%get3A_551, %get3A_552] {strides = array<i32>} : memref<128x128xf32, #tpu.memory_space<vmem>>, vector<16xf32>,
        %mul3A_554 = arith.mulf %get3A_553, %broadcast_in_dim3A_546 : vector<16xf32>
        %swap3A_555 = arith.index_cast %add3A_550 : i32 to index
        %swap3A_556 = arith.constant 0 : index
        %swap3A_557 = tpu.vector_load %arg10[%swap3A_555, %swap3A_556] {strides = array<i32>} : memref<128x128xf32, #tpu.memory_space<vmem>>, vector<16xf32>,
        tpu.vector_store %arg10[%swap3A_555, %swap3A_556], %mul3A_554 {strides = array<i32>} : memref<128x128xf32, #tpu.memory_space<vmem>>, vector<16xf32>,
        %get3A_558 = arith.index_cast %add3A_550 : i32 to index
        %get3A_559 = arith.constant 16 : index
        %get3A_560 = tpu.vector_load %arg10[%get3A_558, %get3A_559] {strides = array<i32>} : memref<128x128xf32, #tpu.memory_space<vmem>>, vector<16xf32>,
        %mul3A_561 = arith.mulf %get3A_560, %broadcast_in_dim3A_546 : vector<16xf32>
        %swap3A_562 = arith.index_cast %add3A_550 : i32 to index
        %swap3A_563 = arith.constant 16 : index
        %swap3A_564 = tpu.vector_load %arg10[%swap3A_562, %swap3A_563] {strides = array<i32>} : memref<128x128xf32, #tpu.memory_space<vmem>>, vector<16xf32>,
        tpu.vector_store %arg10[%swap3A_562, %swap3A_563], %mul3A_561 {strides = array<i32>} : memref<128x128xf32, #tpu.memory_space<vmem>>, vector<16xf32>,
        %get3A_565 = arith.index_cast %add3A_550 : i32 to index
        %get3A_566 = arith.constant 32 : index
        %get3A_567 = tpu.vector_load %arg10[%get3A_565, %get3A_566] {strides = array<i32>} : memref<128x128xf32, #tpu.memory_space<vmem>>, vector<16xf32>,
        %mul3A_568 = arith.mulf %get3A_567, %broadcast_in_dim3A_546 : vector<16xf32>
        %swap3A_569 = arith.index_cast %add3A_550 : i32 to index
        %swap3A_570 = arith.constant 32 : index
        %swap3A_571 = tpu.vector_load %arg10[%swap3A_569, %swap3A_570] {strides = array<i32>} : memref<128x128xf32, #tpu.memory_space<vmem>>, vector<16xf32>,
        tpu.vector_store %arg10[%swap3A_569, %swap3A_570], %mul3A_568 {strides = array<i32>} : memref<128x128xf32, #tpu.memory_space<vmem>>, vector<16xf32>,
        %get3A_572 = arith.index_cast %add3A_550 : i32 to index
        %get3A_573 = arith.constant 48 : index
        %get3A_574 = tpu.vector_load %arg10[%get3A_572, %get3A_573] {strides = array<i32>} : memref<128x128xf32, #tpu.memory_space<vmem>>, vector<16xf32>,
        %mul3A_575 = arith.mulf %get3A_574, %broadcast_in_dim3A_546 : vector<16xf32>
        %swap3A_576 = arith.index_cast %add3A_550 : i32 to index
        %swap3A_577 = arith.constant 48 : index
        %swap3A_578 = tpu.vector_load %arg10[%swap3A_576, %swap3A_577] {strides = array<i32>} : memref<128x128xf32, #tpu.memory_space<vmem>>, vector<16xf32>,
        tpu.vector_store %arg10[%swap3A_576, %swap3A_577], %mul3A_575 {strides = array<i32>} : memref<128x128xf32, #tpu.memory_space<vmem>>, vector<16xf32>,
        %eq3A_579 = arith.constant 11 : i32
        %eq3A_580 = vector.broadcast %eq3A_579 : i32 to vector<16xi32>
        %eq3A_581 = arith.cmpi eq, %iota3A, %eq3A_580 : vector<16xi32>
        %jit3A_582 = arith.constant 1.000000e+00 : f32
        %jit3A_583 = arith.constant 0.000000e+00 : f32
        %broadcast_in_dim3A_584 = vector.broadcast %jit3A_582 : f32 to vector<16xf32>
        %broadcast_in_dim3A_585 = vector.broadcast %jit3A_583 : f32 to vector<16xf32>
        %select_n3A_586 = arith.select %eq3A_581, %broadcast_in_dim3A_584, %broadcast_in_dim3A_585 : vector<16xi1>, vector<16xf32>
        %mul3A_587 = arith.mulf %get3A_78, %select_n3A_586 : vector<16xf32>
        %reduce_sum3A_588 = arith.constant true
        %reduce_sum3A_589 = vector.broadcast %reduce_sum3A_588 : i1 to vector<16xi1>
        %reduce_sum3A_590 = tpu.scan <sum>, %mul3A_587 masked %reduce_sum3A_589 : vector<16xf32>, vector<16xi1> -> vector<16xf32>
        %reduce_sum3A_591 = vector.extract %reduce_sum3A_590[15] : f32 from vector<16xf32>
        %broadcast_in_dim3A_592 = vector.broadcast %reduce_sum3A_591 : f32 to vector<16xf32>
        %mul3A_593 = arith.constant 16 : i32
        %mul3A_594 = arith.muli %scan3A_71, %mul3A_593 : i32
        %add3A_595 = arith.constant 11 : i32
        %add3A_596 = arith.addi %mul3A_594, %add3A_595 : i32
        %get3A_597 = arith.index_cast %add3A_596 : i32 to index
        %get3A_598 = arith.constant 0 : index
        %get3A_599 = tpu.vector_load %arg10[%get3A_597, %get3A_598] {strides = array<i32>} : memref<128x128xf32, #tpu.memory_space<vmem>>, vector<16xf32>,
        %mul3A_600 = arith.mulf %get3A_599, %broadcast_in_dim3A_592 : vector<16xf32>
        %swap3A_601 = arith.index_cast %add3A_596 : i32 to index
        %swap3A_602 = arith.constant 0 : index
        %swap3A_603 = tpu.vector_load %arg10[%swap3A_601, %swap3A_602] {strides = array<i32>} : memref<128x128xf32, #tpu.memory_space<vmem>>, vector<16xf32>,
        tpu.vector_store %arg10[%swap3A_601, %swap3A_602], %mul3A_600 {strides = array<i32>} : memref<128x128xf32, #tpu.memory_space<vmem>>, vector<16xf32>,
        %get3A_604 = arith.index_cast %add3A_596 : i32 to index
        %get3A_605 = arith.constant 16 : index
        %get3A_606 = tpu.vector_load %arg10[%get3A_604, %get3A_605] {strides = array<i32>} : memref<128x128xf32, #tpu.memory_space<vmem>>, vector<16xf32>,
        %mul3A_607 = arith.mulf %get3A_606, %broadcast_in_dim3A_592 : vector<16xf32>
        %swap3A_608 = arith.index_cast %add3A_596 : i32 to index
        %swap3A_609 = arith.constant 16 : index
        %swap3A_610 = tpu.vector_load %arg10[%swap3A_608, %swap3A_609] {strides = array<i32>} : memref<128x128xf32, #tpu.memory_space<vmem>>, vector<16xf32>,
        tpu.vector_store %arg10[%swap3A_608, %swap3A_609], %mul3A_607 {strides = array<i32>} : memref<128x128xf32, #tpu.memory_space<vmem>>, vector<16xf32>,
        %get3A_611 = arith.index_cast %add3A_596 : i32 to index
        %get3A_612 = arith.constant 32 : index
        %get3A_613 = tpu.vector_load %arg10[%get3A_611, %get3A_612] {strides = array<i32>} : memref<128x128xf32, #tpu.memory_space<vmem>>, vector<16xf32>,
        %mul3A_614 = arith.mulf %get3A_613, %broadcast_in_dim3A_592 : vector<16xf32>
        %swap3A_615 = arith.index_cast %add3A_596 : i32 to index
        %swap3A_616 = arith.constant 32 : index
        %swap3A_617 = tpu.vector_load %arg10[%swap3A_615, %swap3A_616] {strides = array<i32>} : memref<128x128xf32, #tpu.memory_space<vmem>>, vector<16xf32>,
        tpu.vector_store %arg10[%swap3A_615, %swap3A_616], %mul3A_614 {strides = array<i32>} : memref<128x128xf32, #tpu.memory_space<vmem>>, vector<16xf32>,
        %get3A_618 = arith.index_cast %add3A_596 : i32 to index
        %get3A_619 = arith.constant 48 : index
        %get3A_620 = tpu.vector_load %arg10[%get3A_618, %get3A_619] {strides = array<i32>} : memref<128x128xf32, #tpu.memory_space<vmem>>, vector<16xf32>,
        %mul3A_621 = arith.mulf %get3A_620, %broadcast_in_dim3A_592 : vector<16xf32>
        %swap3A_622 = arith.index_cast %add3A_596 : i32 to index
        %swap3A_623 = arith.constant 48 : index
        %swap3A_624 = tpu.vector_load %arg10[%swap3A_622, %swap3A_623] {strides = array<i32>} : memref<128x128xf32, #tpu.memory_space<vmem>>, vector<16xf32>,
        tpu.vector_store %arg10[%swap3A_622, %swap3A_623], %mul3A_621 {strides = array<i32>} : memref<128x128xf32, #tpu.memory_space<vmem>>, vector<16xf32>,
        %eq3A_625 = arith.constant 12 : i32
        %eq3A_626 = vector.broadcast %eq3A_625 : i32 to vector<16xi32>
        %eq3A_627 = arith.cmpi eq, %iota3A, %eq3A_626 : vector<16xi32>
        %jit3A_628 = arith.constant 1.000000e+00 : f32
        %jit3A_629 = arith.constant 0.000000e+00 : f32
        %broadcast_in_dim3A_630 = vector.broadcast %jit3A_628 : f32 to vector<16xf32>
        %broadcast_in_dim3A_631 = vector.broadcast %jit3A_629 : f32 to vector<16xf32>
        %select_n3A_632 = arith.select %eq3A_627, %broadcast_in_dim3A_630, %broadcast_in_dim3A_631 : vector<16xi1>, vector<16xf32>
        %mul3A_633 = arith.mulf %get3A_78, %select_n3A_632 : vector<16xf32>
        %reduce_sum3A_634 = arith.constant true
        %reduce_sum3A_635 = vector.broadcast %reduce_sum3A_634 : i1 to vector<16xi1>
        %reduce_sum3A_636 = tpu.scan <sum>, %mul3A_633 masked %reduce_sum3A_635 : vector<16xf32>, vector<16xi1> -> vector<16xf32>
        %reduce_sum3A_637 = vector.extract %reduce_sum3A_636[15] : f32 from vector<16xf32>
        %broadcast_in_dim3A_638 = vector.broadcast %reduce_sum3A_637 : f32 to vector<16xf32>
        %mul3A_639 = arith.constant 16 : i32
        %mul3A_640 = arith.muli %scan3A_71, %mul3A_639 : i32
        %add3A_641 = arith.constant 12 : i32
        %add3A_642 = arith.addi %mul3A_640, %add3A_641 : i32
        %get3A_643 = arith.index_cast %add3A_642 : i32 to index
        %get3A_644 = arith.constant 0 : index
        %get3A_645 = tpu.vector_load %arg10[%get3A_643, %get3A_644] {strides = array<i32>} : memref<128x128xf32, #tpu.memory_space<vmem>>, vector<16xf32>,
        %mul3A_646 = arith.mulf %get3A_645, %broadcast_in_dim3A_638 : vector<16xf32>
        %swap3A_647 = arith.index_cast %add3A_642 : i32 to index
        %swap3A_648 = arith.constant 0 : index
        %swap3A_649 = tpu.vector_load %arg10[%swap3A_647, %swap3A_648] {strides = array<i32>} : memref<128x128xf32, #tpu.memory_space<vmem>>, vector<16xf32>,
        tpu.vector_store %arg10[%swap3A_647, %swap3A_648], %mul3A_646 {strides = array<i32>} : memref<128x128xf32, #tpu.memory_space<vmem>>, vector<16xf32>,
        %get3A_650 = arith.index_cast %add3A_642 : i32 to index
        %get3A_651 = arith.constant 16 : index
        %get3A_652 = tpu.vector_load %arg10[%get3A_650, %get3A_651] {strides = array<i32>} : memref<128x128xf32, #tpu.memory_space<vmem>>, vector<16xf32>,
        %mul3A_653 = arith.mulf %get3A_652, %broadcast_in_dim3A_638 : vector<16xf32>
        %swap3A_654 = arith.index_cast %add3A_642 : i32 to index
        %swap3A_655 = arith.constant 16 : index
        %swap3A_656 = tpu.vector_load %arg10[%swap3A_654, %swap3A_655] {strides = array<i32>} : memref<128x128xf32, #tpu.memory_space<vmem>>, vector<16xf32>,
        tpu.vector_store %arg10[%swap3A_654, %swap3A_655], %mul3A_653 {strides = array<i32>} : memref<128x128xf32, #tpu.memory_space<vmem>>, vector<16xf32>,
        %get3A_657 = arith.index_cast %add3A_642 : i32 to index
        %get3A_658 = arith.constant 32 : index
        %get3A_659 = tpu.vector_load %arg10[%get3A_657, %get3A_658] {strides = array<i32>} : memref<128x128xf32, #tpu.memory_space<vmem>>, vector<16xf32>,
        %mul3A_660 = arith.mulf %get3A_659, %broadcast_in_dim3A_638 : vector<16xf32>
        %swap3A_661 = arith.index_cast %add3A_642 : i32 to index
        %swap3A_662 = arith.constant 32 : index
        %swap3A_663 = tpu.vector_load %arg10[%swap3A_661, %swap3A_662] {strides = array<i32>} : memref<128x128xf32, #tpu.memory_space<vmem>>, vector<16xf32>,
        tpu.vector_store %arg10[%swap3A_661, %swap3A_662], %mul3A_660 {strides = array<i32>} : memref<128x128xf32, #tpu.memory_space<vmem>>, vector<16xf32>,
        %get3A_664 = arith.index_cast %add3A_642 : i32 to index
        %get3A_665 = arith.constant 48 : index
        %get3A_666 = tpu.vector_load %arg10[%get3A_664, %get3A_665] {strides = array<i32>} : memref<128x128xf32, #tpu.memory_space<vmem>>, vector<16xf32>,
        %mul3A_667 = arith.mulf %get3A_666, %broadcast_in_dim3A_638 : vector<16xf32>
        %swap3A_668 = arith.index_cast %add3A_642 : i32 to index
        %swap3A_669 = arith.constant 48 : index
        %swap3A_670 = tpu.vector_load %arg10[%swap3A_668, %swap3A_669] {strides = array<i32>} : memref<128x128xf32, #tpu.memory_space<vmem>>, vector<16xf32>,
        tpu.vector_store %arg10[%swap3A_668, %swap3A_669], %mul3A_667 {strides = array<i32>} : memref<128x128xf32, #tpu.memory_space<vmem>>, vector<16xf32>,
        %eq3A_671 = arith.constant 13 : i32
        %eq3A_672 = vector.broadcast %eq3A_671 : i32 to vector<16xi32>
        %eq3A_673 = arith.cmpi eq, %iota3A, %eq3A_672 : vector<16xi32>
        %jit3A_674 = arith.constant 1.000000e+00 : f32
        %jit3A_675 = arith.constant 0.000000e+00 : f32
        %broadcast_in_dim3A_676 = vector.broadcast %jit3A_674 : f32 to vector<16xf32>
        %broadcast_in_dim3A_677 = vector.broadcast %jit3A_675 : f32 to vector<16xf32>
        %select_n3A_678 = arith.select %eq3A_673, %broadcast_in_dim3A_676, %broadcast_in_dim3A_677 : vector<16xi1>, vector<16xf32>
        %mul3A_679 = arith.mulf %get3A_78, %select_n3A_678 : vector<16xf32>
        %reduce_sum3A_680 = arith.constant true
        %reduce_sum3A_681 = vector.broadcast %reduce_sum3A_680 : i1 to vector<16xi1>
        %reduce_sum3A_682 = tpu.scan <sum>, %mul3A_679 masked %reduce_sum3A_681 : vector<16xf32>, vector<16xi1> -> vector<16xf32>
        %reduce_sum3A_683 = vector.extract %reduce_sum3A_682[15] : f32 from vector<16xf32>
        %broadcast_in_dim3A_684 = vector.broadcast %reduce_sum3A_683 : f32 to vector<16xf32>
        %mul3A_685 = arith.constant 16 : i32
        %mul3A_686 = arith.muli %scan3A_71, %mul3A_685 : i32
        %add3A_687 = arith.constant 13 : i32
        %add3A_688 = arith.addi %mul3A_686, %add3A_687 : i32
        %get3A_689 = arith.index_cast %add3A_688 : i32 to index
        %get3A_690 = arith.constant 0 : index
        %get3A_691 = tpu.vector_load %arg10[%get3A_689, %get3A_690] {strides = array<i32>} : memref<128x128xf32, #tpu.memory_space<vmem>>, vector<16xf32>,
        %mul3A_692 = arith.mulf %get3A_691, %broadcast_in_dim3A_684 : vector<16xf32>
        %swap3A_693 = arith.index_cast %add3A_688 : i32 to index
        %swap3A_694 = arith.constant 0 : index
        %swap3A_695 = tpu.vector_load %arg10[%swap3A_693, %swap3A_694] {strides = array<i32>} : memref<128x128xf32, #tpu.memory_space<vmem>>, vector<16xf32>,
        tpu.vector_store %arg10[%swap3A_693, %swap3A_694], %mul3A_692 {strides = array<i32>} : memref<128x128xf32, #tpu.memory_space<vmem>>, vector<16xf32>,
        %get3A_696 = arith.index_cast %add3A_688 : i32 to index
        %get3A_697 = arith.constant 16 : index
        %get3A_698 = tpu.vector_load %arg10[%get3A_696, %get3A_697] {strides = array<i32>} : memref<128x128xf32, #tpu.memory_space<vmem>>, vector<16xf32>,
        %mul3A_699 = arith.mulf %get3A_698, %broadcast_in_dim3A_684 : vector<16xf32>
        %swap3A_700 = arith.index_cast %add3A_688 : i32 to index
        %swap3A_701 = arith.constant 16 : index
        %swap3A_702 = tpu.vector_load %arg10[%swap3A_700, %swap3A_701] {strides = array<i32>} : memref<128x128xf32, #tpu.memory_space<vmem>>, vector<16xf32>,
        tpu.vector_store %arg10[%swap3A_700, %swap3A_701], %mul3A_699 {strides = array<i32>} : memref<128x128xf32, #tpu.memory_space<vmem>>, vector<16xf32>,
        %get3A_703 = arith.index_cast %add3A_688 : i32 to index
        %get3A_704 = arith.constant 32 : index
        %get3A_705 = tpu.vector_load %arg10[%get3A_703, %get3A_704] {strides = array<i32>} : memref<128x128xf32, #tpu.memory_space<vmem>>, vector<16xf32>,
        %mul3A_706 = arith.mulf %get3A_705, %broadcast_in_dim3A_684 : vector<16xf32>
        %swap3A_707 = arith.index_cast %add3A_688 : i32 to index
        %swap3A_708 = arith.constant 32 : index
        %swap3A_709 = tpu.vector_load %arg10[%swap3A_707, %swap3A_708] {strides = array<i32>} : memref<128x128xf32, #tpu.memory_space<vmem>>, vector<16xf32>,
        tpu.vector_store %arg10[%swap3A_707, %swap3A_708], %mul3A_706 {strides = array<i32>} : memref<128x128xf32, #tpu.memory_space<vmem>>, vector<16xf32>,
        %get3A_710 = arith.index_cast %add3A_688 : i32 to index
        %get3A_711 = arith.constant 48 : index
        %get3A_712 = tpu.vector_load %arg10[%get3A_710, %get3A_711] {strides = array<i32>} : memref<128x128xf32, #tpu.memory_space<vmem>>, vector<16xf32>,
        %mul3A_713 = arith.mulf %get3A_712, %broadcast_in_dim3A_684 : vector<16xf32>
        %swap3A_714 = arith.index_cast %add3A_688 : i32 to index
        %swap3A_715 = arith.constant 48 : index
        %swap3A_716 = tpu.vector_load %arg10[%swap3A_714, %swap3A_715] {strides = array<i32>} : memref<128x128xf32, #tpu.memory_space<vmem>>, vector<16xf32>,
        tpu.vector_store %arg10[%swap3A_714, %swap3A_715], %mul3A_713 {strides = array<i32>} : memref<128x128xf32, #tpu.memory_space<vmem>>, vector<16xf32>,
        %eq3A_717 = arith.constant 14 : i32
        %eq3A_718 = vector.broadcast %eq3A_717 : i32 to vector<16xi32>
        %eq3A_719 = arith.cmpi eq, %iota3A, %eq3A_718 : vector<16xi32>
        %jit3A_720 = arith.constant 1.000000e+00 : f32
        %jit3A_721 = arith.constant 0.000000e+00 : f32
        %broadcast_in_dim3A_722 = vector.broadcast %jit3A_720 : f32 to vector<16xf32>
        %broadcast_in_dim3A_723 = vector.broadcast %jit3A_721 : f32 to vector<16xf32>
        %select_n3A_724 = arith.select %eq3A_719, %broadcast_in_dim3A_722, %broadcast_in_dim3A_723 : vector<16xi1>, vector<16xf32>
        %mul3A_725 = arith.mulf %get3A_78, %select_n3A_724 : vector<16xf32>
        %reduce_sum3A_726 = arith.constant true
        %reduce_sum3A_727 = vector.broadcast %reduce_sum3A_726 : i1 to vector<16xi1>
        %reduce_sum3A_728 = tpu.scan <sum>, %mul3A_725 masked %reduce_sum3A_727 : vector<16xf32>, vector<16xi1> -> vector<16xf32>
        %reduce_sum3A_729 = vector.extract %reduce_sum3A_728[15] : f32 from vector<16xf32>
        %broadcast_in_dim3A_730 = vector.broadcast %reduce_sum3A_729 : f32 to vector<16xf32>
        %mul3A_731 = arith.constant 16 : i32
        %mul3A_732 = arith.muli %scan3A_71, %mul3A_731 : i32
        %add3A_733 = arith.constant 14 : i32
        %add3A_734 = arith.addi %mul3A_732, %add3A_733 : i32
        %get3A_735 = arith.index_cast %add3A_734 : i32 to index
        %get3A_736 = arith.constant 0 : index
        %get3A_737 = tpu.vector_load %arg10[%get3A_735, %get3A_736] {strides = array<i32>} : memref<128x128xf32, #tpu.memory_space<vmem>>, vector<16xf32>,
        %mul3A_738 = arith.mulf %get3A_737, %broadcast_in_dim3A_730 : vector<16xf32>
        %swap3A_739 = arith.index_cast %add3A_734 : i32 to index
        %swap3A_740 = arith.constant 0 : index
        %swap3A_741 = tpu.vector_load %arg10[%swap3A_739, %swap3A_740] {strides = array<i32>} : memref<128x128xf32, #tpu.memory_space<vmem>>, vector<16xf32>,
        tpu.vector_store %arg10[%swap3A_739, %swap3A_740], %mul3A_738 {strides = array<i32>} : memref<128x128xf32, #tpu.memory_space<vmem>>, vector<16xf32>,
        %get3A_742 = arith.index_cast %add3A_734 : i32 to index
        %get3A_743 = arith.constant 16 : index
        %get3A_744 = tpu.vector_load %arg10[%get3A_742, %get3A_743] {strides = array<i32>} : memref<128x128xf32, #tpu.memory_space<vmem>>, vector<16xf32>,
        %mul3A_745 = arith.mulf %get3A_744, %broadcast_in_dim3A_730 : vector<16xf32>
        %swap3A_746 = arith.index_cast %add3A_734 : i32 to index
        %swap3A_747 = arith.constant 16 : index
        %swap3A_748 = tpu.vector_load %arg10[%swap3A_746, %swap3A_747] {strides = array<i32>} : memref<128x128xf32, #tpu.memory_space<vmem>>, vector<16xf32>,
        tpu.vector_store %arg10[%swap3A_746, %swap3A_747], %mul3A_745 {strides = array<i32>} : memref<128x128xf32, #tpu.memory_space<vmem>>, vector<16xf32>,
        %get3A_749 = arith.index_cast %add3A_734 : i32 to index
        %get3A_750 = arith.constant 32 : index
        %get3A_751 = tpu.vector_load %arg10[%get3A_749, %get3A_750] {strides = array<i32>} : memref<128x128xf32, #tpu.memory_space<vmem>>, vector<16xf32>,
        %mul3A_752 = arith.mulf %get3A_751, %broadcast_in_dim3A_730 : vector<16xf32>
        %swap3A_753 = arith.index_cast %add3A_734 : i32 to index
        %swap3A_754 = arith.constant 32 : index
        %swap3A_755 = tpu.vector_load %arg10[%swap3A_753, %swap3A_754] {strides = array<i32>} : memref<128x128xf32, #tpu.memory_space<vmem>>, vector<16xf32>,
        tpu.vector_store %arg10[%swap3A_753, %swap3A_754], %mul3A_752 {strides = array<i32>} : memref<128x128xf32, #tpu.memory_space<vmem>>, vector<16xf32>,
        %get3A_756 = arith.index_cast %add3A_734 : i32 to index
        %get3A_757 = arith.constant 48 : index
        %get3A_758 = tpu.vector_load %arg10[%get3A_756, %get3A_757] {strides = array<i32>} : memref<128x128xf32, #tpu.memory_space<vmem>>, vector<16xf32>,
        %mul3A_759 = arith.mulf %get3A_758, %broadcast_in_dim3A_730 : vector<16xf32>
        %swap3A_760 = arith.index_cast %add3A_734 : i32 to index
        %swap3A_761 = arith.constant 48 : index
        %swap3A_762 = tpu.vector_load %arg10[%swap3A_760, %swap3A_761] {strides = array<i32>} : memref<128x128xf32, #tpu.memory_space<vmem>>, vector<16xf32>,
        tpu.vector_store %arg10[%swap3A_760, %swap3A_761], %mul3A_759 {strides = array<i32>} : memref<128x128xf32, #tpu.memory_space<vmem>>, vector<16xf32>,
        %eq3A_763 = arith.constant 15 : i32
        %eq3A_764 = vector.broadcast %eq3A_763 : i32 to vector<16xi32>
        %eq3A_765 = arith.cmpi eq, %iota3A, %eq3A_764 : vector<16xi32>
        %jit3A_766 = arith.constant 1.000000e+00 : f32
        %jit3A_767 = arith.constant 0.000000e+00 : f32
        %broadcast_in_dim3A_768 = vector.broadcast %jit3A_766 : f32 to vector<16xf32>
        %broadcast_in_dim3A_769 = vector.broadcast %jit3A_767 : f32 to vector<16xf32>
        %select_n3A_770 = arith.select %eq3A_765, %broadcast_in_dim3A_768, %broadcast_in_dim3A_769 : vector<16xi1>, vector<16xf32>
        %mul3A_771 = arith.mulf %get3A_78, %select_n3A_770 : vector<16xf32>
        %reduce_sum3A_772 = arith.constant true
        %reduce_sum3A_773 = vector.broadcast %reduce_sum3A_772 : i1 to vector<16xi1>
        %reduce_sum3A_774 = tpu.scan <sum>, %mul3A_771 masked %reduce_sum3A_773 : vector<16xf32>, vector<16xi1> -> vector<16xf32>
        %reduce_sum3A_775 = vector.extract %reduce_sum3A_774[15] : f32 from vector<16xf32>
        %broadcast_in_dim3A_776 = vector.broadcast %reduce_sum3A_775 : f32 to vector<16xf32>
        %mul3A_777 = arith.constant 16 : i32
        %mul3A_778 = arith.muli %scan3A_71, %mul3A_777 : i32
        %add3A_779 = arith.constant 15 : i32
        %add3A_780 = arith.addi %mul3A_778, %add3A_779 : i32
        %get3A_781 = arith.index_cast %add3A_780 : i32 to index
        %get3A_782 = arith.constant 0 : index
        %get3A_783 = tpu.vector_load %arg10[%get3A_781, %get3A_782] {strides = array<i32>} : memref<128x128xf32, #tpu.memory_space<vmem>>, vector<16xf32>,
        %mul3A_784 = arith.mulf %get3A_783, %broadcast_in_dim3A_776 : vector<16xf32>
        %swap3A_785 = arith.index_cast %add3A_780 : i32 to index
        %swap3A_786 = arith.constant 0 : index
        %swap3A_787 = tpu.vector_load %arg10[%swap3A_785, %swap3A_786] {strides = array<i32>} : memref<128x128xf32, #tpu.memory_space<vmem>>, vector<16xf32>,
        tpu.vector_store %arg10[%swap3A_785, %swap3A_786], %mul3A_784 {strides = array<i32>} : memref<128x128xf32, #tpu.memory_space<vmem>>, vector<16xf32>,
        %get3A_788 = arith.index_cast %add3A_780 : i32 to index
        %get3A_789 = arith.constant 16 : index
        %get3A_790 = tpu.vector_load %arg10[%get3A_788, %get3A_789] {strides = array<i32>} : memref<128x128xf32, #tpu.memory_space<vmem>>, vector<16xf32>,
        %mul3A_791 = arith.mulf %get3A_790, %broadcast_in_dim3A_776 : vector<16xf32>
        %swap3A_792 = arith.index_cast %add3A_780 : i32 to index
        %swap3A_793 = arith.constant 16 : index
        %swap3A_794 = tpu.vector_load %arg10[%swap3A_792, %swap3A_793] {strides = array<i32>} : memref<128x128xf32, #tpu.memory_space<vmem>>, vector<16xf32>,
        tpu.vector_store %arg10[%swap3A_792, %swap3A_793], %mul3A_791 {strides = array<i32>} : memref<128x128xf32, #tpu.memory_space<vmem>>, vector<16xf32>,
        %get3A_795 = arith.index_cast %add3A_780 : i32 to index
        %get3A_796 = arith.constant 32 : index
        %get3A_797 = tpu.vector_load %arg10[%get3A_795, %get3A_796] {strides = array<i32>} : memref<128x128xf32, #tpu.memory_space<vmem>>, vector<16xf32>,
        %mul3A_798 = arith.mulf %get3A_797, %broadcast_in_dim3A_776 : vector<16xf32>
        %swap3A_799 = arith.index_cast %add3A_780 : i32 to index
        %swap3A_800 = arith.constant 32 : index
        %swap3A_801 = tpu.vector_load %arg10[%swap3A_799, %swap3A_800] {strides = array<i32>} : memref<128x128xf32, #tpu.memory_space<vmem>>, vector<16xf32>,
        tpu.vector_store %arg10[%swap3A_799, %swap3A_800], %mul3A_798 {strides = array<i32>} : memref<128x128xf32, #tpu.memory_space<vmem>>, vector<16xf32>,
        %get3A_802 = arith.index_cast %add3A_780 : i32 to index
        %get3A_803 = arith.constant 48 : index
        %get3A_804 = tpu.vector_load %arg10[%get3A_802, %get3A_803] {strides = array<i32>} : memref<128x128xf32, #tpu.memory_space<vmem>>, vector<16xf32>,
        %mul3A_805 = arith.mulf %get3A_804, %broadcast_in_dim3A_776 : vector<16xf32>
        %swap3A_806 = arith.index_cast %add3A_780 : i32 to index
        %swap3A_807 = arith.constant 48 : index
        %swap3A_808 = tpu.vector_load %arg10[%swap3A_806, %swap3A_807] {strides = array<i32>} : memref<128x128xf32, #tpu.memory_space<vmem>>, vector<16xf32>,
        tpu.vector_store %arg10[%swap3A_806, %swap3A_807], %mul3A_805 {strides = array<i32>} : memref<128x128xf32, #tpu.memory_space<vmem>>, vector<16xf32>,
        %scan3A_809 = arith.constant 0 : i32
        scf.yield %scan3A_809 : i32
      }
      %scan3A_50 = arith.constant 8 : i32
      "tpu.region"() ({
        %run_scoped3A = tpu.sem_alloc : memref<!tpu.dma_semaphore, #tpu.memory_space<semaphore_mem>>
        %dma_start3A_71 = arith.constant 0 : i32
        %dma_start3A_72 = tpu.memref_slice %arg8[%mul3A_30, %dma_start3A_71] : memref<32x128xi32, #tpu.memory_space<vmem>> -> memref<1x128xi32, #tpu.memory_space<vmem>>
        %dma_start3A_73 = tpu.memref_squeeze %dma_start3A_72 : memref<1x128xi32, #tpu.memory_space<vmem>> -> memref<128xi32, #tpu.memory_space<vmem>>
        %dma_start3A_74 = arith.constant 0 : i32
        %dma_start3A_75 = arith.constant 0 : i32
        %dma_start3A_76 = tpu.memref_slice %arg12[%dma_start3A_74, %dma_start3A_75] : memref<2048x128xf32, #tpu.memory_space<vmem_shared>> -> memref<2048x128xf32, #tpu.memory_space<vmem_shared>>
        tpu.enqueue_indirect_dma source(%arg10 : memref<128x128xf32, #tpu.memory_space<vmem>>) target(%dma_start3A_76 : memref<2048x128xf32, #tpu.memory_space<vmem_shared>>) offsets(%dma_start3A_73 : memref<128xi32, #tpu.memory_space<vmem>>) semaphore(%run_scoped3A : memref<!tpu.dma_semaphore, #tpu.memory_space<semaphore_mem>>) {add = true}
        %dma_wait3A_77 = arith.constant 0 : i32
        %dma_wait3A_78 = tpu.memref_slice %arg8[%mul3A_30, %dma_wait3A_77] : memref<32x128xi32, #tpu.memory_space<vmem>> -> memref<1x128xi32, #tpu.memory_space<vmem>>
        %dma_wait3A_79 = tpu.memref_squeeze %dma_wait3A_78 : memref<1x128xi32, #tpu.memory_space<vmem>> -> memref<128xi32, #tpu.memory_space<vmem>>
        %dma_wait3A_80 = arith.constant 0 : i32
        %dma_wait3A_81 = arith.constant 0 : i32
        %dma_wait3A_82 = tpu.memref_slice %arg12[%dma_wait3A_80, %dma_wait3A_81] : memref<2048x128xf32, #tpu.memory_space<vmem_shared>> -> memref<2048x128xf32, #tpu.memory_space<vmem_shared>>
        tpu.wait_indirect_dma semaphore(%run_scoped3A : memref<!tpu.dma_semaphore, #tpu.memory_space<semaphore_mem>>) src(%arg10 : memref<128x128xf32, #tpu.memory_space<vmem>>) dst(%dma_wait3A_82 : memref<2048x128xf32, #tpu.memory_space<vmem_shared>>)
        tpu.yield
      }) : () -> ()
      %add3A_51 = arith.constant 1 : i32
      %add3A_52 = arith.addi %mul3A_30, %add3A_51 : i32
      %dma_wait3A_53 = arith.constant 0 : i32
      %dma_wait3A_54 = tpu.memref_slice %arg7[%add3A_52, %dma_wait3A_53] : memref<32x128xi32, #tpu.memory_space<vmem>> -> memref<1x128xi32, #tpu.memory_space<vmem>>
      %dma_wait3A_55 = tpu.memref_squeeze %dma_wait3A_54 : memref<1x128xi32, #tpu.memory_space<vmem>> -> memref<128xi32, #tpu.memory_space<vmem>>
      %dma_wait3A_56 = arith.constant 0 : i32
      %dma_wait3A_57 = arith.constant 0 : i32
      %dma_wait3A_58 = tpu.memref_slice %arg2[%dma_wait3A_56, %dma_wait3A_57] : memref<2048x128xf32, #tpu.memory_space<hbm>> -> memref<2048x128xf32, #tpu.memory_space<hbm>>
      tpu.wait_indirect_dma semaphore(%arg14 : memref<!tpu.dma_semaphore, #tpu.memory_space<semaphore_mem>>) src(%dma_wait3A_58 : memref<2048x128xf32, #tpu.memory_space<hbm>>) dst(%arg11 : memref<128x128xf32, #tpu.memory_space<vmem>>)
      %lt3A = arith.constant 15 : i32
      %lt3A_59 = arith.cmpi slt, %scan3A_27, %lt3A : i32
      %convert_element_type3A = arith.extui %lt3A_59 : i1 to i32
      %cond3A = arith.constant 0 : i32
      %cond3A_60 = arith.cmpi ne, %convert_element_type3A, %cond3A : i32
      scf.if %cond3A_60 {
        %add3A_71 = arith.constant 2 : i32
        %add3A_72 = arith.addi %mul3A_30, %add3A_71 : i32
        %dma_start3A_73 = arith.constant 0 : i32
        %dma_start3A_74 = tpu.memref_slice %arg7[%add3A_72, %dma_start3A_73] : memref<32x128xi32, #tpu.memory_space<vmem>> -> memref<1x128xi32, #tpu.memory_space<vmem>>
        %dma_start3A_75 = tpu.memref_squeeze %dma_start3A_74 : memref<1x128xi32, #tpu.memory_space<vmem>> -> memref<128xi32, #tpu.memory_space<vmem>>
        %dma_start3A_76 = arith.constant 0 : i32
        %dma_start3A_77 = arith.constant 0 : i32
        %dma_start3A_78 = tpu.memref_slice %arg2[%dma_start3A_76, %dma_start3A_77] : memref<2048x128xf32, #tpu.memory_space<hbm>> -> memref<2048x128xf32, #tpu.memory_space<hbm>>
        tpu.enqueue_indirect_dma source(%dma_start3A_78 : memref<2048x128xf32, #tpu.memory_space<hbm>>) target(%arg10 : memref<128x128xf32, #tpu.memory_space<vmem>>) offsets(%dma_start3A_75 : memref<128xi32, #tpu.memory_space<vmem>>) semaphore(%arg13 : memref<!tpu.dma_semaphore, #tpu.memory_space<semaphore_mem>>)
      } else {
      }
      %add3A_61 = arith.constant 1 : i32
      %add3A_62 = arith.addi %mul3A_30, %add3A_61 : i32
      %scan3A_63 = arith.constant 0 : i32
      %scan3A_64 = arith.constant 0 : i32
      %scan3A_65 = arith.constant 8 : i32
      %scan3A_66 = arith.addi %scan3A_64, %scan3A_65 : i32
      %scan3A_67 = arith.constant 1 : i32
      %scan3A_68 = scf.for %scan3A_71 = %scan3A_64 to %scan3A_66 step %scan3A_67 iter_args(%scan3A_72 = %scan3A_63) -> (i32)  : i32 {
        %mul3A_73 = arith.constant 128 : i32
        %mul3A_74 = arith.muli %add3A_62, %mul3A_73 : i32
        %mul3A_75 = arith.constant 16 : i32
        %mul3A_76 = arith.muli %scan3A_71, %mul3A_75 : i32
        %add3A_77 = arith.addi %mul3A_74, %mul3A_76 : i32
        %get3A = arith.index_cast %add3A_77 : i32 to index
        %get3A_78 = tpu.vector_load %arg9[%get3A] {strides = array<i32>} : memref<4096xf32, #tpu.memory_space<vmem>>, vector<16xf32>,
        %eq3A = arith.constant 0 : i32
        %eq3A_79 = vector.broadcast %eq3A : i32 to vector<16xi32>
        %eq3A_80 = arith.cmpi eq, %iota3A, %eq3A_79 : vector<16xi32>
        %jit3A = arith.constant 1.000000e+00 : f32
        %jit3A_81 = arith.constant 0.000000e+00 : f32
        %broadcast_in_dim3A = vector.broadcast %jit3A : f32 to vector<16xf32>
        %broadcast_in_dim3A_82 = vector.broadcast %jit3A_81 : f32 to vector<16xf32>
        %select_n3A = arith.select %eq3A_80, %broadcast_in_dim3A, %broadcast_in_dim3A_82 : vector<16xi1>, vector<16xf32>
        %mul3A_83 = arith.mulf %get3A_78, %select_n3A : vector<16xf32>
        %reduce_sum3A = arith.constant true
        %reduce_sum3A_84 = vector.broadcast %reduce_sum3A : i1 to vector<16xi1>
        %reduce_sum3A_85 = tpu.scan <sum>, %mul3A_83 masked %reduce_sum3A_84 : vector<16xf32>, vector<16xi1> -> vector<16xf32>
        %reduce_sum3A_86 = vector.extract %reduce_sum3A_85[15] : f32 from vector<16xf32>
        %broadcast_in_dim3A_87 = vector.broadcast %reduce_sum3A_86 : f32 to vector<16xf32>
        %mul3A_88 = arith.constant 16 : i32
        %mul3A_89 = arith.muli %scan3A_71, %mul3A_88 : i32
        %add3A_90 = arith.constant 0 : i32
        %add3A_91 = arith.addi %mul3A_89, %add3A_90 : i32
        %get3A_92 = arith.index_cast %add3A_91 : i32 to index
        %get3A_93 = arith.constant 0 : index
        %get3A_94 = tpu.vector_load %arg11[%get3A_92, %get3A_93] {strides = array<i32>} : memref<128x128xf32, #tpu.memory_space<vmem>>, vector<16xf32>,
        %mul3A_95 = arith.mulf %get3A_94, %broadcast_in_dim3A_87 : vector<16xf32>
        %swap3A = arith.index_cast %add3A_91 : i32 to index
        %swap3A_96 = arith.constant 0 : index
        %swap3A_97 = tpu.vector_load %arg11[%swap3A, %swap3A_96] {strides = array<i32>} : memref<128x128xf32, #tpu.memory_space<vmem>>, vector<16xf32>,
        tpu.vector_store %arg11[%swap3A, %swap3A_96], %mul3A_95 {strides = array<i32>} : memref<128x128xf32, #tpu.memory_space<vmem>>, vector<16xf32>,
        %get3A_98 = arith.index_cast %add3A_91 : i32 to index
        %get3A_99 = arith.constant 16 : index
        %get3A_100 = tpu.vector_load %arg11[%get3A_98, %get3A_99] {strides = array<i32>} : memref<128x128xf32, #tpu.memory_space<vmem>>, vector<16xf32>,
        %mul3A_101 = arith.mulf %get3A_100, %broadcast_in_dim3A_87 : vector<16xf32>
        %swap3A_102 = arith.index_cast %add3A_91 : i32 to index
        %swap3A_103 = arith.constant 16 : index
        %swap3A_104 = tpu.vector_load %arg11[%swap3A_102, %swap3A_103] {strides = array<i32>} : memref<128x128xf32, #tpu.memory_space<vmem>>, vector<16xf32>,
        tpu.vector_store %arg11[%swap3A_102, %swap3A_103], %mul3A_101 {strides = array<i32>} : memref<128x128xf32, #tpu.memory_space<vmem>>, vector<16xf32>,
        %get3A_105 = arith.index_cast %add3A_91 : i32 to index
        %get3A_106 = arith.constant 32 : index
        %get3A_107 = tpu.vector_load %arg11[%get3A_105, %get3A_106] {strides = array<i32>} : memref<128x128xf32, #tpu.memory_space<vmem>>, vector<16xf32>,
        %mul3A_108 = arith.mulf %get3A_107, %broadcast_in_dim3A_87 : vector<16xf32>
        %swap3A_109 = arith.index_cast %add3A_91 : i32 to index
        %swap3A_110 = arith.constant 32 : index
        %swap3A_111 = tpu.vector_load %arg11[%swap3A_109, %swap3A_110] {strides = array<i32>} : memref<128x128xf32, #tpu.memory_space<vmem>>, vector<16xf32>,
        tpu.vector_store %arg11[%swap3A_109, %swap3A_110], %mul3A_108 {strides = array<i32>} : memref<128x128xf32, #tpu.memory_space<vmem>>, vector<16xf32>,
        %get3A_112 = arith.index_cast %add3A_91 : i32 to index
        %get3A_113 = arith.constant 48 : index
        %get3A_114 = tpu.vector_load %arg11[%get3A_112, %get3A_113] {strides = array<i32>} : memref<128x128xf32, #tpu.memory_space<vmem>>, vector<16xf32>,
        %mul3A_115 = arith.mulf %get3A_114, %broadcast_in_dim3A_87 : vector<16xf32>
        %swap3A_116 = arith.index_cast %add3A_91 : i32 to index
        %swap3A_117 = arith.constant 48 : index
        %swap3A_118 = tpu.vector_load %arg11[%swap3A_116, %swap3A_117] {strides = array<i32>} : memref<128x128xf32, #tpu.memory_space<vmem>>, vector<16xf32>,
        tpu.vector_store %arg11[%swap3A_116, %swap3A_117], %mul3A_115 {strides = array<i32>} : memref<128x128xf32, #tpu.memory_space<vmem>>, vector<16xf32>,
        %eq3A_119 = arith.constant 1 : i32
        %eq3A_120 = vector.broadcast %eq3A_119 : i32 to vector<16xi32>
        %eq3A_121 = arith.cmpi eq, %iota3A, %eq3A_120 : vector<16xi32>
        %jit3A_122 = arith.constant 1.000000e+00 : f32
        %jit3A_123 = arith.constant 0.000000e+00 : f32
        %broadcast_in_dim3A_124 = vector.broadcast %jit3A_122 : f32 to vector<16xf32>
        %broadcast_in_dim3A_125 = vector.broadcast %jit3A_123 : f32 to vector<16xf32>
        %select_n3A_126 = arith.select %eq3A_121, %broadcast_in_dim3A_124, %broadcast_in_dim3A_125 : vector<16xi1>, vector<16xf32>
        %mul3A_127 = arith.mulf %get3A_78, %select_n3A_126 : vector<16xf32>
        %reduce_sum3A_128 = arith.constant true
        %reduce_sum3A_129 = vector.broadcast %reduce_sum3A_128 : i1 to vector<16xi1>
        %reduce_sum3A_130 = tpu.scan <sum>, %mul3A_127 masked %reduce_sum3A_129 : vector<16xf32>, vector<16xi1> -> vector<16xf32>
        %reduce_sum3A_131 = vector.extract %reduce_sum3A_130[15] : f32 from vector<16xf32>
        %broadcast_in_dim3A_132 = vector.broadcast %reduce_sum3A_131 : f32 to vector<16xf32>
        %mul3A_133 = arith.constant 16 : i32
        %mul3A_134 = arith.muli %scan3A_71, %mul3A_133 : i32
        %add3A_135 = arith.constant 1 : i32
        %add3A_136 = arith.addi %mul3A_134, %add3A_135 : i32
        %get3A_137 = arith.index_cast %add3A_136 : i32 to index
        %get3A_138 = arith.constant 0 : index
        %get3A_139 = tpu.vector_load %arg11[%get3A_137, %get3A_138] {strides = array<i32>} : memref<128x128xf32, #tpu.memory_space<vmem>>, vector<16xf32>,
        %mul3A_140 = arith.mulf %get3A_139, %broadcast_in_dim3A_132 : vector<16xf32>
        %swap3A_141 = arith.index_cast %add3A_136 : i32 to index
        %swap3A_142 = arith.constant 0 : index
        %swap3A_143 = tpu.vector_load %arg11[%swap3A_141, %swap3A_142] {strides = array<i32>} : memref<128x128xf32, #tpu.memory_space<vmem>>, vector<16xf32>,
        tpu.vector_store %arg11[%swap3A_141, %swap3A_142], %mul3A_140 {strides = array<i32>} : memref<128x128xf32, #tpu.memory_space<vmem>>, vector<16xf32>,
        %get3A_144 = arith.index_cast %add3A_136 : i32 to index
        %get3A_145 = arith.constant 16 : index
        %get3A_146 = tpu.vector_load %arg11[%get3A_144, %get3A_145] {strides = array<i32>} : memref<128x128xf32, #tpu.memory_space<vmem>>, vector<16xf32>,
        %mul3A_147 = arith.mulf %get3A_146, %broadcast_in_dim3A_132 : vector<16xf32>
        %swap3A_148 = arith.index_cast %add3A_136 : i32 to index
        %swap3A_149 = arith.constant 16 : index
        %swap3A_150 = tpu.vector_load %arg11[%swap3A_148, %swap3A_149] {strides = array<i32>} : memref<128x128xf32, #tpu.memory_space<vmem>>, vector<16xf32>,
        tpu.vector_store %arg11[%swap3A_148, %swap3A_149], %mul3A_147 {strides = array<i32>} : memref<128x128xf32, #tpu.memory_space<vmem>>, vector<16xf32>,
        %get3A_151 = arith.index_cast %add3A_136 : i32 to index
        %get3A_152 = arith.constant 32 : index
        %get3A_153 = tpu.vector_load %arg11[%get3A_151, %get3A_152] {strides = array<i32>} : memref<128x128xf32, #tpu.memory_space<vmem>>, vector<16xf32>,
        %mul3A_154 = arith.mulf %get3A_153, %broadcast_in_dim3A_132 : vector<16xf32>
        %swap3A_155 = arith.index_cast %add3A_136 : i32 to index
        %swap3A_156 = arith.constant 32 : index
        %swap3A_157 = tpu.vector_load %arg11[%swap3A_155, %swap3A_156] {strides = array<i32>} : memref<128x128xf32, #tpu.memory_space<vmem>>, vector<16xf32>,
        tpu.vector_store %arg11[%swap3A_155, %swap3A_156], %mul3A_154 {strides = array<i32>} : memref<128x128xf32, #tpu.memory_space<vmem>>, vector<16xf32>,
        %get3A_158 = arith.index_cast %add3A_136 : i32 to index
        %get3A_159 = arith.constant 48 : index
        %get3A_160 = tpu.vector_load %arg11[%get3A_158, %get3A_159] {strides = array<i32>} : memref<128x128xf32, #tpu.memory_space<vmem>>, vector<16xf32>,
        %mul3A_161 = arith.mulf %get3A_160, %broadcast_in_dim3A_132 : vector<16xf32>
        %swap3A_162 = arith.index_cast %add3A_136 : i32 to index
        %swap3A_163 = arith.constant 48 : index
        %swap3A_164 = tpu.vector_load %arg11[%swap3A_162, %swap3A_163] {strides = array<i32>} : memref<128x128xf32, #tpu.memory_space<vmem>>, vector<16xf32>,
        tpu.vector_store %arg11[%swap3A_162, %swap3A_163], %mul3A_161 {strides = array<i32>} : memref<128x128xf32, #tpu.memory_space<vmem>>, vector<16xf32>,
        %eq3A_165 = arith.constant 2 : i32
        %eq3A_166 = vector.broadcast %eq3A_165 : i32 to vector<16xi32>
        %eq3A_167 = arith.cmpi eq, %iota3A, %eq3A_166 : vector<16xi32>
        %jit3A_168 = arith.constant 1.000000e+00 : f32
        %jit3A_169 = arith.constant 0.000000e+00 : f32
        %broadcast_in_dim3A_170 = vector.broadcast %jit3A_168 : f32 to vector<16xf32>
        %broadcast_in_dim3A_171 = vector.broadcast %jit3A_169 : f32 to vector<16xf32>
        %select_n3A_172 = arith.select %eq3A_167, %broadcast_in_dim3A_170, %broadcast_in_dim3A_171 : vector<16xi1>, vector<16xf32>
        %mul3A_173 = arith.mulf %get3A_78, %select_n3A_172 : vector<16xf32>
        %reduce_sum3A_174 = arith.constant true
        %reduce_sum3A_175 = vector.broadcast %reduce_sum3A_174 : i1 to vector<16xi1>
        %reduce_sum3A_176 = tpu.scan <sum>, %mul3A_173 masked %reduce_sum3A_175 : vector<16xf32>, vector<16xi1> -> vector<16xf32>
        %reduce_sum3A_177 = vector.extract %reduce_sum3A_176[15] : f32 from vector<16xf32>
        %broadcast_in_dim3A_178 = vector.broadcast %reduce_sum3A_177 : f32 to vector<16xf32>
        %mul3A_179 = arith.constant 16 : i32
        %mul3A_180 = arith.muli %scan3A_71, %mul3A_179 : i32
        %add3A_181 = arith.constant 2 : i32
        %add3A_182 = arith.addi %mul3A_180, %add3A_181 : i32
        %get3A_183 = arith.index_cast %add3A_182 : i32 to index
        %get3A_184 = arith.constant 0 : index
        %get3A_185 = tpu.vector_load %arg11[%get3A_183, %get3A_184] {strides = array<i32>} : memref<128x128xf32, #tpu.memory_space<vmem>>, vector<16xf32>,
        %mul3A_186 = arith.mulf %get3A_185, %broadcast_in_dim3A_178 : vector<16xf32>
        %swap3A_187 = arith.index_cast %add3A_182 : i32 to index
        %swap3A_188 = arith.constant 0 : index
        %swap3A_189 = tpu.vector_load %arg11[%swap3A_187, %swap3A_188] {strides = array<i32>} : memref<128x128xf32, #tpu.memory_space<vmem>>, vector<16xf32>,
        tpu.vector_store %arg11[%swap3A_187, %swap3A_188], %mul3A_186 {strides = array<i32>} : memref<128x128xf32, #tpu.memory_space<vmem>>, vector<16xf32>,
        %get3A_190 = arith.index_cast %add3A_182 : i32 to index
        %get3A_191 = arith.constant 16 : index
        %get3A_192 = tpu.vector_load %arg11[%get3A_190, %get3A_191] {strides = array<i32>} : memref<128x128xf32, #tpu.memory_space<vmem>>, vector<16xf32>,
        %mul3A_193 = arith.mulf %get3A_192, %broadcast_in_dim3A_178 : vector<16xf32>
        %swap3A_194 = arith.index_cast %add3A_182 : i32 to index
        %swap3A_195 = arith.constant 16 : index
        %swap3A_196 = tpu.vector_load %arg11[%swap3A_194, %swap3A_195] {strides = array<i32>} : memref<128x128xf32, #tpu.memory_space<vmem>>, vector<16xf32>,
        tpu.vector_store %arg11[%swap3A_194, %swap3A_195], %mul3A_193 {strides = array<i32>} : memref<128x128xf32, #tpu.memory_space<vmem>>, vector<16xf32>,
        %get3A_197 = arith.index_cast %add3A_182 : i32 to index
        %get3A_198 = arith.constant 32 : index
        %get3A_199 = tpu.vector_load %arg11[%get3A_197, %get3A_198] {strides = array<i32>} : memref<128x128xf32, #tpu.memory_space<vmem>>, vector<16xf32>,
        %mul3A_200 = arith.mulf %get3A_199, %broadcast_in_dim3A_178 : vector<16xf32>
        %swap3A_201 = arith.index_cast %add3A_182 : i32 to index
        %swap3A_202 = arith.constant 32 : index
        %swap3A_203 = tpu.vector_load %arg11[%swap3A_201, %swap3A_202] {strides = array<i32>} : memref<128x128xf32, #tpu.memory_space<vmem>>, vector<16xf32>,
        tpu.vector_store %arg11[%swap3A_201, %swap3A_202], %mul3A_200 {strides = array<i32>} : memref<128x128xf32, #tpu.memory_space<vmem>>, vector<16xf32>,
        %get3A_204 = arith.index_cast %add3A_182 : i32 to index
        %get3A_205 = arith.constant 48 : index
        %get3A_206 = tpu.vector_load %arg11[%get3A_204, %get3A_205] {strides = array<i32>} : memref<128x128xf32, #tpu.memory_space<vmem>>, vector<16xf32>,
        %mul3A_207 = arith.mulf %get3A_206, %broadcast_in_dim3A_178 : vector<16xf32>
        %swap3A_208 = arith.index_cast %add3A_182 : i32 to index
        %swap3A_209 = arith.constant 48 : index
        %swap3A_210 = tpu.vector_load %arg11[%swap3A_208, %swap3A_209] {strides = array<i32>} : memref<128x128xf32, #tpu.memory_space<vmem>>, vector<16xf32>,
        tpu.vector_store %arg11[%swap3A_208, %swap3A_209], %mul3A_207 {strides = array<i32>} : memref<128x128xf32, #tpu.memory_space<vmem>>, vector<16xf32>,
        %eq3A_211 = arith.constant 3 : i32
        %eq3A_212 = vector.broadcast %eq3A_211 : i32 to vector<16xi32>
        %eq3A_213 = arith.cmpi eq, %iota3A, %eq3A_212 : vector<16xi32>
        %jit3A_214 = arith.constant 1.000000e+00 : f32
        %jit3A_215 = arith.constant 0.000000e+00 : f32
        %broadcast_in_dim3A_216 = vector.broadcast %jit3A_214 : f32 to vector<16xf32>
        %broadcast_in_dim3A_217 = vector.broadcast %jit3A_215 : f32 to vector<16xf32>
        %select_n3A_218 = arith.select %eq3A_213, %broadcast_in_dim3A_216, %broadcast_in_dim3A_217 : vector<16xi1>, vector<16xf32>
        %mul3A_219 = arith.mulf %get3A_78, %select_n3A_218 : vector<16xf32>
        %reduce_sum3A_220 = arith.constant true
        %reduce_sum3A_221 = vector.broadcast %reduce_sum3A_220 : i1 to vector<16xi1>
        %reduce_sum3A_222 = tpu.scan <sum>, %mul3A_219 masked %reduce_sum3A_221 : vector<16xf32>, vector<16xi1> -> vector<16xf32>
        %reduce_sum3A_223 = vector.extract %reduce_sum3A_222[15] : f32 from vector<16xf32>
        %broadcast_in_dim3A_224 = vector.broadcast %reduce_sum3A_223 : f32 to vector<16xf32>
        %mul3A_225 = arith.constant 16 : i32
        %mul3A_226 = arith.muli %scan3A_71, %mul3A_225 : i32
        %add3A_227 = arith.constant 3 : i32
        %add3A_228 = arith.addi %mul3A_226, %add3A_227 : i32
        %get3A_229 = arith.index_cast %add3A_228 : i32 to index
        %get3A_230 = arith.constant 0 : index
        %get3A_231 = tpu.vector_load %arg11[%get3A_229, %get3A_230] {strides = array<i32>} : memref<128x128xf32, #tpu.memory_space<vmem>>, vector<16xf32>,
        %mul3A_232 = arith.mulf %get3A_231, %broadcast_in_dim3A_224 : vector<16xf32>
        %swap3A_233 = arith.index_cast %add3A_228 : i32 to index
        %swap3A_234 = arith.constant 0 : index
        %swap3A_235 = tpu.vector_load %arg11[%swap3A_233, %swap3A_234] {strides = array<i32>} : memref<128x128xf32, #tpu.memory_space<vmem>>, vector<16xf32>,
        tpu.vector_store %arg11[%swap3A_233, %swap3A_234], %mul3A_232 {strides = array<i32>} : memref<128x128xf32, #tpu.memory_space<vmem>>, vector<16xf32>,
        %get3A_236 = arith.index_cast %add3A_228 : i32 to index
        %get3A_237 = arith.constant 16 : index
        %get3A_238 = tpu.vector_load %arg11[%get3A_236, %get3A_237] {strides = array<i32>} : memref<128x128xf32, #tpu.memory_space<vmem>>, vector<16xf32>,
        %mul3A_239 = arith.mulf %get3A_238, %broadcast_in_dim3A_224 : vector<16xf32>
        %swap3A_240 = arith.index_cast %add3A_228 : i32 to index
        %swap3A_241 = arith.constant 16 : index
        %swap3A_242 = tpu.vector_load %arg11[%swap3A_240, %swap3A_241] {strides = array<i32>} : memref<128x128xf32, #tpu.memory_space<vmem>>, vector<16xf32>,
        tpu.vector_store %arg11[%swap3A_240, %swap3A_241], %mul3A_239 {strides = array<i32>} : memref<128x128xf32, #tpu.memory_space<vmem>>, vector<16xf32>,
        %get3A_243 = arith.index_cast %add3A_228 : i32 to index
        %get3A_244 = arith.constant 32 : index
        %get3A_245 = tpu.vector_load %arg11[%get3A_243, %get3A_244] {strides = array<i32>} : memref<128x128xf32, #tpu.memory_space<vmem>>, vector<16xf32>,
        %mul3A_246 = arith.mulf %get3A_245, %broadcast_in_dim3A_224 : vector<16xf32>
        %swap3A_247 = arith.index_cast %add3A_228 : i32 to index
        %swap3A_248 = arith.constant 32 : index
        %swap3A_249 = tpu.vector_load %arg11[%swap3A_247, %swap3A_248] {strides = array<i32>} : memref<128x128xf32, #tpu.memory_space<vmem>>, vector<16xf32>,
        tpu.vector_store %arg11[%swap3A_247, %swap3A_248], %mul3A_246 {strides = array<i32>} : memref<128x128xf32, #tpu.memory_space<vmem>>, vector<16xf32>,
        %get3A_250 = arith.index_cast %add3A_228 : i32 to index
        %get3A_251 = arith.constant 48 : index
        %get3A_252 = tpu.vector_load %arg11[%get3A_250, %get3A_251] {strides = array<i32>} : memref<128x128xf32, #tpu.memory_space<vmem>>, vector<16xf32>,
        %mul3A_253 = arith.mulf %get3A_252, %broadcast_in_dim3A_224 : vector<16xf32>
        %swap3A_254 = arith.index_cast %add3A_228 : i32 to index
        %swap3A_255 = arith.constant 48 : index
        %swap3A_256 = tpu.vector_load %arg11[%swap3A_254, %swap3A_255] {strides = array<i32>} : memref<128x128xf32, #tpu.memory_space<vmem>>, vector<16xf32>,
        tpu.vector_store %arg11[%swap3A_254, %swap3A_255], %mul3A_253 {strides = array<i32>} : memref<128x128xf32, #tpu.memory_space<vmem>>, vector<16xf32>,
        %eq3A_257 = arith.constant 4 : i32
        %eq3A_258 = vector.broadcast %eq3A_257 : i32 to vector<16xi32>
        %eq3A_259 = arith.cmpi eq, %iota3A, %eq3A_258 : vector<16xi32>
        %jit3A_260 = arith.constant 1.000000e+00 : f32
        %jit3A_261 = arith.constant 0.000000e+00 : f32
        %broadcast_in_dim3A_262 = vector.broadcast %jit3A_260 : f32 to vector<16xf32>
        %broadcast_in_dim3A_263 = vector.broadcast %jit3A_261 : f32 to vector<16xf32>
        %select_n3A_264 = arith.select %eq3A_259, %broadcast_in_dim3A_262, %broadcast_in_dim3A_263 : vector<16xi1>, vector<16xf32>
        %mul3A_265 = arith.mulf %get3A_78, %select_n3A_264 : vector<16xf32>
        %reduce_sum3A_266 = arith.constant true
        %reduce_sum3A_267 = vector.broadcast %reduce_sum3A_266 : i1 to vector<16xi1>
        %reduce_sum3A_268 = tpu.scan <sum>, %mul3A_265 masked %reduce_sum3A_267 : vector<16xf32>, vector<16xi1> -> vector<16xf32>
        %reduce_sum3A_269 = vector.extract %reduce_sum3A_268[15] : f32 from vector<16xf32>
        %broadcast_in_dim3A_270 = vector.broadcast %reduce_sum3A_269 : f32 to vector<16xf32>
        %mul3A_271 = arith.constant 16 : i32
        %mul3A_272 = arith.muli %scan3A_71, %mul3A_271 : i32
        %add3A_273 = arith.constant 4 : i32
        %add3A_274 = arith.addi %mul3A_272, %add3A_273 : i32
        %get3A_275 = arith.index_cast %add3A_274 : i32 to index
        %get3A_276 = arith.constant 0 : index
        %get3A_277 = tpu.vector_load %arg11[%get3A_275, %get3A_276] {strides = array<i32>} : memref<128x128xf32, #tpu.memory_space<vmem>>, vector<16xf32>,
        %mul3A_278 = arith.mulf %get3A_277, %broadcast_in_dim3A_270 : vector<16xf32>
        %swap3A_279 = arith.index_cast %add3A_274 : i32 to index
        %swap3A_280 = arith.constant 0 : index
        %swap3A_281 = tpu.vector_load %arg11[%swap3A_279, %swap3A_280] {strides = array<i32>} : memref<128x128xf32, #tpu.memory_space<vmem>>, vector<16xf32>,
        tpu.vector_store %arg11[%swap3A_279, %swap3A_280], %mul3A_278 {strides = array<i32>} : memref<128x128xf32, #tpu.memory_space<vmem>>, vector<16xf32>,
        %get3A_282 = arith.index_cast %add3A_274 : i32 to index
        %get3A_283 = arith.constant 16 : index
        %get3A_284 = tpu.vector_load %arg11[%get3A_282, %get3A_283] {strides = array<i32>} : memref<128x128xf32, #tpu.memory_space<vmem>>, vector<16xf32>,
        %mul3A_285 = arith.mulf %get3A_284, %broadcast_in_dim3A_270 : vector<16xf32>
        %swap3A_286 = arith.index_cast %add3A_274 : i32 to index
        %swap3A_287 = arith.constant 16 : index
        %swap3A_288 = tpu.vector_load %arg11[%swap3A_286, %swap3A_287] {strides = array<i32>} : memref<128x128xf32, #tpu.memory_space<vmem>>, vector<16xf32>,
        tpu.vector_store %arg11[%swap3A_286, %swap3A_287], %mul3A_285 {strides = array<i32>} : memref<128x128xf32, #tpu.memory_space<vmem>>, vector<16xf32>,
        %get3A_289 = arith.index_cast %add3A_274 : i32 to index
        %get3A_290 = arith.constant 32 : index
        %get3A_291 = tpu.vector_load %arg11[%get3A_289, %get3A_290] {strides = array<i32>} : memref<128x128xf32, #tpu.memory_space<vmem>>, vector<16xf32>,
        %mul3A_292 = arith.mulf %get3A_291, %broadcast_in_dim3A_270 : vector<16xf32>
        %swap3A_293 = arith.index_cast %add3A_274 : i32 to index
        %swap3A_294 = arith.constant 32 : index
        %swap3A_295 = tpu.vector_load %arg11[%swap3A_293, %swap3A_294] {strides = array<i32>} : memref<128x128xf32, #tpu.memory_space<vmem>>, vector<16xf32>,
        tpu.vector_store %arg11[%swap3A_293, %swap3A_294], %mul3A_292 {strides = array<i32>} : memref<128x128xf32, #tpu.memory_space<vmem>>, vector<16xf32>,
        %get3A_296 = arith.index_cast %add3A_274 : i32 to index
        %get3A_297 = arith.constant 48 : index
        %get3A_298 = tpu.vector_load %arg11[%get3A_296, %get3A_297] {strides = array<i32>} : memref<128x128xf32, #tpu.memory_space<vmem>>, vector<16xf32>,
        %mul3A_299 = arith.mulf %get3A_298, %broadcast_in_dim3A_270 : vector<16xf32>
        %swap3A_300 = arith.index_cast %add3A_274 : i32 to index
        %swap3A_301 = arith.constant 48 : index
        %swap3A_302 = tpu.vector_load %arg11[%swap3A_300, %swap3A_301] {strides = array<i32>} : memref<128x128xf32, #tpu.memory_space<vmem>>, vector<16xf32>,
        tpu.vector_store %arg11[%swap3A_300, %swap3A_301], %mul3A_299 {strides = array<i32>} : memref<128x128xf32, #tpu.memory_space<vmem>>, vector<16xf32>,
        %eq3A_303 = arith.constant 5 : i32
        %eq3A_304 = vector.broadcast %eq3A_303 : i32 to vector<16xi32>
        %eq3A_305 = arith.cmpi eq, %iota3A, %eq3A_304 : vector<16xi32>
        %jit3A_306 = arith.constant 1.000000e+00 : f32
        %jit3A_307 = arith.constant 0.000000e+00 : f32
        %broadcast_in_dim3A_308 = vector.broadcast %jit3A_306 : f32 to vector<16xf32>
        %broadcast_in_dim3A_309 = vector.broadcast %jit3A_307 : f32 to vector<16xf32>
        %select_n3A_310 = arith.select %eq3A_305, %broadcast_in_dim3A_308, %broadcast_in_dim3A_309 : vector<16xi1>, vector<16xf32>
        %mul3A_311 = arith.mulf %get3A_78, %select_n3A_310 : vector<16xf32>
        %reduce_sum3A_312 = arith.constant true
        %reduce_sum3A_313 = vector.broadcast %reduce_sum3A_312 : i1 to vector<16xi1>
        %reduce_sum3A_314 = tpu.scan <sum>, %mul3A_311 masked %reduce_sum3A_313 : vector<16xf32>, vector<16xi1> -> vector<16xf32>
        %reduce_sum3A_315 = vector.extract %reduce_sum3A_314[15] : f32 from vector<16xf32>
        %broadcast_in_dim3A_316 = vector.broadcast %reduce_sum3A_315 : f32 to vector<16xf32>
        %mul3A_317 = arith.constant 16 : i32
        %mul3A_318 = arith.muli %scan3A_71, %mul3A_317 : i32
        %add3A_319 = arith.constant 5 : i32
        %add3A_320 = arith.addi %mul3A_318, %add3A_319 : i32
        %get3A_321 = arith.index_cast %add3A_320 : i32 to index
        %get3A_322 = arith.constant 0 : index
        %get3A_323 = tpu.vector_load %arg11[%get3A_321, %get3A_322] {strides = array<i32>} : memref<128x128xf32, #tpu.memory_space<vmem>>, vector<16xf32>,
        %mul3A_324 = arith.mulf %get3A_323, %broadcast_in_dim3A_316 : vector<16xf32>
        %swap3A_325 = arith.index_cast %add3A_320 : i32 to index
        %swap3A_326 = arith.constant 0 : index
        %swap3A_327 = tpu.vector_load %arg11[%swap3A_325, %swap3A_326] {strides = array<i32>} : memref<128x128xf32, #tpu.memory_space<vmem>>, vector<16xf32>,
        tpu.vector_store %arg11[%swap3A_325, %swap3A_326], %mul3A_324 {strides = array<i32>} : memref<128x128xf32, #tpu.memory_space<vmem>>, vector<16xf32>,
        %get3A_328 = arith.index_cast %add3A_320 : i32 to index
        %get3A_329 = arith.constant 16 : index
        %get3A_330 = tpu.vector_load %arg11[%get3A_328, %get3A_329] {strides = array<i32>} : memref<128x128xf32, #tpu.memory_space<vmem>>, vector<16xf32>,
        %mul3A_331 = arith.mulf %get3A_330, %broadcast_in_dim3A_316 : vector<16xf32>
        %swap3A_332 = arith.index_cast %add3A_320 : i32 to index
        %swap3A_333 = arith.constant 16 : index
        %swap3A_334 = tpu.vector_load %arg11[%swap3A_332, %swap3A_333] {strides = array<i32>} : memref<128x128xf32, #tpu.memory_space<vmem>>, vector<16xf32>,
        tpu.vector_store %arg11[%swap3A_332, %swap3A_333], %mul3A_331 {strides = array<i32>} : memref<128x128xf32, #tpu.memory_space<vmem>>, vector<16xf32>,
        %get3A_335 = arith.index_cast %add3A_320 : i32 to index
        %get3A_336 = arith.constant 32 : index
        %get3A_337 = tpu.vector_load %arg11[%get3A_335, %get3A_336] {strides = array<i32>} : memref<128x128xf32, #tpu.memory_space<vmem>>, vector<16xf32>,
        %mul3A_338 = arith.mulf %get3A_337, %broadcast_in_dim3A_316 : vector<16xf32>
        %swap3A_339 = arith.index_cast %add3A_320 : i32 to index
        %swap3A_340 = arith.constant 32 : index
        %swap3A_341 = tpu.vector_load %arg11[%swap3A_339, %swap3A_340] {strides = array<i32>} : memref<128x128xf32, #tpu.memory_space<vmem>>, vector<16xf32>,
        tpu.vector_store %arg11[%swap3A_339, %swap3A_340], %mul3A_338 {strides = array<i32>} : memref<128x128xf32, #tpu.memory_space<vmem>>, vector<16xf32>,
        %get3A_342 = arith.index_cast %add3A_320 : i32 to index
        %get3A_343 = arith.constant 48 : index
        %get3A_344 = tpu.vector_load %arg11[%get3A_342, %get3A_343] {strides = array<i32>} : memref<128x128xf32, #tpu.memory_space<vmem>>, vector<16xf32>,
        %mul3A_345 = arith.mulf %get3A_344, %broadcast_in_dim3A_316 : vector<16xf32>
        %swap3A_346 = arith.index_cast %add3A_320 : i32 to index
        %swap3A_347 = arith.constant 48 : index
        %swap3A_348 = tpu.vector_load %arg11[%swap3A_346, %swap3A_347] {strides = array<i32>} : memref<128x128xf32, #tpu.memory_space<vmem>>, vector<16xf32>,
        tpu.vector_store %arg11[%swap3A_346, %swap3A_347], %mul3A_345 {strides = array<i32>} : memref<128x128xf32, #tpu.memory_space<vmem>>, vector<16xf32>,
        %eq3A_349 = arith.constant 6 : i32
        %eq3A_350 = vector.broadcast %eq3A_349 : i32 to vector<16xi32>
        %eq3A_351 = arith.cmpi eq, %iota3A, %eq3A_350 : vector<16xi32>
        %jit3A_352 = arith.constant 1.000000e+00 : f32
        %jit3A_353 = arith.constant 0.000000e+00 : f32
        %broadcast_in_dim3A_354 = vector.broadcast %jit3A_352 : f32 to vector<16xf32>
        %broadcast_in_dim3A_355 = vector.broadcast %jit3A_353 : f32 to vector<16xf32>
        %select_n3A_356 = arith.select %eq3A_351, %broadcast_in_dim3A_354, %broadcast_in_dim3A_355 : vector<16xi1>, vector<16xf32>
        %mul3A_357 = arith.mulf %get3A_78, %select_n3A_356 : vector<16xf32>
        %reduce_sum3A_358 = arith.constant true
        %reduce_sum3A_359 = vector.broadcast %reduce_sum3A_358 : i1 to vector<16xi1>
        %reduce_sum3A_360 = tpu.scan <sum>, %mul3A_357 masked %reduce_sum3A_359 : vector<16xf32>, vector<16xi1> -> vector<16xf32>
        %reduce_sum3A_361 = vector.extract %reduce_sum3A_360[15] : f32 from vector<16xf32>
        %broadcast_in_dim3A_362 = vector.broadcast %reduce_sum3A_361 : f32 to vector<16xf32>
        %mul3A_363 = arith.constant 16 : i32
        %mul3A_364 = arith.muli %scan3A_71, %mul3A_363 : i32
        %add3A_365 = arith.constant 6 : i32
        %add3A_366 = arith.addi %mul3A_364, %add3A_365 : i32
        %get3A_367 = arith.index_cast %add3A_366 : i32 to index
        %get3A_368 = arith.constant 0 : index
        %get3A_369 = tpu.vector_load %arg11[%get3A_367, %get3A_368] {strides = array<i32>} : memref<128x128xf32, #tpu.memory_space<vmem>>, vector<16xf32>,
        %mul3A_370 = arith.mulf %get3A_369, %broadcast_in_dim3A_362 : vector<16xf32>
        %swap3A_371 = arith.index_cast %add3A_366 : i32 to index
        %swap3A_372 = arith.constant 0 : index
        %swap3A_373 = tpu.vector_load %arg11[%swap3A_371, %swap3A_372] {strides = array<i32>} : memref<128x128xf32, #tpu.memory_space<vmem>>, vector<16xf32>,
        tpu.vector_store %arg11[%swap3A_371, %swap3A_372], %mul3A_370 {strides = array<i32>} : memref<128x128xf32, #tpu.memory_space<vmem>>, vector<16xf32>,
        %get3A_374 = arith.index_cast %add3A_366 : i32 to index
        %get3A_375 = arith.constant 16 : index
        %get3A_376 = tpu.vector_load %arg11[%get3A_374, %get3A_375] {strides = array<i32>} : memref<128x128xf32, #tpu.memory_space<vmem>>, vector<16xf32>,
        %mul3A_377 = arith.mulf %get3A_376, %broadcast_in_dim3A_362 : vector<16xf32>
        %swap3A_378 = arith.index_cast %add3A_366 : i32 to index
        %swap3A_379 = arith.constant 16 : index
        %swap3A_380 = tpu.vector_load %arg11[%swap3A_378, %swap3A_379] {strides = array<i32>} : memref<128x128xf32, #tpu.memory_space<vmem>>, vector<16xf32>,
        tpu.vector_store %arg11[%swap3A_378, %swap3A_379], %mul3A_377 {strides = array<i32>} : memref<128x128xf32, #tpu.memory_space<vmem>>, vector<16xf32>,
        %get3A_381 = arith.index_cast %add3A_366 : i32 to index
        %get3A_382 = arith.constant 32 : index
        %get3A_383 = tpu.vector_load %arg11[%get3A_381, %get3A_382] {strides = array<i32>} : memref<128x128xf32, #tpu.memory_space<vmem>>, vector<16xf32>,
        %mul3A_384 = arith.mulf %get3A_383, %broadcast_in_dim3A_362 : vector<16xf32>
        %swap3A_385 = arith.index_cast %add3A_366 : i32 to index
        %swap3A_386 = arith.constant 32 : index
        %swap3A_387 = tpu.vector_load %arg11[%swap3A_385, %swap3A_386] {strides = array<i32>} : memref<128x128xf32, #tpu.memory_space<vmem>>, vector<16xf32>,
        tpu.vector_store %arg11[%swap3A_385, %swap3A_386], %mul3A_384 {strides = array<i32>} : memref<128x128xf32, #tpu.memory_space<vmem>>, vector<16xf32>,
        %get3A_388 = arith.index_cast %add3A_366 : i32 to index
        %get3A_389 = arith.constant 48 : index
        %get3A_390 = tpu.vector_load %arg11[%get3A_388, %get3A_389] {strides = array<i32>} : memref<128x128xf32, #tpu.memory_space<vmem>>, vector<16xf32>,
        %mul3A_391 = arith.mulf %get3A_390, %broadcast_in_dim3A_362 : vector<16xf32>
        %swap3A_392 = arith.index_cast %add3A_366 : i32 to index
        %swap3A_393 = arith.constant 48 : index
        %swap3A_394 = tpu.vector_load %arg11[%swap3A_392, %swap3A_393] {strides = array<i32>} : memref<128x128xf32, #tpu.memory_space<vmem>>, vector<16xf32>,
        tpu.vector_store %arg11[%swap3A_392, %swap3A_393], %mul3A_391 {strides = array<i32>} : memref<128x128xf32, #tpu.memory_space<vmem>>, vector<16xf32>,
        %eq3A_395 = arith.constant 7 : i32
        %eq3A_396 = vector.broadcast %eq3A_395 : i32 to vector<16xi32>
        %eq3A_397 = arith.cmpi eq, %iota3A, %eq3A_396 : vector<16xi32>
        %jit3A_398 = arith.constant 1.000000e+00 : f32
        %jit3A_399 = arith.constant 0.000000e+00 : f32
        %broadcast_in_dim3A_400 = vector.broadcast %jit3A_398 : f32 to vector<16xf32>
        %broadcast_in_dim3A_401 = vector.broadcast %jit3A_399 : f32 to vector<16xf32>
        %select_n3A_402 = arith.select %eq3A_397, %broadcast_in_dim3A_400, %broadcast_in_dim3A_401 : vector<16xi1>, vector<16xf32>
        %mul3A_403 = arith.mulf %get3A_78, %select_n3A_402 : vector<16xf32>
        %reduce_sum3A_404 = arith.constant true
        %reduce_sum3A_405 = vector.broadcast %reduce_sum3A_404 : i1 to vector<16xi1>
        %reduce_sum3A_406 = tpu.scan <sum>, %mul3A_403 masked %reduce_sum3A_405 : vector<16xf32>, vector<16xi1> -> vector<16xf32>
        %reduce_sum3A_407 = vector.extract %reduce_sum3A_406[15] : f32 from vector<16xf32>
        %broadcast_in_dim3A_408 = vector.broadcast %reduce_sum3A_407 : f32 to vector<16xf32>
        %mul3A_409 = arith.constant 16 : i32
        %mul3A_410 = arith.muli %scan3A_71, %mul3A_409 : i32
        %add3A_411 = arith.constant 7 : i32
        %add3A_412 = arith.addi %mul3A_410, %add3A_411 : i32
        %get3A_413 = arith.index_cast %add3A_412 : i32 to index
        %get3A_414 = arith.constant 0 : index
        %get3A_415 = tpu.vector_load %arg11[%get3A_413, %get3A_414] {strides = array<i32>} : memref<128x128xf32, #tpu.memory_space<vmem>>, vector<16xf32>,
        %mul3A_416 = arith.mulf %get3A_415, %broadcast_in_dim3A_408 : vector<16xf32>
        %swap3A_417 = arith.index_cast %add3A_412 : i32 to index
        %swap3A_418 = arith.constant 0 : index
        %swap3A_419 = tpu.vector_load %arg11[%swap3A_417, %swap3A_418] {strides = array<i32>} : memref<128x128xf32, #tpu.memory_space<vmem>>, vector<16xf32>,
        tpu.vector_store %arg11[%swap3A_417, %swap3A_418], %mul3A_416 {strides = array<i32>} : memref<128x128xf32, #tpu.memory_space<vmem>>, vector<16xf32>,
        %get3A_420 = arith.index_cast %add3A_412 : i32 to index
        %get3A_421 = arith.constant 16 : index
        %get3A_422 = tpu.vector_load %arg11[%get3A_420, %get3A_421] {strides = array<i32>} : memref<128x128xf32, #tpu.memory_space<vmem>>, vector<16xf32>,
        %mul3A_423 = arith.mulf %get3A_422, %broadcast_in_dim3A_408 : vector<16xf32>
        %swap3A_424 = arith.index_cast %add3A_412 : i32 to index
        %swap3A_425 = arith.constant 16 : index
        %swap3A_426 = tpu.vector_load %arg11[%swap3A_424, %swap3A_425] {strides = array<i32>} : memref<128x128xf32, #tpu.memory_space<vmem>>, vector<16xf32>,
        tpu.vector_store %arg11[%swap3A_424, %swap3A_425], %mul3A_423 {strides = array<i32>} : memref<128x128xf32, #tpu.memory_space<vmem>>, vector<16xf32>,
        %get3A_427 = arith.index_cast %add3A_412 : i32 to index
        %get3A_428 = arith.constant 32 : index
        %get3A_429 = tpu.vector_load %arg11[%get3A_427, %get3A_428] {strides = array<i32>} : memref<128x128xf32, #tpu.memory_space<vmem>>, vector<16xf32>,
        %mul3A_430 = arith.mulf %get3A_429, %broadcast_in_dim3A_408 : vector<16xf32>
        %swap3A_431 = arith.index_cast %add3A_412 : i32 to index
        %swap3A_432 = arith.constant 32 : index
        %swap3A_433 = tpu.vector_load %arg11[%swap3A_431, %swap3A_432] {strides = array<i32>} : memref<128x128xf32, #tpu.memory_space<vmem>>, vector<16xf32>,
        tpu.vector_store %arg11[%swap3A_431, %swap3A_432], %mul3A_430 {strides = array<i32>} : memref<128x128xf32, #tpu.memory_space<vmem>>, vector<16xf32>,
        %get3A_434 = arith.index_cast %add3A_412 : i32 to index
        %get3A_435 = arith.constant 48 : index
        %get3A_436 = tpu.vector_load %arg11[%get3A_434, %get3A_435] {strides = array<i32>} : memref<128x128xf32, #tpu.memory_space<vmem>>, vector<16xf32>,
        %mul3A_437 = arith.mulf %get3A_436, %broadcast_in_dim3A_408 : vector<16xf32>
        %swap3A_438 = arith.index_cast %add3A_412 : i32 to index
        %swap3A_439 = arith.constant 48 : index
        %swap3A_440 = tpu.vector_load %arg11[%swap3A_438, %swap3A_439] {strides = array<i32>} : memref<128x128xf32, #tpu.memory_space<vmem>>, vector<16xf32>,
        tpu.vector_store %arg11[%swap3A_438, %swap3A_439], %mul3A_437 {strides = array<i32>} : memref<128x128xf32, #tpu.memory_space<vmem>>, vector<16xf32>,
        %eq3A_441 = arith.constant 8 : i32
        %eq3A_442 = vector.broadcast %eq3A_441 : i32 to vector<16xi32>
        %eq3A_443 = arith.cmpi eq, %iota3A, %eq3A_442 : vector<16xi32>
        %jit3A_444 = arith.constant 1.000000e+00 : f32
        %jit3A_445 = arith.constant 0.000000e+00 : f32
        %broadcast_in_dim3A_446 = vector.broadcast %jit3A_444 : f32 to vector<16xf32>
        %broadcast_in_dim3A_447 = vector.broadcast %jit3A_445 : f32 to vector<16xf32>
        %select_n3A_448 = arith.select %eq3A_443, %broadcast_in_dim3A_446, %broadcast_in_dim3A_447 : vector<16xi1>, vector<16xf32>
        %mul3A_449 = arith.mulf %get3A_78, %select_n3A_448 : vector<16xf32>
        %reduce_sum3A_450 = arith.constant true
        %reduce_sum3A_451 = vector.broadcast %reduce_sum3A_450 : i1 to vector<16xi1>
        %reduce_sum3A_452 = tpu.scan <sum>, %mul3A_449 masked %reduce_sum3A_451 : vector<16xf32>, vector<16xi1> -> vector<16xf32>
        %reduce_sum3A_453 = vector.extract %reduce_sum3A_452[15] : f32 from vector<16xf32>
        %broadcast_in_dim3A_454 = vector.broadcast %reduce_sum3A_453 : f32 to vector<16xf32>
        %mul3A_455 = arith.constant 16 : i32
        %mul3A_456 = arith.muli %scan3A_71, %mul3A_455 : i32
        %add3A_457 = arith.constant 8 : i32
        %add3A_458 = arith.addi %mul3A_456, %add3A_457 : i32
        %get3A_459 = arith.index_cast %add3A_458 : i32 to index
        %get3A_460 = arith.constant 0 : index
        %get3A_461 = tpu.vector_load %arg11[%get3A_459, %get3A_460] {strides = array<i32>} : memref<128x128xf32, #tpu.memory_space<vmem>>, vector<16xf32>,
        %mul3A_462 = arith.mulf %get3A_461, %broadcast_in_dim3A_454 : vector<16xf32>
        %swap3A_463 = arith.index_cast %add3A_458 : i32 to index
        %swap3A_464 = arith.constant 0 : index
        %swap3A_465 = tpu.vector_load %arg11[%swap3A_463, %swap3A_464] {strides = array<i32>} : memref<128x128xf32, #tpu.memory_space<vmem>>, vector<16xf32>,
        tpu.vector_store %arg11[%swap3A_463, %swap3A_464], %mul3A_462 {strides = array<i32>} : memref<128x128xf32, #tpu.memory_space<vmem>>, vector<16xf32>,
        %get3A_466 = arith.index_cast %add3A_458 : i32 to index
        %get3A_467 = arith.constant 16 : index
        %get3A_468 = tpu.vector_load %arg11[%get3A_466, %get3A_467] {strides = array<i32>} : memref<128x128xf32, #tpu.memory_space<vmem>>, vector<16xf32>,
        %mul3A_469 = arith.mulf %get3A_468, %broadcast_in_dim3A_454 : vector<16xf32>
        %swap3A_470 = arith.index_cast %add3A_458 : i32 to index
        %swap3A_471 = arith.constant 16 : index
        %swap3A_472 = tpu.vector_load %arg11[%swap3A_470, %swap3A_471] {strides = array<i32>} : memref<128x128xf32, #tpu.memory_space<vmem>>, vector<16xf32>,
        tpu.vector_store %arg11[%swap3A_470, %swap3A_471], %mul3A_469 {strides = array<i32>} : memref<128x128xf32, #tpu.memory_space<vmem>>, vector<16xf32>,
        %get3A_473 = arith.index_cast %add3A_458 : i32 to index
        %get3A_474 = arith.constant 32 : index
        %get3A_475 = tpu.vector_load %arg11[%get3A_473, %get3A_474] {strides = array<i32>} : memref<128x128xf32, #tpu.memory_space<vmem>>, vector<16xf32>,
        %mul3A_476 = arith.mulf %get3A_475, %broadcast_in_dim3A_454 : vector<16xf32>
        %swap3A_477 = arith.index_cast %add3A_458 : i32 to index
        %swap3A_478 = arith.constant 32 : index
        %swap3A_479 = tpu.vector_load %arg11[%swap3A_477, %swap3A_478] {strides = array<i32>} : memref<128x128xf32, #tpu.memory_space<vmem>>, vector<16xf32>,
        tpu.vector_store %arg11[%swap3A_477, %swap3A_478], %mul3A_476 {strides = array<i32>} : memref<128x128xf32, #tpu.memory_space<vmem>>, vector<16xf32>,
        %get3A_480 = arith.index_cast %add3A_458 : i32 to index
        %get3A_481 = arith.constant 48 : index
        %get3A_482 = tpu.vector_load %arg11[%get3A_480, %get3A_481] {strides = array<i32>} : memref<128x128xf32, #tpu.memory_space<vmem>>, vector<16xf32>,
        %mul3A_483 = arith.mulf %get3A_482, %broadcast_in_dim3A_454 : vector<16xf32>
        %swap3A_484 = arith.index_cast %add3A_458 : i32 to index
        %swap3A_485 = arith.constant 48 : index
        %swap3A_486 = tpu.vector_load %arg11[%swap3A_484, %swap3A_485] {strides = array<i32>} : memref<128x128xf32, #tpu.memory_space<vmem>>, vector<16xf32>,
        tpu.vector_store %arg11[%swap3A_484, %swap3A_485], %mul3A_483 {strides = array<i32>} : memref<128x128xf32, #tpu.memory_space<vmem>>, vector<16xf32>,
        %eq3A_487 = arith.constant 9 : i32
        %eq3A_488 = vector.broadcast %eq3A_487 : i32 to vector<16xi32>
        %eq3A_489 = arith.cmpi eq, %iota3A, %eq3A_488 : vector<16xi32>
        %jit3A_490 = arith.constant 1.000000e+00 : f32
        %jit3A_491 = arith.constant 0.000000e+00 : f32
        %broadcast_in_dim3A_492 = vector.broadcast %jit3A_490 : f32 to vector<16xf32>
        %broadcast_in_dim3A_493 = vector.broadcast %jit3A_491 : f32 to vector<16xf32>
        %select_n3A_494 = arith.select %eq3A_489, %broadcast_in_dim3A_492, %broadcast_in_dim3A_493 : vector<16xi1>, vector<16xf32>
        %mul3A_495 = arith.mulf %get3A_78, %select_n3A_494 : vector<16xf32>
        %reduce_sum3A_496 = arith.constant true
        %reduce_sum3A_497 = vector.broadcast %reduce_sum3A_496 : i1 to vector<16xi1>
        %reduce_sum3A_498 = tpu.scan <sum>, %mul3A_495 masked %reduce_sum3A_497 : vector<16xf32>, vector<16xi1> -> vector<16xf32>
        %reduce_sum3A_499 = vector.extract %reduce_sum3A_498[15] : f32 from vector<16xf32>
        %broadcast_in_dim3A_500 = vector.broadcast %reduce_sum3A_499 : f32 to vector<16xf32>
        %mul3A_501 = arith.constant 16 : i32
        %mul3A_502 = arith.muli %scan3A_71, %mul3A_501 : i32
        %add3A_503 = arith.constant 9 : i32
        %add3A_504 = arith.addi %mul3A_502, %add3A_503 : i32
        %get3A_505 = arith.index_cast %add3A_504 : i32 to index
        %get3A_506 = arith.constant 0 : index
        %get3A_507 = tpu.vector_load %arg11[%get3A_505, %get3A_506] {strides = array<i32>} : memref<128x128xf32, #tpu.memory_space<vmem>>, vector<16xf32>,
        %mul3A_508 = arith.mulf %get3A_507, %broadcast_in_dim3A_500 : vector<16xf32>
        %swap3A_509 = arith.index_cast %add3A_504 : i32 to index
        %swap3A_510 = arith.constant 0 : index
        %swap3A_511 = tpu.vector_load %arg11[%swap3A_509, %swap3A_510] {strides = array<i32>} : memref<128x128xf32, #tpu.memory_space<vmem>>, vector<16xf32>,
        tpu.vector_store %arg11[%swap3A_509, %swap3A_510], %mul3A_508 {strides = array<i32>} : memref<128x128xf32, #tpu.memory_space<vmem>>, vector<16xf32>,
        %get3A_512 = arith.index_cast %add3A_504 : i32 to index
        %get3A_513 = arith.constant 16 : index
        %get3A_514 = tpu.vector_load %arg11[%get3A_512, %get3A_513] {strides = array<i32>} : memref<128x128xf32, #tpu.memory_space<vmem>>, vector<16xf32>,
        %mul3A_515 = arith.mulf %get3A_514, %broadcast_in_dim3A_500 : vector<16xf32>
        %swap3A_516 = arith.index_cast %add3A_504 : i32 to index
        %swap3A_517 = arith.constant 16 : index
        %swap3A_518 = tpu.vector_load %arg11[%swap3A_516, %swap3A_517] {strides = array<i32>} : memref<128x128xf32, #tpu.memory_space<vmem>>, vector<16xf32>,
        tpu.vector_store %arg11[%swap3A_516, %swap3A_517], %mul3A_515 {strides = array<i32>} : memref<128x128xf32, #tpu.memory_space<vmem>>, vector<16xf32>,
        %get3A_519 = arith.index_cast %add3A_504 : i32 to index
        %get3A_520 = arith.constant 32 : index
        %get3A_521 = tpu.vector_load %arg11[%get3A_519, %get3A_520] {strides = array<i32>} : memref<128x128xf32, #tpu.memory_space<vmem>>, vector<16xf32>,
        %mul3A_522 = arith.mulf %get3A_521, %broadcast_in_dim3A_500 : vector<16xf32>
        %swap3A_523 = arith.index_cast %add3A_504 : i32 to index
        %swap3A_524 = arith.constant 32 : index
        %swap3A_525 = tpu.vector_load %arg11[%swap3A_523, %swap3A_524] {strides = array<i32>} : memref<128x128xf32, #tpu.memory_space<vmem>>, vector<16xf32>,
        tpu.vector_store %arg11[%swap3A_523, %swap3A_524], %mul3A_522 {strides = array<i32>} : memref<128x128xf32, #tpu.memory_space<vmem>>, vector<16xf32>,
        %get3A_526 = arith.index_cast %add3A_504 : i32 to index
        %get3A_527 = arith.constant 48 : index
        %get3A_528 = tpu.vector_load %arg11[%get3A_526, %get3A_527] {strides = array<i32>} : memref<128x128xf32, #tpu.memory_space<vmem>>, vector<16xf32>,
        %mul3A_529 = arith.mulf %get3A_528, %broadcast_in_dim3A_500 : vector<16xf32>
        %swap3A_530 = arith.index_cast %add3A_504 : i32 to index
        %swap3A_531 = arith.constant 48 : index
        %swap3A_532 = tpu.vector_load %arg11[%swap3A_530, %swap3A_531] {strides = array<i32>} : memref<128x128xf32, #tpu.memory_space<vmem>>, vector<16xf32>,
        tpu.vector_store %arg11[%swap3A_530, %swap3A_531], %mul3A_529 {strides = array<i32>} : memref<128x128xf32, #tpu.memory_space<vmem>>, vector<16xf32>,
        %eq3A_533 = arith.constant 10 : i32
        %eq3A_534 = vector.broadcast %eq3A_533 : i32 to vector<16xi32>
        %eq3A_535 = arith.cmpi eq, %iota3A, %eq3A_534 : vector<16xi32>
        %jit3A_536 = arith.constant 1.000000e+00 : f32
        %jit3A_537 = arith.constant 0.000000e+00 : f32
        %broadcast_in_dim3A_538 = vector.broadcast %jit3A_536 : f32 to vector<16xf32>
        %broadcast_in_dim3A_539 = vector.broadcast %jit3A_537 : f32 to vector<16xf32>
        %select_n3A_540 = arith.select %eq3A_535, %broadcast_in_dim3A_538, %broadcast_in_dim3A_539 : vector<16xi1>, vector<16xf32>
        %mul3A_541 = arith.mulf %get3A_78, %select_n3A_540 : vector<16xf32>
        %reduce_sum3A_542 = arith.constant true
        %reduce_sum3A_543 = vector.broadcast %reduce_sum3A_542 : i1 to vector<16xi1>
        %reduce_sum3A_544 = tpu.scan <sum>, %mul3A_541 masked %reduce_sum3A_543 : vector<16xf32>, vector<16xi1> -> vector<16xf32>
        %reduce_sum3A_545 = vector.extract %reduce_sum3A_544[15] : f32 from vector<16xf32>
        %broadcast_in_dim3A_546 = vector.broadcast %reduce_sum3A_545 : f32 to vector<16xf32>
        %mul3A_547 = arith.constant 16 : i32
        %mul3A_548 = arith.muli %scan3A_71, %mul3A_547 : i32
        %add3A_549 = arith.constant 10 : i32
        %add3A_550 = arith.addi %mul3A_548, %add3A_549 : i32
        %get3A_551 = arith.index_cast %add3A_550 : i32 to index
        %get3A_552 = arith.constant 0 : index
        %get3A_553 = tpu.vector_load %arg11[%get3A_551, %get3A_552] {strides = array<i32>} : memref<128x128xf32, #tpu.memory_space<vmem>>, vector<16xf32>,
        %mul3A_554 = arith.mulf %get3A_553, %broadcast_in_dim3A_546 : vector<16xf32>
        %swap3A_555 = arith.index_cast %add3A_550 : i32 to index
        %swap3A_556 = arith.constant 0 : index
        %swap3A_557 = tpu.vector_load %arg11[%swap3A_555, %swap3A_556] {strides = array<i32>} : memref<128x128xf32, #tpu.memory_space<vmem>>, vector<16xf32>,
        tpu.vector_store %arg11[%swap3A_555, %swap3A_556], %mul3A_554 {strides = array<i32>} : memref<128x128xf32, #tpu.memory_space<vmem>>, vector<16xf32>,
        %get3A_558 = arith.index_cast %add3A_550 : i32 to index
        %get3A_559 = arith.constant 16 : index
        %get3A_560 = tpu.vector_load %arg11[%get3A_558, %get3A_559] {strides = array<i32>} : memref<128x128xf32, #tpu.memory_space<vmem>>, vector<16xf32>,
        %mul3A_561 = arith.mulf %get3A_560, %broadcast_in_dim3A_546 : vector<16xf32>
        %swap3A_562 = arith.index_cast %add3A_550 : i32 to index
        %swap3A_563 = arith.constant 16 : index
        %swap3A_564 = tpu.vector_load %arg11[%swap3A_562, %swap3A_563] {strides = array<i32>} : memref<128x128xf32, #tpu.memory_space<vmem>>, vector<16xf32>,
        tpu.vector_store %arg11[%swap3A_562, %swap3A_563], %mul3A_561 {strides = array<i32>} : memref<128x128xf32, #tpu.memory_space<vmem>>, vector<16xf32>,
        %get3A_565 = arith.index_cast %add3A_550 : i32 to index
        %get3A_566 = arith.constant 32 : index
        %get3A_567 = tpu.vector_load %arg11[%get3A_565, %get3A_566] {strides = array<i32>} : memref<128x128xf32, #tpu.memory_space<vmem>>, vector<16xf32>,
        %mul3A_568 = arith.mulf %get3A_567, %broadcast_in_dim3A_546 : vector<16xf32>
        %swap3A_569 = arith.index_cast %add3A_550 : i32 to index
        %swap3A_570 = arith.constant 32 : index
        %swap3A_571 = tpu.vector_load %arg11[%swap3A_569, %swap3A_570] {strides = array<i32>} : memref<128x128xf32, #tpu.memory_space<vmem>>, vector<16xf32>,
        tpu.vector_store %arg11[%swap3A_569, %swap3A_570], %mul3A_568 {strides = array<i32>} : memref<128x128xf32, #tpu.memory_space<vmem>>, vector<16xf32>,
        %get3A_572 = arith.index_cast %add3A_550 : i32 to index
        %get3A_573 = arith.constant 48 : index
        %get3A_574 = tpu.vector_load %arg11[%get3A_572, %get3A_573] {strides = array<i32>} : memref<128x128xf32, #tpu.memory_space<vmem>>, vector<16xf32>,
        %mul3A_575 = arith.mulf %get3A_574, %broadcast_in_dim3A_546 : vector<16xf32>
        %swap3A_576 = arith.index_cast %add3A_550 : i32 to index
        %swap3A_577 = arith.constant 48 : index
        %swap3A_578 = tpu.vector_load %arg11[%swap3A_576, %swap3A_577] {strides = array<i32>} : memref<128x128xf32, #tpu.memory_space<vmem>>, vector<16xf32>,
        tpu.vector_store %arg11[%swap3A_576, %swap3A_577], %mul3A_575 {strides = array<i32>} : memref<128x128xf32, #tpu.memory_space<vmem>>, vector<16xf32>,
        %eq3A_579 = arith.constant 11 : i32
        %eq3A_580 = vector.broadcast %eq3A_579 : i32 to vector<16xi32>
        %eq3A_581 = arith.cmpi eq, %iota3A, %eq3A_580 : vector<16xi32>
        %jit3A_582 = arith.constant 1.000000e+00 : f32
        %jit3A_583 = arith.constant 0.000000e+00 : f32
        %broadcast_in_dim3A_584 = vector.broadcast %jit3A_582 : f32 to vector<16xf32>
        %broadcast_in_dim3A_585 = vector.broadcast %jit3A_583 : f32 to vector<16xf32>
        %select_n3A_586 = arith.select %eq3A_581, %broadcast_in_dim3A_584, %broadcast_in_dim3A_585 : vector<16xi1>, vector<16xf32>
        %mul3A_587 = arith.mulf %get3A_78, %select_n3A_586 : vector<16xf32>
        %reduce_sum3A_588 = arith.constant true
        %reduce_sum3A_589 = vector.broadcast %reduce_sum3A_588 : i1 to vector<16xi1>
        %reduce_sum3A_590 = tpu.scan <sum>, %mul3A_587 masked %reduce_sum3A_589 : vector<16xf32>, vector<16xi1> -> vector<16xf32>
        %reduce_sum3A_591 = vector.extract %reduce_sum3A_590[15] : f32 from vector<16xf32>
        %broadcast_in_dim3A_592 = vector.broadcast %reduce_sum3A_591 : f32 to vector<16xf32>
        %mul3A_593 = arith.constant 16 : i32
        %mul3A_594 = arith.muli %scan3A_71, %mul3A_593 : i32
        %add3A_595 = arith.constant 11 : i32
        %add3A_596 = arith.addi %mul3A_594, %add3A_595 : i32
        %get3A_597 = arith.index_cast %add3A_596 : i32 to index
        %get3A_598 = arith.constant 0 : index
        %get3A_599 = tpu.vector_load %arg11[%get3A_597, %get3A_598] {strides = array<i32>} : memref<128x128xf32, #tpu.memory_space<vmem>>, vector<16xf32>,
        %mul3A_600 = arith.mulf %get3A_599, %broadcast_in_dim3A_592 : vector<16xf32>
        %swap3A_601 = arith.index_cast %add3A_596 : i32 to index
        %swap3A_602 = arith.constant 0 : index
        %swap3A_603 = tpu.vector_load %arg11[%swap3A_601, %swap3A_602] {strides = array<i32>} : memref<128x128xf32, #tpu.memory_space<vmem>>, vector<16xf32>,
        tpu.vector_store %arg11[%swap3A_601, %swap3A_602], %mul3A_600 {strides = array<i32>} : memref<128x128xf32, #tpu.memory_space<vmem>>, vector<16xf32>,
        %get3A_604 = arith.index_cast %add3A_596 : i32 to index
        %get3A_605 = arith.constant 16 : index
        %get3A_606 = tpu.vector_load %arg11[%get3A_604, %get3A_605] {strides = array<i32>} : memref<128x128xf32, #tpu.memory_space<vmem>>, vector<16xf32>,
        %mul3A_607 = arith.mulf %get3A_606, %broadcast_in_dim3A_592 : vector<16xf32>
        %swap3A_608 = arith.index_cast %add3A_596 : i32 to index
        %swap3A_609 = arith.constant 16 : index
        %swap3A_610 = tpu.vector_load %arg11[%swap3A_608, %swap3A_609] {strides = array<i32>} : memref<128x128xf32, #tpu.memory_space<vmem>>, vector<16xf32>,
        tpu.vector_store %arg11[%swap3A_608, %swap3A_609], %mul3A_607 {strides = array<i32>} : memref<128x128xf32, #tpu.memory_space<vmem>>, vector<16xf32>,
        %get3A_611 = arith.index_cast %add3A_596 : i32 to index
        %get3A_612 = arith.constant 32 : index
        %get3A_613 = tpu.vector_load %arg11[%get3A_611, %get3A_612] {strides = array<i32>} : memref<128x128xf32, #tpu.memory_space<vmem>>, vector<16xf32>,
        %mul3A_614 = arith.mulf %get3A_613, %broadcast_in_dim3A_592 : vector<16xf32>
        %swap3A_615 = arith.index_cast %add3A_596 : i32 to index
        %swap3A_616 = arith.constant 32 : index
        %swap3A_617 = tpu.vector_load %arg11[%swap3A_615, %swap3A_616] {strides = array<i32>} : memref<128x128xf32, #tpu.memory_space<vmem>>, vector<16xf32>,
        tpu.vector_store %arg11[%swap3A_615, %swap3A_616], %mul3A_614 {strides = array<i32>} : memref<128x128xf32, #tpu.memory_space<vmem>>, vector<16xf32>,
        %get3A_618 = arith.index_cast %add3A_596 : i32 to index
        %get3A_619 = arith.constant 48 : index
        %get3A_620 = tpu.vector_load %arg11[%get3A_618, %get3A_619] {strides = array<i32>} : memref<128x128xf32, #tpu.memory_space<vmem>>, vector<16xf32>,
        %mul3A_621 = arith.mulf %get3A_620, %broadcast_in_dim3A_592 : vector<16xf32>
        %swap3A_622 = arith.index_cast %add3A_596 : i32 to index
        %swap3A_623 = arith.constant 48 : index
        %swap3A_624 = tpu.vector_load %arg11[%swap3A_622, %swap3A_623] {strides = array<i32>} : memref<128x128xf32, #tpu.memory_space<vmem>>, vector<16xf32>,
        tpu.vector_store %arg11[%swap3A_622, %swap3A_623], %mul3A_621 {strides = array<i32>} : memref<128x128xf32, #tpu.memory_space<vmem>>, vector<16xf32>,
        %eq3A_625 = arith.constant 12 : i32
        %eq3A_626 = vector.broadcast %eq3A_625 : i32 to vector<16xi32>
        %eq3A_627 = arith.cmpi eq, %iota3A, %eq3A_626 : vector<16xi32>
        %jit3A_628 = arith.constant 1.000000e+00 : f32
        %jit3A_629 = arith.constant 0.000000e+00 : f32
        %broadcast_in_dim3A_630 = vector.broadcast %jit3A_628 : f32 to vector<16xf32>
        %broadcast_in_dim3A_631 = vector.broadcast %jit3A_629 : f32 to vector<16xf32>
        %select_n3A_632 = arith.select %eq3A_627, %broadcast_in_dim3A_630, %broadcast_in_dim3A_631 : vector<16xi1>, vector<16xf32>
        %mul3A_633 = arith.mulf %get3A_78, %select_n3A_632 : vector<16xf32>
        %reduce_sum3A_634 = arith.constant true
        %reduce_sum3A_635 = vector.broadcast %reduce_sum3A_634 : i1 to vector<16xi1>
        %reduce_sum3A_636 = tpu.scan <sum>, %mul3A_633 masked %reduce_sum3A_635 : vector<16xf32>, vector<16xi1> -> vector<16xf32>
        %reduce_sum3A_637 = vector.extract %reduce_sum3A_636[15] : f32 from vector<16xf32>
        %broadcast_in_dim3A_638 = vector.broadcast %reduce_sum3A_637 : f32 to vector<16xf32>
        %mul3A_639 = arith.constant 16 : i32
        %mul3A_640 = arith.muli %scan3A_71, %mul3A_639 : i32
        %add3A_641 = arith.constant 12 : i32
        %add3A_642 = arith.addi %mul3A_640, %add3A_641 : i32
        %get3A_643 = arith.index_cast %add3A_642 : i32 to index
        %get3A_644 = arith.constant 0 : index
        %get3A_645 = tpu.vector_load %arg11[%get3A_643, %get3A_644] {strides = array<i32>} : memref<128x128xf32, #tpu.memory_space<vmem>>, vector<16xf32>,
        %mul3A_646 = arith.mulf %get3A_645, %broadcast_in_dim3A_638 : vector<16xf32>
        %swap3A_647 = arith.index_cast %add3A_642 : i32 to index
        %swap3A_648 = arith.constant 0 : index
        %swap3A_649 = tpu.vector_load %arg11[%swap3A_647, %swap3A_648] {strides = array<i32>} : memref<128x128xf32, #tpu.memory_space<vmem>>, vector<16xf32>,
        tpu.vector_store %arg11[%swap3A_647, %swap3A_648], %mul3A_646 {strides = array<i32>} : memref<128x128xf32, #tpu.memory_space<vmem>>, vector<16xf32>,
        %get3A_650 = arith.index_cast %add3A_642 : i32 to index
        %get3A_651 = arith.constant 16 : index
        %get3A_652 = tpu.vector_load %arg11[%get3A_650, %get3A_651] {strides = array<i32>} : memref<128x128xf32, #tpu.memory_space<vmem>>, vector<16xf32>,
        %mul3A_653 = arith.mulf %get3A_652, %broadcast_in_dim3A_638 : vector<16xf32>
        %swap3A_654 = arith.index_cast %add3A_642 : i32 to index
        %swap3A_655 = arith.constant 16 : index
        %swap3A_656 = tpu.vector_load %arg11[%swap3A_654, %swap3A_655] {strides = array<i32>} : memref<128x128xf32, #tpu.memory_space<vmem>>, vector<16xf32>,
        tpu.vector_store %arg11[%swap3A_654, %swap3A_655], %mul3A_653 {strides = array<i32>} : memref<128x128xf32, #tpu.memory_space<vmem>>, vector<16xf32>,
        %get3A_657 = arith.index_cast %add3A_642 : i32 to index
        %get3A_658 = arith.constant 32 : index
        %get3A_659 = tpu.vector_load %arg11[%get3A_657, %get3A_658] {strides = array<i32>} : memref<128x128xf32, #tpu.memory_space<vmem>>, vector<16xf32>,
        %mul3A_660 = arith.mulf %get3A_659, %broadcast_in_dim3A_638 : vector<16xf32>
        %swap3A_661 = arith.index_cast %add3A_642 : i32 to index
        %swap3A_662 = arith.constant 32 : index
        %swap3A_663 = tpu.vector_load %arg11[%swap3A_661, %swap3A_662] {strides = array<i32>} : memref<128x128xf32, #tpu.memory_space<vmem>>, vector<16xf32>,
        tpu.vector_store %arg11[%swap3A_661, %swap3A_662], %mul3A_660 {strides = array<i32>} : memref<128x128xf32, #tpu.memory_space<vmem>>, vector<16xf32>,
        %get3A_664 = arith.index_cast %add3A_642 : i32 to index
        %get3A_665 = arith.constant 48 : index
        %get3A_666 = tpu.vector_load %arg11[%get3A_664, %get3A_665] {strides = array<i32>} : memref<128x128xf32, #tpu.memory_space<vmem>>, vector<16xf32>,
        %mul3A_667 = arith.mulf %get3A_666, %broadcast_in_dim3A_638 : vector<16xf32>
        %swap3A_668 = arith.index_cast %add3A_642 : i32 to index
        %swap3A_669 = arith.constant 48 : index
        %swap3A_670 = tpu.vector_load %arg11[%swap3A_668, %swap3A_669] {strides = array<i32>} : memref<128x128xf32, #tpu.memory_space<vmem>>, vector<16xf32>,
        tpu.vector_store %arg11[%swap3A_668, %swap3A_669], %mul3A_667 {strides = array<i32>} : memref<128x128xf32, #tpu.memory_space<vmem>>, vector<16xf32>,
        %eq3A_671 = arith.constant 13 : i32
        %eq3A_672 = vector.broadcast %eq3A_671 : i32 to vector<16xi32>
        %eq3A_673 = arith.cmpi eq, %iota3A, %eq3A_672 : vector<16xi32>
        %jit3A_674 = arith.constant 1.000000e+00 : f32
        %jit3A_675 = arith.constant 0.000000e+00 : f32
        %broadcast_in_dim3A_676 = vector.broadcast %jit3A_674 : f32 to vector<16xf32>
        %broadcast_in_dim3A_677 = vector.broadcast %jit3A_675 : f32 to vector<16xf32>
        %select_n3A_678 = arith.select %eq3A_673, %broadcast_in_dim3A_676, %broadcast_in_dim3A_677 : vector<16xi1>, vector<16xf32>
        %mul3A_679 = arith.mulf %get3A_78, %select_n3A_678 : vector<16xf32>
        %reduce_sum3A_680 = arith.constant true
        %reduce_sum3A_681 = vector.broadcast %reduce_sum3A_680 : i1 to vector<16xi1>
        %reduce_sum3A_682 = tpu.scan <sum>, %mul3A_679 masked %reduce_sum3A_681 : vector<16xf32>, vector<16xi1> -> vector<16xf32>
        %reduce_sum3A_683 = vector.extract %reduce_sum3A_682[15] : f32 from vector<16xf32>
        %broadcast_in_dim3A_684 = vector.broadcast %reduce_sum3A_683 : f32 to vector<16xf32>
        %mul3A_685 = arith.constant 16 : i32
        %mul3A_686 = arith.muli %scan3A_71, %mul3A_685 : i32
        %add3A_687 = arith.constant 13 : i32
        %add3A_688 = arith.addi %mul3A_686, %add3A_687 : i32
        %get3A_689 = arith.index_cast %add3A_688 : i32 to index
        %get3A_690 = arith.constant 0 : index
        %get3A_691 = tpu.vector_load %arg11[%get3A_689, %get3A_690] {strides = array<i32>} : memref<128x128xf32, #tpu.memory_space<vmem>>, vector<16xf32>,
        %mul3A_692 = arith.mulf %get3A_691, %broadcast_in_dim3A_684 : vector<16xf32>
        %swap3A_693 = arith.index_cast %add3A_688 : i32 to index
        %swap3A_694 = arith.constant 0 : index
        %swap3A_695 = tpu.vector_load %arg11[%swap3A_693, %swap3A_694] {strides = array<i32>} : memref<128x128xf32, #tpu.memory_space<vmem>>, vector<16xf32>,
        tpu.vector_store %arg11[%swap3A_693, %swap3A_694], %mul3A_692 {strides = array<i32>} : memref<128x128xf32, #tpu.memory_space<vmem>>, vector<16xf32>,
        %get3A_696 = arith.index_cast %add3A_688 : i32 to index
        %get3A_697 = arith.constant 16 : index
        %get3A_698 = tpu.vector_load %arg11[%get3A_696, %get3A_697] {strides = array<i32>} : memref<128x128xf32, #tpu.memory_space<vmem>>, vector<16xf32>,
        %mul3A_699 = arith.mulf %get3A_698, %broadcast_in_dim3A_684 : vector<16xf32>
        %swap3A_700 = arith.index_cast %add3A_688 : i32 to index
        %swap3A_701 = arith.constant 16 : index
        %swap3A_702 = tpu.vector_load %arg11[%swap3A_700, %swap3A_701] {strides = array<i32>} : memref<128x128xf32, #tpu.memory_space<vmem>>, vector<16xf32>,
        tpu.vector_store %arg11[%swap3A_700, %swap3A_701], %mul3A_699 {strides = array<i32>} : memref<128x128xf32, #tpu.memory_space<vmem>>, vector<16xf32>,
        %get3A_703 = arith.index_cast %add3A_688 : i32 to index
        %get3A_704 = arith.constant 32 : index
        %get3A_705 = tpu.vector_load %arg11[%get3A_703, %get3A_704] {strides = array<i32>} : memref<128x128xf32, #tpu.memory_space<vmem>>, vector<16xf32>,
        %mul3A_706 = arith.mulf %get3A_705, %broadcast_in_dim3A_684 : vector<16xf32>
        %swap3A_707 = arith.index_cast %add3A_688 : i32 to index
        %swap3A_708 = arith.constant 32 : index
        %swap3A_709 = tpu.vector_load %arg11[%swap3A_707, %swap3A_708] {strides = array<i32>} : memref<128x128xf32, #tpu.memory_space<vmem>>, vector<16xf32>,
        tpu.vector_store %arg11[%swap3A_707, %swap3A_708], %mul3A_706 {strides = array<i32>} : memref<128x128xf32, #tpu.memory_space<vmem>>, vector<16xf32>,
        %get3A_710 = arith.index_cast %add3A_688 : i32 to index
        %get3A_711 = arith.constant 48 : index
        %get3A_712 = tpu.vector_load %arg11[%get3A_710, %get3A_711] {strides = array<i32>} : memref<128x128xf32, #tpu.memory_space<vmem>>, vector<16xf32>,
        %mul3A_713 = arith.mulf %get3A_712, %broadcast_in_dim3A_684 : vector<16xf32>
        %swap3A_714 = arith.index_cast %add3A_688 : i32 to index
        %swap3A_715 = arith.constant 48 : index
        %swap3A_716 = tpu.vector_load %arg11[%swap3A_714, %swap3A_715] {strides = array<i32>} : memref<128x128xf32, #tpu.memory_space<vmem>>, vector<16xf32>,
        tpu.vector_store %arg11[%swap3A_714, %swap3A_715], %mul3A_713 {strides = array<i32>} : memref<128x128xf32, #tpu.memory_space<vmem>>, vector<16xf32>,
        %eq3A_717 = arith.constant 14 : i32
        %eq3A_718 = vector.broadcast %eq3A_717 : i32 to vector<16xi32>
        %eq3A_719 = arith.cmpi eq, %iota3A, %eq3A_718 : vector<16xi32>
        %jit3A_720 = arith.constant 1.000000e+00 : f32
        %jit3A_721 = arith.constant 0.000000e+00 : f32
        %broadcast_in_dim3A_722 = vector.broadcast %jit3A_720 : f32 to vector<16xf32>
        %broadcast_in_dim3A_723 = vector.broadcast %jit3A_721 : f32 to vector<16xf32>
        %select_n3A_724 = arith.select %eq3A_719, %broadcast_in_dim3A_722, %broadcast_in_dim3A_723 : vector<16xi1>, vector<16xf32>
        %mul3A_725 = arith.mulf %get3A_78, %select_n3A_724 : vector<16xf32>
        %reduce_sum3A_726 = arith.constant true
        %reduce_sum3A_727 = vector.broadcast %reduce_sum3A_726 : i1 to vector<16xi1>
        %reduce_sum3A_728 = tpu.scan <sum>, %mul3A_725 masked %reduce_sum3A_727 : vector<16xf32>, vector<16xi1> -> vector<16xf32>
        %reduce_sum3A_729 = vector.extract %reduce_sum3A_728[15] : f32 from vector<16xf32>
        %broadcast_in_dim3A_730 = vector.broadcast %reduce_sum3A_729 : f32 to vector<16xf32>
        %mul3A_731 = arith.constant 16 : i32
        %mul3A_732 = arith.muli %scan3A_71, %mul3A_731 : i32
        %add3A_733 = arith.constant 14 : i32
        %add3A_734 = arith.addi %mul3A_732, %add3A_733 : i32
        %get3A_735 = arith.index_cast %add3A_734 : i32 to index
        %get3A_736 = arith.constant 0 : index
        %get3A_737 = tpu.vector_load %arg11[%get3A_735, %get3A_736] {strides = array<i32>} : memref<128x128xf32, #tpu.memory_space<vmem>>, vector<16xf32>,
        %mul3A_738 = arith.mulf %get3A_737, %broadcast_in_dim3A_730 : vector<16xf32>
        %swap3A_739 = arith.index_cast %add3A_734 : i32 to index
        %swap3A_740 = arith.constant 0 : index
        %swap3A_741 = tpu.vector_load %arg11[%swap3A_739, %swap3A_740] {strides = array<i32>} : memref<128x128xf32, #tpu.memory_space<vmem>>, vector<16xf32>,
        tpu.vector_store %arg11[%swap3A_739, %swap3A_740], %mul3A_738 {strides = array<i32>} : memref<128x128xf32, #tpu.memory_space<vmem>>, vector<16xf32>,
        %get3A_742 = arith.index_cast %add3A_734 : i32 to index
        %get3A_743 = arith.constant 16 : index
        %get3A_744 = tpu.vector_load %arg11[%get3A_742, %get3A_743] {strides = array<i32>} : memref<128x128xf32, #tpu.memory_space<vmem>>, vector<16xf32>,
        %mul3A_745 = arith.mulf %get3A_744, %broadcast_in_dim3A_730 : vector<16xf32>
        %swap3A_746 = arith.index_cast %add3A_734 : i32 to index
        %swap3A_747 = arith.constant 16 : index
        %swap3A_748 = tpu.vector_load %arg11[%swap3A_746, %swap3A_747] {strides = array<i32>} : memref<128x128xf32, #tpu.memory_space<vmem>>, vector<16xf32>,
        tpu.vector_store %arg11[%swap3A_746, %swap3A_747], %mul3A_745 {strides = array<i32>} : memref<128x128xf32, #tpu.memory_space<vmem>>, vector<16xf32>,
        %get3A_749 = arith.index_cast %add3A_734 : i32 to index
        %get3A_750 = arith.constant 32 : index
        %get3A_751 = tpu.vector_load %arg11[%get3A_749, %get3A_750] {strides = array<i32>} : memref<128x128xf32, #tpu.memory_space<vmem>>, vector<16xf32>,
        %mul3A_752 = arith.mulf %get3A_751, %broadcast_in_dim3A_730 : vector<16xf32>
        %swap3A_753 = arith.index_cast %add3A_734 : i32 to index
        %swap3A_754 = arith.constant 32 : index
        %swap3A_755 = tpu.vector_load %arg11[%swap3A_753, %swap3A_754] {strides = array<i32>} : memref<128x128xf32, #tpu.memory_space<vmem>>, vector<16xf32>,
        tpu.vector_store %arg11[%swap3A_753, %swap3A_754], %mul3A_752 {strides = array<i32>} : memref<128x128xf32, #tpu.memory_space<vmem>>, vector<16xf32>,
        %get3A_756 = arith.index_cast %add3A_734 : i32 to index
        %get3A_757 = arith.constant 48 : index
        %get3A_758 = tpu.vector_load %arg11[%get3A_756, %get3A_757] {strides = array<i32>} : memref<128x128xf32, #tpu.memory_space<vmem>>, vector<16xf32>,
        %mul3A_759 = arith.mulf %get3A_758, %broadcast_in_dim3A_730 : vector<16xf32>
        %swap3A_760 = arith.index_cast %add3A_734 : i32 to index
        %swap3A_761 = arith.constant 48 : index
        %swap3A_762 = tpu.vector_load %arg11[%swap3A_760, %swap3A_761] {strides = array<i32>} : memref<128x128xf32, #tpu.memory_space<vmem>>, vector<16xf32>,
        tpu.vector_store %arg11[%swap3A_760, %swap3A_761], %mul3A_759 {strides = array<i32>} : memref<128x128xf32, #tpu.memory_space<vmem>>, vector<16xf32>,
        %eq3A_763 = arith.constant 15 : i32
        %eq3A_764 = vector.broadcast %eq3A_763 : i32 to vector<16xi32>
        %eq3A_765 = arith.cmpi eq, %iota3A, %eq3A_764 : vector<16xi32>
        %jit3A_766 = arith.constant 1.000000e+00 : f32
        %jit3A_767 = arith.constant 0.000000e+00 : f32
        %broadcast_in_dim3A_768 = vector.broadcast %jit3A_766 : f32 to vector<16xf32>
        %broadcast_in_dim3A_769 = vector.broadcast %jit3A_767 : f32 to vector<16xf32>
        %select_n3A_770 = arith.select %eq3A_765, %broadcast_in_dim3A_768, %broadcast_in_dim3A_769 : vector<16xi1>, vector<16xf32>
        %mul3A_771 = arith.mulf %get3A_78, %select_n3A_770 : vector<16xf32>
        %reduce_sum3A_772 = arith.constant true
        %reduce_sum3A_773 = vector.broadcast %reduce_sum3A_772 : i1 to vector<16xi1>
        %reduce_sum3A_774 = tpu.scan <sum>, %mul3A_771 masked %reduce_sum3A_773 : vector<16xf32>, vector<16xi1> -> vector<16xf32>
        %reduce_sum3A_775 = vector.extract %reduce_sum3A_774[15] : f32 from vector<16xf32>
        %broadcast_in_dim3A_776 = vector.broadcast %reduce_sum3A_775 : f32 to vector<16xf32>
        %mul3A_777 = arith.constant 16 : i32
        %mul3A_778 = arith.muli %scan3A_71, %mul3A_777 : i32
        %add3A_779 = arith.constant 15 : i32
        %add3A_780 = arith.addi %mul3A_778, %add3A_779 : i32
        %get3A_781 = arith.index_cast %add3A_780 : i32 to index
        %get3A_782 = arith.constant 0 : index
        %get3A_783 = tpu.vector_load %arg11[%get3A_781, %get3A_782] {strides = array<i32>} : memref<128x128xf32, #tpu.memory_space<vmem>>, vector<16xf32>,
        %mul3A_784 = arith.mulf %get3A_783, %broadcast_in_dim3A_776 : vector<16xf32>
        %swap3A_785 = arith.index_cast %add3A_780 : i32 to index
        %swap3A_786 = arith.constant 0 : index
        %swap3A_787 = tpu.vector_load %arg11[%swap3A_785, %swap3A_786] {strides = array<i32>} : memref<128x128xf32, #tpu.memory_space<vmem>>, vector<16xf32>,
        tpu.vector_store %arg11[%swap3A_785, %swap3A_786], %mul3A_784 {strides = array<i32>} : memref<128x128xf32, #tpu.memory_space<vmem>>, vector<16xf32>,
        %get3A_788 = arith.index_cast %add3A_780 : i32 to index
        %get3A_789 = arith.constant 16 : index
        %get3A_790 = tpu.vector_load %arg11[%get3A_788, %get3A_789] {strides = array<i32>} : memref<128x128xf32, #tpu.memory_space<vmem>>, vector<16xf32>,
        %mul3A_791 = arith.mulf %get3A_790, %broadcast_in_dim3A_776 : vector<16xf32>
        %swap3A_792 = arith.index_cast %add3A_780 : i32 to index
        %swap3A_793 = arith.constant 16 : index
        %swap3A_794 = tpu.vector_load %arg11[%swap3A_792, %swap3A_793] {strides = array<i32>} : memref<128x128xf32, #tpu.memory_space<vmem>>, vector<16xf32>,
        tpu.vector_store %arg11[%swap3A_792, %swap3A_793], %mul3A_791 {strides = array<i32>} : memref<128x128xf32, #tpu.memory_space<vmem>>, vector<16xf32>,
        %get3A_795 = arith.index_cast %add3A_780 : i32 to index
        %get3A_796 = arith.constant 32 : index
        %get3A_797 = tpu.vector_load %arg11[%get3A_795, %get3A_796] {strides = array<i32>} : memref<128x128xf32, #tpu.memory_space<vmem>>, vector<16xf32>,
        %mul3A_798 = arith.mulf %get3A_797, %broadcast_in_dim3A_776 : vector<16xf32>
        %swap3A_799 = arith.index_cast %add3A_780 : i32 to index
        %swap3A_800 = arith.constant 32 : index
        %swap3A_801 = tpu.vector_load %arg11[%swap3A_799, %swap3A_800] {strides = array<i32>} : memref<128x128xf32, #tpu.memory_space<vmem>>, vector<16xf32>,
        tpu.vector_store %arg11[%swap3A_799, %swap3A_800], %mul3A_798 {strides = array<i32>} : memref<128x128xf32, #tpu.memory_space<vmem>>, vector<16xf32>,
        %get3A_802 = arith.index_cast %add3A_780 : i32 to index
        %get3A_803 = arith.constant 48 : index
        %get3A_804 = tpu.vector_load %arg11[%get3A_802, %get3A_803] {strides = array<i32>} : memref<128x128xf32, #tpu.memory_space<vmem>>, vector<16xf32>,
        %mul3A_805 = arith.mulf %get3A_804, %broadcast_in_dim3A_776 : vector<16xf32>
        %swap3A_806 = arith.index_cast %add3A_780 : i32 to index
        %swap3A_807 = arith.constant 48 : index
        %swap3A_808 = tpu.vector_load %arg11[%swap3A_806, %swap3A_807] {strides = array<i32>} : memref<128x128xf32, #tpu.memory_space<vmem>>, vector<16xf32>,
        tpu.vector_store %arg11[%swap3A_806, %swap3A_807], %mul3A_805 {strides = array<i32>} : memref<128x128xf32, #tpu.memory_space<vmem>>, vector<16xf32>,
        %scan3A_809 = arith.constant 0 : i32
        scf.yield %scan3A_809 : i32
      }
      %scan3A_69 = arith.constant 8 : i32
      "tpu.region"() ({
        %run_scoped3A = tpu.sem_alloc : memref<!tpu.dma_semaphore, #tpu.memory_space<semaphore_mem>>
        %dma_start3A_71 = arith.constant 0 : i32
        %dma_start3A_72 = tpu.memref_slice %arg8[%add3A_62, %dma_start3A_71] : memref<32x128xi32, #tpu.memory_space<vmem>> -> memref<1x128xi32, #tpu.memory_space<vmem>>
        %dma_start3A_73 = tpu.memref_squeeze %dma_start3A_72 : memref<1x128xi32, #tpu.memory_space<vmem>> -> memref<128xi32, #tpu.memory_space<vmem>>
        %dma_start3A_74 = arith.constant 0 : i32
        %dma_start3A_75 = arith.constant 0 : i32
        %dma_start3A_76 = tpu.memref_slice %arg12[%dma_start3A_74, %dma_start3A_75] : memref<2048x128xf32, #tpu.memory_space<vmem_shared>> -> memref<2048x128xf32, #tpu.memory_space<vmem_shared>>
        tpu.enqueue_indirect_dma source(%arg11 : memref<128x128xf32, #tpu.memory_space<vmem>>) target(%dma_start3A_76 : memref<2048x128xf32, #tpu.memory_space<vmem_shared>>) offsets(%dma_start3A_73 : memref<128xi32, #tpu.memory_space<vmem>>) semaphore(%run_scoped3A : memref<!tpu.dma_semaphore, #tpu.memory_space<semaphore_mem>>) {add = true}
        %dma_wait3A_77 = arith.constant 0 : i32
        %dma_wait3A_78 = tpu.memref_slice %arg8[%add3A_62, %dma_wait3A_77] : memref<32x128xi32, #tpu.memory_space<vmem>> -> memref<1x128xi32, #tpu.memory_space<vmem>>
        %dma_wait3A_79 = tpu.memref_squeeze %dma_wait3A_78 : memref<1x128xi32, #tpu.memory_space<vmem>> -> memref<128xi32, #tpu.memory_space<vmem>>
        %dma_wait3A_80 = arith.constant 0 : i32
        %dma_wait3A_81 = arith.constant 0 : i32
        %dma_wait3A_82 = tpu.memref_slice %arg12[%dma_wait3A_80, %dma_wait3A_81] : memref<2048x128xf32, #tpu.memory_space<vmem_shared>> -> memref<2048x128xf32, #tpu.memory_space<vmem_shared>>
        tpu.wait_indirect_dma semaphore(%run_scoped3A : memref<!tpu.dma_semaphore, #tpu.memory_space<semaphore_mem>>) src(%arg11 : memref<128x128xf32, #tpu.memory_space<vmem>>) dst(%dma_wait3A_82 : memref<2048x128xf32, #tpu.memory_space<vmem_shared>>)
        tpu.yield
      }) : () -> ()
      %scan3A_70 = arith.constant 0 : i32
      scf.yield %scan3A_70 : i32
    }
    %scan3A_21 = arith.constant 16 : i32
    %barrier3A_22 = arith.constant 0 : index
    tpu.barrier barrier_id(%barrier3A_22)
    %mul3A_23 = arith.constant 128 : i32
    %mul3A_24 = arith.muli %arg1, %mul3A_23 : i32
    %mul3A_25 = arith.constant 128 : i32
    %mul3A_26 = arith.muli %arg1, %mul3A_25 : i32
    "tpu.region"() ({
      %run_scoped3A = tpu.sem_alloc : memref<!tpu.dma_semaphore, #tpu.memory_space<semaphore_mem>>
      %dma_start3A_27 = arith.constant 0 : i32
      %dma_start3A_28 = tpu.memref_slice %arg6[%arg0, %mul3A_26, %dma_start3A_27] : memref<2x2048x128xf32, #tpu.memory_space<hbm>> -> memref<1x128x128xf32, #tpu.memory_space<hbm>>
      %dma_start3A_29 = tpu.memref_squeeze %dma_start3A_28 : memref<1x128x128xf32, #tpu.memory_space<hbm>> -> memref<128x128xf32, #tpu.memory_space<hbm>>
      %dma_start3A_30 = arith.constant 0 : i32
      %dma_start3A_31 = tpu.memref_slice %arg12[%mul3A_24, %dma_start3A_30] : memref<2048x128xf32, #tpu.memory_space<vmem_shared>> -> memref<128x128xf32, #tpu.memory_space<vmem_shared>>
      tpu.enqueue_dma source(%dma_start3A_31 : memref<128x128xf32, #tpu.memory_space<vmem_shared>>) target(%dma_start3A_29 : memref<128x128xf32, #tpu.memory_space<hbm>>) target_semaphore(%run_scoped3A : memref<!tpu.dma_semaphore, #tpu.memory_space<semaphore_mem>>)
      %dma_wait3A = arith.constant 0 : i32
      %dma_wait3A_32 = tpu.memref_slice %arg6[%arg0, %mul3A_26, %dma_wait3A] : memref<2x2048x128xf32, #tpu.memory_space<hbm>> -> memref<1x128x128xf32, #tpu.memory_space<hbm>>
      %dma_wait3A_33 = tpu.memref_squeeze %dma_wait3A_32 : memref<1x128x128xf32, #tpu.memory_space<hbm>> -> memref<128x128xf32, #tpu.memory_space<hbm>>
      %dma_wait3A_34 = arith.constant 0 : i32
      %dma_wait3A_35 = tpu.memref_slice %arg12[%mul3A_24, %dma_wait3A_34] : memref<2048x128xf32, #tpu.memory_space<vmem_shared>> -> memref<128x128xf32, #tpu.memory_space<vmem_shared>>
      tpu.wait_dma2 semaphore(%run_scoped3A : memref<!tpu.dma_semaphore, #tpu.memory_space<semaphore_mem>>) src(%dma_wait3A_35 : memref<128x128xf32, #tpu.memory_space<vmem_shared>>) dst(%dma_wait3A_33 : memref<128x128xf32, #tpu.memory_space<hbm>>)
      tpu.yield
    }) : () -> ()
    return
  }
}

#map = affine_map<(d0, d1) -> (0, 0, 0)>
#map1 = affine_map<(d0, d1) -> (0, 0)>
module attributes {stable_mosaic.version = 14 : i64} {
  func.func @k(%arg0: i32, %arg1: i32, %arg2: memref<32x32x128xi32, #tpu.memory_space<hbm>>, %arg3: memref<32x4096xf32, #tpu.memory_space<hbm>>, %arg4: memref<2x2048xf32, #tpu.memory_space<hbm>>, %arg5: memref<32x128xi32, #tpu.memory_space<vmem>>, %arg6: memref<4096xf32, #tpu.memory_space<vmem>>, %arg7: memref<128xf32, #tpu.memory_space<vmem>>, %arg8: memref<2048xf32, #tpu.memory_space<vmem_shared>>) attributes {dimension_semantics = [#tpu.dimension_semantics<core_parallel>, #tpu.dimension_semantics<subcore_parallel>], iteration_bounds = array<i64: 2, 16>, scalar_prefetch = 0 : i64, scratch_operands = 4 : i64, tpu.core_type = #tpu.core_type<sc_vector_subcore>, window_params = [{transform_indices = #map}, {transform_indices = #map1}, {transform_indices = #map1}]} {
    %mul3A = arith.constant 2 : i32
    %mul3A_0 = arith.muli %arg1, %mul3A : i32
    %add3A = arith.addi %mul3A_0, %arg0 : i32
    %scan3A = arith.constant 0 : i32
    %scan3A_1 = arith.constant 0 : i32
    %scan3A_2 = arith.constant 8 : i32
    %scan3A_3 = arith.addi %scan3A_1, %scan3A_2 : i32
    %scan3A_4 = arith.constant 1 : i32
    %scan3A_5 = scf.for %scan3A_21 = %scan3A_1 to %scan3A_3 step %scan3A_4 iter_args(%scan3A_22 = %scan3A) -> (i32)  : i32 {
      %broadcast_in_dim3A = arith.constant 0.000000e+00 : f32
      %broadcast_in_dim3A_23 = vector.broadcast %broadcast_in_dim3A : f32 to vector<16xf32>
      %mul3A_24 = arith.constant 16 : i32
      %mul3A_25 = arith.muli %scan3A_21, %mul3A_24 : i32
      %swap3A = arith.index_cast %mul3A_25 : i32 to index
      %swap3A_26 = tpu.vector_load %arg7[%swap3A] {strides = array<i32>} : memref<128xf32, #tpu.memory_space<vmem>>, vector<16xf32>,
      tpu.vector_store %arg7[%swap3A], %broadcast_in_dim3A_23 {strides = array<i32>} : memref<128xf32, #tpu.memory_space<vmem>>, vector<16xf32>,
      %scan3A_27 = arith.constant 0 : i32
      scf.yield %scan3A_27 : i32
    }
    %scan3A_6 = arith.constant 8 : i32
    %mul3A_7 = arith.constant 128 : i32
    %mul3A_8 = arith.muli %arg1, %mul3A_7 : i32
    "tpu.region"() ({
      %run_scoped3A = tpu.sem_alloc : memref<!tpu.dma_semaphore, #tpu.memory_space<semaphore_mem>>
      %dma_start3A = tpu.memref_slice %arg8[%mul3A_8] : memref<2048xf32, #tpu.memory_space<vmem_shared>> -> memref<128xf32, #tpu.memory_space<vmem_shared>>
      %dma_start3A_21 = tpu.memref_slice %arg8[%mul3A_8] : memref<2048xf32, #tpu.memory_space<vmem_shared>> -> memref<128xf32, #tpu.memory_space<vmem_shared>>
      tpu.enqueue_dma source(%arg7 : memref<128xf32, #tpu.memory_space<vmem>>) target(%dma_start3A_21 : memref<128xf32, #tpu.memory_space<vmem_shared>>) target_semaphore(%run_scoped3A : memref<!tpu.dma_semaphore, #tpu.memory_space<semaphore_mem>>)
      %dma_wait3A = tpu.memref_slice %arg8[%mul3A_8] : memref<2048xf32, #tpu.memory_space<vmem_shared>> -> memref<128xf32, #tpu.memory_space<vmem_shared>>
      %dma_wait3A_22 = tpu.memref_slice %arg8[%mul3A_8] : memref<2048xf32, #tpu.memory_space<vmem_shared>> -> memref<128xf32, #tpu.memory_space<vmem_shared>>
      tpu.wait_dma2 semaphore(%run_scoped3A : memref<!tpu.dma_semaphore, #tpu.memory_space<semaphore_mem>>) src(%arg7 : memref<128xf32, #tpu.memory_space<vmem>>) dst(%dma_wait3A_22 : memref<128xf32, #tpu.memory_space<vmem_shared>>)
      tpu.yield
    }) : () -> ()
    %barrier3A = arith.constant 0 : index
    tpu.barrier barrier_id(%barrier3A)
    "tpu.region"() ({
      %run_scoped3A = tpu.sem_alloc : memref<!tpu.dma_semaphore, #tpu.memory_space<semaphore_mem>>
      %dma_start3A = arith.constant 0 : i32
      %dma_start3A_21 = arith.constant 0 : i32
      %dma_start3A_22 = tpu.memref_slice %arg2[%add3A, %dma_start3A, %dma_start3A_21] : memref<32x32x128xi32, #tpu.memory_space<hbm>> -> memref<1x32x128xi32, #tpu.memory_space<hbm>>
      %dma_start3A_23 = tpu.memref_squeeze %dma_start3A_22 : memref<1x32x128xi32, #tpu.memory_space<hbm>> -> memref<32x128xi32, #tpu.memory_space<hbm>>
      %dma_start3A_24 = arith.constant 0 : i32
      %dma_start3A_25 = arith.constant 0 : i32
      %dma_start3A_26 = tpu.memref_slice %arg2[%add3A, %dma_start3A_24, %dma_start3A_25] : memref<32x32x128xi32, #tpu.memory_space<hbm>> -> memref<1x32x128xi32, #tpu.memory_space<hbm>>
      %dma_start3A_27 = tpu.memref_squeeze %dma_start3A_26 : memref<1x32x128xi32, #tpu.memory_space<hbm>> -> memref<32x128xi32, #tpu.memory_space<hbm>>
      tpu.enqueue_dma source(%dma_start3A_27 : memref<32x128xi32, #tpu.memory_space<hbm>>) target(%arg5 : memref<32x128xi32, #tpu.memory_space<vmem>>) target_semaphore(%run_scoped3A : memref<!tpu.dma_semaphore, #tpu.memory_space<semaphore_mem>>)
      %dma_wait3A = arith.constant 0 : i32
      %dma_wait3A_28 = arith.constant 0 : i32
      %dma_wait3A_29 = tpu.memref_slice %arg2[%add3A, %dma_wait3A, %dma_wait3A_28] : memref<32x32x128xi32, #tpu.memory_space<hbm>> -> memref<1x32x128xi32, #tpu.memory_space<hbm>>
      %dma_wait3A_30 = tpu.memref_squeeze %dma_wait3A_29 : memref<1x32x128xi32, #tpu.memory_space<hbm>> -> memref<32x128xi32, #tpu.memory_space<hbm>>
      %dma_wait3A_31 = arith.constant 0 : i32
      %dma_wait3A_32 = arith.constant 0 : i32
      %dma_wait3A_33 = tpu.memref_slice %arg2[%add3A, %dma_wait3A_31, %dma_wait3A_32] : memref<32x32x128xi32, #tpu.memory_space<hbm>> -> memref<1x32x128xi32, #tpu.memory_space<hbm>>
      %dma_wait3A_34 = tpu.memref_squeeze %dma_wait3A_33 : memref<1x32x128xi32, #tpu.memory_space<hbm>> -> memref<32x128xi32, #tpu.memory_space<hbm>>
      tpu.wait_dma2 semaphore(%run_scoped3A : memref<!tpu.dma_semaphore, #tpu.memory_space<semaphore_mem>>) src(%dma_wait3A_34 : memref<32x128xi32, #tpu.memory_space<hbm>>) dst(%arg5 : memref<32x128xi32, #tpu.memory_space<vmem>>)
      tpu.yield
    }) : () -> ()
    "tpu.region"() ({
      %run_scoped3A = tpu.sem_alloc : memref<!tpu.dma_semaphore, #tpu.memory_space<semaphore_mem>>
      %dma_start3A = arith.constant 0 : i32
      %dma_start3A_21 = tpu.memref_slice %arg3[%add3A, %dma_start3A] : memref<32x4096xf32, #tpu.memory_space<hbm>> -> memref<1x4096xf32, #tpu.memory_space<hbm>>
      %dma_start3A_22 = tpu.memref_squeeze %dma_start3A_21 : memref<1x4096xf32, #tpu.memory_space<hbm>> -> memref<4096xf32, #tpu.memory_space<hbm>>
      %dma_start3A_23 = arith.constant 0 : i32
      %dma_start3A_24 = tpu.memref_slice %arg3[%add3A, %dma_start3A_23] : memref<32x4096xf32, #tpu.memory_space<hbm>> -> memref<1x4096xf32, #tpu.memory_space<hbm>>
      %dma_start3A_25 = tpu.memref_squeeze %dma_start3A_24 : memref<1x4096xf32, #tpu.memory_space<hbm>> -> memref<4096xf32, #tpu.memory_space<hbm>>
      tpu.enqueue_dma source(%dma_start3A_25 : memref<4096xf32, #tpu.memory_space<hbm>>) target(%arg6 : memref<4096xf32, #tpu.memory_space<vmem>>) target_semaphore(%run_scoped3A : memref<!tpu.dma_semaphore, #tpu.memory_space<semaphore_mem>>)
      %dma_wait3A = arith.constant 0 : i32
      %dma_wait3A_26 = tpu.memref_slice %arg3[%add3A, %dma_wait3A] : memref<32x4096xf32, #tpu.memory_space<hbm>> -> memref<1x4096xf32, #tpu.memory_space<hbm>>
      %dma_wait3A_27 = tpu.memref_squeeze %dma_wait3A_26 : memref<1x4096xf32, #tpu.memory_space<hbm>> -> memref<4096xf32, #tpu.memory_space<hbm>>
      %dma_wait3A_28 = arith.constant 0 : i32
      %dma_wait3A_29 = tpu.memref_slice %arg3[%add3A, %dma_wait3A_28] : memref<32x4096xf32, #tpu.memory_space<hbm>> -> memref<1x4096xf32, #tpu.memory_space<hbm>>
      %dma_wait3A_30 = tpu.memref_squeeze %dma_wait3A_29 : memref<1x4096xf32, #tpu.memory_space<hbm>> -> memref<4096xf32, #tpu.memory_space<hbm>>
      tpu.wait_dma2 semaphore(%run_scoped3A : memref<!tpu.dma_semaphore, #tpu.memory_space<semaphore_mem>>) src(%dma_wait3A_30 : memref<4096xf32, #tpu.memory_space<hbm>>) dst(%arg6 : memref<4096xf32, #tpu.memory_space<vmem>>)
      tpu.yield
    }) : () -> ()
    %scan3A_9 = arith.constant 0 : i32
    %scan3A_10 = arith.constant 0 : i32
    %scan3A_11 = arith.constant 32 : i32
    %scan3A_12 = arith.addi %scan3A_10, %scan3A_11 : i32
    %scan3A_13 = arith.constant 1 : i32
    %scan3A_14 = scf.for %scan3A_21 = %scan3A_10 to %scan3A_12 step %scan3A_13 iter_args(%scan3A_22 = %scan3A_9) -> (i32)  : i32 {
      %mul3A_23 = arith.constant 128 : i32
      %mul3A_24 = arith.muli %scan3A_21, %mul3A_23 : i32
      "tpu.region"() ({
        %run_scoped3A = tpu.sem_alloc : memref<!tpu.dma_semaphore, #tpu.memory_space<semaphore_mem>>
        %dma_start3A = tpu.memref_slice %arg6[%mul3A_24] : memref<4096xf32, #tpu.memory_space<vmem>> -> memref<128xf32, #tpu.memory_space<vmem>>
        %dma_start3A_26 = arith.constant 0 : i32
        %dma_start3A_27 = tpu.memref_slice %arg5[%scan3A_21, %dma_start3A_26] : memref<32x128xi32, #tpu.memory_space<vmem>> -> memref<1x128xi32, #tpu.memory_space<vmem>>
        %dma_start3A_28 = tpu.memref_squeeze %dma_start3A_27 : memref<1x128xi32, #tpu.memory_space<vmem>> -> memref<128xi32, #tpu.memory_space<vmem>>
        %dma_start3A_29 = arith.constant 0 : i32
        %dma_start3A_30 = tpu.memref_slice %arg8[%dma_start3A_29] : memref<2048xf32, #tpu.memory_space<vmem_shared>> -> memref<2048xf32, #tpu.memory_space<vmem_shared>>
        tpu.enqueue_indirect_dma source(%dma_start3A : memref<128xf32, #tpu.memory_space<vmem>>) target(%dma_start3A_30 : memref<2048xf32, #tpu.memory_space<vmem_shared>>) offsets(%dma_start3A_28 : memref<128xi32, #tpu.memory_space<vmem>>) semaphore(%run_scoped3A : memref<!tpu.dma_semaphore, #tpu.memory_space<semaphore_mem>>) {add = true}
        %dma_wait3A = tpu.memref_slice %arg6[%mul3A_24] : memref<4096xf32, #tpu.memory_space<vmem>> -> memref<128xf32, #tpu.memory_space<vmem>>
        %dma_wait3A_31 = arith.constant 0 : i32
        %dma_wait3A_32 = tpu.memref_slice %arg5[%scan3A_21, %dma_wait3A_31] : memref<32x128xi32, #tpu.memory_space<vmem>> -> memref<1x128xi32, #tpu.memory_space<vmem>>
        %dma_wait3A_33 = tpu.memref_squeeze %dma_wait3A_32 : memref<1x128xi32, #tpu.memory_space<vmem>> -> memref<128xi32, #tpu.memory_space<vmem>>
        %dma_wait3A_34 = arith.constant 0 : i32
        %dma_wait3A_35 = tpu.memref_slice %arg8[%dma_wait3A_34] : memref<2048xf32, #tpu.memory_space<vmem_shared>> -> memref<2048xf32, #tpu.memory_space<vmem_shared>>
        tpu.wait_indirect_dma semaphore(%run_scoped3A : memref<!tpu.dma_semaphore, #tpu.memory_space<semaphore_mem>>) src(%dma_wait3A : memref<128xf32, #tpu.memory_space<vmem>>) dst(%dma_wait3A_35 : memref<2048xf32, #tpu.memory_space<vmem_shared>>)
        tpu.yield
      }) : () -> ()
      %scan3A_25 = arith.constant 0 : i32
      scf.yield %scan3A_25 : i32
    }
    %scan3A_15 = arith.constant 32 : i32
    %barrier3A_16 = arith.constant 0 : index
    tpu.barrier barrier_id(%barrier3A_16)
    %mul3A_17 = arith.constant 128 : i32
    %mul3A_18 = arith.muli %arg1, %mul3A_17 : i32
    %mul3A_19 = arith.constant 128 : i32
    %mul3A_20 = arith.muli %arg1, %mul3A_19 : i32
    "tpu.region"() ({
      %run_scoped3A = tpu.sem_alloc : memref<!tpu.dma_semaphore, #tpu.memory_space<semaphore_mem>>
      %dma_start3A = tpu.memref_slice %arg4[%arg0, %mul3A_20] : memref<2x2048xf32, #tpu.memory_space<hbm>> -> memref<1x128xf32, #tpu.memory_space<hbm>>
      %dma_start3A_21 = tpu.memref_squeeze %dma_start3A : memref<1x128xf32, #tpu.memory_space<hbm>> -> memref<128xf32, #tpu.memory_space<hbm>>
      %dma_start3A_22 = tpu.memref_slice %arg8[%mul3A_18] : memref<2048xf32, #tpu.memory_space<vmem_shared>> -> memref<128xf32, #tpu.memory_space<vmem_shared>>
      tpu.enqueue_dma source(%dma_start3A_22 : memref<128xf32, #tpu.memory_space<vmem_shared>>) target(%dma_start3A_21 : memref<128xf32, #tpu.memory_space<hbm>>) target_semaphore(%run_scoped3A : memref<!tpu.dma_semaphore, #tpu.memory_space<semaphore_mem>>)
      %dma_wait3A = tpu.memref_slice %arg4[%arg0, %mul3A_20] : memref<2x2048xf32, #tpu.memory_space<hbm>> -> memref<1x128xf32, #tpu.memory_space<hbm>>
      %dma_wait3A_23 = tpu.memref_squeeze %dma_wait3A : memref<1x128xf32, #tpu.memory_space<hbm>> -> memref<128xf32, #tpu.memory_space<hbm>>
      %dma_wait3A_24 = tpu.memref_slice %arg8[%mul3A_18] : memref<2048xf32, #tpu.memory_space<vmem_shared>> -> memref<128xf32, #tpu.memory_space<vmem_shared>>
      tpu.wait_dma2 semaphore(%run_scoped3A : memref<!tpu.dma_semaphore, #tpu.memory_space<semaphore_mem>>) src(%dma_wait3A_24 : memref<128xf32, #tpu.memory_space<vmem_shared>>) dst(%dma_wait3A_23 : memref<128xf32, #tpu.memory_space<hbm>>)
      tpu.yield
    }) : () -> ()
    return
  }
}

#map = affine_map<(d0, d1) -> (0, 0)>
#map1 = affine_map<(d0, d1) -> (0, 0, 0)>
module attributes {stable_mosaic.version = 14 : i64} {
  func.func @k(%arg0: i32, %arg1: i32, %arg2: memref<2048x128xf32, #tpu.memory_space<hbm>>, %arg3: memref<32x32x128xi32, #tpu.memory_space<hbm>>, %arg4: memref<32x32x128xi32, #tpu.memory_space<hbm>>, %arg5: memref<32x4096xf32, #tpu.memory_space<hbm>>, %arg6: memref<2x2048x128xf32, #tpu.memory_space<hbm>>, %arg7: memref<32x128xi32, #tpu.memory_space<vmem>>, %arg8: memref<32x128xi32, #tpu.memory_space<vmem>>, %arg9: memref<4096xf32, #tpu.memory_space<vmem>>, %arg10: memref<128x128xf32, #tpu.memory_space<vmem>>, %arg11: memref<128x128xf32, #tpu.memory_space<vmem>>, %arg12: memref<2048x128xf32, #tpu.memory_space<vmem_shared>>, %arg13: memref<!tpu.dma_semaphore, #tpu.memory_space<semaphore_mem>>, %arg14: memref<!tpu.dma_semaphore, #tpu.memory_space<semaphore_mem>>) attributes {dimension_semantics = [#tpu.dimension_semantics<core_parallel>, #tpu.dimension_semantics<subcore_parallel>], iteration_bounds = array<i64: 2, 16>, scalar_prefetch = 0 : i64, scratch_operands = 8 : i64, tpu.core_type = #tpu.core_type<sc_vector_subcore>, window_params = [{transform_indices = #map}, {transform_indices = #map1}, {transform_indices = #map1}, {transform_indices = #map}, {transform_indices = #map1}]} {
    %mul3A = arith.constant 2 : i32
    %mul3A_0 = arith.muli %arg1, %mul3A : i32
    %add3A = arith.addi %mul3A_0, %arg0 : i32
    %scan3A = arith.constant 0 : i32
    %scan3A_1 = arith.constant 0 : i32
    %scan3A_2 = arith.constant 128 : i32
    %scan3A_3 = arith.addi %scan3A_1, %scan3A_2 : i32
    %scan3A_4 = arith.constant 1 : i32
    %scan3A_5 = scf.for %scan3A_27 = %scan3A_1 to %scan3A_3 step %scan3A_4 iter_args(%scan3A_28 = %scan3A) -> (i32)  : i32 {
      %broadcast_in_dim3A = arith.constant 0.000000e+00 : f32
      %broadcast_in_dim3A_29 = vector.broadcast %broadcast_in_dim3A : f32 to vector<16xf32>
      %swap3A = arith.index_cast %scan3A_27 : i32 to index
      %swap3A_30 = arith.constant 0 : index
      %swap3A_31 = tpu.vector_load %arg10[%swap3A, %swap3A_30] {strides = array<i32>} : memref<128x128xf32, #tpu.memory_space<vmem>>, vector<16xf32>,
      tpu.vector_store %arg10[%swap3A, %swap3A_30], %broadcast_in_dim3A_29 {strides = array<i32>} : memref<128x128xf32, #tpu.memory_space<vmem>>, vector<16xf32>,
      %broadcast_in_dim3A_32 = arith.constant 0.000000e+00 : f32
      %broadcast_in_dim3A_33 = vector.broadcast %broadcast_in_dim3A_32 : f32 to vector<16xf32>
      %swap3A_34 = arith.index_cast %scan3A_27 : i32 to index
      %swap3A_35 = arith.constant 16 : index
      %swap3A_36 = tpu.vector_load %arg10[%swap3A_34, %swap3A_35] {strides = array<i32>} : memref<128x128xf32, #tpu.memory_space<vmem>>, vector<16xf32>,
      tpu.vector_store %arg10[%swap3A_34, %swap3A_35], %broadcast_in_dim3A_33 {strides = array<i32>} : memref<128x128xf32, #tpu.memory_space<vmem>>, vector<16xf32>,
      %broadcast_in_dim3A_37 = arith.constant 0.000000e+00 : f32
      %broadcast_in_dim3A_38 = vector.broadcast %broadcast_in_dim3A_37 : f32 to vector<16xf32>
      %swap3A_39 = arith.index_cast %scan3A_27 : i32 to index
      %swap3A_40 = arith.constant 32 : index
      %swap3A_41 = tpu.vector_load %arg10[%swap3A_39, %swap3A_40] {strides = array<i32>} : memref<128x128xf32, #tpu.memory_space<vmem>>, vector<16xf32>,
      tpu.vector_store %arg10[%swap3A_39, %swap3A_40], %broadcast_in_dim3A_38 {strides = array<i32>} : memref<128x128xf32, #tpu.memory_space<vmem>>, vector<16xf32>,
      %broadcast_in_dim3A_42 = arith.constant 0.000000e+00 : f32
      %broadcast_in_dim3A_43 = vector.broadcast %broadcast_in_dim3A_42 : f32 to vector<16xf32>
      %swap3A_44 = arith.index_cast %scan3A_27 : i32 to index
      %swap3A_45 = arith.constant 48 : index
      %swap3A_46 = tpu.vector_load %arg10[%swap3A_44, %swap3A_45] {strides = array<i32>} : memref<128x128xf32, #tpu.memory_space<vmem>>, vector<16xf32>,
      tpu.vector_store %arg10[%swap3A_44, %swap3A_45], %broadcast_in_dim3A_43 {strides = array<i32>} : memref<128x128xf32, #tpu.memory_space<vmem>>, vector<16xf32>,
      %broadcast_in_dim3A_47 = arith.constant 0.000000e+00 : f32
      %broadcast_in_dim3A_48 = vector.broadcast %broadcast_in_dim3A_47 : f32 to vector<16xf32>
      %swap3A_49 = arith.index_cast %scan3A_27 : i32 to index
      %swap3A_50 = arith.constant 64 : index
      %swap3A_51 = tpu.vector_load %arg10[%swap3A_49, %swap3A_50] {strides = array<i32>} : memref<128x128xf32, #tpu.memory_space<vmem>>, vector<16xf32>,
      tpu.vector_store %arg10[%swap3A_49, %swap3A_50], %broadcast_in_dim3A_48 {strides = array<i32>} : memref<128x128xf32, #tpu.memory_space<vmem>>, vector<16xf32>,
      %broadcast_in_dim3A_52 = arith.constant 0.000000e+00 : f32
      %broadcast_in_dim3A_53 = vector.broadcast %broadcast_in_dim3A_52 : f32 to vector<16xf32>
      %swap3A_54 = arith.index_cast %scan3A_27 : i32 to index
      %swap3A_55 = arith.constant 80 : index
      %swap3A_56 = tpu.vector_load %arg10[%swap3A_54, %swap3A_55] {strides = array<i32>} : memref<128x128xf32, #tpu.memory_space<vmem>>, vector<16xf32>,
      tpu.vector_store %arg10[%swap3A_54, %swap3A_55], %broadcast_in_dim3A_53 {strides = array<i32>} : memref<128x128xf32, #tpu.memory_space<vmem>>, vector<16xf32>,
      %broadcast_in_dim3A_57 = arith.constant 0.000000e+00 : f32
      %broadcast_in_dim3A_58 = vector.broadcast %broadcast_in_dim3A_57 : f32 to vector<16xf32>
      %swap3A_59 = arith.index_cast %scan3A_27 : i32 to index
      %swap3A_60 = arith.constant 96 : index
      %swap3A_61 = tpu.vector_load %arg10[%swap3A_59, %swap3A_60] {strides = array<i32>} : memref<128x128xf32, #tpu.memory_space<vmem>>, vector<16xf32>,
      tpu.vector_store %arg10[%swap3A_59, %swap3A_60], %broadcast_in_dim3A_58 {strides = array<i32>} : memref<128x128xf32, #tpu.memory_space<vmem>>, vector<16xf32>,
      %broadcast_in_dim3A_62 = arith.constant 0.000000e+00 : f32
      %broadcast_in_dim3A_63 = vector.broadcast %broadcast_in_dim3A_62 : f32 to vector<16xf32>
      %swap3A_64 = arith.index_cast %scan3A_27 : i32 to index
      %swap3A_65 = arith.constant 112 : index
      %swap3A_66 = tpu.vector_load %arg10[%swap3A_64, %swap3A_65] {strides = array<i32>} : memref<128x128xf32, #tpu.memory_space<vmem>>, vector<16xf32>,
      tpu.vector_store %arg10[%swap3A_64, %swap3A_65], %broadcast_in_dim3A_63 {strides = array<i32>} : memref<128x128xf32, #tpu.memory_space<vmem>>, vector<16xf32>,
      %scan3A_67 = arith.constant 0 : i32
      scf.yield %scan3A_67 : i32
    }
    %scan3A_6 = arith.constant 128 : i32
    %mul3A_7 = arith.constant 128 : i32
    %mul3A_8 = arith.muli %arg1, %mul3A_7 : i32
    "tpu.region"() ({
      %run_scoped3A = tpu.sem_alloc : memref<!tpu.dma_semaphore, #tpu.memory_space<semaphore_mem>>
      %dma_start3A_27 = arith.constant 0 : i32
      %dma_start3A_28 = tpu.memref_slice %arg12[%mul3A_8, %dma_start3A_27] : memref<2048x128xf32, #tpu.memory_space<vmem_shared>> -> memref<128x128xf32, #tpu.memory_space<vmem_shared>>
      %dma_start3A_29 = arith.constant 0 : i32
      %dma_start3A_30 = tpu.memref_slice %arg12[%mul3A_8, %dma_start3A_29] : memref<2048x128xf32, #tpu.memory_space<vmem_shared>> -> memref<128x128xf32, #tpu.memory_space<vmem_shared>>
      tpu.enqueue_dma source(%arg10 : memref<128x128xf32, #tpu.memory_space<vmem>>) target(%dma_start3A_30 : memref<128x128xf32, #tpu.memory_space<vmem_shared>>) target_semaphore(%run_scoped3A : memref<!tpu.dma_semaphore, #tpu.memory_space<semaphore_mem>>)
      %dma_wait3A = arith.constant 0 : i32
      %dma_wait3A_31 = tpu.memref_slice %arg12[%mul3A_8, %dma_wait3A] : memref<2048x128xf32, #tpu.memory_space<vmem_shared>> -> memref<128x128xf32, #tpu.memory_space<vmem_shared>>
      %dma_wait3A_32 = arith.constant 0 : i32
      %dma_wait3A_33 = tpu.memref_slice %arg12[%mul3A_8, %dma_wait3A_32] : memref<2048x128xf32, #tpu.memory_space<vmem_shared>> -> memref<128x128xf32, #tpu.memory_space<vmem_shared>>
      tpu.wait_dma2 semaphore(%run_scoped3A : memref<!tpu.dma_semaphore, #tpu.memory_space<semaphore_mem>>) src(%arg10 : memref<128x128xf32, #tpu.memory_space<vmem>>) dst(%dma_wait3A_33 : memref<128x128xf32, #tpu.memory_space<vmem_shared>>)
      tpu.yield
    }) : () -> ()
    %barrier3A = arith.constant 0 : index
    tpu.barrier barrier_id(%barrier3A)
    "tpu.region"() ({
      %run_scoped3A = tpu.sem_alloc : memref<!tpu.dma_semaphore, #tpu.memory_space<semaphore_mem>>
      %dma_start3A_27 = arith.constant 0 : i32
      %dma_start3A_28 = arith.constant 0 : i32
      %dma_start3A_29 = tpu.memref_slice %arg3[%add3A, %dma_start3A_27, %dma_start3A_28] : memref<32x32x128xi32, #tpu.memory_space<hbm>> -> memref<1x32x128xi32, #tpu.memory_space<hbm>>
      %dma_start3A_30 = tpu.memref_squeeze %dma_start3A_29 : memref<1x32x128xi32, #tpu.memory_space<hbm>> -> memref<32x128xi32, #tpu.memory_space<hbm>>
      %dma_start3A_31 = arith.constant 0 : i32
      %dma_start3A_32 = arith.constant 0 : i32
      %dma_start3A_33 = tpu.memref_slice %arg3[%add3A, %dma_start3A_31, %dma_start3A_32] : memref<32x32x128xi32, #tpu.memory_space<hbm>> -> memref<1x32x128xi32, #tpu.memory_space<hbm>>
      %dma_start3A_34 = tpu.memref_squeeze %dma_start3A_33 : memref<1x32x128xi32, #tpu.memory_space<hbm>> -> memref<32x128xi32, #tpu.memory_space<hbm>>
      tpu.enqueue_dma source(%dma_start3A_34 : memref<32x128xi32, #tpu.memory_space<hbm>>) target(%arg7 : memref<32x128xi32, #tpu.memory_space<vmem>>) target_semaphore(%run_scoped3A : memref<!tpu.dma_semaphore, #tpu.memory_space<semaphore_mem>>)
      %dma_wait3A = arith.constant 0 : i32
      %dma_wait3A_35 = arith.constant 0 : i32
      %dma_wait3A_36 = tpu.memref_slice %arg3[%add3A, %dma_wait3A, %dma_wait3A_35] : memref<32x32x128xi32, #tpu.memory_space<hbm>> -> memref<1x32x128xi32, #tpu.memory_space<hbm>>
      %dma_wait3A_37 = tpu.memref_squeeze %dma_wait3A_36 : memref<1x32x128xi32, #tpu.memory_space<hbm>> -> memref<32x128xi32, #tpu.memory_space<hbm>>
      %dma_wait3A_38 = arith.constant 0 : i32
      %dma_wait3A_39 = arith.constant 0 : i32
      %dma_wait3A_40 = tpu.memref_slice %arg3[%add3A, %dma_wait3A_38, %dma_wait3A_39] : memref<32x32x128xi32, #tpu.memory_space<hbm>> -> memref<1x32x128xi32, #tpu.memory_space<hbm>>
      %dma_wait3A_41 = tpu.memref_squeeze %dma_wait3A_40 : memref<1x32x128xi32, #tpu.memory_space<hbm>> -> memref<32x128xi32, #tpu.memory_space<hbm>>
      tpu.wait_dma2 semaphore(%run_scoped3A : memref<!tpu.dma_semaphore, #tpu.memory_space<semaphore_mem>>) src(%dma_wait3A_41 : memref<32x128xi32, #tpu.memory_space<hbm>>) dst(%arg7 : memref<32x128xi32, #tpu.memory_space<vmem>>)
      tpu.yield
    }) : () -> ()
    "tpu.region"() ({
      %run_scoped3A = tpu.sem_alloc : memref<!tpu.dma_semaphore, #tpu.memory_space<semaphore_mem>>
      %dma_start3A_27 = arith.constant 0 : i32
      %dma_start3A_28 = arith.constant 0 : i32
      %dma_start3A_29 = tpu.memref_slice %arg4[%add3A, %dma_start3A_27, %dma_start3A_28] : memref<32x32x128xi32, #tpu.memory_space<hbm>> -> memref<1x32x128xi32, #tpu.memory_space<hbm>>
      %dma_start3A_30 = tpu.memref_squeeze %dma_start3A_29 : memref<1x32x128xi32, #tpu.memory_space<hbm>> -> memref<32x128xi32, #tpu.memory_space<hbm>>
      %dma_start3A_31 = arith.constant 0 : i32
      %dma_start3A_32 = arith.constant 0 : i32
      %dma_start3A_33 = tpu.memref_slice %arg4[%add3A, %dma_start3A_31, %dma_start3A_32] : memref<32x32x128xi32, #tpu.memory_space<hbm>> -> memref<1x32x128xi32, #tpu.memory_space<hbm>>
      %dma_start3A_34 = tpu.memref_squeeze %dma_start3A_33 : memref<1x32x128xi32, #tpu.memory_space<hbm>> -> memref<32x128xi32, #tpu.memory_space<hbm>>
      tpu.enqueue_dma source(%dma_start3A_34 : memref<32x128xi32, #tpu.memory_space<hbm>>) target(%arg8 : memref<32x128xi32, #tpu.memory_space<vmem>>) target_semaphore(%run_scoped3A : memref<!tpu.dma_semaphore, #tpu.memory_space<semaphore_mem>>)
      %dma_wait3A = arith.constant 0 : i32
      %dma_wait3A_35 = arith.constant 0 : i32
      %dma_wait3A_36 = tpu.memref_slice %arg4[%add3A, %dma_wait3A, %dma_wait3A_35] : memref<32x32x128xi32, #tpu.memory_space<hbm>> -> memref<1x32x128xi32, #tpu.memory_space<hbm>>
      %dma_wait3A_37 = tpu.memref_squeeze %dma_wait3A_36 : memref<1x32x128xi32, #tpu.memory_space<hbm>> -> memref<32x128xi32, #tpu.memory_space<hbm>>
      %dma_wait3A_38 = arith.constant 0 : i32
      %dma_wait3A_39 = arith.constant 0 : i32
      %dma_wait3A_40 = tpu.memref_slice %arg4[%add3A, %dma_wait3A_38, %dma_wait3A_39] : memref<32x32x128xi32, #tpu.memory_space<hbm>> -> memref<1x32x128xi32, #tpu.memory_space<hbm>>
      %dma_wait3A_41 = tpu.memref_squeeze %dma_wait3A_40 : memref<1x32x128xi32, #tpu.memory_space<hbm>> -> memref<32x128xi32, #tpu.memory_space<hbm>>
      tpu.wait_dma2 semaphore(%run_scoped3A : memref<!tpu.dma_semaphore, #tpu.memory_space<semaphore_mem>>) src(%dma_wait3A_41 : memref<32x128xi32, #tpu.memory_space<hbm>>) dst(%arg8 : memref<32x128xi32, #tpu.memory_space<vmem>>)
      tpu.yield
    }) : () -> ()
    "tpu.region"() ({
      %run_scoped3A = tpu.sem_alloc : memref<!tpu.dma_semaphore, #tpu.memory_space<semaphore_mem>>
      %dma_start3A_27 = arith.constant 0 : i32
      %dma_start3A_28 = tpu.memref_slice %arg5[%add3A, %dma_start3A_27] : memref<32x4096xf32, #tpu.memory_space<hbm>> -> memref<1x4096xf32, #tpu.memory_space<hbm>>
      %dma_start3A_29 = tpu.memref_squeeze %dma_start3A_28 : memref<1x4096xf32, #tpu.memory_space<hbm>> -> memref<4096xf32, #tpu.memory_space<hbm>>
      %dma_start3A_30 = arith.constant 0 : i32
      %dma_start3A_31 = tpu.memref_slice %arg5[%add3A, %dma_start3A_30] : memref<32x4096xf32, #tpu.memory_space<hbm>> -> memref<1x4096xf32, #tpu.memory_space<hbm>>
      %dma_start3A_32 = tpu.memref_squeeze %dma_start3A_31 : memref<1x4096xf32, #tpu.memory_space<hbm>> -> memref<4096xf32, #tpu.memory_space<hbm>>
      tpu.enqueue_dma source(%dma_start3A_32 : memref<4096xf32, #tpu.memory_space<hbm>>) target(%arg9 : memref<4096xf32, #tpu.memory_space<vmem>>) target_semaphore(%run_scoped3A : memref<!tpu.dma_semaphore, #tpu.memory_space<semaphore_mem>>)
      %dma_wait3A = arith.constant 0 : i32
      %dma_wait3A_33 = tpu.memref_slice %arg5[%add3A, %dma_wait3A] : memref<32x4096xf32, #tpu.memory_space<hbm>> -> memref<1x4096xf32, #tpu.memory_space<hbm>>
      %dma_wait3A_34 = tpu.memref_squeeze %dma_wait3A_33 : memref<1x4096xf32, #tpu.memory_space<hbm>> -> memref<4096xf32, #tpu.memory_space<hbm>>
      %dma_wait3A_35 = arith.constant 0 : i32
      %dma_wait3A_36 = tpu.memref_slice %arg5[%add3A, %dma_wait3A_35] : memref<32x4096xf32, #tpu.memory_space<hbm>> -> memref<1x4096xf32, #tpu.memory_space<hbm>>
      %dma_wait3A_37 = tpu.memref_squeeze %dma_wait3A_36 : memref<1x4096xf32, #tpu.memory_space<hbm>> -> memref<4096xf32, #tpu.memory_space<hbm>>
      tpu.wait_dma2 semaphore(%run_scoped3A : memref<!tpu.dma_semaphore, #tpu.memory_space<semaphore_mem>>) src(%dma_wait3A_37 : memref<4096xf32, #tpu.memory_space<hbm>>) dst(%arg9 : memref<4096xf32, #tpu.memory_space<vmem>>)
      tpu.yield
    }) : () -> ()
    %iota3A = tpu.iota {dimensions = array<i32: 0>} : vector<16xi32>
    %dma_start3A = arith.constant 0 : i32
    %dma_start3A_9 = arith.constant 0 : i32
    %dma_start3A_10 = tpu.memref_slice %arg7[%dma_start3A, %dma_start3A_9] : memref<32x128xi32, #tpu.memory_space<vmem>> -> memref<1x128xi32, #tpu.memory_space<vmem>>
    %dma_start3A_11 = tpu.memref_squeeze %dma_start3A_10 : memref<1x128xi32, #tpu.memory_space<vmem>> -> memref<128xi32, #tpu.memory_space<vmem>>
    %dma_start3A_12 = arith.constant 0 : i32
    %dma_start3A_13 = arith.constant 0 : i32
    %dma_start3A_14 = tpu.memref_slice %arg2[%dma_start3A_12, %dma_start3A_13] : memref<2048x128xf32, #tpu.memory_space<hbm>> -> memref<2048x128xf32, #tpu.memory_space<hbm>>
    tpu.enqueue_indirect_dma source(%dma_start3A_14 : memref<2048x128xf32, #tpu.memory_space<hbm>>) target(%arg10 : memref<128x128xf32, #tpu.memory_space<vmem>>) offsets(%dma_start3A_11 : memref<128xi32, #tpu.memory_space<vmem>>) semaphore(%arg13 : memref<!tpu.dma_semaphore, #tpu.memory_space<semaphore_mem>>)
    %scan3A_15 = arith.constant 0 : i32
    %scan3A_16 = arith.constant 0 : i32
    %scan3A_17 = arith.constant 16 : i32
    %scan3A_18 = arith.addi %scan3A_16, %scan3A_17 : i32
    %scan3A_19 = arith.constant 1 : i32
    %scan3A_20 = scf.for %scan3A_27 = %scan3A_16 to %scan3A_18 step %scan3A_19 iter_args(%scan3A_28 = %scan3A_15) -> (i32)  : i32 {
      %mul3A_29 = arith.constant 2 : i32
      %mul3A_30 = arith.muli %mul3A_29, %scan3A_27 : i32
      %dma_wait3A = arith.constant 0 : i32
      %dma_wait3A_31 = tpu.memref_slice %arg7[%mul3A_30, %dma_wait3A] : memref<32x128xi32, #tpu.memory_space<vmem>> -> memref<1x128xi32, #tpu.memory_space<vmem>>
      %dma_wait3A_32 = tpu.memref_squeeze %dma_wait3A_31 : memref<1x128xi32, #tpu.memory_space<vmem>> -> memref<128xi32, #tpu.memory_space<vmem>>
      %dma_wait3A_33 = arith.constant 0 : i32
      %dma_wait3A_34 = arith.constant 0 : i32
      %dma_wait3A_35 = tpu.memref_slice %arg2[%dma_wait3A_33, %dma_wait3A_34] : memref<2048x128xf32, #tpu.memory_space<hbm>> -> memref<2048x128xf32, #tpu.memory_space<hbm>>
      tpu.wait_indirect_dma semaphore(%arg13 : memref<!tpu.dma_semaphore, #tpu.memory_space<semaphore_mem>>) src(%dma_wait3A_35 : memref<2048x128xf32, #tpu.memory_space<hbm>>) dst(%arg10 : memref<128x128xf32, #tpu.memory_space<vmem>>)
      %add3A_36 = arith.constant 1 : i32
      %add3A_37 = arith.addi %mul3A_30, %add3A_36 : i32
      %dma_start3A_38 = arith.constant 0 : i32
      %dma_start3A_39 = tpu.memref_slice %arg7[%add3A_37, %dma_start3A_38] : memref<32x128xi32, #tpu.memory_space<vmem>> -> memref<1x128xi32, #tpu.memory_space<vmem>>
      %dma_start3A_40 = tpu.memref_squeeze %dma_start3A_39 : memref<1x128xi32, #tpu.memory_space<vmem>> -> memref<128xi32, #tpu.memory_space<vmem>>
      %dma_start3A_41 = arith.constant 0 : i32
      %dma_start3A_42 = arith.constant 0 : i32
      %dma_start3A_43 = tpu.memref_slice %arg2[%dma_start3A_41, %dma_start3A_42] : memref<2048x128xf32, #tpu.memory_space<hbm>> -> memref<2048x128xf32, #tpu.memory_space<hbm>>
      tpu.enqueue_indirect_dma source(%dma_start3A_43 : memref<2048x128xf32, #tpu.memory_space<hbm>>) target(%arg11 : memref<128x128xf32, #tpu.memory_space<vmem>>) offsets(%dma_start3A_40 : memref<128xi32, #tpu.memory_space<vmem>>) semaphore(%arg14 : memref<!tpu.dma_semaphore, #tpu.memory_space<semaphore_mem>>)
      %scan3A_44 = arith.constant 0 : i32
      %scan3A_45 = arith.constant 0 : i32
      %scan3A_46 = arith.constant 8 : i32
      %scan3A_47 = arith.addi %scan3A_45, %scan3A_46 : i32
      %scan3A_48 = arith.constant 1 : i32
      %scan3A_49 = scf.for %scan3A_71 = %scan3A_45 to %scan3A_47 step %scan3A_48 iter_args(%scan3A_72 = %scan3A_44) -> (i32)  : i32 {
        %mul3A_73 = arith.constant 128 : i32
        %mul3A_74 = arith.muli %mul3A_30, %mul3A_73 : i32
        %mul3A_75 = arith.constant 16 : i32
        %mul3A_76 = arith.muli %scan3A_71, %mul3A_75 : i32
        %add3A_77 = arith.addi %mul3A_74, %mul3A_76 : i32
        %get3A = arith.index_cast %add3A_77 : i32 to index
        %get3A_78 = tpu.vector_load %arg9[%get3A] {strides = array<i32>} : memref<4096xf32, #tpu.memory_space<vmem>>, vector<16xf32>,
        %eq3A = arith.constant 0 : i32
        %eq3A_79 = vector.broadcast %eq3A : i32 to vector<16xi32>
        %eq3A_80 = arith.cmpi eq, %iota3A, %eq3A_79 : vector<16xi32>
        %jit3A = arith.constant 1.000000e+00 : f32
        %jit3A_81 = arith.constant 0.000000e+00 : f32
        %broadcast_in_dim3A = vector.broadcast %jit3A : f32 to vector<16xf32>
        %broadcast_in_dim3A_82 = vector.broadcast %jit3A_81 : f32 to vector<16xf32>
        %select_n3A = arith.select %eq3A_80, %broadcast_in_dim3A, %broadcast_in_dim3A_82 : vector<16xi1>, vector<16xf32>
        %mul3A_83 = arith.mulf %get3A_78, %select_n3A : vector<16xf32>
        %reduce_sum3A = arith.constant true
        %reduce_sum3A_84 = vector.broadcast %reduce_sum3A : i1 to vector<16xi1>
        %reduce_sum3A_85 = tpu.scan <sum>, %mul3A_83 masked %reduce_sum3A_84 : vector<16xf32>, vector<16xi1> -> vector<16xf32>
        %reduce_sum3A_86 = vector.extract %reduce_sum3A_85[15] : f32 from vector<16xf32>
        %broadcast_in_dim3A_87 = vector.broadcast %reduce_sum3A_86 : f32 to vector<16xf32>
        %mul3A_88 = arith.constant 16 : i32
        %mul3A_89 = arith.muli %scan3A_71, %mul3A_88 : i32
        %add3A_90 = arith.constant 0 : i32
        %add3A_91 = arith.addi %mul3A_89, %add3A_90 : i32
        %get3A_92 = arith.index_cast %add3A_91 : i32 to index
        %get3A_93 = arith.constant 0 : index
        %get3A_94 = tpu.vector_load %arg10[%get3A_92, %get3A_93] {strides = array<i32>} : memref<128x128xf32, #tpu.memory_space<vmem>>, vector<16xf32>,
        %mul3A_95 = arith.mulf %get3A_94, %broadcast_in_dim3A_87 : vector<16xf32>
        %swap3A = arith.index_cast %add3A_91 : i32 to index
        %swap3A_96 = arith.constant 0 : index
        %swap3A_97 = tpu.vector_load %arg10[%swap3A, %swap3A_96] {strides = array<i32>} : memref<128x128xf32, #tpu.memory_space<vmem>>, vector<16xf32>,
        tpu.vector_store %arg10[%swap3A, %swap3A_96], %mul3A_95 {strides = array<i32>} : memref<128x128xf32, #tpu.memory_space<vmem>>, vector<16xf32>,
        %get3A_98 = arith.index_cast %add3A_91 : i32 to index
        %get3A_99 = arith.constant 16 : index
        %get3A_100 = tpu.vector_load %arg10[%get3A_98, %get3A_99] {strides = array<i32>} : memref<128x128xf32, #tpu.memory_space<vmem>>, vector<16xf32>,
        %mul3A_101 = arith.mulf %get3A_100, %broadcast_in_dim3A_87 : vector<16xf32>
        %swap3A_102 = arith.index_cast %add3A_91 : i32 to index
        %swap3A_103 = arith.constant 16 : index
        %swap3A_104 = tpu.vector_load %arg10[%swap3A_102, %swap3A_103] {strides = array<i32>} : memref<128x128xf32, #tpu.memory_space<vmem>>, vector<16xf32>,
        tpu.vector_store %arg10[%swap3A_102, %swap3A_103], %mul3A_101 {strides = array<i32>} : memref<128x128xf32, #tpu.memory_space<vmem>>, vector<16xf32>,
        %get3A_105 = arith.index_cast %add3A_91 : i32 to index
        %get3A_106 = arith.constant 32 : index
        %get3A_107 = tpu.vector_load %arg10[%get3A_105, %get3A_106] {strides = array<i32>} : memref<128x128xf32, #tpu.memory_space<vmem>>, vector<16xf32>,
        %mul3A_108 = arith.mulf %get3A_107, %broadcast_in_dim3A_87 : vector<16xf32>
        %swap3A_109 = arith.index_cast %add3A_91 : i32 to index
        %swap3A_110 = arith.constant 32 : index
        %swap3A_111 = tpu.vector_load %arg10[%swap3A_109, %swap3A_110] {strides = array<i32>} : memref<128x128xf32, #tpu.memory_space<vmem>>, vector<16xf32>,
        tpu.vector_store %arg10[%swap3A_109, %swap3A_110], %mul3A_108 {strides = array<i32>} : memref<128x128xf32, #tpu.memory_space<vmem>>, vector<16xf32>,
        %get3A_112 = arith.index_cast %add3A_91 : i32 to index
        %get3A_113 = arith.constant 48 : index
        %get3A_114 = tpu.vector_load %arg10[%get3A_112, %get3A_113] {strides = array<i32>} : memref<128x128xf32, #tpu.memory_space<vmem>>, vector<16xf32>,
        %mul3A_115 = arith.mulf %get3A_114, %broadcast_in_dim3A_87 : vector<16xf32>
        %swap3A_116 = arith.index_cast %add3A_91 : i32 to index
        %swap3A_117 = arith.constant 48 : index
        %swap3A_118 = tpu.vector_load %arg10[%swap3A_116, %swap3A_117] {strides = array<i32>} : memref<128x128xf32, #tpu.memory_space<vmem>>, vector<16xf32>,
        tpu.vector_store %arg10[%swap3A_116, %swap3A_117], %mul3A_115 {strides = array<i32>} : memref<128x128xf32, #tpu.memory_space<vmem>>, vector<16xf32>,
        %eq3A_119 = arith.constant 1 : i32
        %eq3A_120 = vector.broadcast %eq3A_119 : i32 to vector<16xi32>
        %eq3A_121 = arith.cmpi eq, %iota3A, %eq3A_120 : vector<16xi32>
        %jit3A_122 = arith.constant 1.000000e+00 : f32
        %jit3A_123 = arith.constant 0.000000e+00 : f32
        %broadcast_in_dim3A_124 = vector.broadcast %jit3A_122 : f32 to vector<16xf32>
        %broadcast_in_dim3A_125 = vector.broadcast %jit3A_123 : f32 to vector<16xf32>
        %select_n3A_126 = arith.select %eq3A_121, %broadcast_in_dim3A_124, %broadcast_in_dim3A_125 : vector<16xi1>, vector<16xf32>
        %mul3A_127 = arith.mulf %get3A_78, %select_n3A_126 : vector<16xf32>
        %reduce_sum3A_128 = arith.constant true
        %reduce_sum3A_129 = vector.broadcast %reduce_sum3A_128 : i1 to vector<16xi1>
        %reduce_sum3A_130 = tpu.scan <sum>, %mul3A_127 masked %reduce_sum3A_129 : vector<16xf32>, vector<16xi1> -> vector<16xf32>
        %reduce_sum3A_131 = vector.extract %reduce_sum3A_130[15] : f32 from vector<16xf32>
        %broadcast_in_dim3A_132 = vector.broadcast %reduce_sum3A_131 : f32 to vector<16xf32>
        %mul3A_133 = arith.constant 16 : i32
        %mul3A_134 = arith.muli %scan3A_71, %mul3A_133 : i32
        %add3A_135 = arith.constant 1 : i32
        %add3A_136 = arith.addi %mul3A_134, %add3A_135 : i32
        %get3A_137 = arith.index_cast %add3A_136 : i32 to index
        %get3A_138 = arith.constant 0 : index
        %get3A_139 = tpu.vector_load %arg10[%get3A_137, %get3A_138] {strides = array<i32>} : memref<128x128xf32, #tpu.memory_space<vmem>>, vector<16xf32>,
        %mul3A_140 = arith.mulf %get3A_139, %broadcast_in_dim3A_132 : vector<16xf32>
        %swap3A_141 = arith.index_cast %add3A_136 : i32 to index
        %swap3A_142 = arith.constant 0 : index
        %swap3A_143 = tpu.vector_load %arg10[%swap3A_141, %swap3A_142] {strides = array<i32>} : memref<128x128xf32, #tpu.memory_space<vmem>>, vector<16xf32>,
        tpu.vector_store %arg10[%swap3A_141, %swap3A_142], %mul3A_140 {strides = array<i32>} : memref<128x128xf32, #tpu.memory_space<vmem>>, vector<16xf32>,
        %get3A_144 = arith.index_cast %add3A_136 : i32 to index
        %get3A_145 = arith.constant 16 : index
        %get3A_146 = tpu.vector_load %arg10[%get3A_144, %get3A_145] {strides = array<i32>} : memref<128x128xf32, #tpu.memory_space<vmem>>, vector<16xf32>,
        %mul3A_147 = arith.mulf %get3A_146, %broadcast_in_dim3A_132 : vector<16xf32>
        %swap3A_148 = arith.index_cast %add3A_136 : i32 to index
        %swap3A_149 = arith.constant 16 : index
        %swap3A_150 = tpu.vector_load %arg10[%swap3A_148, %swap3A_149] {strides = array<i32>} : memref<128x128xf32, #tpu.memory_space<vmem>>, vector<16xf32>,
        tpu.vector_store %arg10[%swap3A_148, %swap3A_149], %mul3A_147 {strides = array<i32>} : memref<128x128xf32, #tpu.memory_space<vmem>>, vector<16xf32>,
        %get3A_151 = arith.index_cast %add3A_136 : i32 to index
        %get3A_152 = arith.constant 32 : index
        %get3A_153 = tpu.vector_load %arg10[%get3A_151, %get3A_152] {strides = array<i32>} : memref<128x128xf32, #tpu.memory_space<vmem>>, vector<16xf32>,
        %mul3A_154 = arith.mulf %get3A_153, %broadcast_in_dim3A_132 : vector<16xf32>
        %swap3A_155 = arith.index_cast %add3A_136 : i32 to index
        %swap3A_156 = arith.constant 32 : index
        %swap3A_157 = tpu.vector_load %arg10[%swap3A_155, %swap3A_156] {strides = array<i32>} : memref<128x128xf32, #tpu.memory_space<vmem>>, vector<16xf32>,
        tpu.vector_store %arg10[%swap3A_155, %swap3A_156], %mul3A_154 {strides = array<i32>} : memref<128x128xf32, #tpu.memory_space<vmem>>, vector<16xf32>,
        %get3A_158 = arith.index_cast %add3A_136 : i32 to index
        %get3A_159 = arith.constant 48 : index
        %get3A_160 = tpu.vector_load %arg10[%get3A_158, %get3A_159] {strides = array<i32>} : memref<128x128xf32, #tpu.memory_space<vmem>>, vector<16xf32>,
        %mul3A_161 = arith.mulf %get3A_160, %broadcast_in_dim3A_132 : vector<16xf32>
        %swap3A_162 = arith.index_cast %add3A_136 : i32 to index
        %swap3A_163 = arith.constant 48 : index
        %swap3A_164 = tpu.vector_load %arg10[%swap3A_162, %swap3A_163] {strides = array<i32>} : memref<128x128xf32, #tpu.memory_space<vmem>>, vector<16xf32>,
        tpu.vector_store %arg10[%swap3A_162, %swap3A_163], %mul3A_161 {strides = array<i32>} : memref<128x128xf32, #tpu.memory_space<vmem>>, vector<16xf32>,
        %eq3A_165 = arith.constant 2 : i32
        %eq3A_166 = vector.broadcast %eq3A_165 : i32 to vector<16xi32>
        %eq3A_167 = arith.cmpi eq, %iota3A, %eq3A_166 : vector<16xi32>
        %jit3A_168 = arith.constant 1.000000e+00 : f32
        %jit3A_169 = arith.constant 0.000000e+00 : f32
        %broadcast_in_dim3A_170 = vector.broadcast %jit3A_168 : f32 to vector<16xf32>
        %broadcast_in_dim3A_171 = vector.broadcast %jit3A_169 : f32 to vector<16xf32>
        %select_n3A_172 = arith.select %eq3A_167, %broadcast_in_dim3A_170, %broadcast_in_dim3A_171 : vector<16xi1>, vector<16xf32>
        %mul3A_173 = arith.mulf %get3A_78, %select_n3A_172 : vector<16xf32>
        %reduce_sum3A_174 = arith.constant true
        %reduce_sum3A_175 = vector.broadcast %reduce_sum3A_174 : i1 to vector<16xi1>
        %reduce_sum3A_176 = tpu.scan <sum>, %mul3A_173 masked %reduce_sum3A_175 : vector<16xf32>, vector<16xi1> -> vector<16xf32>
        %reduce_sum3A_177 = vector.extract %reduce_sum3A_176[15] : f32 from vector<16xf32>
        %broadcast_in_dim3A_178 = vector.broadcast %reduce_sum3A_177 : f32 to vector<16xf32>
        %mul3A_179 = arith.constant 16 : i32
        %mul3A_180 = arith.muli %scan3A_71, %mul3A_179 : i32
        %add3A_181 = arith.constant 2 : i32
        %add3A_182 = arith.addi %mul3A_180, %add3A_181 : i32
        %get3A_183 = arith.index_cast %add3A_182 : i32 to index
        %get3A_184 = arith.constant 0 : index
        %get3A_185 = tpu.vector_load %arg10[%get3A_183, %get3A_184] {strides = array<i32>} : memref<128x128xf32, #tpu.memory_space<vmem>>, vector<16xf32>,
        %mul3A_186 = arith.mulf %get3A_185, %broadcast_in_dim3A_178 : vector<16xf32>
        %swap3A_187 = arith.index_cast %add3A_182 : i32 to index
        %swap3A_188 = arith.constant 0 : index
        %swap3A_189 = tpu.vector_load %arg10[%swap3A_187, %swap3A_188] {strides = array<i32>} : memref<128x128xf32, #tpu.memory_space<vmem>>, vector<16xf32>,
        tpu.vector_store %arg10[%swap3A_187, %swap3A_188], %mul3A_186 {strides = array<i32>} : memref<128x128xf32, #tpu.memory_space<vmem>>, vector<16xf32>,
        %get3A_190 = arith.index_cast %add3A_182 : i32 to index
        %get3A_191 = arith.constant 16 : index
        %get3A_192 = tpu.vector_load %arg10[%get3A_190, %get3A_191] {strides = array<i32>} : memref<128x128xf32, #tpu.memory_space<vmem>>, vector<16xf32>,
        %mul3A_193 = arith.mulf %get3A_192, %broadcast_in_dim3A_178 : vector<16xf32>
        %swap3A_194 = arith.index_cast %add3A_182 : i32 to index
        %swap3A_195 = arith.constant 16 : index
        %swap3A_196 = tpu.vector_load %arg10[%swap3A_194, %swap3A_195] {strides = array<i32>} : memref<128x128xf32, #tpu.memory_space<vmem>>, vector<16xf32>,
        tpu.vector_store %arg10[%swap3A_194, %swap3A_195], %mul3A_193 {strides = array<i32>} : memref<128x128xf32, #tpu.memory_space<vmem>>, vector<16xf32>,
        %get3A_197 = arith.index_cast %add3A_182 : i32 to index
        %get3A_198 = arith.constant 32 : index
        %get3A_199 = tpu.vector_load %arg10[%get3A_197, %get3A_198] {strides = array<i32>} : memref<128x128xf32, #tpu.memory_space<vmem>>, vector<16xf32>,
        %mul3A_200 = arith.mulf %get3A_199, %broadcast_in_dim3A_178 : vector<16xf32>
        %swap3A_201 = arith.index_cast %add3A_182 : i32 to index
        %swap3A_202 = arith.constant 32 : index
        %swap3A_203 = tpu.vector_load %arg10[%swap3A_201, %swap3A_202] {strides = array<i32>} : memref<128x128xf32, #tpu.memory_space<vmem>>, vector<16xf32>,
        tpu.vector_store %arg10[%swap3A_201, %swap3A_202], %mul3A_200 {strides = array<i32>} : memref<128x128xf32, #tpu.memory_space<vmem>>, vector<16xf32>,
        %get3A_204 = arith.index_cast %add3A_182 : i32 to index
        %get3A_205 = arith.constant 48 : index
        %get3A_206 = tpu.vector_load %arg10[%get3A_204, %get3A_205] {strides = array<i32>} : memref<128x128xf32, #tpu.memory_space<vmem>>, vector<16xf32>,
        %mul3A_207 = arith.mulf %get3A_206, %broadcast_in_dim3A_178 : vector<16xf32>
        %swap3A_208 = arith.index_cast %add3A_182 : i32 to index
        %swap3A_209 = arith.constant 48 : index
        %swap3A_210 = tpu.vector_load %arg10[%swap3A_208, %swap3A_209] {strides = array<i32>} : memref<128x128xf32, #tpu.memory_space<vmem>>, vector<16xf32>,
        tpu.vector_store %arg10[%swap3A_208, %swap3A_209], %mul3A_207 {strides = array<i32>} : memref<128x128xf32, #tpu.memory_space<vmem>>, vector<16xf32>,
        %eq3A_211 = arith.constant 3 : i32
        %eq3A_212 = vector.broadcast %eq3A_211 : i32 to vector<16xi32>
        %eq3A_213 = arith.cmpi eq, %iota3A, %eq3A_212 : vector<16xi32>
        %jit3A_214 = arith.constant 1.000000e+00 : f32
        %jit3A_215 = arith.constant 0.000000e+00 : f32
        %broadcast_in_dim3A_216 = vector.broadcast %jit3A_214 : f32 to vector<16xf32>
        %broadcast_in_dim3A_217 = vector.broadcast %jit3A_215 : f32 to vector<16xf32>
        %select_n3A_218 = arith.select %eq3A_213, %broadcast_in_dim3A_216, %broadcast_in_dim3A_217 : vector<16xi1>, vector<16xf32>
        %mul3A_219 = arith.mulf %get3A_78, %select_n3A_218 : vector<16xf32>
        %reduce_sum3A_220 = arith.constant true
        %reduce_sum3A_221 = vector.broadcast %reduce_sum3A_220 : i1 to vector<16xi1>
        %reduce_sum3A_222 = tpu.scan <sum>, %mul3A_219 masked %reduce_sum3A_221 : vector<16xf32>, vector<16xi1> -> vector<16xf32>
        %reduce_sum3A_223 = vector.extract %reduce_sum3A_222[15] : f32 from vector<16xf32>
        %broadcast_in_dim3A_224 = vector.broadcast %reduce_sum3A_223 : f32 to vector<16xf32>
        %mul3A_225 = arith.constant 16 : i32
        %mul3A_226 = arith.muli %scan3A_71, %mul3A_225 : i32
        %add3A_227 = arith.constant 3 : i32
        %add3A_228 = arith.addi %mul3A_226, %add3A_227 : i32
        %get3A_229 = arith.index_cast %add3A_228 : i32 to index
        %get3A_230 = arith.constant 0 : index
        %get3A_231 = tpu.vector_load %arg10[%get3A_229, %get3A_230] {strides = array<i32>} : memref<128x128xf32, #tpu.memory_space<vmem>>, vector<16xf32>,
        %mul3A_232 = arith.mulf %get3A_231, %broadcast_in_dim3A_224 : vector<16xf32>
        %swap3A_233 = arith.index_cast %add3A_228 : i32 to index
        %swap3A_234 = arith.constant 0 : index
        %swap3A_235 = tpu.vector_load %arg10[%swap3A_233, %swap3A_234] {strides = array<i32>} : memref<128x128xf32, #tpu.memory_space<vmem>>, vector<16xf32>,
        tpu.vector_store %arg10[%swap3A_233, %swap3A_234], %mul3A_232 {strides = array<i32>} : memref<128x128xf32, #tpu.memory_space<vmem>>, vector<16xf32>,
        %get3A_236 = arith.index_cast %add3A_228 : i32 to index
        %get3A_237 = arith.constant 16 : index
        %get3A_238 = tpu.vector_load %arg10[%get3A_236, %get3A_237] {strides = array<i32>} : memref<128x128xf32, #tpu.memory_space<vmem>>, vector<16xf32>,
        %mul3A_239 = arith.mulf %get3A_238, %broadcast_in_dim3A_224 : vector<16xf32>
        %swap3A_240 = arith.index_cast %add3A_228 : i32 to index
        %swap3A_241 = arith.constant 16 : index
        %swap3A_242 = tpu.vector_load %arg10[%swap3A_240, %swap3A_241] {strides = array<i32>} : memref<128x128xf32, #tpu.memory_space<vmem>>, vector<16xf32>,
        tpu.vector_store %arg10[%swap3A_240, %swap3A_241], %mul3A_239 {strides = array<i32>} : memref<128x128xf32, #tpu.memory_space<vmem>>, vector<16xf32>,
        %get3A_243 = arith.index_cast %add3A_228 : i32 to index
        %get3A_244 = arith.constant 32 : index
        %get3A_245 = tpu.vector_load %arg10[%get3A_243, %get3A_244] {strides = array<i32>} : memref<128x128xf32, #tpu.memory_space<vmem>>, vector<16xf32>,
        %mul3A_246 = arith.mulf %get3A_245, %broadcast_in_dim3A_224 : vector<16xf32>
        %swap3A_247 = arith.index_cast %add3A_228 : i32 to index
        %swap3A_248 = arith.constant 32 : index
        %swap3A_249 = tpu.vector_load %arg10[%swap3A_247, %swap3A_248] {strides = array<i32>} : memref<128x128xf32, #tpu.memory_space<vmem>>, vector<16xf32>,
        tpu.vector_store %arg10[%swap3A_247, %swap3A_248], %mul3A_246 {strides = array<i32>} : memref<128x128xf32, #tpu.memory_space<vmem>>, vector<16xf32>,
        %get3A_250 = arith.index_cast %add3A_228 : i32 to index
        %get3A_251 = arith.constant 48 : index
        %get3A_252 = tpu.vector_load %arg10[%get3A_250, %get3A_251] {strides = array<i32>} : memref<128x128xf32, #tpu.memory_space<vmem>>, vector<16xf32>,
        %mul3A_253 = arith.mulf %get3A_252, %broadcast_in_dim3A_224 : vector<16xf32>
        %swap3A_254 = arith.index_cast %add3A_228 : i32 to index
        %swap3A_255 = arith.constant 48 : index
        %swap3A_256 = tpu.vector_load %arg10[%swap3A_254, %swap3A_255] {strides = array<i32>} : memref<128x128xf32, #tpu.memory_space<vmem>>, vector<16xf32>,
        tpu.vector_store %arg10[%swap3A_254, %swap3A_255], %mul3A_253 {strides = array<i32>} : memref<128x128xf32, #tpu.memory_space<vmem>>, vector<16xf32>,
        %eq3A_257 = arith.constant 4 : i32
        %eq3A_258 = vector.broadcast %eq3A_257 : i32 to vector<16xi32>
        %eq3A_259 = arith.cmpi eq, %iota3A, %eq3A_258 : vector<16xi32>
        %jit3A_260 = arith.constant 1.000000e+00 : f32
        %jit3A_261 = arith.constant 0.000000e+00 : f32
        %broadcast_in_dim3A_262 = vector.broadcast %jit3A_260 : f32 to vector<16xf32>
        %broadcast_in_dim3A_263 = vector.broadcast %jit3A_261 : f32 to vector<16xf32>
        %select_n3A_264 = arith.select %eq3A_259, %broadcast_in_dim3A_262, %broadcast_in_dim3A_263 : vector<16xi1>, vector<16xf32>
        %mul3A_265 = arith.mulf %get3A_78, %select_n3A_264 : vector<16xf32>
        %reduce_sum3A_266 = arith.constant true
        %reduce_sum3A_267 = vector.broadcast %reduce_sum3A_266 : i1 to vector<16xi1>
        %reduce_sum3A_268 = tpu.scan <sum>, %mul3A_265 masked %reduce_sum3A_267 : vector<16xf32>, vector<16xi1> -> vector<16xf32>
        %reduce_sum3A_269 = vector.extract %reduce_sum3A_268[15] : f32 from vector<16xf32>
        %broadcast_in_dim3A_270 = vector.broadcast %reduce_sum3A_269 : f32 to vector<16xf32>
        %mul3A_271 = arith.constant 16 : i32
        %mul3A_272 = arith.muli %scan3A_71, %mul3A_271 : i32
        %add3A_273 = arith.constant 4 : i32
        %add3A_274 = arith.addi %mul3A_272, %add3A_273 : i32
        %get3A_275 = arith.index_cast %add3A_274 : i32 to index
        %get3A_276 = arith.constant 0 : index
        %get3A_277 = tpu.vector_load %arg10[%get3A_275, %get3A_276] {strides = array<i32>} : memref<128x128xf32, #tpu.memory_space<vmem>>, vector<16xf32>,
        %mul3A_278 = arith.mulf %get3A_277, %broadcast_in_dim3A_270 : vector<16xf32>
        %swap3A_279 = arith.index_cast %add3A_274 : i32 to index
        %swap3A_280 = arith.constant 0 : index
        %swap3A_281 = tpu.vector_load %arg10[%swap3A_279, %swap3A_280] {strides = array<i32>} : memref<128x128xf32, #tpu.memory_space<vmem>>, vector<16xf32>,
        tpu.vector_store %arg10[%swap3A_279, %swap3A_280], %mul3A_278 {strides = array<i32>} : memref<128x128xf32, #tpu.memory_space<vmem>>, vector<16xf32>,
        %get3A_282 = arith.index_cast %add3A_274 : i32 to index
        %get3A_283 = arith.constant 16 : index
        %get3A_284 = tpu.vector_load %arg10[%get3A_282, %get3A_283] {strides = array<i32>} : memref<128x128xf32, #tpu.memory_space<vmem>>, vector<16xf32>,
        %mul3A_285 = arith.mulf %get3A_284, %broadcast_in_dim3A_270 : vector<16xf32>
        %swap3A_286 = arith.index_cast %add3A_274 : i32 to index
        %swap3A_287 = arith.constant 16 : index
        %swap3A_288 = tpu.vector_load %arg10[%swap3A_286, %swap3A_287] {strides = array<i32>} : memref<128x128xf32, #tpu.memory_space<vmem>>, vector<16xf32>,
        tpu.vector_store %arg10[%swap3A_286, %swap3A_287], %mul3A_285 {strides = array<i32>} : memref<128x128xf32, #tpu.memory_space<vmem>>, vector<16xf32>,
        %get3A_289 = arith.index_cast %add3A_274 : i32 to index
        %get3A_290 = arith.constant 32 : index
        %get3A_291 = tpu.vector_load %arg10[%get3A_289, %get3A_290] {strides = array<i32>} : memref<128x128xf32, #tpu.memory_space<vmem>>, vector<16xf32>,
        %mul3A_292 = arith.mulf %get3A_291, %broadcast_in_dim3A_270 : vector<16xf32>
        %swap3A_293 = arith.index_cast %add3A_274 : i32 to index
        %swap3A_294 = arith.constant 32 : index
        %swap3A_295 = tpu.vector_load %arg10[%swap3A_293, %swap3A_294] {strides = array<i32>} : memref<128x128xf32, #tpu.memory_space<vmem>>, vector<16xf32>,
        tpu.vector_store %arg10[%swap3A_293, %swap3A_294], %mul3A_292 {strides = array<i32>} : memref<128x128xf32, #tpu.memory_space<vmem>>, vector<16xf32>,
        %get3A_296 = arith.index_cast %add3A_274 : i32 to index
        %get3A_297 = arith.constant 48 : index
        %get3A_298 = tpu.vector_load %arg10[%get3A_296, %get3A_297] {strides = array<i32>} : memref<128x128xf32, #tpu.memory_space<vmem>>, vector<16xf32>,
        %mul3A_299 = arith.mulf %get3A_298, %broadcast_in_dim3A_270 : vector<16xf32>
        %swap3A_300 = arith.index_cast %add3A_274 : i32 to index
        %swap3A_301 = arith.constant 48 : index
        %swap3A_302 = tpu.vector_load %arg10[%swap3A_300, %swap3A_301] {strides = array<i32>} : memref<128x128xf32, #tpu.memory_space<vmem>>, vector<16xf32>,
        tpu.vector_store %arg10[%swap3A_300, %swap3A_301], %mul3A_299 {strides = array<i32>} : memref<128x128xf32, #tpu.memory_space<vmem>>, vector<16xf32>,
        %eq3A_303 = arith.constant 5 : i32
        %eq3A_304 = vector.broadcast %eq3A_303 : i32 to vector<16xi32>
        %eq3A_305 = arith.cmpi eq, %iota3A, %eq3A_304 : vector<16xi32>
        %jit3A_306 = arith.constant 1.000000e+00 : f32
        %jit3A_307 = arith.constant 0.000000e+00 : f32
        %broadcast_in_dim3A_308 = vector.broadcast %jit3A_306 : f32 to vector<16xf32>
        %broadcast_in_dim3A_309 = vector.broadcast %jit3A_307 : f32 to vector<16xf32>
        %select_n3A_310 = arith.select %eq3A_305, %broadcast_in_dim3A_308, %broadcast_in_dim3A_309 : vector<16xi1>, vector<16xf32>
        %mul3A_311 = arith.mulf %get3A_78, %select_n3A_310 : vector<16xf32>
        %reduce_sum3A_312 = arith.constant true
        %reduce_sum3A_313 = vector.broadcast %reduce_sum3A_312 : i1 to vector<16xi1>
        %reduce_sum3A_314 = tpu.scan <sum>, %mul3A_311 masked %reduce_sum3A_313 : vector<16xf32>, vector<16xi1> -> vector<16xf32>
        %reduce_sum3A_315 = vector.extract %reduce_sum3A_314[15] : f32 from vector<16xf32>
        %broadcast_in_dim3A_316 = vector.broadcast %reduce_sum3A_315 : f32 to vector<16xf32>
        %mul3A_317 = arith.constant 16 : i32
        %mul3A_318 = arith.muli %scan3A_71, %mul3A_317 : i32
        %add3A_319 = arith.constant 5 : i32
        %add3A_320 = arith.addi %mul3A_318, %add3A_319 : i32
        %get3A_321 = arith.index_cast %add3A_320 : i32 to index
        %get3A_322 = arith.constant 0 : index
        %get3A_323 = tpu.vector_load %arg10[%get3A_321, %get3A_322] {strides = array<i32>} : memref<128x128xf32, #tpu.memory_space<vmem>>, vector<16xf32>,
        %mul3A_324 = arith.mulf %get3A_323, %broadcast_in_dim3A_316 : vector<16xf32>
        %swap3A_325 = arith.index_cast %add3A_320 : i32 to index
        %swap3A_326 = arith.constant 0 : index
        %swap3A_327 = tpu.vector_load %arg10[%swap3A_325, %swap3A_326] {strides = array<i32>} : memref<128x128xf32, #tpu.memory_space<vmem>>, vector<16xf32>,
        tpu.vector_store %arg10[%swap3A_325, %swap3A_326], %mul3A_324 {strides = array<i32>} : memref<128x128xf32, #tpu.memory_space<vmem>>, vector<16xf32>,
        %get3A_328 = arith.index_cast %add3A_320 : i32 to index
        %get3A_329 = arith.constant 16 : index
        %get3A_330 = tpu.vector_load %arg10[%get3A_328, %get3A_329] {strides = array<i32>} : memref<128x128xf32, #tpu.memory_space<vmem>>, vector<16xf32>,
        %mul3A_331 = arith.mulf %get3A_330, %broadcast_in_dim3A_316 : vector<16xf32>
        %swap3A_332 = arith.index_cast %add3A_320 : i32 to index
        %swap3A_333 = arith.constant 16 : index
        %swap3A_334 = tpu.vector_load %arg10[%swap3A_332, %swap3A_333] {strides = array<i32>} : memref<128x128xf32, #tpu.memory_space<vmem>>, vector<16xf32>,
        tpu.vector_store %arg10[%swap3A_332, %swap3A_333], %mul3A_331 {strides = array<i32>} : memref<128x128xf32, #tpu.memory_space<vmem>>, vector<16xf32>,
        %get3A_335 = arith.index_cast %add3A_320 : i32 to index
        %get3A_336 = arith.constant 32 : index
        %get3A_337 = tpu.vector_load %arg10[%get3A_335, %get3A_336] {strides = array<i32>} : memref<128x128xf32, #tpu.memory_space<vmem>>, vector<16xf32>,
        %mul3A_338 = arith.mulf %get3A_337, %broadcast_in_dim3A_316 : vector<16xf32>
        %swap3A_339 = arith.index_cast %add3A_320 : i32 to index
        %swap3A_340 = arith.constant 32 : index
        %swap3A_341 = tpu.vector_load %arg10[%swap3A_339, %swap3A_340] {strides = array<i32>} : memref<128x128xf32, #tpu.memory_space<vmem>>, vector<16xf32>,
        tpu.vector_store %arg10[%swap3A_339, %swap3A_340], %mul3A_338 {strides = array<i32>} : memref<128x128xf32, #tpu.memory_space<vmem>>, vector<16xf32>,
        %get3A_342 = arith.index_cast %add3A_320 : i32 to index
        %get3A_343 = arith.constant 48 : index
        %get3A_344 = tpu.vector_load %arg10[%get3A_342, %get3A_343] {strides = array<i32>} : memref<128x128xf32, #tpu.memory_space<vmem>>, vector<16xf32>,
        %mul3A_345 = arith.mulf %get3A_344, %broadcast_in_dim3A_316 : vector<16xf32>
        %swap3A_346 = arith.index_cast %add3A_320 : i32 to index
        %swap3A_347 = arith.constant 48 : index
        %swap3A_348 = tpu.vector_load %arg10[%swap3A_346, %swap3A_347] {strides = array<i32>} : memref<128x128xf32, #tpu.memory_space<vmem>>, vector<16xf32>,
        tpu.vector_store %arg10[%swap3A_346, %swap3A_347], %mul3A_345 {strides = array<i32>} : memref<128x128xf32, #tpu.memory_space<vmem>>, vector<16xf32>,
        %eq3A_349 = arith.constant 6 : i32
        %eq3A_350 = vector.broadcast %eq3A_349 : i32 to vector<16xi32>
        %eq3A_351 = arith.cmpi eq, %iota3A, %eq3A_350 : vector<16xi32>
        %jit3A_352 = arith.constant 1.000000e+00 : f32
        %jit3A_353 = arith.constant 0.000000e+00 : f32
        %broadcast_in_dim3A_354 = vector.broadcast %jit3A_352 : f32 to vector<16xf32>
        %broadcast_in_dim3A_355 = vector.broadcast %jit3A_353 : f32 to vector<16xf32>
        %select_n3A_356 = arith.select %eq3A_351, %broadcast_in_dim3A_354, %broadcast_in_dim3A_355 : vector<16xi1>, vector<16xf32>
        %mul3A_357 = arith.mulf %get3A_78, %select_n3A_356 : vector<16xf32>
        %reduce_sum3A_358 = arith.constant true
        %reduce_sum3A_359 = vector.broadcast %reduce_sum3A_358 : i1 to vector<16xi1>
        %reduce_sum3A_360 = tpu.scan <sum>, %mul3A_357 masked %reduce_sum3A_359 : vector<16xf32>, vector<16xi1> -> vector<16xf32>
        %reduce_sum3A_361 = vector.extract %reduce_sum3A_360[15] : f32 from vector<16xf32>
        %broadcast_in_dim3A_362 = vector.broadcast %reduce_sum3A_361 : f32 to vector<16xf32>
        %mul3A_363 = arith.constant 16 : i32
        %mul3A_364 = arith.muli %scan3A_71, %mul3A_363 : i32
        %add3A_365 = arith.constant 6 : i32
        %add3A_366 = arith.addi %mul3A_364, %add3A_365 : i32
        %get3A_367 = arith.index_cast %add3A_366 : i32 to index
        %get3A_368 = arith.constant 0 : index
        %get3A_369 = tpu.vector_load %arg10[%get3A_367, %get3A_368] {strides = array<i32>} : memref<128x128xf32, #tpu.memory_space<vmem>>, vector<16xf32>,
        %mul3A_370 = arith.mulf %get3A_369, %broadcast_in_dim3A_362 : vector<16xf32>
        %swap3A_371 = arith.index_cast %add3A_366 : i32 to index
        %swap3A_372 = arith.constant 0 : index
        %swap3A_373 = tpu.vector_load %arg10[%swap3A_371, %swap3A_372] {strides = array<i32>} : memref<128x128xf32, #tpu.memory_space<vmem>>, vector<16xf32>,
        tpu.vector_store %arg10[%swap3A_371, %swap3A_372], %mul3A_370 {strides = array<i32>} : memref<128x128xf32, #tpu.memory_space<vmem>>, vector<16xf32>,
        %get3A_374 = arith.index_cast %add3A_366 : i32 to index
        %get3A_375 = arith.constant 16 : index
        %get3A_376 = tpu.vector_load %arg10[%get3A_374, %get3A_375] {strides = array<i32>} : memref<128x128xf32, #tpu.memory_space<vmem>>, vector<16xf32>,
        %mul3A_377 = arith.mulf %get3A_376, %broadcast_in_dim3A_362 : vector<16xf32>
        %swap3A_378 = arith.index_cast %add3A_366 : i32 to index
        %swap3A_379 = arith.constant 16 : index
        %swap3A_380 = tpu.vector_load %arg10[%swap3A_378, %swap3A_379] {strides = array<i32>} : memref<128x128xf32, #tpu.memory_space<vmem>>, vector<16xf32>,
        tpu.vector_store %arg10[%swap3A_378, %swap3A_379], %mul3A_377 {strides = array<i32>} : memref<128x128xf32, #tpu.memory_space<vmem>>, vector<16xf32>,
        %get3A_381 = arith.index_cast %add3A_366 : i32 to index
        %get3A_382 = arith.constant 32 : index
        %get3A_383 = tpu.vector_load %arg10[%get3A_381, %get3A_382] {strides = array<i32>} : memref<128x128xf32, #tpu.memory_space<vmem>>, vector<16xf32>,
        %mul3A_384 = arith.mulf %get3A_383, %broadcast_in_dim3A_362 : vector<16xf32>
        %swap3A_385 = arith.index_cast %add3A_366 : i32 to index
        %swap3A_386 = arith.constant 32 : index
        %swap3A_387 = tpu.vector_load %arg10[%swap3A_385, %swap3A_386] {strides = array<i32>} : memref<128x128xf32, #tpu.memory_space<vmem>>, vector<16xf32>,
        tpu.vector_store %arg10[%swap3A_385, %swap3A_386], %mul3A_384 {strides = array<i32>} : memref<128x128xf32, #tpu.memory_space<vmem>>, vector<16xf32>,
        %get3A_388 = arith.index_cast %add3A_366 : i32 to index
        %get3A_389 = arith.constant 48 : index
        %get3A_390 = tpu.vector_load %arg10[%get3A_388, %get3A_389] {strides = array<i32>} : memref<128x128xf32, #tpu.memory_space<vmem>>, vector<16xf32>,
        %mul3A_391 = arith.mulf %get3A_390, %broadcast_in_dim3A_362 : vector<16xf32>
        %swap3A_392 = arith.index_cast %add3A_366 : i32 to index
        %swap3A_393 = arith.constant 48 : index
        %swap3A_394 = tpu.vector_load %arg10[%swap3A_392, %swap3A_393] {strides = array<i32>} : memref<128x128xf32, #tpu.memory_space<vmem>>, vector<16xf32>,
        tpu.vector_store %arg10[%swap3A_392, %swap3A_393], %mul3A_391 {strides = array<i32>} : memref<128x128xf32, #tpu.memory_space<vmem>>, vector<16xf32>,
        %eq3A_395 = arith.constant 7 : i32
        %eq3A_396 = vector.broadcast %eq3A_395 : i32 to vector<16xi32>
        %eq3A_397 = arith.cmpi eq, %iota3A, %eq3A_396 : vector<16xi32>
        %jit3A_398 = arith.constant 1.000000e+00 : f32
        %jit3A_399 = arith.constant 0.000000e+00 : f32
        %broadcast_in_dim3A_400 = vector.broadcast %jit3A_398 : f32 to vector<16xf32>
        %broadcast_in_dim3A_401 = vector.broadcast %jit3A_399 : f32 to vector<16xf32>
        %select_n3A_402 = arith.select %eq3A_397, %broadcast_in_dim3A_400, %broadcast_in_dim3A_401 : vector<16xi1>, vector<16xf32>
        %mul3A_403 = arith.mulf %get3A_78, %select_n3A_402 : vector<16xf32>
        %reduce_sum3A_404 = arith.constant true
        %reduce_sum3A_405 = vector.broadcast %reduce_sum3A_404 : i1 to vector<16xi1>
        %reduce_sum3A_406 = tpu.scan <sum>, %mul3A_403 masked %reduce_sum3A_405 : vector<16xf32>, vector<16xi1> -> vector<16xf32>
        %reduce_sum3A_407 = vector.extract %reduce_sum3A_406[15] : f32 from vector<16xf32>
        %broadcast_in_dim3A_408 = vector.broadcast %reduce_sum3A_407 : f32 to vector<16xf32>
        %mul3A_409 = arith.constant 16 : i32
        %mul3A_410 = arith.muli %scan3A_71, %mul3A_409 : i32
        %add3A_411 = arith.constant 7 : i32
        %add3A_412 = arith.addi %mul3A_410, %add3A_411 : i32
        %get3A_413 = arith.index_cast %add3A_412 : i32 to index
        %get3A_414 = arith.constant 0 : index
        %get3A_415 = tpu.vector_load %arg10[%get3A_413, %get3A_414] {strides = array<i32>} : memref<128x128xf32, #tpu.memory_space<vmem>>, vector<16xf32>,
        %mul3A_416 = arith.mulf %get3A_415, %broadcast_in_dim3A_408 : vector<16xf32>
        %swap3A_417 = arith.index_cast %add3A_412 : i32 to index
        %swap3A_418 = arith.constant 0 : index
        %swap3A_419 = tpu.vector_load %arg10[%swap3A_417, %swap3A_418] {strides = array<i32>} : memref<128x128xf32, #tpu.memory_space<vmem>>, vector<16xf32>,
        tpu.vector_store %arg10[%swap3A_417, %swap3A_418], %mul3A_416 {strides = array<i32>} : memref<128x128xf32, #tpu.memory_space<vmem>>, vector<16xf32>,
        %get3A_420 = arith.index_cast %add3A_412 : i32 to index
        %get3A_421 = arith.constant 16 : index
        %get3A_422 = tpu.vector_load %arg10[%get3A_420, %get3A_421] {strides = array<i32>} : memref<128x128xf32, #tpu.memory_space<vmem>>, vector<16xf32>,
        %mul3A_423 = arith.mulf %get3A_422, %broadcast_in_dim3A_408 : vector<16xf32>
        %swap3A_424 = arith.index_cast %add3A_412 : i32 to index
        %swap3A_425 = arith.constant 16 : index
        %swap3A_426 = tpu.vector_load %arg10[%swap3A_424, %swap3A_425] {strides = array<i32>} : memref<128x128xf32, #tpu.memory_space<vmem>>, vector<16xf32>,
        tpu.vector_store %arg10[%swap3A_424, %swap3A_425], %mul3A_423 {strides = array<i32>} : memref<128x128xf32, #tpu.memory_space<vmem>>, vector<16xf32>,
        %get3A_427 = arith.index_cast %add3A_412 : i32 to index
        %get3A_428 = arith.constant 32 : index
        %get3A_429 = tpu.vector_load %arg10[%get3A_427, %get3A_428] {strides = array<i32>} : memref<128x128xf32, #tpu.memory_space<vmem>>, vector<16xf32>,
        %mul3A_430 = arith.mulf %get3A_429, %broadcast_in_dim3A_408 : vector<16xf32>
        %swap3A_431 = arith.index_cast %add3A_412 : i32 to index
        %swap3A_432 = arith.constant 32 : index
        %swap3A_433 = tpu.vector_load %arg10[%swap3A_431, %swap3A_432] {strides = array<i32>} : memref<128x128xf32, #tpu.memory_space<vmem>>, vector<16xf32>,
        tpu.vector_store %arg10[%swap3A_431, %swap3A_432], %mul3A_430 {strides = array<i32>} : memref<128x128xf32, #tpu.memory_space<vmem>>, vector<16xf32>,
        %get3A_434 = arith.index_cast %add3A_412 : i32 to index
        %get3A_435 = arith.constant 48 : index
        %get3A_436 = tpu.vector_load %arg10[%get3A_434, %get3A_435] {strides = array<i32>} : memref<128x128xf32, #tpu.memory_space<vmem>>, vector<16xf32>,
        %mul3A_437 = arith.mulf %get3A_436, %broadcast_in_dim3A_408 : vector<16xf32>
        %swap3A_438 = arith.index_cast %add3A_412 : i32 to index
        %swap3A_439 = arith.constant 48 : index
        %swap3A_440 = tpu.vector_load %arg10[%swap3A_438, %swap3A_439] {strides = array<i32>} : memref<128x128xf32, #tpu.memory_space<vmem>>, vector<16xf32>,
        tpu.vector_store %arg10[%swap3A_438, %swap3A_439], %mul3A_437 {strides = array<i32>} : memref<128x128xf32, #tpu.memory_space<vmem>>, vector<16xf32>,
        %eq3A_441 = arith.constant 8 : i32
        %eq3A_442 = vector.broadcast %eq3A_441 : i32 to vector<16xi32>
        %eq3A_443 = arith.cmpi eq, %iota3A, %eq3A_442 : vector<16xi32>
        %jit3A_444 = arith.constant 1.000000e+00 : f32
        %jit3A_445 = arith.constant 0.000000e+00 : f32
        %broadcast_in_dim3A_446 = vector.broadcast %jit3A_444 : f32 to vector<16xf32>
        %broadcast_in_dim3A_447 = vector.broadcast %jit3A_445 : f32 to vector<16xf32>
        %select_n3A_448 = arith.select %eq3A_443, %broadcast_in_dim3A_446, %broadcast_in_dim3A_447 : vector<16xi1>, vector<16xf32>
        %mul3A_449 = arith.mulf %get3A_78, %select_n3A_448 : vector<16xf32>
        %reduce_sum3A_450 = arith.constant true
        %reduce_sum3A_451 = vector.broadcast %reduce_sum3A_450 : i1 to vector<16xi1>
        %reduce_sum3A_452 = tpu.scan <sum>, %mul3A_449 masked %reduce_sum3A_451 : vector<16xf32>, vector<16xi1> -> vector<16xf32>
        %reduce_sum3A_453 = vector.extract %reduce_sum3A_452[15] : f32 from vector<16xf32>
        %broadcast_in_dim3A_454 = vector.broadcast %reduce_sum3A_453 : f32 to vector<16xf32>
        %mul3A_455 = arith.constant 16 : i32
        %mul3A_456 = arith.muli %scan3A_71, %mul3A_455 : i32
        %add3A_457 = arith.constant 8 : i32
        %add3A_458 = arith.addi %mul3A_456, %add3A_457 : i32
        %get3A_459 = arith.index_cast %add3A_458 : i32 to index
        %get3A_460 = arith.constant 0 : index
        %get3A_461 = tpu.vector_load %arg10[%get3A_459, %get3A_460] {strides = array<i32>} : memref<128x128xf32, #tpu.memory_space<vmem>>, vector<16xf32>,
        %mul3A_462 = arith.mulf %get3A_461, %broadcast_in_dim3A_454 : vector<16xf32>
        %swap3A_463 = arith.index_cast %add3A_458 : i32 to index
        %swap3A_464 = arith.constant 0 : index
        %swap3A_465 = tpu.vector_load %arg10[%swap3A_463, %swap3A_464] {strides = array<i32>} : memref<128x128xf32, #tpu.memory_space<vmem>>, vector<16xf32>,
        tpu.vector_store %arg10[%swap3A_463, %swap3A_464], %mul3A_462 {strides = array<i32>} : memref<128x128xf32, #tpu.memory_space<vmem>>, vector<16xf32>,
        %get3A_466 = arith.index_cast %add3A_458 : i32 to index
        %get3A_467 = arith.constant 16 : index
        %get3A_468 = tpu.vector_load %arg10[%get3A_466, %get3A_467] {strides = array<i32>} : memref<128x128xf32, #tpu.memory_space<vmem>>, vector<16xf32>,
        %mul3A_469 = arith.mulf %get3A_468, %broadcast_in_dim3A_454 : vector<16xf32>
        %swap3A_470 = arith.index_cast %add3A_458 : i32 to index
        %swap3A_471 = arith.constant 16 : index
        %swap3A_472 = tpu.vector_load %arg10[%swap3A_470, %swap3A_471] {strides = array<i32>} : memref<128x128xf32, #tpu.memory_space<vmem>>, vector<16xf32>,
        tpu.vector_store %arg10[%swap3A_470, %swap3A_471], %mul3A_469 {strides = array<i32>} : memref<128x128xf32, #tpu.memory_space<vmem>>, vector<16xf32>,
        %get3A_473 = arith.index_cast %add3A_458 : i32 to index
        %get3A_474 = arith.constant 32 : index
        %get3A_475 = tpu.vector_load %arg10[%get3A_473, %get3A_474] {strides = array<i32>} : memref<128x128xf32, #tpu.memory_space<vmem>>, vector<16xf32>,
        %mul3A_476 = arith.mulf %get3A_475, %broadcast_in_dim3A_454 : vector<16xf32>
        %swap3A_477 = arith.index_cast %add3A_458 : i32 to index
        %swap3A_478 = arith.constant 32 : index
        %swap3A_479 = tpu.vector_load %arg10[%swap3A_477, %swap3A_478] {strides = array<i32>} : memref<128x128xf32, #tpu.memory_space<vmem>>, vector<16xf32>,
        tpu.vector_store %arg10[%swap3A_477, %swap3A_478], %mul3A_476 {strides = array<i32>} : memref<128x128xf32, #tpu.memory_space<vmem>>, vector<16xf32>,
        %get3A_480 = arith.index_cast %add3A_458 : i32 to index
        %get3A_481 = arith.constant 48 : index
        %get3A_482 = tpu.vector_load %arg10[%get3A_480, %get3A_481] {strides = array<i32>} : memref<128x128xf32, #tpu.memory_space<vmem>>, vector<16xf32>,
        %mul3A_483 = arith.mulf %get3A_482, %broadcast_in_dim3A_454 : vector<16xf32>
        %swap3A_484 = arith.index_cast %add3A_458 : i32 to index
        %swap3A_485 = arith.constant 48 : index
        %swap3A_486 = tpu.vector_load %arg10[%swap3A_484, %swap3A_485] {strides = array<i32>} : memref<128x128xf32, #tpu.memory_space<vmem>>, vector<16xf32>,
        tpu.vector_store %arg10[%swap3A_484, %swap3A_485], %mul3A_483 {strides = array<i32>} : memref<128x128xf32, #tpu.memory_space<vmem>>, vector<16xf32>,
        %eq3A_487 = arith.constant 9 : i32
        %eq3A_488 = vector.broadcast %eq3A_487 : i32 to vector<16xi32>
        %eq3A_489 = arith.cmpi eq, %iota3A, %eq3A_488 : vector<16xi32>
        %jit3A_490 = arith.constant 1.000000e+00 : f32
        %jit3A_491 = arith.constant 0.000000e+00 : f32
        %broadcast_in_dim3A_492 = vector.broadcast %jit3A_490 : f32 to vector<16xf32>
        %broadcast_in_dim3A_493 = vector.broadcast %jit3A_491 : f32 to vector<16xf32>
        %select_n3A_494 = arith.select %eq3A_489, %broadcast_in_dim3A_492, %broadcast_in_dim3A_493 : vector<16xi1>, vector<16xf32>
        %mul3A_495 = arith.mulf %get3A_78, %select_n3A_494 : vector<16xf32>
        %reduce_sum3A_496 = arith.constant true
        %reduce_sum3A_497 = vector.broadcast %reduce_sum3A_496 : i1 to vector<16xi1>
        %reduce_sum3A_498 = tpu.scan <sum>, %mul3A_495 masked %reduce_sum3A_497 : vector<16xf32>, vector<16xi1> -> vector<16xf32>
        %reduce_sum3A_499 = vector.extract %reduce_sum3A_498[15] : f32 from vector<16xf32>
        %broadcast_in_dim3A_500 = vector.broadcast %reduce_sum3A_499 : f32 to vector<16xf32>
        %mul3A_501 = arith.constant 16 : i32
        %mul3A_502 = arith.muli %scan3A_71, %mul3A_501 : i32
        %add3A_503 = arith.constant 9 : i32
        %add3A_504 = arith.addi %mul3A_502, %add3A_503 : i32
        %get3A_505 = arith.index_cast %add3A_504 : i32 to index
        %get3A_506 = arith.constant 0 : index
        %get3A_507 = tpu.vector_load %arg10[%get3A_505, %get3A_506] {strides = array<i32>} : memref<128x128xf32, #tpu.memory_space<vmem>>, vector<16xf32>,
        %mul3A_508 = arith.mulf %get3A_507, %broadcast_in_dim3A_500 : vector<16xf32>
        %swap3A_509 = arith.index_cast %add3A_504 : i32 to index
        %swap3A_510 = arith.constant 0 : index
        %swap3A_511 = tpu.vector_load %arg10[%swap3A_509, %swap3A_510] {strides = array<i32>} : memref<128x128xf32, #tpu.memory_space<vmem>>, vector<16xf32>,
        tpu.vector_store %arg10[%swap3A_509, %swap3A_510], %mul3A_508 {strides = array<i32>} : memref<128x128xf32, #tpu.memory_space<vmem>>, vector<16xf32>,
        %get3A_512 = arith.index_cast %add3A_504 : i32 to index
        %get3A_513 = arith.constant 16 : index
        %get3A_514 = tpu.vector_load %arg10[%get3A_512, %get3A_513] {strides = array<i32>} : memref<128x128xf32, #tpu.memory_space<vmem>>, vector<16xf32>,
        %mul3A_515 = arith.mulf %get3A_514, %broadcast_in_dim3A_500 : vector<16xf32>
        %swap3A_516 = arith.index_cast %add3A_504 : i32 to index
        %swap3A_517 = arith.constant 16 : index
        %swap3A_518 = tpu.vector_load %arg10[%swap3A_516, %swap3A_517] {strides = array<i32>} : memref<128x128xf32, #tpu.memory_space<vmem>>, vector<16xf32>,
        tpu.vector_store %arg10[%swap3A_516, %swap3A_517], %mul3A_515 {strides = array<i32>} : memref<128x128xf32, #tpu.memory_space<vmem>>, vector<16xf32>,
        %get3A_519 = arith.index_cast %add3A_504 : i32 to index
        %get3A_520 = arith.constant 32 : index
        %get3A_521 = tpu.vector_load %arg10[%get3A_519, %get3A_520] {strides = array<i32>} : memref<128x128xf32, #tpu.memory_space<vmem>>, vector<16xf32>,
        %mul3A_522 = arith.mulf %get3A_521, %broadcast_in_dim3A_500 : vector<16xf32>
        %swap3A_523 = arith.index_cast %add3A_504 : i32 to index
        %swap3A_524 = arith.constant 32 : index
        %swap3A_525 = tpu.vector_load %arg10[%swap3A_523, %swap3A_524] {strides = array<i32>} : memref<128x128xf32, #tpu.memory_space<vmem>>, vector<16xf32>,
        tpu.vector_store %arg10[%swap3A_523, %swap3A_524], %mul3A_522 {strides = array<i32>} : memref<128x128xf32, #tpu.memory_space<vmem>>, vector<16xf32>,
        %get3A_526 = arith.index_cast %add3A_504 : i32 to index
        %get3A_527 = arith.constant 48 : index
        %get3A_528 = tpu.vector_load %arg10[%get3A_526, %get3A_527] {strides = array<i32>} : memref<128x128xf32, #tpu.memory_space<vmem>>, vector<16xf32>,
        %mul3A_529 = arith.mulf %get3A_528, %broadcast_in_dim3A_500 : vector<16xf32>
        %swap3A_530 = arith.index_cast %add3A_504 : i32 to index
        %swap3A_531 = arith.constant 48 : index
        %swap3A_532 = tpu.vector_load %arg10[%swap3A_530, %swap3A_531] {strides = array<i32>} : memref<128x128xf32, #tpu.memory_space<vmem>>, vector<16xf32>,
        tpu.vector_store %arg10[%swap3A_530, %swap3A_531], %mul3A_529 {strides = array<i32>} : memref<128x128xf32, #tpu.memory_space<vmem>>, vector<16xf32>,
        %eq3A_533 = arith.constant 10 : i32
        %eq3A_534 = vector.broadcast %eq3A_533 : i32 to vector<16xi32>
        %eq3A_535 = arith.cmpi eq, %iota3A, %eq3A_534 : vector<16xi32>
        %jit3A_536 = arith.constant 1.000000e+00 : f32
        %jit3A_537 = arith.constant 0.000000e+00 : f32
        %broadcast_in_dim3A_538 = vector.broadcast %jit3A_536 : f32 to vector<16xf32>
        %broadcast_in_dim3A_539 = vector.broadcast %jit3A_537 : f32 to vector<16xf32>
        %select_n3A_540 = arith.select %eq3A_535, %broadcast_in_dim3A_538, %broadcast_in_dim3A_539 : vector<16xi1>, vector<16xf32>
        %mul3A_541 = arith.mulf %get3A_78, %select_n3A_540 : vector<16xf32>
        %reduce_sum3A_542 = arith.constant true
        %reduce_sum3A_543 = vector.broadcast %reduce_sum3A_542 : i1 to vector<16xi1>
        %reduce_sum3A_544 = tpu.scan <sum>, %mul3A_541 masked %reduce_sum3A_543 : vector<16xf32>, vector<16xi1> -> vector<16xf32>
        %reduce_sum3A_545 = vector.extract %reduce_sum3A_544[15] : f32 from vector<16xf32>
        %broadcast_in_dim3A_546 = vector.broadcast %reduce_sum3A_545 : f32 to vector<16xf32>
        %mul3A_547 = arith.constant 16 : i32
        %mul3A_548 = arith.muli %scan3A_71, %mul3A_547 : i32
        %add3A_549 = arith.constant 10 : i32
        %add3A_550 = arith.addi %mul3A_548, %add3A_549 : i32
        %get3A_551 = arith.index_cast %add3A_550 : i32 to index
        %get3A_552 = arith.constant 0 : index
        %get3A_553 = tpu.vector_load %arg10[%get3A_551, %get3A_552] {strides = array<i32>} : memref<128x128xf32, #tpu.memory_space<vmem>>, vector<16xf32>,
        %mul3A_554 = arith.mulf %get3A_553, %broadcast_in_dim3A_546 : vector<16xf32>
        %swap3A_555 = arith.index_cast %add3A_550 : i32 to index
        %swap3A_556 = arith.constant 0 : index
        %swap3A_557 = tpu.vector_load %arg10[%swap3A_555, %swap3A_556] {strides = array<i32>} : memref<128x128xf32, #tpu.memory_space<vmem>>, vector<16xf32>,
        tpu.vector_store %arg10[%swap3A_555, %swap3A_556], %mul3A_554 {strides = array<i32>} : memref<128x128xf32, #tpu.memory_space<vmem>>, vector<16xf32>,
        %get3A_558 = arith.index_cast %add3A_550 : i32 to index
        %get3A_559 = arith.constant 16 : index
        %get3A_560 = tpu.vector_load %arg10[%get3A_558, %get3A_559] {strides = array<i32>} : memref<128x128xf32, #tpu.memory_space<vmem>>, vector<16xf32>,
        %mul3A_561 = arith.mulf %get3A_560, %broadcast_in_dim3A_546 : vector<16xf32>
        %swap3A_562 = arith.index_cast %add3A_550 : i32 to index
        %swap3A_563 = arith.constant 16 : index
        %swap3A_564 = tpu.vector_load %arg10[%swap3A_562, %swap3A_563] {strides = array<i32>} : memref<128x128xf32, #tpu.memory_space<vmem>>, vector<16xf32>,
        tpu.vector_store %arg10[%swap3A_562, %swap3A_563], %mul3A_561 {strides = array<i32>} : memref<128x128xf32, #tpu.memory_space<vmem>>, vector<16xf32>,
        %get3A_565 = arith.index_cast %add3A_550 : i32 to index
        %get3A_566 = arith.constant 32 : index
        %get3A_567 = tpu.vector_load %arg10[%get3A_565, %get3A_566] {strides = array<i32>} : memref<128x128xf32, #tpu.memory_space<vmem>>, vector<16xf32>,
        %mul3A_568 = arith.mulf %get3A_567, %broadcast_in_dim3A_546 : vector<16xf32>
        %swap3A_569 = arith.index_cast %add3A_550 : i32 to index
        %swap3A_570 = arith.constant 32 : index
        %swap3A_571 = tpu.vector_load %arg10[%swap3A_569, %swap3A_570] {strides = array<i32>} : memref<128x128xf32, #tpu.memory_space<vmem>>, vector<16xf32>,
        tpu.vector_store %arg10[%swap3A_569, %swap3A_570], %mul3A_568 {strides = array<i32>} : memref<128x128xf32, #tpu.memory_space<vmem>>, vector<16xf32>,
        %get3A_572 = arith.index_cast %add3A_550 : i32 to index
        %get3A_573 = arith.constant 48 : index
        %get3A_574 = tpu.vector_load %arg10[%get3A_572, %get3A_573] {strides = array<i32>} : memref<128x128xf32, #tpu.memory_space<vmem>>, vector<16xf32>,
        %mul3A_575 = arith.mulf %get3A_574, %broadcast_in_dim3A_546 : vector<16xf32>
        %swap3A_576 = arith.index_cast %add3A_550 : i32 to index
        %swap3A_577 = arith.constant 48 : index
        %swap3A_578 = tpu.vector_load %arg10[%swap3A_576, %swap3A_577] {strides = array<i32>} : memref<128x128xf32, #tpu.memory_space<vmem>>, vector<16xf32>,
        tpu.vector_store %arg10[%swap3A_576, %swap3A_577], %mul3A_575 {strides = array<i32>} : memref<128x128xf32, #tpu.memory_space<vmem>>, vector<16xf32>,
        %eq3A_579 = arith.constant 11 : i32
        %eq3A_580 = vector.broadcast %eq3A_579 : i32 to vector<16xi32>
        %eq3A_581 = arith.cmpi eq, %iota3A, %eq3A_580 : vector<16xi32>
        %jit3A_582 = arith.constant 1.000000e+00 : f32
        %jit3A_583 = arith.constant 0.000000e+00 : f32
        %broadcast_in_dim3A_584 = vector.broadcast %jit3A_582 : f32 to vector<16xf32>
        %broadcast_in_dim3A_585 = vector.broadcast %jit3A_583 : f32 to vector<16xf32>
        %select_n3A_586 = arith.select %eq3A_581, %broadcast_in_dim3A_584, %broadcast_in_dim3A_585 : vector<16xi1>, vector<16xf32>
        %mul3A_587 = arith.mulf %get3A_78, %select_n3A_586 : vector<16xf32>
        %reduce_sum3A_588 = arith.constant true
        %reduce_sum3A_589 = vector.broadcast %reduce_sum3A_588 : i1 to vector<16xi1>
        %reduce_sum3A_590 = tpu.scan <sum>, %mul3A_587 masked %reduce_sum3A_589 : vector<16xf32>, vector<16xi1> -> vector<16xf32>
        %reduce_sum3A_591 = vector.extract %reduce_sum3A_590[15] : f32 from vector<16xf32>
        %broadcast_in_dim3A_592 = vector.broadcast %reduce_sum3A_591 : f32 to vector<16xf32>
        %mul3A_593 = arith.constant 16 : i32
        %mul3A_594 = arith.muli %scan3A_71, %mul3A_593 : i32
        %add3A_595 = arith.constant 11 : i32
        %add3A_596 = arith.addi %mul3A_594, %add3A_595 : i32
        %get3A_597 = arith.index_cast %add3A_596 : i32 to index
        %get3A_598 = arith.constant 0 : index
        %get3A_599 = tpu.vector_load %arg10[%get3A_597, %get3A_598] {strides = array<i32>} : memref<128x128xf32, #tpu.memory_space<vmem>>, vector<16xf32>,
        %mul3A_600 = arith.mulf %get3A_599, %broadcast_in_dim3A_592 : vector<16xf32>
        %swap3A_601 = arith.index_cast %add3A_596 : i32 to index
        %swap3A_602 = arith.constant 0 : index
        %swap3A_603 = tpu.vector_load %arg10[%swap3A_601, %swap3A_602] {strides = array<i32>} : memref<128x128xf32, #tpu.memory_space<vmem>>, vector<16xf32>,
        tpu.vector_store %arg10[%swap3A_601, %swap3A_602], %mul3A_600 {strides = array<i32>} : memref<128x128xf32, #tpu.memory_space<vmem>>, vector<16xf32>,
        %get3A_604 = arith.index_cast %add3A_596 : i32 to index
        %get3A_605 = arith.constant 16 : index
        %get3A_606 = tpu.vector_load %arg10[%get3A_604, %get3A_605] {strides = array<i32>} : memref<128x128xf32, #tpu.memory_space<vmem>>, vector<16xf32>,
        %mul3A_607 = arith.mulf %get3A_606, %broadcast_in_dim3A_592 : vector<16xf32>
        %swap3A_608 = arith.index_cast %add3A_596 : i32 to index
        %swap3A_609 = arith.constant 16 : index
        %swap3A_610 = tpu.vector_load %arg10[%swap3A_608, %swap3A_609] {strides = array<i32>} : memref<128x128xf32, #tpu.memory_space<vmem>>, vector<16xf32>,
        tpu.vector_store %arg10[%swap3A_608, %swap3A_609], %mul3A_607 {strides = array<i32>} : memref<128x128xf32, #tpu.memory_space<vmem>>, vector<16xf32>,
        %get3A_611 = arith.index_cast %add3A_596 : i32 to index
        %get3A_612 = arith.constant 32 : index
        %get3A_613 = tpu.vector_load %arg10[%get3A_611, %get3A_612] {strides = array<i32>} : memref<128x128xf32, #tpu.memory_space<vmem>>, vector<16xf32>,
        %mul3A_614 = arith.mulf %get3A_613, %broadcast_in_dim3A_592 : vector<16xf32>
        %swap3A_615 = arith.index_cast %add3A_596 : i32 to index
        %swap3A_616 = arith.constant 32 : index
        %swap3A_617 = tpu.vector_load %arg10[%swap3A_615, %swap3A_616] {strides = array<i32>} : memref<128x128xf32, #tpu.memory_space<vmem>>, vector<16xf32>,
        tpu.vector_store %arg10[%swap3A_615, %swap3A_616], %mul3A_614 {strides = array<i32>} : memref<128x128xf32, #tpu.memory_space<vmem>>, vector<16xf32>,
        %get3A_618 = arith.index_cast %add3A_596 : i32 to index
        %get3A_619 = arith.constant 48 : index
        %get3A_620 = tpu.vector_load %arg10[%get3A_618, %get3A_619] {strides = array<i32>} : memref<128x128xf32, #tpu.memory_space<vmem>>, vector<16xf32>,
        %mul3A_621 = arith.mulf %get3A_620, %broadcast_in_dim3A_592 : vector<16xf32>
        %swap3A_622 = arith.index_cast %add3A_596 : i32 to index
        %swap3A_623 = arith.constant 48 : index
        %swap3A_624 = tpu.vector_load %arg10[%swap3A_622, %swap3A_623] {strides = array<i32>} : memref<128x128xf32, #tpu.memory_space<vmem>>, vector<16xf32>,
        tpu.vector_store %arg10[%swap3A_622, %swap3A_623], %mul3A_621 {strides = array<i32>} : memref<128x128xf32, #tpu.memory_space<vmem>>, vector<16xf32>,
        %eq3A_625 = arith.constant 12 : i32
        %eq3A_626 = vector.broadcast %eq3A_625 : i32 to vector<16xi32>
        %eq3A_627 = arith.cmpi eq, %iota3A, %eq3A_626 : vector<16xi32>
        %jit3A_628 = arith.constant 1.000000e+00 : f32
        %jit3A_629 = arith.constant 0.000000e+00 : f32
        %broadcast_in_dim3A_630 = vector.broadcast %jit3A_628 : f32 to vector<16xf32>
        %broadcast_in_dim3A_631 = vector.broadcast %jit3A_629 : f32 to vector<16xf32>
        %select_n3A_632 = arith.select %eq3A_627, %broadcast_in_dim3A_630, %broadcast_in_dim3A_631 : vector<16xi1>, vector<16xf32>
        %mul3A_633 = arith.mulf %get3A_78, %select_n3A_632 : vector<16xf32>
        %reduce_sum3A_634 = arith.constant true
        %reduce_sum3A_635 = vector.broadcast %reduce_sum3A_634 : i1 to vector<16xi1>
        %reduce_sum3A_636 = tpu.scan <sum>, %mul3A_633 masked %reduce_sum3A_635 : vector<16xf32>, vector<16xi1> -> vector<16xf32>
        %reduce_sum3A_637 = vector.extract %reduce_sum3A_636[15] : f32 from vector<16xf32>
        %broadcast_in_dim3A_638 = vector.broadcast %reduce_sum3A_637 : f32 to vector<16xf32>
        %mul3A_639 = arith.constant 16 : i32
        %mul3A_640 = arith.muli %scan3A_71, %mul3A_639 : i32
        %add3A_641 = arith.constant 12 : i32
        %add3A_642 = arith.addi %mul3A_640, %add3A_641 : i32
        %get3A_643 = arith.index_cast %add3A_642 : i32 to index
        %get3A_644 = arith.constant 0 : index
        %get3A_645 = tpu.vector_load %arg10[%get3A_643, %get3A_644] {strides = array<i32>} : memref<128x128xf32, #tpu.memory_space<vmem>>, vector<16xf32>,
        %mul3A_646 = arith.mulf %get3A_645, %broadcast_in_dim3A_638 : vector<16xf32>
        %swap3A_647 = arith.index_cast %add3A_642 : i32 to index
        %swap3A_648 = arith.constant 0 : index
        %swap3A_649 = tpu.vector_load %arg10[%swap3A_647, %swap3A_648] {strides = array<i32>} : memref<128x128xf32, #tpu.memory_space<vmem>>, vector<16xf32>,
        tpu.vector_store %arg10[%swap3A_647, %swap3A_648], %mul3A_646 {strides = array<i32>} : memref<128x128xf32, #tpu.memory_space<vmem>>, vector<16xf32>,
        %get3A_650 = arith.index_cast %add3A_642 : i32 to index
        %get3A_651 = arith.constant 16 : index
        %get3A_652 = tpu.vector_load %arg10[%get3A_650, %get3A_651] {strides = array<i32>} : memref<128x128xf32, #tpu.memory_space<vmem>>, vector<16xf32>,
        %mul3A_653 = arith.mulf %get3A_652, %broadcast_in_dim3A_638 : vector<16xf32>
        %swap3A_654 = arith.index_cast %add3A_642 : i32 to index
        %swap3A_655 = arith.constant 16 : index
        %swap3A_656 = tpu.vector_load %arg10[%swap3A_654, %swap3A_655] {strides = array<i32>} : memref<128x128xf32, #tpu.memory_space<vmem>>, vector<16xf32>,
        tpu.vector_store %arg10[%swap3A_654, %swap3A_655], %mul3A_653 {strides = array<i32>} : memref<128x128xf32, #tpu.memory_space<vmem>>, vector<16xf32>,
        %get3A_657 = arith.index_cast %add3A_642 : i32 to index
        %get3A_658 = arith.constant 32 : index
        %get3A_659 = tpu.vector_load %arg10[%get3A_657, %get3A_658] {strides = array<i32>} : memref<128x128xf32, #tpu.memory_space<vmem>>, vector<16xf32>,
        %mul3A_660 = arith.mulf %get3A_659, %broadcast_in_dim3A_638 : vector<16xf32>
        %swap3A_661 = arith.index_cast %add3A_642 : i32 to index
        %swap3A_662 = arith.constant 32 : index
        %swap3A_663 = tpu.vector_load %arg10[%swap3A_661, %swap3A_662] {strides = array<i32>} : memref<128x128xf32, #tpu.memory_space<vmem>>, vector<16xf32>,
        tpu.vector_store %arg10[%swap3A_661, %swap3A_662], %mul3A_660 {strides = array<i32>} : memref<128x128xf32, #tpu.memory_space<vmem>>, vector<16xf32>,
        %get3A_664 = arith.index_cast %add3A_642 : i32 to index
        %get3A_665 = arith.constant 48 : index
        %get3A_666 = tpu.vector_load %arg10[%get3A_664, %get3A_665] {strides = array<i32>} : memref<128x128xf32, #tpu.memory_space<vmem>>, vector<16xf32>,
        %mul3A_667 = arith.mulf %get3A_666, %broadcast_in_dim3A_638 : vector<16xf32>
        %swap3A_668 = arith.index_cast %add3A_642 : i32 to index
        %swap3A_669 = arith.constant 48 : index
        %swap3A_670 = tpu.vector_load %arg10[%swap3A_668, %swap3A_669] {strides = array<i32>} : memref<128x128xf32, #tpu.memory_space<vmem>>, vector<16xf32>,
        tpu.vector_store %arg10[%swap3A_668, %swap3A_669], %mul3A_667 {strides = array<i32>} : memref<128x128xf32, #tpu.memory_space<vmem>>, vector<16xf32>,
        %eq3A_671 = arith.constant 13 : i32
        %eq3A_672 = vector.broadcast %eq3A_671 : i32 to vector<16xi32>
        %eq3A_673 = arith.cmpi eq, %iota3A, %eq3A_672 : vector<16xi32>
        %jit3A_674 = arith.constant 1.000000e+00 : f32
        %jit3A_675 = arith.constant 0.000000e+00 : f32
        %broadcast_in_dim3A_676 = vector.broadcast %jit3A_674 : f32 to vector<16xf32>
        %broadcast_in_dim3A_677 = vector.broadcast %jit3A_675 : f32 to vector<16xf32>
        %select_n3A_678 = arith.select %eq3A_673, %broadcast_in_dim3A_676, %broadcast_in_dim3A_677 : vector<16xi1>, vector<16xf32>
        %mul3A_679 = arith.mulf %get3A_78, %select_n3A_678 : vector<16xf32>
        %reduce_sum3A_680 = arith.constant true
        %reduce_sum3A_681 = vector.broadcast %reduce_sum3A_680 : i1 to vector<16xi1>
        %reduce_sum3A_682 = tpu.scan <sum>, %mul3A_679 masked %reduce_sum3A_681 : vector<16xf32>, vector<16xi1> -> vector<16xf32>
        %reduce_sum3A_683 = vector.extract %reduce_sum3A_682[15] : f32 from vector<16xf32>
        %broadcast_in_dim3A_684 = vector.broadcast %reduce_sum3A_683 : f32 to vector<16xf32>
        %mul3A_685 = arith.constant 16 : i32
        %mul3A_686 = arith.muli %scan3A_71, %mul3A_685 : i32
        %add3A_687 = arith.constant 13 : i32
        %add3A_688 = arith.addi %mul3A_686, %add3A_687 : i32
        %get3A_689 = arith.index_cast %add3A_688 : i32 to index
        %get3A_690 = arith.constant 0 : index
        %get3A_691 = tpu.vector_load %arg10[%get3A_689, %get3A_690] {strides = array<i32>} : memref<128x128xf32, #tpu.memory_space<vmem>>, vector<16xf32>,
        %mul3A_692 = arith.mulf %get3A_691, %broadcast_in_dim3A_684 : vector<16xf32>
        %swap3A_693 = arith.index_cast %add3A_688 : i32 to index
        %swap3A_694 = arith.constant 0 : index
        %swap3A_695 = tpu.vector_load %arg10[%swap3A_693, %swap3A_694] {strides = array<i32>} : memref<128x128xf32, #tpu.memory_space<vmem>>, vector<16xf32>,
        tpu.vector_store %arg10[%swap3A_693, %swap3A_694], %mul3A_692 {strides = array<i32>} : memref<128x128xf32, #tpu.memory_space<vmem>>, vector<16xf32>,
        %get3A_696 = arith.index_cast %add3A_688 : i32 to index
        %get3A_697 = arith.constant 16 : index
        %get3A_698 = tpu.vector_load %arg10[%get3A_696, %get3A_697] {strides = array<i32>} : memref<128x128xf32, #tpu.memory_space<vmem>>, vector<16xf32>,
        %mul3A_699 = arith.mulf %get3A_698, %broadcast_in_dim3A_684 : vector<16xf32>
        %swap3A_700 = arith.index_cast %add3A_688 : i32 to index
        %swap3A_701 = arith.constant 16 : index
        %swap3A_702 = tpu.vector_load %arg10[%swap3A_700, %swap3A_701] {strides = array<i32>} : memref<128x128xf32, #tpu.memory_space<vmem>>, vector<16xf32>,
        tpu.vector_store %arg10[%swap3A_700, %swap3A_701], %mul3A_699 {strides = array<i32>} : memref<128x128xf32, #tpu.memory_space<vmem>>, vector<16xf32>,
        %get3A_703 = arith.index_cast %add3A_688 : i32 to index
        %get3A_704 = arith.constant 32 : index
        %get3A_705 = tpu.vector_load %arg10[%get3A_703, %get3A_704] {strides = array<i32>} : memref<128x128xf32, #tpu.memory_space<vmem>>, vector<16xf32>,
        %mul3A_706 = arith.mulf %get3A_705, %broadcast_in_dim3A_684 : vector<16xf32>
        %swap3A_707 = arith.index_cast %add3A_688 : i32 to index
        %swap3A_708 = arith.constant 32 : index
        %swap3A_709 = tpu.vector_load %arg10[%swap3A_707, %swap3A_708] {strides = array<i32>} : memref<128x128xf32, #tpu.memory_space<vmem>>, vector<16xf32>,
        tpu.vector_store %arg10[%swap3A_707, %swap3A_708], %mul3A_706 {strides = array<i32>} : memref<128x128xf32, #tpu.memory_space<vmem>>, vector<16xf32>,
        %get3A_710 = arith.index_cast %add3A_688 : i32 to index
        %get3A_711 = arith.constant 48 : index
        %get3A_712 = tpu.vector_load %arg10[%get3A_710, %get3A_711] {strides = array<i32>} : memref<128x128xf32, #tpu.memory_space<vmem>>, vector<16xf32>,
        %mul3A_713 = arith.mulf %get3A_712, %broadcast_in_dim3A_684 : vector<16xf32>
        %swap3A_714 = arith.index_cast %add3A_688 : i32 to index
        %swap3A_715 = arith.constant 48 : index
        %swap3A_716 = tpu.vector_load %arg10[%swap3A_714, %swap3A_715] {strides = array<i32>} : memref<128x128xf32, #tpu.memory_space<vmem>>, vector<16xf32>,
        tpu.vector_store %arg10[%swap3A_714, %swap3A_715], %mul3A_713 {strides = array<i32>} : memref<128x128xf32, #tpu.memory_space<vmem>>, vector<16xf32>,
        %eq3A_717 = arith.constant 14 : i32
        %eq3A_718 = vector.broadcast %eq3A_717 : i32 to vector<16xi32>
        %eq3A_719 = arith.cmpi eq, %iota3A, %eq3A_718 : vector<16xi32>
        %jit3A_720 = arith.constant 1.000000e+00 : f32
        %jit3A_721 = arith.constant 0.000000e+00 : f32
        %broadcast_in_dim3A_722 = vector.broadcast %jit3A_720 : f32 to vector<16xf32>
        %broadcast_in_dim3A_723 = vector.broadcast %jit3A_721 : f32 to vector<16xf32>
        %select_n3A_724 = arith.select %eq3A_719, %broadcast_in_dim3A_722, %broadcast_in_dim3A_723 : vector<16xi1>, vector<16xf32>
        %mul3A_725 = arith.mulf %get3A_78, %select_n3A_724 : vector<16xf32>
        %reduce_sum3A_726 = arith.constant true
        %reduce_sum3A_727 = vector.broadcast %reduce_sum3A_726 : i1 to vector<16xi1>
        %reduce_sum3A_728 = tpu.scan <sum>, %mul3A_725 masked %reduce_sum3A_727 : vector<16xf32>, vector<16xi1> -> vector<16xf32>
        %reduce_sum3A_729 = vector.extract %reduce_sum3A_728[15] : f32 from vector<16xf32>
        %broadcast_in_dim3A_730 = vector.broadcast %reduce_sum3A_729 : f32 to vector<16xf32>
        %mul3A_731 = arith.constant 16 : i32
        %mul3A_732 = arith.muli %scan3A_71, %mul3A_731 : i32
        %add3A_733 = arith.constant 14 : i32
        %add3A_734 = arith.addi %mul3A_732, %add3A_733 : i32
        %get3A_735 = arith.index_cast %add3A_734 : i32 to index
        %get3A_736 = arith.constant 0 : index
        %get3A_737 = tpu.vector_load %arg10[%get3A_735, %get3A_736] {strides = array<i32>} : memref<128x128xf32, #tpu.memory_space<vmem>>, vector<16xf32>,
        %mul3A_738 = arith.mulf %get3A_737, %broadcast_in_dim3A_730 : vector<16xf32>
        %swap3A_739 = arith.index_cast %add3A_734 : i32 to index
        %swap3A_740 = arith.constant 0 : index
        %swap3A_741 = tpu.vector_load %arg10[%swap3A_739, %swap3A_740] {strides = array<i32>} : memref<128x128xf32, #tpu.memory_space<vmem>>, vector<16xf32>,
        tpu.vector_store %arg10[%swap3A_739, %swap3A_740], %mul3A_738 {strides = array<i32>} : memref<128x128xf32, #tpu.memory_space<vmem>>, vector<16xf32>,
        %get3A_742 = arith.index_cast %add3A_734 : i32 to index
        %get3A_743 = arith.constant 16 : index
        %get3A_744 = tpu.vector_load %arg10[%get3A_742, %get3A_743] {strides = array<i32>} : memref<128x128xf32, #tpu.memory_space<vmem>>, vector<16xf32>,
        %mul3A_745 = arith.mulf %get3A_744, %broadcast_in_dim3A_730 : vector<16xf32>
        %swap3A_746 = arith.index_cast %add3A_734 : i32 to index
        %swap3A_747 = arith.constant 16 : index
        %swap3A_748 = tpu.vector_load %arg10[%swap3A_746, %swap3A_747] {strides = array<i32>} : memref<128x128xf32, #tpu.memory_space<vmem>>, vector<16xf32>,
        tpu.vector_store %arg10[%swap3A_746, %swap3A_747], %mul3A_745 {strides = array<i32>} : memref<128x128xf32, #tpu.memory_space<vmem>>, vector<16xf32>,
        %get3A_749 = arith.index_cast %add3A_734 : i32 to index
        %get3A_750 = arith.constant 32 : index
        %get3A_751 = tpu.vector_load %arg10[%get3A_749, %get3A_750] {strides = array<i32>} : memref<128x128xf32, #tpu.memory_space<vmem>>, vector<16xf32>,
        %mul3A_752 = arith.mulf %get3A_751, %broadcast_in_dim3A_730 : vector<16xf32>
        %swap3A_753 = arith.index_cast %add3A_734 : i32 to index
        %swap3A_754 = arith.constant 32 : index
        %swap3A_755 = tpu.vector_load %arg10[%swap3A_753, %swap3A_754] {strides = array<i32>} : memref<128x128xf32, #tpu.memory_space<vmem>>, vector<16xf32>,
        tpu.vector_store %arg10[%swap3A_753, %swap3A_754], %mul3A_752 {strides = array<i32>} : memref<128x128xf32, #tpu.memory_space<vmem>>, vector<16xf32>,
        %get3A_756 = arith.index_cast %add3A_734 : i32 to index
        %get3A_757 = arith.constant 48 : index
        %get3A_758 = tpu.vector_load %arg10[%get3A_756, %get3A_757] {strides = array<i32>} : memref<128x128xf32, #tpu.memory_space<vmem>>, vector<16xf32>,
        %mul3A_759 = arith.mulf %get3A_758, %broadcast_in_dim3A_730 : vector<16xf32>
        %swap3A_760 = arith.index_cast %add3A_734 : i32 to index
        %swap3A_761 = arith.constant 48 : index
        %swap3A_762 = tpu.vector_load %arg10[%swap3A_760, %swap3A_761] {strides = array<i32>} : memref<128x128xf32, #tpu.memory_space<vmem>>, vector<16xf32>,
        tpu.vector_store %arg10[%swap3A_760, %swap3A_761], %mul3A_759 {strides = array<i32>} : memref<128x128xf32, #tpu.memory_space<vmem>>, vector<16xf32>,
        %eq3A_763 = arith.constant 15 : i32
        %eq3A_764 = vector.broadcast %eq3A_763 : i32 to vector<16xi32>
        %eq3A_765 = arith.cmpi eq, %iota3A, %eq3A_764 : vector<16xi32>
        %jit3A_766 = arith.constant 1.000000e+00 : f32
        %jit3A_767 = arith.constant 0.000000e+00 : f32
        %broadcast_in_dim3A_768 = vector.broadcast %jit3A_766 : f32 to vector<16xf32>
        %broadcast_in_dim3A_769 = vector.broadcast %jit3A_767 : f32 to vector<16xf32>
        %select_n3A_770 = arith.select %eq3A_765, %broadcast_in_dim3A_768, %broadcast_in_dim3A_769 : vector<16xi1>, vector<16xf32>
        %mul3A_771 = arith.mulf %get3A_78, %select_n3A_770 : vector<16xf32>
        %reduce_sum3A_772 = arith.constant true
        %reduce_sum3A_773 = vector.broadcast %reduce_sum3A_772 : i1 to vector<16xi1>
        %reduce_sum3A_774 = tpu.scan <sum>, %mul3A_771 masked %reduce_sum3A_773 : vector<16xf32>, vector<16xi1> -> vector<16xf32>
        %reduce_sum3A_775 = vector.extract %reduce_sum3A_774[15] : f32 from vector<16xf32>
        %broadcast_in_dim3A_776 = vector.broadcast %reduce_sum3A_775 : f32 to vector<16xf32>
        %mul3A_777 = arith.constant 16 : i32
        %mul3A_778 = arith.muli %scan3A_71, %mul3A_777 : i32
        %add3A_779 = arith.constant 15 : i32
        %add3A_780 = arith.addi %mul3A_778, %add3A_779 : i32
        %get3A_781 = arith.index_cast %add3A_780 : i32 to index
        %get3A_782 = arith.constant 0 : index
        %get3A_783 = tpu.vector_load %arg10[%get3A_781, %get3A_782] {strides = array<i32>} : memref<128x128xf32, #tpu.memory_space<vmem>>, vector<16xf32>,
        %mul3A_784 = arith.mulf %get3A_783, %broadcast_in_dim3A_776 : vector<16xf32>
        %swap3A_785 = arith.index_cast %add3A_780 : i32 to index
        %swap3A_786 = arith.constant 0 : index
        %swap3A_787 = tpu.vector_load %arg10[%swap3A_785, %swap3A_786] {strides = array<i32>} : memref<128x128xf32, #tpu.memory_space<vmem>>, vector<16xf32>,
        tpu.vector_store %arg10[%swap3A_785, %swap3A_786], %mul3A_784 {strides = array<i32>} : memref<128x128xf32, #tpu.memory_space<vmem>>, vector<16xf32>,
        %get3A_788 = arith.index_cast %add3A_780 : i32 to index
        %get3A_789 = arith.constant 16 : index
        %get3A_790 = tpu.vector_load %arg10[%get3A_788, %get3A_789] {strides = array<i32>} : memref<128x128xf32, #tpu.memory_space<vmem>>, vector<16xf32>,
        %mul3A_791 = arith.mulf %get3A_790, %broadcast_in_dim3A_776 : vector<16xf32>
        %swap3A_792 = arith.index_cast %add3A_780 : i32 to index
        %swap3A_793 = arith.constant 16 : index
        %swap3A_794 = tpu.vector_load %arg10[%swap3A_792, %swap3A_793] {strides = array<i32>} : memref<128x128xf32, #tpu.memory_space<vmem>>, vector<16xf32>,
        tpu.vector_store %arg10[%swap3A_792, %swap3A_793], %mul3A_791 {strides = array<i32>} : memref<128x128xf32, #tpu.memory_space<vmem>>, vector<16xf32>,
        %get3A_795 = arith.index_cast %add3A_780 : i32 to index
        %get3A_796 = arith.constant 32 : index
        %get3A_797 = tpu.vector_load %arg10[%get3A_795, %get3A_796] {strides = array<i32>} : memref<128x128xf32, #tpu.memory_space<vmem>>, vector<16xf32>,
        %mul3A_798 = arith.mulf %get3A_797, %broadcast_in_dim3A_776 : vector<16xf32>
        %swap3A_799 = arith.index_cast %add3A_780 : i32 to index
        %swap3A_800 = arith.constant 32 : index
        %swap3A_801 = tpu.vector_load %arg10[%swap3A_799, %swap3A_800] {strides = array<i32>} : memref<128x128xf32, #tpu.memory_space<vmem>>, vector<16xf32>,
        tpu.vector_store %arg10[%swap3A_799, %swap3A_800], %mul3A_798 {strides = array<i32>} : memref<128x128xf32, #tpu.memory_space<vmem>>, vector<16xf32>,
        %get3A_802 = arith.index_cast %add3A_780 : i32 to index
        %get3A_803 = arith.constant 48 : index
        %get3A_804 = tpu.vector_load %arg10[%get3A_802, %get3A_803] {strides = array<i32>} : memref<128x128xf32, #tpu.memory_space<vmem>>, vector<16xf32>,
        %mul3A_805 = arith.mulf %get3A_804, %broadcast_in_dim3A_776 : vector<16xf32>
        %swap3A_806 = arith.index_cast %add3A_780 : i32 to index
        %swap3A_807 = arith.constant 48 : index
        %swap3A_808 = tpu.vector_load %arg10[%swap3A_806, %swap3A_807] {strides = array<i32>} : memref<128x128xf32, #tpu.memory_space<vmem>>, vector<16xf32>,
        tpu.vector_store %arg10[%swap3A_806, %swap3A_807], %mul3A_805 {strides = array<i32>} : memref<128x128xf32, #tpu.memory_space<vmem>>, vector<16xf32>,
        %scan3A_809 = arith.constant 0 : i32
        scf.yield %scan3A_809 : i32
      }
      %scan3A_50 = arith.constant 8 : i32
      "tpu.region"() ({
        %run_scoped3A = tpu.sem_alloc : memref<!tpu.dma_semaphore, #tpu.memory_space<semaphore_mem>>
        %dma_start3A_71 = arith.constant 0 : i32
        %dma_start3A_72 = tpu.memref_slice %arg8[%mul3A_30, %dma_start3A_71] : memref<32x128xi32, #tpu.memory_space<vmem>> -> memref<1x128xi32, #tpu.memory_space<vmem>>
        %dma_start3A_73 = tpu.memref_squeeze %dma_start3A_72 : memref<1x128xi32, #tpu.memory_space<vmem>> -> memref<128xi32, #tpu.memory_space<vmem>>
        %dma_start3A_74 = arith.constant 0 : i32
        %dma_start3A_75 = arith.constant 0 : i32
        %dma_start3A_76 = tpu.memref_slice %arg12[%dma_start3A_74, %dma_start3A_75] : memref<2048x128xf32, #tpu.memory_space<vmem_shared>> -> memref<2048x128xf32, #tpu.memory_space<vmem_shared>>
        tpu.enqueue_indirect_dma source(%arg10 : memref<128x128xf32, #tpu.memory_space<vmem>>) target(%dma_start3A_76 : memref<2048x128xf32, #tpu.memory_space<vmem_shared>>) offsets(%dma_start3A_73 : memref<128xi32, #tpu.memory_space<vmem>>) semaphore(%run_scoped3A : memref<!tpu.dma_semaphore, #tpu.memory_space<semaphore_mem>>) {add = true}
        %dma_wait3A_77 = arith.constant 0 : i32
        %dma_wait3A_78 = tpu.memref_slice %arg8[%mul3A_30, %dma_wait3A_77] : memref<32x128xi32, #tpu.memory_space<vmem>> -> memref<1x128xi32, #tpu.memory_space<vmem>>
        %dma_wait3A_79 = tpu.memref_squeeze %dma_wait3A_78 : memref<1x128xi32, #tpu.memory_space<vmem>> -> memref<128xi32, #tpu.memory_space<vmem>>
        %dma_wait3A_80 = arith.constant 0 : i32
        %dma_wait3A_81 = arith.constant 0 : i32
        %dma_wait3A_82 = tpu.memref_slice %arg12[%dma_wait3A_80, %dma_wait3A_81] : memref<2048x128xf32, #tpu.memory_space<vmem_shared>> -> memref<2048x128xf32, #tpu.memory_space<vmem_shared>>
        tpu.wait_indirect_dma semaphore(%run_scoped3A : memref<!tpu.dma_semaphore, #tpu.memory_space<semaphore_mem>>) src(%arg10 : memref<128x128xf32, #tpu.memory_space<vmem>>) dst(%dma_wait3A_82 : memref<2048x128xf32, #tpu.memory_space<vmem_shared>>)
        tpu.yield
      }) : () -> ()
      %add3A_51 = arith.constant 1 : i32
      %add3A_52 = arith.addi %mul3A_30, %add3A_51 : i32
      %dma_wait3A_53 = arith.constant 0 : i32
      %dma_wait3A_54 = tpu.memref_slice %arg7[%add3A_52, %dma_wait3A_53] : memref<32x128xi32, #tpu.memory_space<vmem>> -> memref<1x128xi32, #tpu.memory_space<vmem>>
      %dma_wait3A_55 = tpu.memref_squeeze %dma_wait3A_54 : memref<1x128xi32, #tpu.memory_space<vmem>> -> memref<128xi32, #tpu.memory_space<vmem>>
      %dma_wait3A_56 = arith.constant 0 : i32
      %dma_wait3A_57 = arith.constant 0 : i32
      %dma_wait3A_58 = tpu.memref_slice %arg2[%dma_wait3A_56, %dma_wait3A_57] : memref<2048x128xf32, #tpu.memory_space<hbm>> -> memref<2048x128xf32, #tpu.memory_space<hbm>>
      tpu.wait_indirect_dma semaphore(%arg14 : memref<!tpu.dma_semaphore, #tpu.memory_space<semaphore_mem>>) src(%dma_wait3A_58 : memref<2048x128xf32, #tpu.memory_space<hbm>>) dst(%arg11 : memref<128x128xf32, #tpu.memory_space<vmem>>)
      %lt3A = arith.constant 15 : i32
      %lt3A_59 = arith.cmpi slt, %scan3A_27, %lt3A : i32
      %convert_element_type3A = arith.extui %lt3A_59 : i1 to i32
      %cond3A = arith.constant 0 : i32
      %cond3A_60 = arith.cmpi ne, %convert_element_type3A, %cond3A : i32
      scf.if %cond3A_60 {
        %add3A_71 = arith.constant 2 : i32
        %add3A_72 = arith.addi %mul3A_30, %add3A_71 : i32
        %dma_start3A_73 = arith.constant 0 : i32
        %dma_start3A_74 = tpu.memref_slice %arg7[%add3A_72, %dma_start3A_73] : memref<32x128xi32, #tpu.memory_space<vmem>> -> memref<1x128xi32, #tpu.memory_space<vmem>>
        %dma_start3A_75 = tpu.memref_squeeze %dma_start3A_74 : memref<1x128xi32, #tpu.memory_space<vmem>> -> memref<128xi32, #tpu.memory_space<vmem>>
        %dma_start3A_76 = arith.constant 0 : i32
        %dma_start3A_77 = arith.constant 0 : i32
        %dma_start3A_78 = tpu.memref_slice %arg2[%dma_start3A_76, %dma_start3A_77] : memref<2048x128xf32, #tpu.memory_space<hbm>> -> memref<2048x128xf32, #tpu.memory_space<hbm>>
        tpu.enqueue_indirect_dma source(%dma_start3A_78 : memref<2048x128xf32, #tpu.memory_space<hbm>>) target(%arg10 : memref<128x128xf32, #tpu.memory_space<vmem>>) offsets(%dma_start3A_75 : memref<128xi32, #tpu.memory_space<vmem>>) semaphore(%arg13 : memref<!tpu.dma_semaphore, #tpu.memory_space<semaphore_mem>>)
      } else {
      }
      %add3A_61 = arith.constant 1 : i32
      %add3A_62 = arith.addi %mul3A_30, %add3A_61 : i32
      %scan3A_63 = arith.constant 0 : i32
      %scan3A_64 = arith.constant 0 : i32
      %scan3A_65 = arith.constant 8 : i32
      %scan3A_66 = arith.addi %scan3A_64, %scan3A_65 : i32
      %scan3A_67 = arith.constant 1 : i32
      %scan3A_68 = scf.for %scan3A_71 = %scan3A_64 to %scan3A_66 step %scan3A_67 iter_args(%scan3A_72 = %scan3A_63) -> (i32)  : i32 {
        %mul3A_73 = arith.constant 128 : i32
        %mul3A_74 = arith.muli %add3A_62, %mul3A_73 : i32
        %mul3A_75 = arith.constant 16 : i32
        %mul3A_76 = arith.muli %scan3A_71, %mul3A_75 : i32
        %add3A_77 = arith.addi %mul3A_74, %mul3A_76 : i32
        %get3A = arith.index_cast %add3A_77 : i32 to index
        %get3A_78 = tpu.vector_load %arg9[%get3A] {strides = array<i32>} : memref<4096xf32, #tpu.memory_space<vmem>>, vector<16xf32>,
        %eq3A = arith.constant 0 : i32
        %eq3A_79 = vector.broadcast %eq3A : i32 to vector<16xi32>
        %eq3A_80 = arith.cmpi eq, %iota3A, %eq3A_79 : vector<16xi32>
        %jit3A = arith.constant 1.000000e+00 : f32
        %jit3A_81 = arith.constant 0.000000e+00 : f32
        %broadcast_in_dim3A = vector.broadcast %jit3A : f32 to vector<16xf32>
        %broadcast_in_dim3A_82 = vector.broadcast %jit3A_81 : f32 to vector<16xf32>
        %select_n3A = arith.select %eq3A_80, %broadcast_in_dim3A, %broadcast_in_dim3A_82 : vector<16xi1>, vector<16xf32>
        %mul3A_83 = arith.mulf %get3A_78, %select_n3A : vector<16xf32>
        %reduce_sum3A = arith.constant true
        %reduce_sum3A_84 = vector.broadcast %reduce_sum3A : i1 to vector<16xi1>
        %reduce_sum3A_85 = tpu.scan <sum>, %mul3A_83 masked %reduce_sum3A_84 : vector<16xf32>, vector<16xi1> -> vector<16xf32>
        %reduce_sum3A_86 = vector.extract %reduce_sum3A_85[15] : f32 from vector<16xf32>
        %broadcast_in_dim3A_87 = vector.broadcast %reduce_sum3A_86 : f32 to vector<16xf32>
        %mul3A_88 = arith.constant 16 : i32
        %mul3A_89 = arith.muli %scan3A_71, %mul3A_88 : i32
        %add3A_90 = arith.constant 0 : i32
        %add3A_91 = arith.addi %mul3A_89, %add3A_90 : i32
        %get3A_92 = arith.index_cast %add3A_91 : i32 to index
        %get3A_93 = arith.constant 0 : index
        %get3A_94 = tpu.vector_load %arg11[%get3A_92, %get3A_93] {strides = array<i32>} : memref<128x128xf32, #tpu.memory_space<vmem>>, vector<16xf32>,
        %mul3A_95 = arith.mulf %get3A_94, %broadcast_in_dim3A_87 : vector<16xf32>
        %swap3A = arith.index_cast %add3A_91 : i32 to index
        %swap3A_96 = arith.constant 0 : index
        %swap3A_97 = tpu.vector_load %arg11[%swap3A, %swap3A_96] {strides = array<i32>} : memref<128x128xf32, #tpu.memory_space<vmem>>, vector<16xf32>,
        tpu.vector_store %arg11[%swap3A, %swap3A_96], %mul3A_95 {strides = array<i32>} : memref<128x128xf32, #tpu.memory_space<vmem>>, vector<16xf32>,
        %get3A_98 = arith.index_cast %add3A_91 : i32 to index
        %get3A_99 = arith.constant 16 : index
        %get3A_100 = tpu.vector_load %arg11[%get3A_98, %get3A_99] {strides = array<i32>} : memref<128x128xf32, #tpu.memory_space<vmem>>, vector<16xf32>,
        %mul3A_101 = arith.mulf %get3A_100, %broadcast_in_dim3A_87 : vector<16xf32>
        %swap3A_102 = arith.index_cast %add3A_91 : i32 to index
        %swap3A_103 = arith.constant 16 : index
        %swap3A_104 = tpu.vector_load %arg11[%swap3A_102, %swap3A_103] {strides = array<i32>} : memref<128x128xf32, #tpu.memory_space<vmem>>, vector<16xf32>,
        tpu.vector_store %arg11[%swap3A_102, %swap3A_103], %mul3A_101 {strides = array<i32>} : memref<128x128xf32, #tpu.memory_space<vmem>>, vector<16xf32>,
        %get3A_105 = arith.index_cast %add3A_91 : i32 to index
        %get3A_106 = arith.constant 32 : index
        %get3A_107 = tpu.vector_load %arg11[%get3A_105, %get3A_106] {strides = array<i32>} : memref<128x128xf32, #tpu.memory_space<vmem>>, vector<16xf32>,
        %mul3A_108 = arith.mulf %get3A_107, %broadcast_in_dim3A_87 : vector<16xf32>
        %swap3A_109 = arith.index_cast %add3A_91 : i32 to index
        %swap3A_110 = arith.constant 32 : index
        %swap3A_111 = tpu.vector_load %arg11[%swap3A_109, %swap3A_110] {strides = array<i32>} : memref<128x128xf32, #tpu.memory_space<vmem>>, vector<16xf32>,
        tpu.vector_store %arg11[%swap3A_109, %swap3A_110], %mul3A_108 {strides = array<i32>} : memref<128x128xf32, #tpu.memory_space<vmem>>, vector<16xf32>,
        %get3A_112 = arith.index_cast %add3A_91 : i32 to index
        %get3A_113 = arith.constant 48 : index
        %get3A_114 = tpu.vector_load %arg11[%get3A_112, %get3A_113] {strides = array<i32>} : memref<128x128xf32, #tpu.memory_space<vmem>>, vector<16xf32>,
        %mul3A_115 = arith.mulf %get3A_114, %broadcast_in_dim3A_87 : vector<16xf32>
        %swap3A_116 = arith.index_cast %add3A_91 : i32 to index
        %swap3A_117 = arith.constant 48 : index
        %swap3A_118 = tpu.vector_load %arg11[%swap3A_116, %swap3A_117] {strides = array<i32>} : memref<128x128xf32, #tpu.memory_space<vmem>>, vector<16xf32>,
        tpu.vector_store %arg11[%swap3A_116, %swap3A_117], %mul3A_115 {strides = array<i32>} : memref<128x128xf32, #tpu.memory_space<vmem>>, vector<16xf32>,
        %eq3A_119 = arith.constant 1 : i32
        %eq3A_120 = vector.broadcast %eq3A_119 : i32 to vector<16xi32>
        %eq3A_121 = arith.cmpi eq, %iota3A, %eq3A_120 : vector<16xi32>
        %jit3A_122 = arith.constant 1.000000e+00 : f32
        %jit3A_123 = arith.constant 0.000000e+00 : f32
        %broadcast_in_dim3A_124 = vector.broadcast %jit3A_122 : f32 to vector<16xf32>
        %broadcast_in_dim3A_125 = vector.broadcast %jit3A_123 : f32 to vector<16xf32>
        %select_n3A_126 = arith.select %eq3A_121, %broadcast_in_dim3A_124, %broadcast_in_dim3A_125 : vector<16xi1>, vector<16xf32>
        %mul3A_127 = arith.mulf %get3A_78, %select_n3A_126 : vector<16xf32>
        %reduce_sum3A_128 = arith.constant true
        %reduce_sum3A_129 = vector.broadcast %reduce_sum3A_128 : i1 to vector<16xi1>
        %reduce_sum3A_130 = tpu.scan <sum>, %mul3A_127 masked %reduce_sum3A_129 : vector<16xf32>, vector<16xi1> -> vector<16xf32>
        %reduce_sum3A_131 = vector.extract %reduce_sum3A_130[15] : f32 from vector<16xf32>
        %broadcast_in_dim3A_132 = vector.broadcast %reduce_sum3A_131 : f32 to vector<16xf32>
        %mul3A_133 = arith.constant 16 : i32
        %mul3A_134 = arith.muli %scan3A_71, %mul3A_133 : i32
        %add3A_135 = arith.constant 1 : i32
        %add3A_136 = arith.addi %mul3A_134, %add3A_135 : i32
        %get3A_137 = arith.index_cast %add3A_136 : i32 to index
        %get3A_138 = arith.constant 0 : index
        %get3A_139 = tpu.vector_load %arg11[%get3A_137, %get3A_138] {strides = array<i32>} : memref<128x128xf32, #tpu.memory_space<vmem>>, vector<16xf32>,
        %mul3A_140 = arith.mulf %get3A_139, %broadcast_in_dim3A_132 : vector<16xf32>
        %swap3A_141 = arith.index_cast %add3A_136 : i32 to index
        %swap3A_142 = arith.constant 0 : index
        %swap3A_143 = tpu.vector_load %arg11[%swap3A_141, %swap3A_142] {strides = array<i32>} : memref<128x128xf32, #tpu.memory_space<vmem>>, vector<16xf32>,
        tpu.vector_store %arg11[%swap3A_141, %swap3A_142], %mul3A_140 {strides = array<i32>} : memref<128x128xf32, #tpu.memory_space<vmem>>, vector<16xf32>,
        %get3A_144 = arith.index_cast %add3A_136 : i32 to index
        %get3A_145 = arith.constant 16 : index
        %get3A_146 = tpu.vector_load %arg11[%get3A_144, %get3A_145] {strides = array<i32>} : memref<128x128xf32, #tpu.memory_space<vmem>>, vector<16xf32>,
        %mul3A_147 = arith.mulf %get3A_146, %broadcast_in_dim3A_132 : vector<16xf32>
        %swap3A_148 = arith.index_cast %add3A_136 : i32 to index
        %swap3A_149 = arith.constant 16 : index
        %swap3A_150 = tpu.vector_load %arg11[%swap3A_148, %swap3A_149] {strides = array<i32>} : memref<128x128xf32, #tpu.memory_space<vmem>>, vector<16xf32>,
        tpu.vector_store %arg11[%swap3A_148, %swap3A_149], %mul3A_147 {strides = array<i32>} : memref<128x128xf32, #tpu.memory_space<vmem>>, vector<16xf32>,
        %get3A_151 = arith.index_cast %add3A_136 : i32 to index
        %get3A_152 = arith.constant 32 : index
        %get3A_153 = tpu.vector_load %arg11[%get3A_151, %get3A_152] {strides = array<i32>} : memref<128x128xf32, #tpu.memory_space<vmem>>, vector<16xf32>,
        %mul3A_154 = arith.mulf %get3A_153, %broadcast_in_dim3A_132 : vector<16xf32>
        %swap3A_155 = arith.index_cast %add3A_136 : i32 to index
        %swap3A_156 = arith.constant 32 : index
        %swap3A_157 = tpu.vector_load %arg11[%swap3A_155, %swap3A_156] {strides = array<i32>} : memref<128x128xf32, #tpu.memory_space<vmem>>, vector<16xf32>,
        tpu.vector_store %arg11[%swap3A_155, %swap3A_156], %mul3A_154 {strides = array<i32>} : memref<128x128xf32, #tpu.memory_space<vmem>>, vector<16xf32>,
        %get3A_158 = arith.index_cast %add3A_136 : i32 to index
        %get3A_159 = arith.constant 48 : index
        %get3A_160 = tpu.vector_load %arg11[%get3A_158, %get3A_159] {strides = array<i32>} : memref<128x128xf32, #tpu.memory_space<vmem>>, vector<16xf32>,
        %mul3A_161 = arith.mulf %get3A_160, %broadcast_in_dim3A_132 : vector<16xf32>
        %swap3A_162 = arith.index_cast %add3A_136 : i32 to index
        %swap3A_163 = arith.constant 48 : index
        %swap3A_164 = tpu.vector_load %arg11[%swap3A_162, %swap3A_163] {strides = array<i32>} : memref<128x128xf32, #tpu.memory_space<vmem>>, vector<16xf32>,
        tpu.vector_store %arg11[%swap3A_162, %swap3A_163], %mul3A_161 {strides = array<i32>} : memref<128x128xf32, #tpu.memory_space<vmem>>, vector<16xf32>,
        %eq3A_165 = arith.constant 2 : i32
        %eq3A_166 = vector.broadcast %eq3A_165 : i32 to vector<16xi32>
        %eq3A_167 = arith.cmpi eq, %iota3A, %eq3A_166 : vector<16xi32>
        %jit3A_168 = arith.constant 1.000000e+00 : f32
        %jit3A_169 = arith.constant 0.000000e+00 : f32
        %broadcast_in_dim3A_170 = vector.broadcast %jit3A_168 : f32 to vector<16xf32>
        %broadcast_in_dim3A_171 = vector.broadcast %jit3A_169 : f32 to vector<16xf32>
        %select_n3A_172 = arith.select %eq3A_167, %broadcast_in_dim3A_170, %broadcast_in_dim3A_171 : vector<16xi1>, vector<16xf32>
        %mul3A_173 = arith.mulf %get3A_78, %select_n3A_172 : vector<16xf32>
        %reduce_sum3A_174 = arith.constant true
        %reduce_sum3A_175 = vector.broadcast %reduce_sum3A_174 : i1 to vector<16xi1>
        %reduce_sum3A_176 = tpu.scan <sum>, %mul3A_173 masked %reduce_sum3A_175 : vector<16xf32>, vector<16xi1> -> vector<16xf32>
        %reduce_sum3A_177 = vector.extract %reduce_sum3A_176[15] : f32 from vector<16xf32>
        %broadcast_in_dim3A_178 = vector.broadcast %reduce_sum3A_177 : f32 to vector<16xf32>
        %mul3A_179 = arith.constant 16 : i32
        %mul3A_180 = arith.muli %scan3A_71, %mul3A_179 : i32
        %add3A_181 = arith.constant 2 : i32
        %add3A_182 = arith.addi %mul3A_180, %add3A_181 : i32
        %get3A_183 = arith.index_cast %add3A_182 : i32 to index
        %get3A_184 = arith.constant 0 : index
        %get3A_185 = tpu.vector_load %arg11[%get3A_183, %get3A_184] {strides = array<i32>} : memref<128x128xf32, #tpu.memory_space<vmem>>, vector<16xf32>,
        %mul3A_186 = arith.mulf %get3A_185, %broadcast_in_dim3A_178 : vector<16xf32>
        %swap3A_187 = arith.index_cast %add3A_182 : i32 to index
        %swap3A_188 = arith.constant 0 : index
        %swap3A_189 = tpu.vector_load %arg11[%swap3A_187, %swap3A_188] {strides = array<i32>} : memref<128x128xf32, #tpu.memory_space<vmem>>, vector<16xf32>,
        tpu.vector_store %arg11[%swap3A_187, %swap3A_188], %mul3A_186 {strides = array<i32>} : memref<128x128xf32, #tpu.memory_space<vmem>>, vector<16xf32>,
        %get3A_190 = arith.index_cast %add3A_182 : i32 to index
        %get3A_191 = arith.constant 16 : index
        %get3A_192 = tpu.vector_load %arg11[%get3A_190, %get3A_191] {strides = array<i32>} : memref<128x128xf32, #tpu.memory_space<vmem>>, vector<16xf32>,
        %mul3A_193 = arith.mulf %get3A_192, %broadcast_in_dim3A_178 : vector<16xf32>
        %swap3A_194 = arith.index_cast %add3A_182 : i32 to index
        %swap3A_195 = arith.constant 16 : index
        %swap3A_196 = tpu.vector_load %arg11[%swap3A_194, %swap3A_195] {strides = array<i32>} : memref<128x128xf32, #tpu.memory_space<vmem>>, vector<16xf32>,
        tpu.vector_store %arg11[%swap3A_194, %swap3A_195], %mul3A_193 {strides = array<i32>} : memref<128x128xf32, #tpu.memory_space<vmem>>, vector<16xf32>,
        %get3A_197 = arith.index_cast %add3A_182 : i32 to index
        %get3A_198 = arith.constant 32 : index
        %get3A_199 = tpu.vector_load %arg11[%get3A_197, %get3A_198] {strides = array<i32>} : memref<128x128xf32, #tpu.memory_space<vmem>>, vector<16xf32>,
        %mul3A_200 = arith.mulf %get3A_199, %broadcast_in_dim3A_178 : vector<16xf32>
        %swap3A_201 = arith.index_cast %add3A_182 : i32 to index
        %swap3A_202 = arith.constant 32 : index
        %swap3A_203 = tpu.vector_load %arg11[%swap3A_201, %swap3A_202] {strides = array<i32>} : memref<128x128xf32, #tpu.memory_space<vmem>>, vector<16xf32>,
        tpu.vector_store %arg11[%swap3A_201, %swap3A_202], %mul3A_200 {strides = array<i32>} : memref<128x128xf32, #tpu.memory_space<vmem>>, vector<16xf32>,
        %get3A_204 = arith.index_cast %add3A_182 : i32 to index
        %get3A_205 = arith.constant 48 : index
        %get3A_206 = tpu.vector_load %arg11[%get3A_204, %get3A_205] {strides = array<i32>} : memref<128x128xf32, #tpu.memory_space<vmem>>, vector<16xf32>,
        %mul3A_207 = arith.mulf %get3A_206, %broadcast_in_dim3A_178 : vector<16xf32>
        %swap3A_208 = arith.index_cast %add3A_182 : i32 to index
        %swap3A_209 = arith.constant 48 : index
        %swap3A_210 = tpu.vector_load %arg11[%swap3A_208, %swap3A_209] {strides = array<i32>} : memref<128x128xf32, #tpu.memory_space<vmem>>, vector<16xf32>,
        tpu.vector_store %arg11[%swap3A_208, %swap3A_209], %mul3A_207 {strides = array<i32>} : memref<128x128xf32, #tpu.memory_space<vmem>>, vector<16xf32>,
        %eq3A_211 = arith.constant 3 : i32
        %eq3A_212 = vector.broadcast %eq3A_211 : i32 to vector<16xi32>
        %eq3A_213 = arith.cmpi eq, %iota3A, %eq3A_212 : vector<16xi32>
        %jit3A_214 = arith.constant 1.000000e+00 : f32
        %jit3A_215 = arith.constant 0.000000e+00 : f32
        %broadcast_in_dim3A_216 = vector.broadcast %jit3A_214 : f32 to vector<16xf32>
        %broadcast_in_dim3A_217 = vector.broadcast %jit3A_215 : f32 to vector<16xf32>
        %select_n3A_218 = arith.select %eq3A_213, %broadcast_in_dim3A_216, %broadcast_in_dim3A_217 : vector<16xi1>, vector<16xf32>
        %mul3A_219 = arith.mulf %get3A_78, %select_n3A_218 : vector<16xf32>
        %reduce_sum3A_220 = arith.constant true
        %reduce_sum3A_221 = vector.broadcast %reduce_sum3A_220 : i1 to vector<16xi1>
        %reduce_sum3A_222 = tpu.scan <sum>, %mul3A_219 masked %reduce_sum3A_221 : vector<16xf32>, vector<16xi1> -> vector<16xf32>
        %reduce_sum3A_223 = vector.extract %reduce_sum3A_222[15] : f32 from vector<16xf32>
        %broadcast_in_dim3A_224 = vector.broadcast %reduce_sum3A_223 : f32 to vector<16xf32>
        %mul3A_225 = arith.constant 16 : i32
        %mul3A_226 = arith.muli %scan3A_71, %mul3A_225 : i32
        %add3A_227 = arith.constant 3 : i32
        %add3A_228 = arith.addi %mul3A_226, %add3A_227 : i32
        %get3A_229 = arith.index_cast %add3A_228 : i32 to index
        %get3A_230 = arith.constant 0 : index
        %get3A_231 = tpu.vector_load %arg11[%get3A_229, %get3A_230] {strides = array<i32>} : memref<128x128xf32, #tpu.memory_space<vmem>>, vector<16xf32>,
        %mul3A_232 = arith.mulf %get3A_231, %broadcast_in_dim3A_224 : vector<16xf32>
        %swap3A_233 = arith.index_cast %add3A_228 : i32 to index
        %swap3A_234 = arith.constant 0 : index
        %swap3A_235 = tpu.vector_load %arg11[%swap3A_233, %swap3A_234] {strides = array<i32>} : memref<128x128xf32, #tpu.memory_space<vmem>>, vector<16xf32>,
        tpu.vector_store %arg11[%swap3A_233, %swap3A_234], %mul3A_232 {strides = array<i32>} : memref<128x128xf32, #tpu.memory_space<vmem>>, vector<16xf32>,
        %get3A_236 = arith.index_cast %add3A_228 : i32 to index
        %get3A_237 = arith.constant 16 : index
        %get3A_238 = tpu.vector_load %arg11[%get3A_236, %get3A_237] {strides = array<i32>} : memref<128x128xf32, #tpu.memory_space<vmem>>, vector<16xf32>,
        %mul3A_239 = arith.mulf %get3A_238, %broadcast_in_dim3A_224 : vector<16xf32>
        %swap3A_240 = arith.index_cast %add3A_228 : i32 to index
        %swap3A_241 = arith.constant 16 : index
        %swap3A_242 = tpu.vector_load %arg11[%swap3A_240, %swap3A_241] {strides = array<i32>} : memref<128x128xf32, #tpu.memory_space<vmem>>, vector<16xf32>,
        tpu.vector_store %arg11[%swap3A_240, %swap3A_241], %mul3A_239 {strides = array<i32>} : memref<128x128xf32, #tpu.memory_space<vmem>>, vector<16xf32>,
        %get3A_243 = arith.index_cast %add3A_228 : i32 to index
        %get3A_244 = arith.constant 32 : index
        %get3A_245 = tpu.vector_load %arg11[%get3A_243, %get3A_244] {strides = array<i32>} : memref<128x128xf32, #tpu.memory_space<vmem>>, vector<16xf32>,
        %mul3A_246 = arith.mulf %get3A_245, %broadcast_in_dim3A_224 : vector<16xf32>
        %swap3A_247 = arith.index_cast %add3A_228 : i32 to index
        %swap3A_248 = arith.constant 32 : index
        %swap3A_249 = tpu.vector_load %arg11[%swap3A_247, %swap3A_248] {strides = array<i32>} : memref<128x128xf32, #tpu.memory_space<vmem>>, vector<16xf32>,
        tpu.vector_store %arg11[%swap3A_247, %swap3A_248], %mul3A_246 {strides = array<i32>} : memref<128x128xf32, #tpu.memory_space<vmem>>, vector<16xf32>,
        %get3A_250 = arith.index_cast %add3A_228 : i32 to index
        %get3A_251 = arith.constant 48 : index
        %get3A_252 = tpu.vector_load %arg11[%get3A_250, %get3A_251] {strides = array<i32>} : memref<128x128xf32, #tpu.memory_space<vmem>>, vector<16xf32>,
        %mul3A_253 = arith.mulf %get3A_252, %broadcast_in_dim3A_224 : vector<16xf32>
        %swap3A_254 = arith.index_cast %add3A_228 : i32 to index
        %swap3A_255 = arith.constant 48 : index
        %swap3A_256 = tpu.vector_load %arg11[%swap3A_254, %swap3A_255] {strides = array<i32>} : memref<128x128xf32, #tpu.memory_space<vmem>>, vector<16xf32>,
        tpu.vector_store %arg11[%swap3A_254, %swap3A_255], %mul3A_253 {strides = array<i32>} : memref<128x128xf32, #tpu.memory_space<vmem>>, vector<16xf32>,
        %eq3A_257 = arith.constant 4 : i32
        %eq3A_258 = vector.broadcast %eq3A_257 : i32 to vector<16xi32>
        %eq3A_259 = arith.cmpi eq, %iota3A, %eq3A_258 : vector<16xi32>
        %jit3A_260 = arith.constant 1.000000e+00 : f32
        %jit3A_261 = arith.constant 0.000000e+00 : f32
        %broadcast_in_dim3A_262 = vector.broadcast %jit3A_260 : f32 to vector<16xf32>
        %broadcast_in_dim3A_263 = vector.broadcast %jit3A_261 : f32 to vector<16xf32>
        %select_n3A_264 = arith.select %eq3A_259, %broadcast_in_dim3A_262, %broadcast_in_dim3A_263 : vector<16xi1>, vector<16xf32>
        %mul3A_265 = arith.mulf %get3A_78, %select_n3A_264 : vector<16xf32>
        %reduce_sum3A_266 = arith.constant true
        %reduce_sum3A_267 = vector.broadcast %reduce_sum3A_266 : i1 to vector<16xi1>
        %reduce_sum3A_268 = tpu.scan <sum>, %mul3A_265 masked %reduce_sum3A_267 : vector<16xf32>, vector<16xi1> -> vector<16xf32>
        %reduce_sum3A_269 = vector.extract %reduce_sum3A_268[15] : f32 from vector<16xf32>
        %broadcast_in_dim3A_270 = vector.broadcast %reduce_sum3A_269 : f32 to vector<16xf32>
        %mul3A_271 = arith.constant 16 : i32
        %mul3A_272 = arith.muli %scan3A_71, %mul3A_271 : i32
        %add3A_273 = arith.constant 4 : i32
        %add3A_274 = arith.addi %mul3A_272, %add3A_273 : i32
        %get3A_275 = arith.index_cast %add3A_274 : i32 to index
        %get3A_276 = arith.constant 0 : index
        %get3A_277 = tpu.vector_load %arg11[%get3A_275, %get3A_276] {strides = array<i32>} : memref<128x128xf32, #tpu.memory_space<vmem>>, vector<16xf32>,
        %mul3A_278 = arith.mulf %get3A_277, %broadcast_in_dim3A_270 : vector<16xf32>
        %swap3A_279 = arith.index_cast %add3A_274 : i32 to index
        %swap3A_280 = arith.constant 0 : index
        %swap3A_281 = tpu.vector_load %arg11[%swap3A_279, %swap3A_280] {strides = array<i32>} : memref<128x128xf32, #tpu.memory_space<vmem>>, vector<16xf32>,
        tpu.vector_store %arg11[%swap3A_279, %swap3A_280], %mul3A_278 {strides = array<i32>} : memref<128x128xf32, #tpu.memory_space<vmem>>, vector<16xf32>,
        %get3A_282 = arith.index_cast %add3A_274 : i32 to index
        %get3A_283 = arith.constant 16 : index
        %get3A_284 = tpu.vector_load %arg11[%get3A_282, %get3A_283] {strides = array<i32>} : memref<128x128xf32, #tpu.memory_space<vmem>>, vector<16xf32>,
        %mul3A_285 = arith.mulf %get3A_284, %broadcast_in_dim3A_270 : vector<16xf32>
        %swap3A_286 = arith.index_cast %add3A_274 : i32 to index
        %swap3A_287 = arith.constant 16 : index
        %swap3A_288 = tpu.vector_load %arg11[%swap3A_286, %swap3A_287] {strides = array<i32>} : memref<128x128xf32, #tpu.memory_space<vmem>>, vector<16xf32>,
        tpu.vector_store %arg11[%swap3A_286, %swap3A_287], %mul3A_285 {strides = array<i32>} : memref<128x128xf32, #tpu.memory_space<vmem>>, vector<16xf32>,
        %get3A_289 = arith.index_cast %add3A_274 : i32 to index
        %get3A_290 = arith.constant 32 : index
        %get3A_291 = tpu.vector_load %arg11[%get3A_289, %get3A_290] {strides = array<i32>} : memref<128x128xf32, #tpu.memory_space<vmem>>, vector<16xf32>,
        %mul3A_292 = arith.mulf %get3A_291, %broadcast_in_dim3A_270 : vector<16xf32>
        %swap3A_293 = arith.index_cast %add3A_274 : i32 to index
        %swap3A_294 = arith.constant 32 : index
        %swap3A_295 = tpu.vector_load %arg11[%swap3A_293, %swap3A_294] {strides = array<i32>} : memref<128x128xf32, #tpu.memory_space<vmem>>, vector<16xf32>,
        tpu.vector_store %arg11[%swap3A_293, %swap3A_294], %mul3A_292 {strides = array<i32>} : memref<128x128xf32, #tpu.memory_space<vmem>>, vector<16xf32>,
        %get3A_296 = arith.index_cast %add3A_274 : i32 to index
        %get3A_297 = arith.constant 48 : index
        %get3A_298 = tpu.vector_load %arg11[%get3A_296, %get3A_297] {strides = array<i32>} : memref<128x128xf32, #tpu.memory_space<vmem>>, vector<16xf32>,
        %mul3A_299 = arith.mulf %get3A_298, %broadcast_in_dim3A_270 : vector<16xf32>
        %swap3A_300 = arith.index_cast %add3A_274 : i32 to index
        %swap3A_301 = arith.constant 48 : index
        %swap3A_302 = tpu.vector_load %arg11[%swap3A_300, %swap3A_301] {strides = array<i32>} : memref<128x128xf32, #tpu.memory_space<vmem>>, vector<16xf32>,
        tpu.vector_store %arg11[%swap3A_300, %swap3A_301], %mul3A_299 {strides = array<i32>} : memref<128x128xf32, #tpu.memory_space<vmem>>, vector<16xf32>,
        %eq3A_303 = arith.constant 5 : i32
        %eq3A_304 = vector.broadcast %eq3A_303 : i32 to vector<16xi32>
        %eq3A_305 = arith.cmpi eq, %iota3A, %eq3A_304 : vector<16xi32>
        %jit3A_306 = arith.constant 1.000000e+00 : f32
        %jit3A_307 = arith.constant 0.000000e+00 : f32
        %broadcast_in_dim3A_308 = vector.broadcast %jit3A_306 : f32 to vector<16xf32>
        %broadcast_in_dim3A_309 = vector.broadcast %jit3A_307 : f32 to vector<16xf32>
        %select_n3A_310 = arith.select %eq3A_305, %broadcast_in_dim3A_308, %broadcast_in_dim3A_309 : vector<16xi1>, vector<16xf32>
        %mul3A_311 = arith.mulf %get3A_78, %select_n3A_310 : vector<16xf32>
        %reduce_sum3A_312 = arith.constant true
        %reduce_sum3A_313 = vector.broadcast %reduce_sum3A_312 : i1 to vector<16xi1>
        %reduce_sum3A_314 = tpu.scan <sum>, %mul3A_311 masked %reduce_sum3A_313 : vector<16xf32>, vector<16xi1> -> vector<16xf32>
        %reduce_sum3A_315 = vector.extract %reduce_sum3A_314[15] : f32 from vector<16xf32>
        %broadcast_in_dim3A_316 = vector.broadcast %reduce_sum3A_315 : f32 to vector<16xf32>
        %mul3A_317 = arith.constant 16 : i32
        %mul3A_318 = arith.muli %scan3A_71, %mul3A_317 : i32
        %add3A_319 = arith.constant 5 : i32
        %add3A_320 = arith.addi %mul3A_318, %add3A_319 : i32
        %get3A_321 = arith.index_cast %add3A_320 : i32 to index
        %get3A_322 = arith.constant 0 : index
        %get3A_323 = tpu.vector_load %arg11[%get3A_321, %get3A_322] {strides = array<i32>} : memref<128x128xf32, #tpu.memory_space<vmem>>, vector<16xf32>,
        %mul3A_324 = arith.mulf %get3A_323, %broadcast_in_dim3A_316 : vector<16xf32>
        %swap3A_325 = arith.index_cast %add3A_320 : i32 to index
        %swap3A_326 = arith.constant 0 : index
        %swap3A_327 = tpu.vector_load %arg11[%swap3A_325, %swap3A_326] {strides = array<i32>} : memref<128x128xf32, #tpu.memory_space<vmem>>, vector<16xf32>,
        tpu.vector_store %arg11[%swap3A_325, %swap3A_326], %mul3A_324 {strides = array<i32>} : memref<128x128xf32, #tpu.memory_space<vmem>>, vector<16xf32>,
        %get3A_328 = arith.index_cast %add3A_320 : i32 to index
        %get3A_329 = arith.constant 16 : index
        %get3A_330 = tpu.vector_load %arg11[%get3A_328, %get3A_329] {strides = array<i32>} : memref<128x128xf32, #tpu.memory_space<vmem>>, vector<16xf32>,
        %mul3A_331 = arith.mulf %get3A_330, %broadcast_in_dim3A_316 : vector<16xf32>
        %swap3A_332 = arith.index_cast %add3A_320 : i32 to index
        %swap3A_333 = arith.constant 16 : index
        %swap3A_334 = tpu.vector_load %arg11[%swap3A_332, %swap3A_333] {strides = array<i32>} : memref<128x128xf32, #tpu.memory_space<vmem>>, vector<16xf32>,
        tpu.vector_store %arg11[%swap3A_332, %swap3A_333], %mul3A_331 {strides = array<i32>} : memref<128x128xf32, #tpu.memory_space<vmem>>, vector<16xf32>,
        %get3A_335 = arith.index_cast %add3A_320 : i32 to index
        %get3A_336 = arith.constant 32 : index
        %get3A_337 = tpu.vector_load %arg11[%get3A_335, %get3A_336] {strides = array<i32>} : memref<128x128xf32, #tpu.memory_space<vmem>>, vector<16xf32>,
        %mul3A_338 = arith.mulf %get3A_337, %broadcast_in_dim3A_316 : vector<16xf32>
        %swap3A_339 = arith.index_cast %add3A_320 : i32 to index
        %swap3A_340 = arith.constant 32 : index
        %swap3A_341 = tpu.vector_load %arg11[%swap3A_339, %swap3A_340] {strides = array<i32>} : memref<128x128xf32, #tpu.memory_space<vmem>>, vector<16xf32>,
        tpu.vector_store %arg11[%swap3A_339, %swap3A_340], %mul3A_338 {strides = array<i32>} : memref<128x128xf32, #tpu.memory_space<vmem>>, vector<16xf32>,
        %get3A_342 = arith.index_cast %add3A_320 : i32 to index
        %get3A_343 = arith.constant 48 : index
        %get3A_344 = tpu.vector_load %arg11[%get3A_342, %get3A_343] {strides = array<i32>} : memref<128x128xf32, #tpu.memory_space<vmem>>, vector<16xf32>,
        %mul3A_345 = arith.mulf %get3A_344, %broadcast_in_dim3A_316 : vector<16xf32>
        %swap3A_346 = arith.index_cast %add3A_320 : i32 to index
        %swap3A_347 = arith.constant 48 : index
        %swap3A_348 = tpu.vector_load %arg11[%swap3A_346, %swap3A_347] {strides = array<i32>} : memref<128x128xf32, #tpu.memory_space<vmem>>, vector<16xf32>,
        tpu.vector_store %arg11[%swap3A_346, %swap3A_347], %mul3A_345 {strides = array<i32>} : memref<128x128xf32, #tpu.memory_space<vmem>>, vector<16xf32>,
        %eq3A_349 = arith.constant 6 : i32
        %eq3A_350 = vector.broadcast %eq3A_349 : i32 to vector<16xi32>
        %eq3A_351 = arith.cmpi eq, %iota3A, %eq3A_350 : vector<16xi32>
        %jit3A_352 = arith.constant 1.000000e+00 : f32
        %jit3A_353 = arith.constant 0.000000e+00 : f32
        %broadcast_in_dim3A_354 = vector.broadcast %jit3A_352 : f32 to vector<16xf32>
        %broadcast_in_dim3A_355 = vector.broadcast %jit3A_353 : f32 to vector<16xf32>
        %select_n3A_356 = arith.select %eq3A_351, %broadcast_in_dim3A_354, %broadcast_in_dim3A_355 : vector<16xi1>, vector<16xf32>
        %mul3A_357 = arith.mulf %get3A_78, %select_n3A_356 : vector<16xf32>
        %reduce_sum3A_358 = arith.constant true
        %reduce_sum3A_359 = vector.broadcast %reduce_sum3A_358 : i1 to vector<16xi1>
        %reduce_sum3A_360 = tpu.scan <sum>, %mul3A_357 masked %reduce_sum3A_359 : vector<16xf32>, vector<16xi1> -> vector<16xf32>
        %reduce_sum3A_361 = vector.extract %reduce_sum3A_360[15] : f32 from vector<16xf32>
        %broadcast_in_dim3A_362 = vector.broadcast %reduce_sum3A_361 : f32 to vector<16xf32>
        %mul3A_363 = arith.constant 16 : i32
        %mul3A_364 = arith.muli %scan3A_71, %mul3A_363 : i32
        %add3A_365 = arith.constant 6 : i32
        %add3A_366 = arith.addi %mul3A_364, %add3A_365 : i32
        %get3A_367 = arith.index_cast %add3A_366 : i32 to index
        %get3A_368 = arith.constant 0 : index
        %get3A_369 = tpu.vector_load %arg11[%get3A_367, %get3A_368] {strides = array<i32>} : memref<128x128xf32, #tpu.memory_space<vmem>>, vector<16xf32>,
        %mul3A_370 = arith.mulf %get3A_369, %broadcast_in_dim3A_362 : vector<16xf32>
        %swap3A_371 = arith.index_cast %add3A_366 : i32 to index
        %swap3A_372 = arith.constant 0 : index
        %swap3A_373 = tpu.vector_load %arg11[%swap3A_371, %swap3A_372] {strides = array<i32>} : memref<128x128xf32, #tpu.memory_space<vmem>>, vector<16xf32>,
        tpu.vector_store %arg11[%swap3A_371, %swap3A_372], %mul3A_370 {strides = array<i32>} : memref<128x128xf32, #tpu.memory_space<vmem>>, vector<16xf32>,
        %get3A_374 = arith.index_cast %add3A_366 : i32 to index
        %get3A_375 = arith.constant 16 : index
        %get3A_376 = tpu.vector_load %arg11[%get3A_374, %get3A_375] {strides = array<i32>} : memref<128x128xf32, #tpu.memory_space<vmem>>, vector<16xf32>,
        %mul3A_377 = arith.mulf %get3A_376, %broadcast_in_dim3A_362 : vector<16xf32>
        %swap3A_378 = arith.index_cast %add3A_366 : i32 to index
        %swap3A_379 = arith.constant 16 : index
        %swap3A_380 = tpu.vector_load %arg11[%swap3A_378, %swap3A_379] {strides = array<i32>} : memref<128x128xf32, #tpu.memory_space<vmem>>, vector<16xf32>,
        tpu.vector_store %arg11[%swap3A_378, %swap3A_379], %mul3A_377 {strides = array<i32>} : memref<128x128xf32, #tpu.memory_space<vmem>>, vector<16xf32>,
        %get3A_381 = arith.index_cast %add3A_366 : i32 to index
        %get3A_382 = arith.constant 32 : index
        %get3A_383 = tpu.vector_load %arg11[%get3A_381, %get3A_382] {strides = array<i32>} : memref<128x128xf32, #tpu.memory_space<vmem>>, vector<16xf32>,
        %mul3A_384 = arith.mulf %get3A_383, %broadcast_in_dim3A_362 : vector<16xf32>
        %swap3A_385 = arith.index_cast %add3A_366 : i32 to index
        %swap3A_386 = arith.constant 32 : index
        %swap3A_387 = tpu.vector_load %arg11[%swap3A_385, %swap3A_386] {strides = array<i32>} : memref<128x128xf32, #tpu.memory_space<vmem>>, vector<16xf32>,
        tpu.vector_store %arg11[%swap3A_385, %swap3A_386], %mul3A_384 {strides = array<i32>} : memref<128x128xf32, #tpu.memory_space<vmem>>, vector<16xf32>,
        %get3A_388 = arith.index_cast %add3A_366 : i32 to index
        %get3A_389 = arith.constant 48 : index
        %get3A_390 = tpu.vector_load %arg11[%get3A_388, %get3A_389] {strides = array<i32>} : memref<128x128xf32, #tpu.memory_space<vmem>>, vector<16xf32>,
        %mul3A_391 = arith.mulf %get3A_390, %broadcast_in_dim3A_362 : vector<16xf32>
        %swap3A_392 = arith.index_cast %add3A_366 : i32 to index
        %swap3A_393 = arith.constant 48 : index
        %swap3A_394 = tpu.vector_load %arg11[%swap3A_392, %swap3A_393] {strides = array<i32>} : memref<128x128xf32, #tpu.memory_space<vmem>>, vector<16xf32>,
        tpu.vector_store %arg11[%swap3A_392, %swap3A_393], %mul3A_391 {strides = array<i32>} : memref<128x128xf32, #tpu.memory_space<vmem>>, vector<16xf32>,
        %eq3A_395 = arith.constant 7 : i32
        %eq3A_396 = vector.broadcast %eq3A_395 : i32 to vector<16xi32>
        %eq3A_397 = arith.cmpi eq, %iota3A, %eq3A_396 : vector<16xi32>
        %jit3A_398 = arith.constant 1.000000e+00 : f32
        %jit3A_399 = arith.constant 0.000000e+00 : f32
        %broadcast_in_dim3A_400 = vector.broadcast %jit3A_398 : f32 to vector<16xf32>
        %broadcast_in_dim3A_401 = vector.broadcast %jit3A_399 : f32 to vector<16xf32>
        %select_n3A_402 = arith.select %eq3A_397, %broadcast_in_dim3A_400, %broadcast_in_dim3A_401 : vector<16xi1>, vector<16xf32>
        %mul3A_403 = arith.mulf %get3A_78, %select_n3A_402 : vector<16xf32>
        %reduce_sum3A_404 = arith.constant true
        %reduce_sum3A_405 = vector.broadcast %reduce_sum3A_404 : i1 to vector<16xi1>
        %reduce_sum3A_406 = tpu.scan <sum>, %mul3A_403 masked %reduce_sum3A_405 : vector<16xf32>, vector<16xi1> -> vector<16xf32>
        %reduce_sum3A_407 = vector.extract %reduce_sum3A_406[15] : f32 from vector<16xf32>
        %broadcast_in_dim3A_408 = vector.broadcast %reduce_sum3A_407 : f32 to vector<16xf32>
        %mul3A_409 = arith.constant 16 : i32
        %mul3A_410 = arith.muli %scan3A_71, %mul3A_409 : i32
        %add3A_411 = arith.constant 7 : i32
        %add3A_412 = arith.addi %mul3A_410, %add3A_411 : i32
        %get3A_413 = arith.index_cast %add3A_412 : i32 to index
        %get3A_414 = arith.constant 0 : index
        %get3A_415 = tpu.vector_load %arg11[%get3A_413, %get3A_414] {strides = array<i32>} : memref<128x128xf32, #tpu.memory_space<vmem>>, vector<16xf32>,
        %mul3A_416 = arith.mulf %get3A_415, %broadcast_in_dim3A_408 : vector<16xf32>
        %swap3A_417 = arith.index_cast %add3A_412 : i32 to index
        %swap3A_418 = arith.constant 0 : index
        %swap3A_419 = tpu.vector_load %arg11[%swap3A_417, %swap3A_418] {strides = array<i32>} : memref<128x128xf32, #tpu.memory_space<vmem>>, vector<16xf32>,
        tpu.vector_store %arg11[%swap3A_417, %swap3A_418], %mul3A_416 {strides = array<i32>} : memref<128x128xf32, #tpu.memory_space<vmem>>, vector<16xf32>,
        %get3A_420 = arith.index_cast %add3A_412 : i32 to index
        %get3A_421 = arith.constant 16 : index
        %get3A_422 = tpu.vector_load %arg11[%get3A_420, %get3A_421] {strides = array<i32>} : memref<128x128xf32, #tpu.memory_space<vmem>>, vector<16xf32>,
        %mul3A_423 = arith.mulf %get3A_422, %broadcast_in_dim3A_408 : vector<16xf32>
        %swap3A_424 = arith.index_cast %add3A_412 : i32 to index
        %swap3A_425 = arith.constant 16 : index
        %swap3A_426 = tpu.vector_load %arg11[%swap3A_424, %swap3A_425] {strides = array<i32>} : memref<128x128xf32, #tpu.memory_space<vmem>>, vector<16xf32>,
        tpu.vector_store %arg11[%swap3A_424, %swap3A_425], %mul3A_423 {strides = array<i32>} : memref<128x128xf32, #tpu.memory_space<vmem>>, vector<16xf32>,
        %get3A_427 = arith.index_cast %add3A_412 : i32 to index
        %get3A_428 = arith.constant 32 : index
        %get3A_429 = tpu.vector_load %arg11[%get3A_427, %get3A_428] {strides = array<i32>} : memref<128x128xf32, #tpu.memory_space<vmem>>, vector<16xf32>,
        %mul3A_430 = arith.mulf %get3A_429, %broadcast_in_dim3A_408 : vector<16xf32>
        %swap3A_431 = arith.index_cast %add3A_412 : i32 to index
        %swap3A_432 = arith.constant 32 : index
        %swap3A_433 = tpu.vector_load %arg11[%swap3A_431, %swap3A_432] {strides = array<i32>} : memref<128x128xf32, #tpu.memory_space<vmem>>, vector<16xf32>,
        tpu.vector_store %arg11[%swap3A_431, %swap3A_432], %mul3A_430 {strides = array<i32>} : memref<128x128xf32, #tpu.memory_space<vmem>>, vector<16xf32>,
        %get3A_434 = arith.index_cast %add3A_412 : i32 to index
        %get3A_435 = arith.constant 48 : index
        %get3A_436 = tpu.vector_load %arg11[%get3A_434, %get3A_435] {strides = array<i32>} : memref<128x128xf32, #tpu.memory_space<vmem>>, vector<16xf32>,
        %mul3A_437 = arith.mulf %get3A_436, %broadcast_in_dim3A_408 : vector<16xf32>
        %swap3A_438 = arith.index_cast %add3A_412 : i32 to index
        %swap3A_439 = arith.constant 48 : index
        %swap3A_440 = tpu.vector_load %arg11[%swap3A_438, %swap3A_439] {strides = array<i32>} : memref<128x128xf32, #tpu.memory_space<vmem>>, vector<16xf32>,
        tpu.vector_store %arg11[%swap3A_438, %swap3A_439], %mul3A_437 {strides = array<i32>} : memref<128x128xf32, #tpu.memory_space<vmem>>, vector<16xf32>,
        %eq3A_441 = arith.constant 8 : i32
        %eq3A_442 = vector.broadcast %eq3A_441 : i32 to vector<16xi32>
        %eq3A_443 = arith.cmpi eq, %iota3A, %eq3A_442 : vector<16xi32>
        %jit3A_444 = arith.constant 1.000000e+00 : f32
        %jit3A_445 = arith.constant 0.000000e+00 : f32
        %broadcast_in_dim3A_446 = vector.broadcast %jit3A_444 : f32 to vector<16xf32>
        %broadcast_in_dim3A_447 = vector.broadcast %jit3A_445 : f32 to vector<16xf32>
        %select_n3A_448 = arith.select %eq3A_443, %broadcast_in_dim3A_446, %broadcast_in_dim3A_447 : vector<16xi1>, vector<16xf32>
        %mul3A_449 = arith.mulf %get3A_78, %select_n3A_448 : vector<16xf32>
        %reduce_sum3A_450 = arith.constant true
        %reduce_sum3A_451 = vector.broadcast %reduce_sum3A_450 : i1 to vector<16xi1>
        %reduce_sum3A_452 = tpu.scan <sum>, %mul3A_449 masked %reduce_sum3A_451 : vector<16xf32>, vector<16xi1> -> vector<16xf32>
        %reduce_sum3A_453 = vector.extract %reduce_sum3A_452[15] : f32 from vector<16xf32>
        %broadcast_in_dim3A_454 = vector.broadcast %reduce_sum3A_453 : f32 to vector<16xf32>
        %mul3A_455 = arith.constant 16 : i32
        %mul3A_456 = arith.muli %scan3A_71, %mul3A_455 : i32
        %add3A_457 = arith.constant 8 : i32
        %add3A_458 = arith.addi %mul3A_456, %add3A_457 : i32
        %get3A_459 = arith.index_cast %add3A_458 : i32 to index
        %get3A_460 = arith.constant 0 : index
        %get3A_461 = tpu.vector_load %arg11[%get3A_459, %get3A_460] {strides = array<i32>} : memref<128x128xf32, #tpu.memory_space<vmem>>, vector<16xf32>,
        %mul3A_462 = arith.mulf %get3A_461, %broadcast_in_dim3A_454 : vector<16xf32>
        %swap3A_463 = arith.index_cast %add3A_458 : i32 to index
        %swap3A_464 = arith.constant 0 : index
        %swap3A_465 = tpu.vector_load %arg11[%swap3A_463, %swap3A_464] {strides = array<i32>} : memref<128x128xf32, #tpu.memory_space<vmem>>, vector<16xf32>,
        tpu.vector_store %arg11[%swap3A_463, %swap3A_464], %mul3A_462 {strides = array<i32>} : memref<128x128xf32, #tpu.memory_space<vmem>>, vector<16xf32>,
        %get3A_466 = arith.index_cast %add3A_458 : i32 to index
        %get3A_467 = arith.constant 16 : index
        %get3A_468 = tpu.vector_load %arg11[%get3A_466, %get3A_467] {strides = array<i32>} : memref<128x128xf32, #tpu.memory_space<vmem>>, vector<16xf32>,
        %mul3A_469 = arith.mulf %get3A_468, %broadcast_in_dim3A_454 : vector<16xf32>
        %swap3A_470 = arith.index_cast %add3A_458 : i32 to index
        %swap3A_471 = arith.constant 16 : index
        %swap3A_472 = tpu.vector_load %arg11[%swap3A_470, %swap3A_471] {strides = array<i32>} : memref<128x128xf32, #tpu.memory_space<vmem>>, vector<16xf32>,
        tpu.vector_store %arg11[%swap3A_470, %swap3A_471], %mul3A_469 {strides = array<i32>} : memref<128x128xf32, #tpu.memory_space<vmem>>, vector<16xf32>,
        %get3A_473 = arith.index_cast %add3A_458 : i32 to index
        %get3A_474 = arith.constant 32 : index
        %get3A_475 = tpu.vector_load %arg11[%get3A_473, %get3A_474] {strides = array<i32>} : memref<128x128xf32, #tpu.memory_space<vmem>>, vector<16xf32>,
        %mul3A_476 = arith.mulf %get3A_475, %broadcast_in_dim3A_454 : vector<16xf32>
        %swap3A_477 = arith.index_cast %add3A_458 : i32 to index
        %swap3A_478 = arith.constant 32 : index
        %swap3A_479 = tpu.vector_load %arg11[%swap3A_477, %swap3A_478] {strides = array<i32>} : memref<128x128xf32, #tpu.memory_space<vmem>>, vector<16xf32>,
        tpu.vector_store %arg11[%swap3A_477, %swap3A_478], %mul3A_476 {strides = array<i32>} : memref<128x128xf32, #tpu.memory_space<vmem>>, vector<16xf32>,
        %get3A_480 = arith.index_cast %add3A_458 : i32 to index
        %get3A_481 = arith.constant 48 : index
        %get3A_482 = tpu.vector_load %arg11[%get3A_480, %get3A_481] {strides = array<i32>} : memref<128x128xf32, #tpu.memory_space<vmem>>, vector<16xf32>,
        %mul3A_483 = arith.mulf %get3A_482, %broadcast_in_dim3A_454 : vector<16xf32>
        %swap3A_484 = arith.index_cast %add3A_458 : i32 to index
        %swap3A_485 = arith.constant 48 : index
        %swap3A_486 = tpu.vector_load %arg11[%swap3A_484, %swap3A_485] {strides = array<i32>} : memref<128x128xf32, #tpu.memory_space<vmem>>, vector<16xf32>,
        tpu.vector_store %arg11[%swap3A_484, %swap3A_485], %mul3A_483 {strides = array<i32>} : memref<128x128xf32, #tpu.memory_space<vmem>>, vector<16xf32>,
        %eq3A_487 = arith.constant 9 : i32
        %eq3A_488 = vector.broadcast %eq3A_487 : i32 to vector<16xi32>
        %eq3A_489 = arith.cmpi eq, %iota3A, %eq3A_488 : vector<16xi32>
        %jit3A_490 = arith.constant 1.000000e+00 : f32
        %jit3A_491 = arith.constant 0.000000e+00 : f32
        %broadcast_in_dim3A_492 = vector.broadcast %jit3A_490 : f32 to vector<16xf32>
        %broadcast_in_dim3A_493 = vector.broadcast %jit3A_491 : f32 to vector<16xf32>
        %select_n3A_494 = arith.select %eq3A_489, %broadcast_in_dim3A_492, %broadcast_in_dim3A_493 : vector<16xi1>, vector<16xf32>
        %mul3A_495 = arith.mulf %get3A_78, %select_n3A_494 : vector<16xf32>
        %reduce_sum3A_496 = arith.constant true
        %reduce_sum3A_497 = vector.broadcast %reduce_sum3A_496 : i1 to vector<16xi1>
        %reduce_sum3A_498 = tpu.scan <sum>, %mul3A_495 masked %reduce_sum3A_497 : vector<16xf32>, vector<16xi1> -> vector<16xf32>
        %reduce_sum3A_499 = vector.extract %reduce_sum3A_498[15] : f32 from vector<16xf32>
        %broadcast_in_dim3A_500 = vector.broadcast %reduce_sum3A_499 : f32 to vector<16xf32>
        %mul3A_501 = arith.constant 16 : i32
        %mul3A_502 = arith.muli %scan3A_71, %mul3A_501 : i32
        %add3A_503 = arith.constant 9 : i32
        %add3A_504 = arith.addi %mul3A_502, %add3A_503 : i32
        %get3A_505 = arith.index_cast %add3A_504 : i32 to index
        %get3A_506 = arith.constant 0 : index
        %get3A_507 = tpu.vector_load %arg11[%get3A_505, %get3A_506] {strides = array<i32>} : memref<128x128xf32, #tpu.memory_space<vmem>>, vector<16xf32>,
        %mul3A_508 = arith.mulf %get3A_507, %broadcast_in_dim3A_500 : vector<16xf32>
        %swap3A_509 = arith.index_cast %add3A_504 : i32 to index
        %swap3A_510 = arith.constant 0 : index
        %swap3A_511 = tpu.vector_load %arg11[%swap3A_509, %swap3A_510] {strides = array<i32>} : memref<128x128xf32, #tpu.memory_space<vmem>>, vector<16xf32>,
        tpu.vector_store %arg11[%swap3A_509, %swap3A_510], %mul3A_508 {strides = array<i32>} : memref<128x128xf32, #tpu.memory_space<vmem>>, vector<16xf32>,
        %get3A_512 = arith.index_cast %add3A_504 : i32 to index
        %get3A_513 = arith.constant 16 : index
        %get3A_514 = tpu.vector_load %arg11[%get3A_512, %get3A_513] {strides = array<i32>} : memref<128x128xf32, #tpu.memory_space<vmem>>, vector<16xf32>,
        %mul3A_515 = arith.mulf %get3A_514, %broadcast_in_dim3A_500 : vector<16xf32>
        %swap3A_516 = arith.index_cast %add3A_504 : i32 to index
        %swap3A_517 = arith.constant 16 : index
        %swap3A_518 = tpu.vector_load %arg11[%swap3A_516, %swap3A_517] {strides = array<i32>} : memref<128x128xf32, #tpu.memory_space<vmem>>, vector<16xf32>,
        tpu.vector_store %arg11[%swap3A_516, %swap3A_517], %mul3A_515 {strides = array<i32>} : memref<128x128xf32, #tpu.memory_space<vmem>>, vector<16xf32>,
        %get3A_519 = arith.index_cast %add3A_504 : i32 to index
        %get3A_520 = arith.constant 32 : index
        %get3A_521 = tpu.vector_load %arg11[%get3A_519, %get3A_520] {strides = array<i32>} : memref<128x128xf32, #tpu.memory_space<vmem>>, vector<16xf32>,
        %mul3A_522 = arith.mulf %get3A_521, %broadcast_in_dim3A_500 : vector<16xf32>
        %swap3A_523 = arith.index_cast %add3A_504 : i32 to index
        %swap3A_524 = arith.constant 32 : index
        %swap3A_525 = tpu.vector_load %arg11[%swap3A_523, %swap3A_524] {strides = array<i32>} : memref<128x128xf32, #tpu.memory_space<vmem>>, vector<16xf32>,
        tpu.vector_store %arg11[%swap3A_523, %swap3A_524], %mul3A_522 {strides = array<i32>} : memref<128x128xf32, #tpu.memory_space<vmem>>, vector<16xf32>,
        %get3A_526 = arith.index_cast %add3A_504 : i32 to index
        %get3A_527 = arith.constant 48 : index
        %get3A_528 = tpu.vector_load %arg11[%get3A_526, %get3A_527] {strides = array<i32>} : memref<128x128xf32, #tpu.memory_space<vmem>>, vector<16xf32>,
        %mul3A_529 = arith.mulf %get3A_528, %broadcast_in_dim3A_500 : vector<16xf32>
        %swap3A_530 = arith.index_cast %add3A_504 : i32 to index
        %swap3A_531 = arith.constant 48 : index
        %swap3A_532 = tpu.vector_load %arg11[%swap3A_530, %swap3A_531] {strides = array<i32>} : memref<128x128xf32, #tpu.memory_space<vmem>>, vector<16xf32>,
        tpu.vector_store %arg11[%swap3A_530, %swap3A_531], %mul3A_529 {strides = array<i32>} : memref<128x128xf32, #tpu.memory_space<vmem>>, vector<16xf32>,
        %eq3A_533 = arith.constant 10 : i32
        %eq3A_534 = vector.broadcast %eq3A_533 : i32 to vector<16xi32>
        %eq3A_535 = arith.cmpi eq, %iota3A, %eq3A_534 : vector<16xi32>
        %jit3A_536 = arith.constant 1.000000e+00 : f32
        %jit3A_537 = arith.constant 0.000000e+00 : f32
        %broadcast_in_dim3A_538 = vector.broadcast %jit3A_536 : f32 to vector<16xf32>
        %broadcast_in_dim3A_539 = vector.broadcast %jit3A_537 : f32 to vector<16xf32>
        %select_n3A_540 = arith.select %eq3A_535, %broadcast_in_dim3A_538, %broadcast_in_dim3A_539 : vector<16xi1>, vector<16xf32>
        %mul3A_541 = arith.mulf %get3A_78, %select_n3A_540 : vector<16xf32>
        %reduce_sum3A_542 = arith.constant true
        %reduce_sum3A_543 = vector.broadcast %reduce_sum3A_542 : i1 to vector<16xi1>
        %reduce_sum3A_544 = tpu.scan <sum>, %mul3A_541 masked %reduce_sum3A_543 : vector<16xf32>, vector<16xi1> -> vector<16xf32>
        %reduce_sum3A_545 = vector.extract %reduce_sum3A_544[15] : f32 from vector<16xf32>
        %broadcast_in_dim3A_546 = vector.broadcast %reduce_sum3A_545 : f32 to vector<16xf32>
        %mul3A_547 = arith.constant 16 : i32
        %mul3A_548 = arith.muli %scan3A_71, %mul3A_547 : i32
        %add3A_549 = arith.constant 10 : i32
        %add3A_550 = arith.addi %mul3A_548, %add3A_549 : i32
        %get3A_551 = arith.index_cast %add3A_550 : i32 to index
        %get3A_552 = arith.constant 0 : index
        %get3A_553 = tpu.vector_load %arg11[%get3A_551, %get3A_552] {strides = array<i32>} : memref<128x128xf32, #tpu.memory_space<vmem>>, vector<16xf32>,
        %mul3A_554 = arith.mulf %get3A_553, %broadcast_in_dim3A_546 : vector<16xf32>
        %swap3A_555 = arith.index_cast %add3A_550 : i32 to index
        %swap3A_556 = arith.constant 0 : index
        %swap3A_557 = tpu.vector_load %arg11[%swap3A_555, %swap3A_556] {strides = array<i32>} : memref<128x128xf32, #tpu.memory_space<vmem>>, vector<16xf32>,
        tpu.vector_store %arg11[%swap3A_555, %swap3A_556], %mul3A_554 {strides = array<i32>} : memref<128x128xf32, #tpu.memory_space<vmem>>, vector<16xf32>,
        %get3A_558 = arith.index_cast %add3A_550 : i32 to index
        %get3A_559 = arith.constant 16 : index
        %get3A_560 = tpu.vector_load %arg11[%get3A_558, %get3A_559] {strides = array<i32>} : memref<128x128xf32, #tpu.memory_space<vmem>>, vector<16xf32>,
        %mul3A_561 = arith.mulf %get3A_560, %broadcast_in_dim3A_546 : vector<16xf32>
        %swap3A_562 = arith.index_cast %add3A_550 : i32 to index
        %swap3A_563 = arith.constant 16 : index
        %swap3A_564 = tpu.vector_load %arg11[%swap3A_562, %swap3A_563] {strides = array<i32>} : memref<128x128xf32, #tpu.memory_space<vmem>>, vector<16xf32>,
        tpu.vector_store %arg11[%swap3A_562, %swap3A_563], %mul3A_561 {strides = array<i32>} : memref<128x128xf32, #tpu.memory_space<vmem>>, vector<16xf32>,
        %get3A_565 = arith.index_cast %add3A_550 : i32 to index
        %get3A_566 = arith.constant 32 : index
        %get3A_567 = tpu.vector_load %arg11[%get3A_565, %get3A_566] {strides = array<i32>} : memref<128x128xf32, #tpu.memory_space<vmem>>, vector<16xf32>,
        %mul3A_568 = arith.mulf %get3A_567, %broadcast_in_dim3A_546 : vector<16xf32>
        %swap3A_569 = arith.index_cast %add3A_550 : i32 to index
        %swap3A_570 = arith.constant 32 : index
        %swap3A_571 = tpu.vector_load %arg11[%swap3A_569, %swap3A_570] {strides = array<i32>} : memref<128x128xf32, #tpu.memory_space<vmem>>, vector<16xf32>,
        tpu.vector_store %arg11[%swap3A_569, %swap3A_570], %mul3A_568 {strides = array<i32>} : memref<128x128xf32, #tpu.memory_space<vmem>>, vector<16xf32>,
        %get3A_572 = arith.index_cast %add3A_550 : i32 to index
        %get3A_573 = arith.constant 48 : index
        %get3A_574 = tpu.vector_load %arg11[%get3A_572, %get3A_573] {strides = array<i32>} : memref<128x128xf32, #tpu.memory_space<vmem>>, vector<16xf32>,
        %mul3A_575 = arith.mulf %get3A_574, %broadcast_in_dim3A_546 : vector<16xf32>
        %swap3A_576 = arith.index_cast %add3A_550 : i32 to index
        %swap3A_577 = arith.constant 48 : index
        %swap3A_578 = tpu.vector_load %arg11[%swap3A_576, %swap3A_577] {strides = array<i32>} : memref<128x128xf32, #tpu.memory_space<vmem>>, vector<16xf32>,
        tpu.vector_store %arg11[%swap3A_576, %swap3A_577], %mul3A_575 {strides = array<i32>} : memref<128x128xf32, #tpu.memory_space<vmem>>, vector<16xf32>,
        %eq3A_579 = arith.constant 11 : i32
        %eq3A_580 = vector.broadcast %eq3A_579 : i32 to vector<16xi32>
        %eq3A_581 = arith.cmpi eq, %iota3A, %eq3A_580 : vector<16xi32>
        %jit3A_582 = arith.constant 1.000000e+00 : f32
        %jit3A_583 = arith.constant 0.000000e+00 : f32
        %broadcast_in_dim3A_584 = vector.broadcast %jit3A_582 : f32 to vector<16xf32>
        %broadcast_in_dim3A_585 = vector.broadcast %jit3A_583 : f32 to vector<16xf32>
        %select_n3A_586 = arith.select %eq3A_581, %broadcast_in_dim3A_584, %broadcast_in_dim3A_585 : vector<16xi1>, vector<16xf32>
        %mul3A_587 = arith.mulf %get3A_78, %select_n3A_586 : vector<16xf32>
        %reduce_sum3A_588 = arith.constant true
        %reduce_sum3A_589 = vector.broadcast %reduce_sum3A_588 : i1 to vector<16xi1>
        %reduce_sum3A_590 = tpu.scan <sum>, %mul3A_587 masked %reduce_sum3A_589 : vector<16xf32>, vector<16xi1> -> vector<16xf32>
        %reduce_sum3A_591 = vector.extract %reduce_sum3A_590[15] : f32 from vector<16xf32>
        %broadcast_in_dim3A_592 = vector.broadcast %reduce_sum3A_591 : f32 to vector<16xf32>
        %mul3A_593 = arith.constant 16 : i32
        %mul3A_594 = arith.muli %scan3A_71, %mul3A_593 : i32
        %add3A_595 = arith.constant 11 : i32
        %add3A_596 = arith.addi %mul3A_594, %add3A_595 : i32
        %get3A_597 = arith.index_cast %add3A_596 : i32 to index
        %get3A_598 = arith.constant 0 : index
        %get3A_599 = tpu.vector_load %arg11[%get3A_597, %get3A_598] {strides = array<i32>} : memref<128x128xf32, #tpu.memory_space<vmem>>, vector<16xf32>,
        %mul3A_600 = arith.mulf %get3A_599, %broadcast_in_dim3A_592 : vector<16xf32>
        %swap3A_601 = arith.index_cast %add3A_596 : i32 to index
        %swap3A_602 = arith.constant 0 : index
        %swap3A_603 = tpu.vector_load %arg11[%swap3A_601, %swap3A_602] {strides = array<i32>} : memref<128x128xf32, #tpu.memory_space<vmem>>, vector<16xf32>,
        tpu.vector_store %arg11[%swap3A_601, %swap3A_602], %mul3A_600 {strides = array<i32>} : memref<128x128xf32, #tpu.memory_space<vmem>>, vector<16xf32>,
        %get3A_604 = arith.index_cast %add3A_596 : i32 to index
        %get3A_605 = arith.constant 16 : index
        %get3A_606 = tpu.vector_load %arg11[%get3A_604, %get3A_605] {strides = array<i32>} : memref<128x128xf32, #tpu.memory_space<vmem>>, vector<16xf32>,
        %mul3A_607 = arith.mulf %get3A_606, %broadcast_in_dim3A_592 : vector<16xf32>
        %swap3A_608 = arith.index_cast %add3A_596 : i32 to index
        %swap3A_609 = arith.constant 16 : index
        %swap3A_610 = tpu.vector_load %arg11[%swap3A_608, %swap3A_609] {strides = array<i32>} : memref<128x128xf32, #tpu.memory_space<vmem>>, vector<16xf32>,
        tpu.vector_store %arg11[%swap3A_608, %swap3A_609], %mul3A_607 {strides = array<i32>} : memref<128x128xf32, #tpu.memory_space<vmem>>, vector<16xf32>,
        %get3A_611 = arith.index_cast %add3A_596 : i32 to index
        %get3A_612 = arith.constant 32 : index
        %get3A_613 = tpu.vector_load %arg11[%get3A_611, %get3A_612] {strides = array<i32>} : memref<128x128xf32, #tpu.memory_space<vmem>>, vector<16xf32>,
        %mul3A_614 = arith.mulf %get3A_613, %broadcast_in_dim3A_592 : vector<16xf32>
        %swap3A_615 = arith.index_cast %add3A_596 : i32 to index
        %swap3A_616 = arith.constant 32 : index
        %swap3A_617 = tpu.vector_load %arg11[%swap3A_615, %swap3A_616] {strides = array<i32>} : memref<128x128xf32, #tpu.memory_space<vmem>>, vector<16xf32>,
        tpu.vector_store %arg11[%swap3A_615, %swap3A_616], %mul3A_614 {strides = array<i32>} : memref<128x128xf32, #tpu.memory_space<vmem>>, vector<16xf32>,
        %get3A_618 = arith.index_cast %add3A_596 : i32 to index
        %get3A_619 = arith.constant 48 : index
        %get3A_620 = tpu.vector_load %arg11[%get3A_618, %get3A_619] {strides = array<i32>} : memref<128x128xf32, #tpu.memory_space<vmem>>, vector<16xf32>,
        %mul3A_621 = arith.mulf %get3A_620, %broadcast_in_dim3A_592 : vector<16xf32>
        %swap3A_622 = arith.index_cast %add3A_596 : i32 to index
        %swap3A_623 = arith.constant 48 : index
        %swap3A_624 = tpu.vector_load %arg11[%swap3A_622, %swap3A_623] {strides = array<i32>} : memref<128x128xf32, #tpu.memory_space<vmem>>, vector<16xf32>,
        tpu.vector_store %arg11[%swap3A_622, %swap3A_623], %mul3A_621 {strides = array<i32>} : memref<128x128xf32, #tpu.memory_space<vmem>>, vector<16xf32>,
        %eq3A_625 = arith.constant 12 : i32
        %eq3A_626 = vector.broadcast %eq3A_625 : i32 to vector<16xi32>
        %eq3A_627 = arith.cmpi eq, %iota3A, %eq3A_626 : vector<16xi32>
        %jit3A_628 = arith.constant 1.000000e+00 : f32
        %jit3A_629 = arith.constant 0.000000e+00 : f32
        %broadcast_in_dim3A_630 = vector.broadcast %jit3A_628 : f32 to vector<16xf32>
        %broadcast_in_dim3A_631 = vector.broadcast %jit3A_629 : f32 to vector<16xf32>
        %select_n3A_632 = arith.select %eq3A_627, %broadcast_in_dim3A_630, %broadcast_in_dim3A_631 : vector<16xi1>, vector<16xf32>
        %mul3A_633 = arith.mulf %get3A_78, %select_n3A_632 : vector<16xf32>
        %reduce_sum3A_634 = arith.constant true
        %reduce_sum3A_635 = vector.broadcast %reduce_sum3A_634 : i1 to vector<16xi1>
        %reduce_sum3A_636 = tpu.scan <sum>, %mul3A_633 masked %reduce_sum3A_635 : vector<16xf32>, vector<16xi1> -> vector<16xf32>
        %reduce_sum3A_637 = vector.extract %reduce_sum3A_636[15] : f32 from vector<16xf32>
        %broadcast_in_dim3A_638 = vector.broadcast %reduce_sum3A_637 : f32 to vector<16xf32>
        %mul3A_639 = arith.constant 16 : i32
        %mul3A_640 = arith.muli %scan3A_71, %mul3A_639 : i32
        %add3A_641 = arith.constant 12 : i32
        %add3A_642 = arith.addi %mul3A_640, %add3A_641 : i32
        %get3A_643 = arith.index_cast %add3A_642 : i32 to index
        %get3A_644 = arith.constant 0 : index
        %get3A_645 = tpu.vector_load %arg11[%get3A_643, %get3A_644] {strides = array<i32>} : memref<128x128xf32, #tpu.memory_space<vmem>>, vector<16xf32>,
        %mul3A_646 = arith.mulf %get3A_645, %broadcast_in_dim3A_638 : vector<16xf32>
        %swap3A_647 = arith.index_cast %add3A_642 : i32 to index
        %swap3A_648 = arith.constant 0 : index
        %swap3A_649 = tpu.vector_load %arg11[%swap3A_647, %swap3A_648] {strides = array<i32>} : memref<128x128xf32, #tpu.memory_space<vmem>>, vector<16xf32>,
        tpu.vector_store %arg11[%swap3A_647, %swap3A_648], %mul3A_646 {strides = array<i32>} : memref<128x128xf32, #tpu.memory_space<vmem>>, vector<16xf32>,
        %get3A_650 = arith.index_cast %add3A_642 : i32 to index
        %get3A_651 = arith.constant 16 : index
        %get3A_652 = tpu.vector_load %arg11[%get3A_650, %get3A_651] {strides = array<i32>} : memref<128x128xf32, #tpu.memory_space<vmem>>, vector<16xf32>,
        %mul3A_653 = arith.mulf %get3A_652, %broadcast_in_dim3A_638 : vector<16xf32>
        %swap3A_654 = arith.index_cast %add3A_642 : i32 to index
        %swap3A_655 = arith.constant 16 : index
        %swap3A_656 = tpu.vector_load %arg11[%swap3A_654, %swap3A_655] {strides = array<i32>} : memref<128x128xf32, #tpu.memory_space<vmem>>, vector<16xf32>,
        tpu.vector_store %arg11[%swap3A_654, %swap3A_655], %mul3A_653 {strides = array<i32>} : memref<128x128xf32, #tpu.memory_space<vmem>>, vector<16xf32>,
        %get3A_657 = arith.index_cast %add3A_642 : i32 to index
        %get3A_658 = arith.constant 32 : index
        %get3A_659 = tpu.vector_load %arg11[%get3A_657, %get3A_658] {strides = array<i32>} : memref<128x128xf32, #tpu.memory_space<vmem>>, vector<16xf32>,
        %mul3A_660 = arith.mulf %get3A_659, %broadcast_in_dim3A_638 : vector<16xf32>
        %swap3A_661 = arith.index_cast %add3A_642 : i32 to index
        %swap3A_662 = arith.constant 32 : index
        %swap3A_663 = tpu.vector_load %arg11[%swap3A_661, %swap3A_662] {strides = array<i32>} : memref<128x128xf32, #tpu.memory_space<vmem>>, vector<16xf32>,
        tpu.vector_store %arg11[%swap3A_661, %swap3A_662], %mul3A_660 {strides = array<i32>} : memref<128x128xf32, #tpu.memory_space<vmem>>, vector<16xf32>,
        %get3A_664 = arith.index_cast %add3A_642 : i32 to index
        %get3A_665 = arith.constant 48 : index
        %get3A_666 = tpu.vector_load %arg11[%get3A_664, %get3A_665] {strides = array<i32>} : memref<128x128xf32, #tpu.memory_space<vmem>>, vector<16xf32>,
        %mul3A_667 = arith.mulf %get3A_666, %broadcast_in_dim3A_638 : vector<16xf32>
        %swap3A_668 = arith.index_cast %add3A_642 : i32 to index
        %swap3A_669 = arith.constant 48 : index
        %swap3A_670 = tpu.vector_load %arg11[%swap3A_668, %swap3A_669] {strides = array<i32>} : memref<128x128xf32, #tpu.memory_space<vmem>>, vector<16xf32>,
        tpu.vector_store %arg11[%swap3A_668, %swap3A_669], %mul3A_667 {strides = array<i32>} : memref<128x128xf32, #tpu.memory_space<vmem>>, vector<16xf32>,
        %eq3A_671 = arith.constant 13 : i32
        %eq3A_672 = vector.broadcast %eq3A_671 : i32 to vector<16xi32>
        %eq3A_673 = arith.cmpi eq, %iota3A, %eq3A_672 : vector<16xi32>
        %jit3A_674 = arith.constant 1.000000e+00 : f32
        %jit3A_675 = arith.constant 0.000000e+00 : f32
        %broadcast_in_dim3A_676 = vector.broadcast %jit3A_674 : f32 to vector<16xf32>
        %broadcast_in_dim3A_677 = vector.broadcast %jit3A_675 : f32 to vector<16xf32>
        %select_n3A_678 = arith.select %eq3A_673, %broadcast_in_dim3A_676, %broadcast_in_dim3A_677 : vector<16xi1>, vector<16xf32>
        %mul3A_679 = arith.mulf %get3A_78, %select_n3A_678 : vector<16xf32>
        %reduce_sum3A_680 = arith.constant true
        %reduce_sum3A_681 = vector.broadcast %reduce_sum3A_680 : i1 to vector<16xi1>
        %reduce_sum3A_682 = tpu.scan <sum>, %mul3A_679 masked %reduce_sum3A_681 : vector<16xf32>, vector<16xi1> -> vector<16xf32>
        %reduce_sum3A_683 = vector.extract %reduce_sum3A_682[15] : f32 from vector<16xf32>
        %broadcast_in_dim3A_684 = vector.broadcast %reduce_sum3A_683 : f32 to vector<16xf32>
        %mul3A_685 = arith.constant 16 : i32
        %mul3A_686 = arith.muli %scan3A_71, %mul3A_685 : i32
        %add3A_687 = arith.constant 13 : i32
        %add3A_688 = arith.addi %mul3A_686, %add3A_687 : i32
        %get3A_689 = arith.index_cast %add3A_688 : i32 to index
        %get3A_690 = arith.constant 0 : index
        %get3A_691 = tpu.vector_load %arg11[%get3A_689, %get3A_690] {strides = array<i32>} : memref<128x128xf32, #tpu.memory_space<vmem>>, vector<16xf32>,
        %mul3A_692 = arith.mulf %get3A_691, %broadcast_in_dim3A_684 : vector<16xf32>
        %swap3A_693 = arith.index_cast %add3A_688 : i32 to index
        %swap3A_694 = arith.constant 0 : index
        %swap3A_695 = tpu.vector_load %arg11[%swap3A_693, %swap3A_694] {strides = array<i32>} : memref<128x128xf32, #tpu.memory_space<vmem>>, vector<16xf32>,
        tpu.vector_store %arg11[%swap3A_693, %swap3A_694], %mul3A_692 {strides = array<i32>} : memref<128x128xf32, #tpu.memory_space<vmem>>, vector<16xf32>,
        %get3A_696 = arith.index_cast %add3A_688 : i32 to index
        %get3A_697 = arith.constant 16 : index
        %get3A_698 = tpu.vector_load %arg11[%get3A_696, %get3A_697] {strides = array<i32>} : memref<128x128xf32, #tpu.memory_space<vmem>>, vector<16xf32>,
        %mul3A_699 = arith.mulf %get3A_698, %broadcast_in_dim3A_684 : vector<16xf32>
        %swap3A_700 = arith.index_cast %add3A_688 : i32 to index
        %swap3A_701 = arith.constant 16 : index
        %swap3A_702 = tpu.vector_load %arg11[%swap3A_700, %swap3A_701] {strides = array<i32>} : memref<128x128xf32, #tpu.memory_space<vmem>>, vector<16xf32>,
        tpu.vector_store %arg11[%swap3A_700, %swap3A_701], %mul3A_699 {strides = array<i32>} : memref<128x128xf32, #tpu.memory_space<vmem>>, vector<16xf32>,
        %get3A_703 = arith.index_cast %add3A_688 : i32 to index
        %get3A_704 = arith.constant 32 : index
        %get3A_705 = tpu.vector_load %arg11[%get3A_703, %get3A_704] {strides = array<i32>} : memref<128x128xf32, #tpu.memory_space<vmem>>, vector<16xf32>,
        %mul3A_706 = arith.mulf %get3A_705, %broadcast_in_dim3A_684 : vector<16xf32>
        %swap3A_707 = arith.index_cast %add3A_688 : i32 to index
        %swap3A_708 = arith.constant 32 : index
        %swap3A_709 = tpu.vector_load %arg11[%swap3A_707, %swap3A_708] {strides = array<i32>} : memref<128x128xf32, #tpu.memory_space<vmem>>, vector<16xf32>,
        tpu.vector_store %arg11[%swap3A_707, %swap3A_708], %mul3A_706 {strides = array<i32>} : memref<128x128xf32, #tpu.memory_space<vmem>>, vector<16xf32>,
        %get3A_710 = arith.index_cast %add3A_688 : i32 to index
        %get3A_711 = arith.constant 48 : index
        %get3A_712 = tpu.vector_load %arg11[%get3A_710, %get3A_711] {strides = array<i32>} : memref<128x128xf32, #tpu.memory_space<vmem>>, vector<16xf32>,
        %mul3A_713 = arith.mulf %get3A_712, %broadcast_in_dim3A_684 : vector<16xf32>
        %swap3A_714 = arith.index_cast %add3A_688 : i32 to index
        %swap3A_715 = arith.constant 48 : index
        %swap3A_716 = tpu.vector_load %arg11[%swap3A_714, %swap3A_715] {strides = array<i32>} : memref<128x128xf32, #tpu.memory_space<vmem>>, vector<16xf32>,
        tpu.vector_store %arg11[%swap3A_714, %swap3A_715], %mul3A_713 {strides = array<i32>} : memref<128x128xf32, #tpu.memory_space<vmem>>, vector<16xf32>,
        %eq3A_717 = arith.constant 14 : i32
        %eq3A_718 = vector.broadcast %eq3A_717 : i32 to vector<16xi32>
        %eq3A_719 = arith.cmpi eq, %iota3A, %eq3A_718 : vector<16xi32>
        %jit3A_720 = arith.constant 1.000000e+00 : f32
        %jit3A_721 = arith.constant 0.000000e+00 : f32
        %broadcast_in_dim3A_722 = vector.broadcast %jit3A_720 : f32 to vector<16xf32>
        %broadcast_in_dim3A_723 = vector.broadcast %jit3A_721 : f32 to vector<16xf32>
        %select_n3A_724 = arith.select %eq3A_719, %broadcast_in_dim3A_722, %broadcast_in_dim3A_723 : vector<16xi1>, vector<16xf32>
        %mul3A_725 = arith.mulf %get3A_78, %select_n3A_724 : vector<16xf32>
        %reduce_sum3A_726 = arith.constant true
        %reduce_sum3A_727 = vector.broadcast %reduce_sum3A_726 : i1 to vector<16xi1>
        %reduce_sum3A_728 = tpu.scan <sum>, %mul3A_725 masked %reduce_sum3A_727 : vector<16xf32>, vector<16xi1> -> vector<16xf32>
        %reduce_sum3A_729 = vector.extract %reduce_sum3A_728[15] : f32 from vector<16xf32>
        %broadcast_in_dim3A_730 = vector.broadcast %reduce_sum3A_729 : f32 to vector<16xf32>
        %mul3A_731 = arith.constant 16 : i32
        %mul3A_732 = arith.muli %scan3A_71, %mul3A_731 : i32
        %add3A_733 = arith.constant 14 : i32
        %add3A_734 = arith.addi %mul3A_732, %add3A_733 : i32
        %get3A_735 = arith.index_cast %add3A_734 : i32 to index
        %get3A_736 = arith.constant 0 : index
        %get3A_737 = tpu.vector_load %arg11[%get3A_735, %get3A_736] {strides = array<i32>} : memref<128x128xf32, #tpu.memory_space<vmem>>, vector<16xf32>,
        %mul3A_738 = arith.mulf %get3A_737, %broadcast_in_dim3A_730 : vector<16xf32>
        %swap3A_739 = arith.index_cast %add3A_734 : i32 to index
        %swap3A_740 = arith.constant 0 : index
        %swap3A_741 = tpu.vector_load %arg11[%swap3A_739, %swap3A_740] {strides = array<i32>} : memref<128x128xf32, #tpu.memory_space<vmem>>, vector<16xf32>,
        tpu.vector_store %arg11[%swap3A_739, %swap3A_740], %mul3A_738 {strides = array<i32>} : memref<128x128xf32, #tpu.memory_space<vmem>>, vector<16xf32>,
        %get3A_742 = arith.index_cast %add3A_734 : i32 to index
        %get3A_743 = arith.constant 16 : index
        %get3A_744 = tpu.vector_load %arg11[%get3A_742, %get3A_743] {strides = array<i32>} : memref<128x128xf32, #tpu.memory_space<vmem>>, vector<16xf32>,
        %mul3A_745 = arith.mulf %get3A_744, %broadcast_in_dim3A_730 : vector<16xf32>
        %swap3A_746 = arith.index_cast %add3A_734 : i32 to index
        %swap3A_747 = arith.constant 16 : index
        %swap3A_748 = tpu.vector_load %arg11[%swap3A_746, %swap3A_747] {strides = array<i32>} : memref<128x128xf32, #tpu.memory_space<vmem>>, vector<16xf32>,
        tpu.vector_store %arg11[%swap3A_746, %swap3A_747], %mul3A_745 {strides = array<i32>} : memref<128x128xf32, #tpu.memory_space<vmem>>, vector<16xf32>,
        %get3A_749 = arith.index_cast %add3A_734 : i32 to index
        %get3A_750 = arith.constant 32 : index
        %get3A_751 = tpu.vector_load %arg11[%get3A_749, %get3A_750] {strides = array<i32>} : memref<128x128xf32, #tpu.memory_space<vmem>>, vector<16xf32>,
        %mul3A_752 = arith.mulf %get3A_751, %broadcast_in_dim3A_730 : vector<16xf32>
        %swap3A_753 = arith.index_cast %add3A_734 : i32 to index
        %swap3A_754 = arith.constant 32 : index
        %swap3A_755 = tpu.vector_load %arg11[%swap3A_753, %swap3A_754] {strides = array<i32>} : memref<128x128xf32, #tpu.memory_space<vmem>>, vector<16xf32>,
        tpu.vector_store %arg11[%swap3A_753, %swap3A_754], %mul3A_752 {strides = array<i32>} : memref<128x128xf32, #tpu.memory_space<vmem>>, vector<16xf32>,
        %get3A_756 = arith.index_cast %add3A_734 : i32 to index
        %get3A_757 = arith.constant 48 : index
        %get3A_758 = tpu.vector_load %arg11[%get3A_756, %get3A_757] {strides = array<i32>} : memref<128x128xf32, #tpu.memory_space<vmem>>, vector<16xf32>,
        %mul3A_759 = arith.mulf %get3A_758, %broadcast_in_dim3A_730 : vector<16xf32>
        %swap3A_760 = arith.index_cast %add3A_734 : i32 to index
        %swap3A_761 = arith.constant 48 : index
        %swap3A_762 = tpu.vector_load %arg11[%swap3A_760, %swap3A_761] {strides = array<i32>} : memref<128x128xf32, #tpu.memory_space<vmem>>, vector<16xf32>,
        tpu.vector_store %arg11[%swap3A_760, %swap3A_761], %mul3A_759 {strides = array<i32>} : memref<128x128xf32, #tpu.memory_space<vmem>>, vector<16xf32>,
        %eq3A_763 = arith.constant 15 : i32
        %eq3A_764 = vector.broadcast %eq3A_763 : i32 to vector<16xi32>
        %eq3A_765 = arith.cmpi eq, %iota3A, %eq3A_764 : vector<16xi32>
        %jit3A_766 = arith.constant 1.000000e+00 : f32
        %jit3A_767 = arith.constant 0.000000e+00 : f32
        %broadcast_in_dim3A_768 = vector.broadcast %jit3A_766 : f32 to vector<16xf32>
        %broadcast_in_dim3A_769 = vector.broadcast %jit3A_767 : f32 to vector<16xf32>
        %select_n3A_770 = arith.select %eq3A_765, %broadcast_in_dim3A_768, %broadcast_in_dim3A_769 : vector<16xi1>, vector<16xf32>
        %mul3A_771 = arith.mulf %get3A_78, %select_n3A_770 : vector<16xf32>
        %reduce_sum3A_772 = arith.constant true
        %reduce_sum3A_773 = vector.broadcast %reduce_sum3A_772 : i1 to vector<16xi1>
        %reduce_sum3A_774 = tpu.scan <sum>, %mul3A_771 masked %reduce_sum3A_773 : vector<16xf32>, vector<16xi1> -> vector<16xf32>
        %reduce_sum3A_775 = vector.extract %reduce_sum3A_774[15] : f32 from vector<16xf32>
        %broadcast_in_dim3A_776 = vector.broadcast %reduce_sum3A_775 : f32 to vector<16xf32>
        %mul3A_777 = arith.constant 16 : i32
        %mul3A_778 = arith.muli %scan3A_71, %mul3A_777 : i32
        %add3A_779 = arith.constant 15 : i32
        %add3A_780 = arith.addi %mul3A_778, %add3A_779 : i32
        %get3A_781 = arith.index_cast %add3A_780 : i32 to index
        %get3A_782 = arith.constant 0 : index
        %get3A_783 = tpu.vector_load %arg11[%get3A_781, %get3A_782] {strides = array<i32>} : memref<128x128xf32, #tpu.memory_space<vmem>>, vector<16xf32>,
        %mul3A_784 = arith.mulf %get3A_783, %broadcast_in_dim3A_776 : vector<16xf32>
        %swap3A_785 = arith.index_cast %add3A_780 : i32 to index
        %swap3A_786 = arith.constant 0 : index
        %swap3A_787 = tpu.vector_load %arg11[%swap3A_785, %swap3A_786] {strides = array<i32>} : memref<128x128xf32, #tpu.memory_space<vmem>>, vector<16xf32>,
        tpu.vector_store %arg11[%swap3A_785, %swap3A_786], %mul3A_784 {strides = array<i32>} : memref<128x128xf32, #tpu.memory_space<vmem>>, vector<16xf32>,
        %get3A_788 = arith.index_cast %add3A_780 : i32 to index
        %get3A_789 = arith.constant 16 : index
        %get3A_790 = tpu.vector_load %arg11[%get3A_788, %get3A_789] {strides = array<i32>} : memref<128x128xf32, #tpu.memory_space<vmem>>, vector<16xf32>,
        %mul3A_791 = arith.mulf %get3A_790, %broadcast_in_dim3A_776 : vector<16xf32>
        %swap3A_792 = arith.index_cast %add3A_780 : i32 to index
        %swap3A_793 = arith.constant 16 : index
        %swap3A_794 = tpu.vector_load %arg11[%swap3A_792, %swap3A_793] {strides = array<i32>} : memref<128x128xf32, #tpu.memory_space<vmem>>, vector<16xf32>,
        tpu.vector_store %arg11[%swap3A_792, %swap3A_793], %mul3A_791 {strides = array<i32>} : memref<128x128xf32, #tpu.memory_space<vmem>>, vector<16xf32>,
        %get3A_795 = arith.index_cast %add3A_780 : i32 to index
        %get3A_796 = arith.constant 32 : index
        %get3A_797 = tpu.vector_load %arg11[%get3A_795, %get3A_796] {strides = array<i32>} : memref<128x128xf32, #tpu.memory_space<vmem>>, vector<16xf32>,
        %mul3A_798 = arith.mulf %get3A_797, %broadcast_in_dim3A_776 : vector<16xf32>
        %swap3A_799 = arith.index_cast %add3A_780 : i32 to index
        %swap3A_800 = arith.constant 32 : index
        %swap3A_801 = tpu.vector_load %arg11[%swap3A_799, %swap3A_800] {strides = array<i32>} : memref<128x128xf32, #tpu.memory_space<vmem>>, vector<16xf32>,
        tpu.vector_store %arg11[%swap3A_799, %swap3A_800], %mul3A_798 {strides = array<i32>} : memref<128x128xf32, #tpu.memory_space<vmem>>, vector<16xf32>,
        %get3A_802 = arith.index_cast %add3A_780 : i32 to index
        %get3A_803 = arith.constant 48 : index
        %get3A_804 = tpu.vector_load %arg11[%get3A_802, %get3A_803] {strides = array<i32>} : memref<128x128xf32, #tpu.memory_space<vmem>>, vector<16xf32>,
        %mul3A_805 = arith.mulf %get3A_804, %broadcast_in_dim3A_776 : vector<16xf32>
        %swap3A_806 = arith.index_cast %add3A_780 : i32 to index
        %swap3A_807 = arith.constant 48 : index
        %swap3A_808 = tpu.vector_load %arg11[%swap3A_806, %swap3A_807] {strides = array<i32>} : memref<128x128xf32, #tpu.memory_space<vmem>>, vector<16xf32>,
        tpu.vector_store %arg11[%swap3A_806, %swap3A_807], %mul3A_805 {strides = array<i32>} : memref<128x128xf32, #tpu.memory_space<vmem>>, vector<16xf32>,
        %scan3A_809 = arith.constant 0 : i32
        scf.yield %scan3A_809 : i32
      }
      %scan3A_69 = arith.constant 8 : i32
      "tpu.region"() ({
        %run_scoped3A = tpu.sem_alloc : memref<!tpu.dma_semaphore, #tpu.memory_space<semaphore_mem>>
        %dma_start3A_71 = arith.constant 0 : i32
        %dma_start3A_72 = tpu.memref_slice %arg8[%add3A_62, %dma_start3A_71] : memref<32x128xi32, #tpu.memory_space<vmem>> -> memref<1x128xi32, #tpu.memory_space<vmem>>
        %dma_start3A_73 = tpu.memref_squeeze %dma_start3A_72 : memref<1x128xi32, #tpu.memory_space<vmem>> -> memref<128xi32, #tpu.memory_space<vmem>>
        %dma_start3A_74 = arith.constant 0 : i32
        %dma_start3A_75 = arith.constant 0 : i32
        %dma_start3A_76 = tpu.memref_slice %arg12[%dma_start3A_74, %dma_start3A_75] : memref<2048x128xf32, #tpu.memory_space<vmem_shared>> -> memref<2048x128xf32, #tpu.memory_space<vmem_shared>>
        tpu.enqueue_indirect_dma source(%arg11 : memref<128x128xf32, #tpu.memory_space<vmem>>) target(%dma_start3A_76 : memref<2048x128xf32, #tpu.memory_space<vmem_shared>>) offsets(%dma_start3A_73 : memref<128xi32, #tpu.memory_space<vmem>>) semaphore(%run_scoped3A : memref<!tpu.dma_semaphore, #tpu.memory_space<semaphore_mem>>) {add = true}
        %dma_wait3A_77 = arith.constant 0 : i32
        %dma_wait3A_78 = tpu.memref_slice %arg8[%add3A_62, %dma_wait3A_77] : memref<32x128xi32, #tpu.memory_space<vmem>> -> memref<1x128xi32, #tpu.memory_space<vmem>>
        %dma_wait3A_79 = tpu.memref_squeeze %dma_wait3A_78 : memref<1x128xi32, #tpu.memory_space<vmem>> -> memref<128xi32, #tpu.memory_space<vmem>>
        %dma_wait3A_80 = arith.constant 0 : i32
        %dma_wait3A_81 = arith.constant 0 : i32
        %dma_wait3A_82 = tpu.memref_slice %arg12[%dma_wait3A_80, %dma_wait3A_81] : memref<2048x128xf32, #tpu.memory_space<vmem_shared>> -> memref<2048x128xf32, #tpu.memory_space<vmem_shared>>
        tpu.wait_indirect_dma semaphore(%run_scoped3A : memref<!tpu.dma_semaphore, #tpu.memory_space<semaphore_mem>>) src(%arg11 : memref<128x128xf32, #tpu.memory_space<vmem>>) dst(%dma_wait3A_82 : memref<2048x128xf32, #tpu.memory_space<vmem_shared>>)
        tpu.yield
      }) : () -> ()
      %scan3A_70 = arith.constant 0 : i32
      scf.yield %scan3A_70 : i32
    }
    %scan3A_21 = arith.constant 16 : i32
    %barrier3A_22 = arith.constant 0 : index
    tpu.barrier barrier_id(%barrier3A_22)
    %mul3A_23 = arith.constant 128 : i32
    %mul3A_24 = arith.muli %arg1, %mul3A_23 : i32
    %mul3A_25 = arith.constant 128 : i32
    %mul3A_26 = arith.muli %arg1, %mul3A_25 : i32
    "tpu.region"() ({
      %run_scoped3A = tpu.sem_alloc : memref<!tpu.dma_semaphore, #tpu.memory_space<semaphore_mem>>
      %dma_start3A_27 = arith.constant 0 : i32
      %dma_start3A_28 = tpu.memref_slice %arg6[%arg0, %mul3A_26, %dma_start3A_27] : memref<2x2048x128xf32, #tpu.memory_space<hbm>> -> memref<1x128x128xf32, #tpu.memory_space<hbm>>
      %dma_start3A_29 = tpu.memref_squeeze %dma_start3A_28 : memref<1x128x128xf32, #tpu.memory_space<hbm>> -> memref<128x128xf32, #tpu.memory_space<hbm>>
      %dma_start3A_30 = arith.constant 0 : i32
      %dma_start3A_31 = tpu.memref_slice %arg12[%mul3A_24, %dma_start3A_30] : memref<2048x128xf32, #tpu.memory_space<vmem_shared>> -> memref<128x128xf32, #tpu.memory_space<vmem_shared>>
      tpu.enqueue_dma source(%dma_start3A_31 : memref<128x128xf32, #tpu.memory_space<vmem_shared>>) target(%dma_start3A_29 : memref<128x128xf32, #tpu.memory_space<hbm>>) target_semaphore(%run_scoped3A : memref<!tpu.dma_semaphore, #tpu.memory_space<semaphore_mem>>)
      %dma_wait3A = arith.constant 0 : i32
      %dma_wait3A_32 = tpu.memref_slice %arg6[%arg0, %mul3A_26, %dma_wait3A] : memref<2x2048x128xf32, #tpu.memory_space<hbm>> -> memref<1x128x128xf32, #tpu.memory_space<hbm>>
      %dma_wait3A_33 = tpu.memref_squeeze %dma_wait3A_32 : memref<1x128x128xf32, #tpu.memory_space<hbm>> -> memref<128x128xf32, #tpu.memory_space<hbm>>
      %dma_wait3A_34 = arith.constant 0 : i32
      %dma_wait3A_35 = tpu.memref_slice %arg12[%mul3A_24, %dma_wait3A_34] : memref<2048x128xf32, #tpu.memory_space<vmem_shared>> -> memref<128x128xf32, #tpu.memory_space<vmem_shared>>
      tpu.wait_dma2 semaphore(%run_scoped3A : memref<!tpu.dma_semaphore, #tpu.memory_space<semaphore_mem>>) src(%dma_wait3A_35 : memref<128x128xf32, #tpu.memory_space<vmem_shared>>) dst(%dma_wait3A_33 : memref<128x128xf32, #tpu.memory_space<hbm>>)
      tpu.yield
    }) : () -> ()
    return
  }
}

module attributes {stable_mosaic.version = 14 : i64} {
  func.func @_pre_body(%arg0: memref<2x2048x1xf32, #tpu.memory_space<vmem>>, %arg1: memref<2048x200xf32, #tpu.memory_space<vmem>>, %arg2: memref<200x64xf32, #tpu.memory_space<vmem>>, %arg3: memref<2048x1xf32, #tpu.memory_space<vmem>>, %arg4: memref<2048x128xf32, #tpu.memory_space<vmem>>) attributes {dimension_semantics = [], scalar_prefetch = 0 : i64, scratch_operands = 0 : i64, tpu.core_type = #tpu.core_type<tc>} {
    %get3A = arith.constant 0 : index
    %get3A_0 = arith.constant 0 : index
    %get3A_1 = arith.constant 0 : index
    %get3A_2 = vector.load %arg0[%get3A, %get3A_0, %get3A_1] : memref<2x2048x1xf32, #tpu.memory_space<vmem>>, vector<1x2048x1xf32>
    %get3A_3 = vector.shape_cast %get3A_2 : vector<1x2048x1xf32> to vector<2048x1xf32>
    %get3A_4 = arith.constant 1 : index
    %get3A_5 = arith.constant 0 : index
    %get3A_6 = arith.constant 0 : index
    %get3A_7 = vector.load %arg0[%get3A_4, %get3A_5, %get3A_6] : memref<2x2048x1xf32, #tpu.memory_space<vmem>>, vector<1x2048x1xf32>
    %get3A_8 = vector.shape_cast %get3A_7 : vector<1x2048x1xf32> to vector<2048x1xf32>
    %add3A = arith.addf %get3A_3, %get3A_8 : vector<2048x1xf32>
    %add3A_9 = arith.constant 1.000000e+00 : f32
    %add3A_10 = vector.broadcast %add3A_9 : f32 to vector<2048x1xf32>
    %add3A_11 = arith.addf %add3A, %add3A_10 : vector<2048x1xf32>
    %rsqrt3A = math.rsqrt %add3A_11 : vector<2048x1xf32>
    %swap3A = arith.constant 0 : index
    %swap3A_12 = arith.constant 0 : index
    %swap3A_13 = vector.load %arg3[%swap3A, %swap3A_12] : memref<2048x1xf32, #tpu.memory_space<vmem>>, vector<2048x1xf32>
    tpu.vector_store %arg3[%swap3A, %swap3A_12], %rsqrt3A {strides = array<i32>} : memref<2048x1xf32, #tpu.memory_space<vmem>>, vector<2048x1xf32>,
    %get3A_14 = arith.constant 0 : index
    %get3A_15 = arith.constant 0 : index
    %get3A_16 = vector.load %arg1[%get3A_14, %get3A_15] : memref<2048x200xf32, #tpu.memory_space<vmem>>, vector<2048x200xf32>
    %get3A_17 = arith.constant 0 : index
    %get3A_18 = arith.constant 0 : index
    %get3A_19 = vector.load %arg2[%get3A_17, %get3A_18] : memref<200x64xf32, #tpu.memory_space<vmem>>, vector<200x64xf32>
    %dot_general3A = arith.constant dense<0.000000e+00> : vector<2048x64xf32>
    %dot_general3A_20 = tpu.matmul %get3A_16, %get3A_19, %dot_general3A {dimension_numbers = #tpu.dot_dimension_numbers<[1], [0], [0], [1], [0, 0, 1, 1], [], []>, transpose_lhs_hint = false} : vector<2048x200xf32>, vector<200x64xf32>, vector<2048x64xf32> -> vector<2048x64xf32>
    %mul3A = vector.broadcast %rsqrt3A : vector<2048x1xf32> to vector<2048x64xf32>
    %mul3A_21 = arith.mulf %dot_general3A_20, %mul3A : vector<2048x64xf32>
    %broadcast_in_dim3A = arith.constant 0.000000e+00 : f32
    %broadcast_in_dim3A_22 = vector.broadcast %broadcast_in_dim3A : f32 to vector<2048x64xf32>
    %concatenate3A = tpu.concatenate %mul3A_21, %broadcast_in_dim3A_22 in 1 : vector<2048x64xf32>, vector<2048x64xf32> -> vector<2048x128xf32>
    %swap3A_23 = arith.constant 0 : index
    %swap3A_24 = arith.constant 0 : index
    %swap3A_25 = vector.load %arg4[%swap3A_23, %swap3A_24] : memref<2048x128xf32, #tpu.memory_space<vmem>>, vector<2048x128xf32>
    tpu.vector_store %arg4[%swap3A_23, %swap3A_24], %concatenate3A {strides = array<i32>} : memref<2048x128xf32, #tpu.memory_space<vmem>>, vector<2048x128xf32>,
    return
  }
}

module attributes {stable_mosaic.version = 14 : i64} {
  func.func @_mid_body(%arg0: memref<2x2048x128xf32, #tpu.memory_space<vmem>>, %arg1: memref<2048x128xf32, #tpu.memory_space<vmem>>, %arg2: memref<2048x1xf32, #tpu.memory_space<vmem>>, %arg3: memref<64xf32, #tpu.memory_space<vmem>>, %arg4: memref<64xf32, #tpu.memory_space<vmem>>, %arg5: memref<64xf32, #tpu.memory_space<vmem>>, %arg6: memref<64x64xf32, #tpu.memory_space<vmem>>, %arg7: memref<2048x128xf32, #tpu.memory_space<vmem>>) attributes {dimension_semantics = [], scalar_prefetch = 0 : i64, scratch_operands = 0 : i64, tpu.core_type = #tpu.core_type<tc>} {
    %get3A = arith.constant 0 : index
    %get3A_0 = arith.constant 0 : index
    %get3A_1 = arith.constant 0 : index
    %get3A_2 = vector.load %arg0[%get3A, %get3A_0, %get3A_1] : memref<2x2048x128xf32, #tpu.memory_space<vmem>>, vector<1x2048x64xf32>
    %get3A_3 = vector.shape_cast %get3A_2 : vector<1x2048x64xf32> to vector<2048x64xf32>
    %get3A_4 = arith.constant 1 : index
    %get3A_5 = arith.constant 0 : index
    %get3A_6 = arith.constant 0 : index
    %get3A_7 = vector.load %arg0[%get3A_4, %get3A_5, %get3A_6] : memref<2x2048x128xf32, #tpu.memory_space<vmem>>, vector<1x2048x64xf32>
    %get3A_8 = vector.shape_cast %get3A_7 : vector<1x2048x64xf32> to vector<2048x64xf32>
    %add3A = arith.addf %get3A_3, %get3A_8 : vector<2048x64xf32>
    %get3A_9 = arith.constant 0 : index
    %get3A_10 = arith.constant 0 : index
    %get3A_11 = vector.load %arg1[%get3A_9, %get3A_10] : memref<2048x128xf32, #tpu.memory_space<vmem>>, vector<2048x64xf32>
    %add3A_12 = arith.addf %add3A, %get3A_11 : vector<2048x64xf32>
    %get3A_13 = arith.constant 0 : index
    %get3A_14 = arith.constant 0 : index
    %get3A_15 = vector.load %arg2[%get3A_13, %get3A_14] : memref<2048x1xf32, #tpu.memory_space<vmem>>, vector<2048x1xf32>
    %mul3A = vector.broadcast %get3A_15 : vector<2048x1xf32> to vector<2048x64xf32>
    %mul3A_16 = arith.mulf %add3A_12, %mul3A : vector<2048x64xf32>
    %get3A_17 = arith.constant 0 : index
    %get3A_18 = vector.load %arg3[%get3A_17] : memref<64xf32, #tpu.memory_space<vmem>>, vector<64xf32>
    %broadcast_in_dim3A = vector.shape_cast %get3A_18 : vector<64xf32> to vector<1x64xf32>
    %add3A_19 = vector.broadcast %broadcast_in_dim3A : vector<1x64xf32> to vector<2048x64xf32>
    %add3A_20 = arith.addf %mul3A_16, %add3A_19 : vector<2048x64xf32>
    %get3A_21 = arith.constant 0 : index
    %get3A_22 = vector.load %arg4[%get3A_21] : memref<64xf32, #tpu.memory_space<vmem>>, vector<64xf32>
    %mul3A_23 = arith.constant 0.999994993 : f32
    %mul3A_24 = vector.broadcast %mul3A_23 : f32 to vector<64xf32>
    %mul3A_25 = arith.mulf %get3A_22, %mul3A_24 : vector<64xf32>
    %broadcast_in_dim3A_26 = vector.shape_cast %mul3A_25 : vector<64xf32> to vector<1x64xf32>
    %mul3A_27 = vector.broadcast %broadcast_in_dim3A_26 : vector<1x64xf32> to vector<2048x64xf32>
    %mul3A_28 = arith.mulf %add3A_20, %mul3A_27 : vector<2048x64xf32>
    %get3A_29 = arith.constant 0 : index
    %get3A_30 = vector.load %arg5[%get3A_29] : memref<64xf32, #tpu.memory_space<vmem>>, vector<64xf32>
    %broadcast_in_dim3A_31 = vector.shape_cast %get3A_30 : vector<64xf32> to vector<1x64xf32>
    %add3A_32 = vector.broadcast %broadcast_in_dim3A_31 : vector<1x64xf32> to vector<2048x64xf32>
    %add3A_33 = arith.addf %mul3A_28, %add3A_32 : vector<2048x64xf32>
    %max3A = arith.constant 0.000000e+00 : f32
    %max3A_34 = vector.broadcast %max3A : f32 to vector<2048x64xf32>
    %max3A_35 = arith.maximumf %add3A_33, %max3A_34 : vector<2048x64xf32>
    %get3A_36 = arith.constant 0 : index
    %get3A_37 = arith.constant 0 : index
    %get3A_38 = vector.load %arg6[%get3A_36, %get3A_37] : memref<64x64xf32, #tpu.memory_space<vmem>>, vector<64x64xf32>
    %dot_general3A = arith.constant dense<0.000000e+00> : vector<2048x64xf32>
    %dot_general3A_39 = tpu.matmul %max3A_35, %get3A_38, %dot_general3A {dimension_numbers = #tpu.dot_dimension_numbers<[1], [0], [0], [1], [0, 0, 1, 1], [], []>, transpose_lhs_hint = false} : vector<2048x64xf32>, vector<64x64xf32>, vector<2048x64xf32> -> vector<2048x64xf32>
    %get3A_40 = arith.constant 0 : index
    %get3A_41 = arith.constant 0 : index
    %get3A_42 = vector.load %arg2[%get3A_40, %get3A_41] : memref<2048x1xf32, #tpu.memory_space<vmem>>, vector<2048x1xf32>
    %mul3A_43 = vector.broadcast %get3A_42 : vector<2048x1xf32> to vector<2048x64xf32>
    %mul3A_44 = arith.mulf %dot_general3A_39, %mul3A_43 : vector<2048x64xf32>
    %broadcast_in_dim3A_45 = arith.constant 0.000000e+00 : f32
    %broadcast_in_dim3A_46 = vector.broadcast %broadcast_in_dim3A_45 : f32 to vector<2048x64xf32>
    %concatenate3A = tpu.concatenate %mul3A_44, %broadcast_in_dim3A_46 in 1 : vector<2048x64xf32>, vector<2048x64xf32> -> vector<2048x128xf32>
    %swap3A = arith.constant 0 : index
    %swap3A_47 = arith.constant 0 : index
    %swap3A_48 = vector.load %arg7[%swap3A, %swap3A_47] : memref<2048x128xf32, #tpu.memory_space<vmem>>, vector<2048x128xf32>
    tpu.vector_store %arg7[%swap3A, %swap3A_47], %concatenate3A {strides = array<i32>} : memref<2048x128xf32, #tpu.memory_space<vmem>>, vector<2048x128xf32>,
    return
  }
}

module attributes {stable_mosaic.version = 14 : i64} {
  func.func @_fin_body(%arg0: memref<2x2048x128xf32, #tpu.memory_space<vmem>>, %arg1: memref<2048x128xf32, #tpu.memory_space<vmem>>, %arg2: memref<2048x1xf32, #tpu.memory_space<vmem>>, %arg3: memref<64xf32, #tpu.memory_space<vmem>>, %arg4: memref<64xf32, #tpu.memory_space<vmem>>, %arg5: memref<64xf32, #tpu.memory_space<vmem>>, %arg6: memref<2048x64xf32, #tpu.memory_space<vmem>>, %arg7: memref<128x128xf32, #tpu.memory_space<vmem>>, %arg8: memref<128xf32, #tpu.memory_space<vmem>>, %arg9: memref<128x128xf32, #tpu.memory_space<vmem>>, %arg10: memref<128xf32, #tpu.memory_space<vmem>>, %arg11: memref<128x64xf32, #tpu.memory_space<vmem>>, %arg12: memref<64xf32, #tpu.memory_space<vmem>>, %arg13: memref<64x1xf32, #tpu.memory_space<vmem>>, %arg14: memref<1xf32, #tpu.memory_space<vmem>>, %arg15: memref<16x1xf32, #tpu.memory_space<vmem>>) attributes {dimension_semantics = [], scalar_prefetch = 0 : i64, scratch_operands = 0 : i64, tpu.core_type = #tpu.core_type<tc>} {
    %get3A = arith.constant 0 : index
    %get3A_0 = arith.constant 0 : index
    %get3A_1 = arith.constant 0 : index
    %get3A_2 = vector.load %arg0[%get3A, %get3A_0, %get3A_1] : memref<2x2048x128xf32, #tpu.memory_space<vmem>>, vector<1x2048x64xf32>
    %get3A_3 = vector.shape_cast %get3A_2 : vector<1x2048x64xf32> to vector<2048x64xf32>
    %get3A_4 = arith.constant 1 : index
    %get3A_5 = arith.constant 0 : index
    %get3A_6 = arith.constant 0 : index
    %get3A_7 = vector.load %arg0[%get3A_4, %get3A_5, %get3A_6] : memref<2x2048x128xf32, #tpu.memory_space<vmem>>, vector<1x2048x64xf32>
    %get3A_8 = vector.shape_cast %get3A_7 : vector<1x2048x64xf32> to vector<2048x64xf32>
    %add3A = arith.addf %get3A_3, %get3A_8 : vector<2048x64xf32>
    %get3A_9 = arith.constant 0 : index
    %get3A_10 = arith.constant 0 : index
    %get3A_11 = vector.load %arg1[%get3A_9, %get3A_10] : memref<2048x128xf32, #tpu.memory_space<vmem>>, vector<2048x64xf32>
    %add3A_12 = arith.addf %add3A, %get3A_11 : vector<2048x64xf32>
    %get3A_13 = arith.constant 0 : index
    %get3A_14 = arith.constant 0 : index
    %get3A_15 = vector.load %arg2[%get3A_13, %get3A_14] : memref<2048x1xf32, #tpu.memory_space<vmem>>, vector<2048x1xf32>
    %mul3A = vector.broadcast %get3A_15 : vector<2048x1xf32> to vector<2048x64xf32>
    %mul3A_16 = arith.mulf %add3A_12, %mul3A : vector<2048x64xf32>
    %get3A_17 = arith.constant 0 : index
    %get3A_18 = vector.load %arg3[%get3A_17] : memref<64xf32, #tpu.memory_space<vmem>>, vector<64xf32>
    %broadcast_in_dim3A = vector.shape_cast %get3A_18 : vector<64xf32> to vector<1x64xf32>
    %add3A_19 = vector.broadcast %broadcast_in_dim3A : vector<1x64xf32> to vector<2048x64xf32>
    %add3A_20 = arith.addf %mul3A_16, %add3A_19 : vector<2048x64xf32>
    %get3A_21 = arith.constant 0 : index
    %get3A_22 = vector.load %arg4[%get3A_21] : memref<64xf32, #tpu.memory_space<vmem>>, vector<64xf32>
    %mul3A_23 = arith.constant 0.999994993 : f32
    %mul3A_24 = vector.broadcast %mul3A_23 : f32 to vector<64xf32>
    %mul3A_25 = arith.mulf %get3A_22, %mul3A_24 : vector<64xf32>
    %broadcast_in_dim3A_26 = vector.shape_cast %mul3A_25 : vector<64xf32> to vector<1x64xf32>
    %mul3A_27 = vector.broadcast %broadcast_in_dim3A_26 : vector<1x64xf32> to vector<2048x64xf32>
    %mul3A_28 = arith.mulf %add3A_20, %mul3A_27 : vector<2048x64xf32>
    %get3A_29 = arith.constant 0 : index
    %get3A_30 = vector.load %arg5[%get3A_29] : memref<64xf32, #tpu.memory_space<vmem>>, vector<64xf32>
    %broadcast_in_dim3A_31 = vector.shape_cast %get3A_30 : vector<64xf32> to vector<1x64xf32>
    %add3A_32 = vector.broadcast %broadcast_in_dim3A_31 : vector<1x64xf32> to vector<2048x64xf32>
    %add3A_33 = arith.addf %mul3A_28, %add3A_32 : vector<2048x64xf32>
    %max3A = arith.constant 0.000000e+00 : f32
    %max3A_34 = vector.broadcast %max3A : f32 to vector<2048x64xf32>
    %max3A_35 = arith.maximumf %add3A_33, %max3A_34 : vector<2048x64xf32>
    %get3A_36 = arith.constant 0 : index
    %get3A_37 = arith.constant 0 : index
    %get3A_38 = vector.load %arg6[%get3A_36, %get3A_37] : memref<2048x64xf32, #tpu.memory_space<vmem>>, vector<2048x64xf32>
    %concatenate3A = tpu.concatenate %get3A_38, %max3A_35 in 1 : vector<2048x64xf32>, vector<2048x64xf32> -> vector<2048x128xf32>
    %get3A_39 = arith.constant 0 : index
    %get3A_40 = arith.constant 0 : index
    %get3A_41 = vector.load %arg7[%get3A_39, %get3A_40] : memref<128x128xf32, #tpu.memory_space<vmem>>, vector<128x128xf32>
    %dot_general3A = arith.constant dense<0.000000e+00> : vector<2048x128xf32>
    %dot_general3A_42 = tpu.matmul %concatenate3A, %get3A_41, %dot_general3A {dimension_numbers = #tpu.dot_dimension_numbers<[1], [0], [0], [1], [0, 0, 1, 1], [], []>, transpose_lhs_hint = false} : vector<2048x128xf32>, vector<128x128xf32>, vector<2048x128xf32> -> vector<2048x128xf32>
    %get3A_43 = arith.constant 0 : index
    %get3A_44 = vector.load %arg8[%get3A_43] : memref<128xf32, #tpu.memory_space<vmem>>, vector<128xf32>
    %broadcast_in_dim3A_45 = vector.shape_cast %get3A_44 : vector<128xf32> to vector<1x128xf32>
    %add3A_46 = vector.broadcast %broadcast_in_dim3A_45 : vector<1x128xf32> to vector<2048x128xf32>
    %add3A_47 = arith.addf %dot_general3A_42, %add3A_46 : vector<2048x128xf32>
    %max3A_48 = arith.constant 0.000000e+00 : f32
    %max3A_49 = vector.broadcast %max3A_48 : f32 to vector<2048x128xf32>
    %max3A_50 = arith.maximumf %add3A_47, %max3A_49 : vector<2048x128xf32>
    %get3A_51 = arith.constant 0 : index
    %get3A_52 = arith.constant 0 : index
    %get3A_53 = vector.load %arg9[%get3A_51, %get3A_52] : memref<128x128xf32, #tpu.memory_space<vmem>>, vector<128x128xf32>
    %dot_general3A_54 = arith.constant dense<0.000000e+00> : vector<2048x128xf32>
    %dot_general3A_55 = tpu.matmul %max3A_50, %get3A_53, %dot_general3A_54 {dimension_numbers = #tpu.dot_dimension_numbers<[1], [0], [0], [1], [0, 0, 1, 1], [], []>, transpose_lhs_hint = false} : vector<2048x128xf32>, vector<128x128xf32>, vector<2048x128xf32> -> vector<2048x128xf32>
    %get3A_56 = arith.constant 0 : index
    %get3A_57 = vector.load %arg10[%get3A_56] : memref<128xf32, #tpu.memory_space<vmem>>, vector<128xf32>
    %broadcast_in_dim3A_58 = vector.shape_cast %get3A_57 : vector<128xf32> to vector<1x128xf32>
    %add3A_59 = vector.broadcast %broadcast_in_dim3A_58 : vector<1x128xf32> to vector<2048x128xf32>
    %add3A_60 = arith.addf %dot_general3A_55, %add3A_59 : vector<2048x128xf32>
    %max3A_61 = arith.constant 0.000000e+00 : f32
    %max3A_62 = vector.broadcast %max3A_61 : f32 to vector<2048x128xf32>
    %max3A_63 = arith.maximumf %add3A_60, %max3A_62 : vector<2048x128xf32>
    %iota3A = tpu.iota {dimensions = array<i32: 1>} : vector<16x2048xi32>
    %iota3A_64 = tpu.iota {dimensions = array<i32: 0>} : vector<16x2048xi32>
    %jit3A = arith.constant 128 : i32
    %div3A = vector.broadcast %jit3A : i32 to vector<16x2048xi32>
    %div3A_65 = arith.divsi %iota3A, %div3A : vector<16x2048xi32>
    %sign3A = arith.constant 0 : i32
    %sign3A_66 = vector.broadcast %sign3A : i32 to vector<16x2048xi32>
    %sign3A_67 = arith.cmpi sgt, %iota3A, %sign3A_66 : vector<16x2048xi32>
    %sign3A_68 = arith.extui %sign3A_67 : vector<16x2048xi1> to vector<16x2048xi32>
    %sign3A_69 = arith.constant 0 : i32
    %sign3A_70 = vector.broadcast %sign3A_69 : i32 to vector<16x2048xi32>
    %sign3A_71 = arith.cmpi slt, %iota3A, %sign3A_70 : vector<16x2048xi32>
    %sign3A_72 = arith.extui %sign3A_71 : vector<16x2048xi1> to vector<16x2048xi32>
    %sign3A_73 = arith.subi %sign3A_68, %sign3A_72 : vector<16x2048xi32>
    %sign3A_74 = arith.constant 0 : i32
    %sign3A_75 = arith.cmpi sgt, %jit3A, %sign3A_74 : i32
    %sign3A_76 = arith.extui %sign3A_75 : i1 to i32
    %sign3A_77 = arith.constant 0 : i32
    %sign3A_78 = arith.cmpi slt, %jit3A, %sign3A_77 : i32
    %sign3A_79 = arith.extui %sign3A_78 : i1 to i32
    %sign3A_80 = arith.subi %sign3A_76, %sign3A_79 : i32
    %ne3A = vector.broadcast %sign3A_80 : i32 to vector<16x2048xi32>
    %ne3A_81 = arith.cmpi ne, %sign3A_73, %ne3A : vector<16x2048xi32>
    %rem3A = vector.broadcast %jit3A : i32 to vector<16x2048xi32>
    %rem3A_82 = arith.remsi %iota3A, %rem3A : vector<16x2048xi32>
    %ne3A_83 = arith.constant 0 : i32
    %ne3A_84 = vector.broadcast %ne3A_83 : i32 to vector<16x2048xi32>
    %ne3A_85 = arith.cmpi ne, %rem3A_82, %ne3A_84 : vector<16x2048xi32>
    %and3A = arith.andi %ne3A_81, %ne3A_85 : vector<16x2048xi1>
    %sub3A = arith.constant 1 : i32
    %sub3A_86 = vector.broadcast %sub3A : i32 to vector<16x2048xi32>
    %sub3A_87 = arith.subi %div3A_65, %sub3A_86 : vector<16x2048xi32>
    %select_n3A = arith.select %and3A, %sub3A_87, %div3A_65 : vector<16x2048xi1>, vector<16x2048xi32>
    %eq3A = arith.cmpi eq, %select_n3A, %iota3A_64 : vector<16x2048xi32>
    %jit3A_88 = arith.constant 7.812500e-03 : f32
    %jit3A_89 = arith.constant 0.000000e+00 : f32
    %broadcast_in_dim3A_90 = vector.broadcast %jit3A_88 : f32 to vector<16x2048xf32>
    %broadcast_in_dim3A_91 = vector.broadcast %jit3A_89 : f32 to vector<16x2048xf32>
    %select_n3A_92 = arith.select %eq3A, %broadcast_in_dim3A_90, %broadcast_in_dim3A_91 : vector<16x2048xi1>, vector<16x2048xf32>
    %dot_general3A_93 = arith.constant dense<0.000000e+00> : vector<16x128xf32>
    %dot_general3A_94 = tpu.matmul %select_n3A_92, %max3A_63, %dot_general3A_93 {dimension_numbers = #tpu.dot_dimension_numbers<[1], [0], [0], [1], [0, 0, 1, 1], [], []>, precision = #tpu.contract_precision<fp32>, transpose_lhs_hint = false} : vector<16x2048xf32>, vector<2048x128xf32>, vector<16x128xf32> -> vector<16x128xf32>
    %get3A_95 = arith.constant 0 : index
    %get3A_96 = arith.constant 0 : index
    %get3A_97 = vector.load %arg11[%get3A_95, %get3A_96] : memref<128x64xf32, #tpu.memory_space<vmem>>, vector<128x64xf32>
    %dot_general3A_98 = arith.constant dense<0.000000e+00> : vector<16x64xf32>
    %dot_general3A_99 = tpu.matmul %dot_general3A_94, %get3A_97, %dot_general3A_98 {dimension_numbers = #tpu.dot_dimension_numbers<[1], [0], [0], [1], [0, 0, 1, 1], [], []>, transpose_lhs_hint = false} : vector<16x128xf32>, vector<128x64xf32>, vector<16x64xf32> -> vector<16x64xf32>
    %get3A_100 = arith.constant 0 : index
    %get3A_101 = vector.load %arg12[%get3A_100] : memref<64xf32, #tpu.memory_space<vmem>>, vector<64xf32>
    %broadcast_in_dim3A_102 = vector.shape_cast %get3A_101 : vector<64xf32> to vector<1x64xf32>
    %add3A_103 = vector.broadcast %broadcast_in_dim3A_102 : vector<1x64xf32> to vector<16x64xf32>
    %add3A_104 = arith.addf %dot_general3A_99, %add3A_103 : vector<16x64xf32>
    %max3A_105 = arith.constant 0.000000e+00 : f32
    %max3A_106 = vector.broadcast %max3A_105 : f32 to vector<16x64xf32>
    %max3A_107 = arith.maximumf %add3A_104, %max3A_106 : vector<16x64xf32>
    %get3A_108 = arith.constant 0 : index
    %get3A_109 = arith.constant 0 : index
    %get3A_110 = vector.load %arg13[%get3A_108, %get3A_109] : memref<64x1xf32, #tpu.memory_space<vmem>>, vector<64x1xf32>
    %dot_general3A_111 = arith.constant dense<0.000000e+00> : vector<16x1xf32>
    %dot_general3A_112 = tpu.matmul %max3A_107, %get3A_110, %dot_general3A_111 {dimension_numbers = #tpu.dot_dimension_numbers<[1], [0], [0], [1], [0, 0, 1, 1], [], []>, transpose_lhs_hint = false} : vector<16x64xf32>, vector<64x1xf32>, vector<16x1xf32> -> vector<16x1xf32>
    %get3A_113 = arith.constant 0 : index
    %get3A_114 = vector.load %arg14[%get3A_113] : memref<1xf32, #tpu.memory_space<vmem>>, vector<1xf32>
    %broadcast_in_dim3A_115 = vector.shape_cast %get3A_114 : vector<1xf32> to vector<1x1xf32>
    %add3A_116 = vector.broadcast %broadcast_in_dim3A_115 : vector<1x1xf32> to vector<16x1xf32>
    %add3A_117 = arith.addf %dot_general3A_112, %add3A_116 : vector<16x1xf32>
    %swap3A = arith.constant 0 : index
    %swap3A_118 = arith.constant 0 : index
    %swap3A_119 = vector.load %arg15[%swap3A, %swap3A_118] : memref<16x1xf32, #tpu.memory_space<vmem>>, vector<16x1xf32>
    tpu.vector_store %arg15[%swap3A, %swap3A_118], %add3A_117 {strides = array<i32>} : memref<16x1xf32, #tpu.memory_space<vmem>>, vector<16x1xf32>,
    return
  }
}

</mosaic_0001>

<sc_bundles>
// kernel: kernel.11.cloned.1.call-start
scs
__scs_entry_jumppad:
0x0: {  	(pc) =	sbr.rel $0x88, $3  }
0x1: {  	(tag) =	ssettag $0x0;
	lr =	simm.s32 $0x1  }
0x2: {  	[smem:$0x3F84] =	sst lr;
	_ =	strace $0xD0000000  }
0x3: {  	_ = 	snop  }
0x4: {  	_ = 	snop  }
0x5: {  	_ = 	snop  }
0x6: {  	_ = 	snop  }
0x7: {  	_ = 	snop  }
__scs_overlays_trampoline_lowered:
0x8: {  	[smem:$0x3F93] =	sst s0  }
0x9: {  	[smem:$0x3F94] =	sst s1  }
0xa: {  	[smem:$0x3F95] =	sst s2  }
0xb: {  	[smem:$0x3F96] =	sst s3  }
0xc: {  	[smem:$0x3F97] =	sst s4  }
0xd: {  	[smem:$0x3F98] =	sst s5  }
0xe: {  	[smem:$0x3F99] =	sst s6  }
0xf: {  	[smem:$0x3F9A] =	sst s7  }
0x10: {  	[smem:$0x3F9B] =	sst s8  }
0x11: {  	[smem:$0x3F9C] =	sst s9;
	s0 =	simm.s32 @!p0 $0x0  }
0x12: {  	s1 =	sld [smem:$0x3F82];
	s0 =	simm.s32 @p0 $0x1  }
0x13: {  	[smem:$0x3F9D] =	sst s0;
	s0 =	simm.s32 @!p1 $0x0  }
0x14: {  	s2 =	sld [smem:$0x3F81];
	s0 =	simm.s32 @p1 $0x1  }
0x15: {  	[smem:$0x3F9E] =	sst s0;
	s0 =	simm.s32 @!p2 $0x0  }
0x16: {  	s3 =	sld [smem:$0x3FDB];
	s0 =	simm.s32 @p2 $0x1  }
0x17: {  	s4 =	simm.s32 $0x1BF5;
	[smem:$0x3FA0] =	sst s0  }
0x18: {  	s0 =	sld [smem:$0x3F83];
	_ =	swait.ge [sflag:s4], $0x0  }
0x19: {  	s7 =	sld [smem:$0x3F84]  }
0x1a: {  	s8 =	sadd.s32 $0xFFFFE003, lr  }
0x1b: {  	s9 =	sadd.s32 $0xFFFFFEF7, lr;
	s5 =	simm.s32 $0xFFFFFFFF;
	p2 =	slt.u32 s8, $0xFFFFF086  }
0x1c: {  	p1 =	slt.u32 s9, $0xF7A;
	s5 =	simm.s32 @!p2 $0x0  }
0x1d: {  	s5 =	simm.s32 @p1 $0x1;
	p0 =	seq.s32 s7, s2  }
0x1e: {  	s7 =	smul.u32 @!p0 $0xF7A, s2;
	p2 =	seq.s32 @!p0 s5, $0x0  }
0x1f: {  	s9 =	smul.u32 $0xF7A, s1;
	s8 =	simm.s32 @!p0 $0x1BF5;
	p2 =	por !p2, p0  }
0x20: {  	[sflag:s8] =	ssyncset.s32 @!p0 $0xFFFFF086;
	s6 =	sadd.s32 @!p0 s3, s7;
	s7 =	simm.s32 @!p0 $0x108  }
0x21: {  	s3 =	sadd.s32 s3, s9;
	s6 =	sadd.s32 @!p0 $0x88, s6;
	s7 =	simm.s32 @p2 $0x1082  }
0x22: {  	[simem:s7], [sflag:s8] =	dma.local @!p0 [hbm:s6], $0xF7A  }
0x23: {  	s9 =	sor.u32 $0xD0000000, s2;
	s6 =	simm.s32 $0x108;
	_ =	swait.ge @!p0 [sflag:s8], $0x0  }
0x24: {  	s3 =	sadd.s32 $0x88, s3;
	s6 =	simm.s32 @!p1 $0x1082;
	[sflag:s4] =	ssyncset.s32 $0xFFFFF086  }
0x25: {  	[simem:s6], [sflag:s4] =	dma.local [hbm:s3], $0xF7A  }
0x26: {  	[smem:$0x3F84] =	sst s1;
	(tag) =	ssettag s2;
	_ =	strace s9  }
0x27: {  	s1 =	sld [smem:$0x3F94]  }
0x28: {  	s2 =	sld [smem:$0x3F95]  }
0x29: {  	s4 =	sld [smem:$0x3F97]  }
0x2a: {  	p0 =	seq.s32 s5, $0x0;
	s5 =	sld [smem:$0x3F98]  }
0x2b: {  	s6 =	sld [smem:$0x3F99]  }
0x2c: {  	s7 =	sld [smem:$0x3F9A]  }
0x2d: {  	s3 =	simm.s32 $0x108;
	s8 =	sld [smem:$0x3F9B]  }
0x2e: {  	s3 =	simm.s32 @!p0 $0x1082;
	s9 =	sld [smem:$0x3F9C]  }
0x2f: {  	lr =	sadd.s32 s0, s3;
	s0 =	sld [smem:$0x3F93]  }
0x30: {  	s3 =	sld [smem:$0x3F96]  }
0x31: {  	[smem:$0x3F9F] =	sst s10  }
0x32: {  	s10 =	sld [smem:$0x3F9D];
	_ =	sdelay $0x3  }
0x33: {  	p0 =	seq.s32 s10, $0x1;
	s10 =	sld [smem:$0x3F9F];
	_ =	sdelay $0x3  }
0x34: {  	[smem:$0x3F9F] =	sst s10  }
0x35: {  	s10 =	sld [smem:$0x3F9E];
	_ =	sdelay $0x3  }
0x36: {  	p1 =	seq.s32 s10, $0x1;
	s10 =	sld [smem:$0x3F9F];
	_ =	sdelay $0x3  }
0x37: {  	[smem:$0x3F9F] =	sst s10  }
0x38: {  	s10 =	sld [smem:$0x3FA0]  }
0x39: {  	_ = 	snop;
	(pc) =	sbr.ind lr, $3  }
0x3a: {  	_ = 	snop  }
0x3b: {  	_ = 	snop  }
0x3c: {  	p2 =	seq.s32 s10, $0x1;
	s10 =	sld [smem:$0x3F9F]  }
0x3d: {  	_ =	shalt  }
0x3e: {  	_ =	shalt  }
0x3f: {  	_ =	shalt  }
0x40: {  	_ =	shalt  }
0x41: {  	_ =	shalt  }
0x42: {  	_ =	shalt  }
0x43: {  	_ =	shalt  }
0x44: {  	_ =	shalt  }
0x45: {  	_ =	shalt  }
0x46: {  	_ =	shalt  }
0x47: {  	_ =	shalt  }
0x48: {  	_ =	shalt  }
0x49: {  	_ =	shalt  }
0x4a: {  	_ =	shalt  }
0x4b: {  	_ =	shalt  }
0x4c: {  	_ =	shalt  }
0x4d: {  	_ =	shalt  }
0x4e: {  	_ =	shalt  }
0x4f: {  	_ =	shalt  }
0x50: {  	_ =	shalt  }
0x51: {  	_ =	shalt  }
0x52: {  	_ =	shalt  }
0x53: {  	_ =	shalt  }
0x54: {  	_ =	shalt  }
0x55: {  	_ =	shalt  }
0x56: {  	_ =	shalt  }
0x57: {  	_ =	shalt  }
0x58: {  	_ =	shalt  }
0x59: {  	_ =	shalt  }
0x5a: {  	_ =	shalt  }
0x5b: {  	_ =	shalt  }
0x5c: {  	_ =	shalt  }
0x5d: {  	_ =	shalt  }
0x5e: {  	_ =	shalt  }
0x5f: {  	_ =	shalt  }
0x60: {  	_ =	shalt  }
0x61: {  	_ =	shalt  }
0x62: {  	_ =	shalt  }
0x63: {  	_ =	shalt  }
0x64: {  	_ =	shalt  }
0x65: {  	_ =	shalt  }
0x66: {  	_ =	shalt  }
0x67: {  	_ =	shalt  }
0x68: {  	_ =	shalt  }
0x69: {  	_ =	shalt  }
0x6a: {  	_ =	shalt  }
0x6b: {  	_ =	shalt  }
0x6c: {  	_ =	shalt  }
0x6d: {  	_ =	shalt  }
0x6e: {  	_ =	shalt  }
0x6f: {  	_ =	shalt  }
0x70: {  	_ =	shalt  }
0x71: {  	_ =	shalt  }
0x72: {  	_ =	shalt  }
0x73: {  	_ =	shalt  }
0x74: {  	_ =	shalt  }
0x75: {  	_ =	shalt  }
0x76: {  	_ =	shalt  }
0x77: {  	_ =	shalt  }
0x78: {  	_ =	shalt  }
0x79: {  	_ =	shalt  }
0x7a: {  	_ =	shalt  }
0x7b: {  	_ =	shalt  }
0x7c: {  	_ =	shalt  }
0x7d: {  	_ =	shalt  }
0x7e: {  	_ =	shalt  }
0x7f: {  	_ =	shalt  }
0x80: {  	_ =	shalt  }
0x81: {  	_ =	shalt  }
0x82: {  	_ =	shalt  }
0x83: {  	_ =	shalt  }
0x84: {  	_ =	shalt  }
0x85: {  	_ =	shalt  }
0x86: {  	_ =	shalt  }
0x87: {  	_ =	shalt  }
.Lfunc_end0:
.L_simem_size_0:
called_computation.1_lowered:
.L_overlay_start_0:
0x88: {  	s2 =	sld [smem:$0x3FD9]  }
0x89: {  	s3 =	sld [smem:$0x3FFE];
	_ =	sdelay $0x1  }
0x8a: {  	s1 =	srdreg.scid  }
0x8b: {  	s0 =	sand.u32 $0x1, s1  }
0x8c: {  	s16 =	sshll.u32 s0, $0xA;
	s2 =	sadd.s32 s3, s2  }
0x8d: {  	s2 =	sadd.s32 s2, s16  }
0x8e: {  	[smem:$0x3FAB] =	sst s2  }
0x8f: {  	_ = 	snop  }
0x90: {  	(tm) =	ssettm $0x1  }
0x91: {  	s17 =	sld [smem:$0x3FFB];
	_ =	sdelay $0x3  }
0x92: {  	_ =	strace s17  }
0x93: {  	s2 =	sld [smem:$0x3FFC];
	_ =	sdelay $0x3  }
0x94: {  	_ =	strace s2  }
0x95: {  	s2 =	sld [smem:$0x3FFD];
	_ =	sdelay $0x3  }
0x96: {  	_ =	strace s2  }
0x97: {  	_ =	strace $0x8FFFFFFF  }
0x98: {  	s18 =	sld [smem:$0x3FDB];
	_ =	sdelay $0x1  }
0x99: {  	s19 =	simm.s32 $_scs_section_size  }
0x9a: {  	s4 =	simm.s32 $_size__tile_overlayer_lowered;
	s5 =	simm.s32 $_tile_overlayer_lowered  }
0x9b: {  	s22 =	simm.s32 $0x1BFF;
	s21 =	sshll.u32 s5, $0x1;
	s2 =	sadd.s32 s19, s18  }
0x9c: {  	s6 =	simm.s32 $0x0;
	s20 =	sshll.u32 s4, $0x1;
	s4 =	sadd.s32 s21, s2  }
0x9d: {  	[timem:s6], [sflag:s22] =	dma.local [hbm:s4], s20  }
0x9e: {  	_ =	swait.ge [sflag:s22], s20  }
0x9f: {  	s3 =	ssub.s32 $0x0, s20;
	[sflag:s22] =	ssyncset.done $0x0  }
0xa0: {  	[sflag:s22] =	ssyncadd.s32 s3;
	_ =	sdelay $0x1  }
0xa1: {  	s23 =	simm.s32 $0x1B8B  }
0xa2: {  	_ =	swait.ge [sflag:s23], $0x1  }
0xa3: {  	[sflag:s23] =	ssyncset.done $0x0  }
0xa4: {  	s25 =	simm.s32 $0x1B8E;
	s24 =	sld [smem:$0x3FFE];
	[sflag:s23] =	ssyncadd.s32 $0xFFFFFFFF  }
0xa5: {  	s26 =	simm.s32 $execute0_lowered;
	[smem:$0x3FD2] =	sst s25  }
0xa6: {  	s4 =	sshll.u32 s26, $0x1;
	_ =	strace $0x80000049;
	[dreg:$0x1] =	wrdreg $0xFFFFFFFF  }
0xa7: {  	s28 =	simm.s32 $_size_execute0_lowered;
	s2 =	sadd.s32 s2, s4;
	[dreg:$0x0] =	wrdreg $0x0  }
0xa8: {  	s4 =	sshll.u32 s28, $0x1;
	[dreg:$0x2] =	wrdreg s2  }
0xa9: {  	[dreg:$0x3] =	wrdreg s4  }
0xaa: {  	[dreg:$0x4] =	wrdreg $0xC0  }
0xab: {  	_ =	task [dreg:s6], $0x5FFFF  }
0xac: {  	[dreg:$0x1] =	wrdreg $0xFFFFFFFF  }
0xad: {  	[dreg:$0x0] =	wrdreg $0x60  }
0xae: {  	[dreg:$0x2] =	wrdreg s24  }
0xaf: {  	[dreg:$0x3] =	wrdreg $0xB0000  }
0xb0: {  	[dreg:$0x4] =	wrdreg $0x9  }
0xb1: {  	_ =	task.clear_ibuf [dreg:s6], $0x5FFFF;
	_ =	strace $0x90000049  }
0xb2: {  	s29 =	simm.s32 $0x9;
	_ =	strace $0x8000004B  }
0xb3: {  	_ =	swait.ge [sflag:s29], $0x1  }
0xb4: {  	[sflag:s29] =	ssyncadd.s32 $0xFFFFFFFF  }
0xb5: {  	_ =	strace $0x9000004B  }
0xb6: {  	_ =	sfence  }
0xb7: {  	s30 =	sld [smem:$0x0];
	_ =	sdelay $0x2  }
0xb8: {  	s31 =	sshll.u32 s1, $0xD;
	s1 =	sshrl.u32 s1, $0x2  }
0xb9: {  	s3 =	sand.u32 $0x4000, s31;
	s1 =	sadd.s32 s1, s30  }
0xba: {  	s0 =	sor.u32 s3, s0;
	s1 =	sshll.u32 s1, $0x11  }
0xbb: {  	s0 =	sor.u32 s1, s0  }
0xbc: {  	s0 =	sadd.s32 $0x8F2B, s0  }
0xbd: {  	[sflag:s0] =	ssyncadd.remote.s32 $0x1  }
0xbe: {  	_ =	sfence.sel $0xFFFF  }
0xbf: {  	[dreg:$0x0] =	wrdreg $0xFFFFFFFF;
	(pc) =	sbr.abs _section_cstart, $3  }
0xc0: {  	[dreg:$0x1] =	wrdreg $0xFFFFFFFF  }
0xc1: {  	_ =	task.clear_ibuf [dreg:s6], $0x2FFFF;
	_ =	strace $0x9FFFFFFF  }
0xc2: {  	(tm) =	ssettm $0x7FFFFFFF  }
0xc3: {  	_ =	shalt  }
tec
execute0_lowered:
.L_overlay_start_1:
0x0: {  	(tag) =	ssettag $0x1  }
0x1: {  	s5 =	rddreg [dreg:$0x0]  }
0x2: {  	s2 =	rddreg [dreg:$0x1]  }
0x3: {  	s0 =	rddreg [dreg:$0x2]  }
0x4: {  	s4 =	srdreg.scid;
	s1 =	stileid.u32;
	s3 =	simm.s32 $0x0  }
0x5: {  	v0 =	vimm.f32 $0.0e+00;
	s13 =	simm.s32 $0x1000;
	s14 =	simm.s32 $0x80;
	s15 =	simm.s32 $0x400  }
0x6: {  	vm0 =	vcmask $0x300;
	vm15 =	vcmask $0x704;
	vm4 =	vcmask $0xB08;
	s16 =	simm.s32 $0x1;
	s17 =	simm.s32 $0x7000;
	s18 =	simm.s32 $0x2  }
0x7: {  	vm1 =	vcmask $0xF0C;
	vm5 =	vcmask $0x1310;
	vm6 =	vcmask $0x1714;
	s6 =	sand.u32 $0x1, s4;
	s29 =	sshll.u32 s1, $0x1;
	[smem:$0x7FF] =	sst s3  }
0x8: {  	vm7 =	vcmask $0x1B18;
	vm8 =	vcmask $0x1F1C;
	vm9 =	vcmask $0x2320;
	s4 =	sadd.s32 $0x13200, s5;
	s9 =	sshll.u32 s1, $0xA;
	s10 =	sshll.u32 s1, $0xB  }
0x9: {  	vm10 =	vcmask $0x2724;
	vm11 =	vcmask $0x2B28;
	vm12 =	vcmask $0x2F2C;
	s31 =	sshll.u32 s1, $0xE;
	s7 =	sor.u32 s6, s29;
	_ =	strace $0x8000004A  }
0xa: {  	vm13 =	vcmask $0x3330;
	vm14 =	vcmask $0x3734;
	v16 =	vimm.f32 $1.000000000e+00;
	s9 =	sand.u32 $0x3000, s9;
	s11 =	ssub.s32 $0x2, s6;
	s10 =	sadd.s32 s10, s5  }
0xb: {  	vm2 =	vcmask $0x3B00;
	v1 =	vsel vm0, $0x3F800000, v0;
	v2 =	vsel vm15, $0x3F800000, v0;
	s12 =	sshll.u32 s6, $0xF;
	s8 =	sshll.u32 s7, $0x9;
	s9 =	sadd.s32 s9, s5  }
0xc: {  	v3 =	vsel vm4, $0x3F800000, v0;
	v4 =	vsel vm1, $0x3F800000, v0;
	v5 =	vsel vm5, $0x3F800000, v0;
	s30 =	sshrl.u32 s11, $0x1;
	s7 =	sshll.u32 s7, $0x4;
	s10 =	sadd.s32 s12, s10  }
0xd: {  	v6 =	vsel vm6, $0x3F800000, v0;
	v7 =	vsel vm7, $0x3F800000, v0;
	v8 =	vsel vm8, $0x3F800000, v0;
	s12 =	simm.s32 $0x3;
	s8 =	sadd.s32 s8, s5;
	s7 =	sand.u32 $0x70, s7  }
0xe: {  	v9 =	vsel vm9, $0x3F800000, v0;
	v10 =	vsel vm10, $0x3F800000, v0;
	v11 =	vsel vm11, $0x3F800000, v0;
	s11 =	ssub.s32 s11, s30;
	s5 =	sadd.s32 s31, s2;
	s9 =	sadd.s32 s7, s9  }
0xf: {  	v12 =	vsel vm12, $0x3F800000, v0;
	v13 =	vsel vm13, $0x3F800000, v0;
	vm15 =	vcmask $0x3B38;
	s6 =	sadd.s32 $0x7200, s8;
	s7 =	sadd.s32 $0xB200, s8;
	s8 =	sadd.s32 $0xF200, s9  }
0x10: {  	v14 =	vsel vm14, $0x3F800000, v0;
	v16 =	vsel vm2, $0x0, v16;
	v15 =	vsel vm15, $0x3F800000, v0;
	s9 =	sadd.s32 $0x23200, s10;
	s10 =	smax.u32 s11, $0x1;
	s11 =	simm.s32 $0x3000  }
.LBB2_1:
0x11: {  	s19 =	simm.s32 $0x0;
	s20 =	simm.s32 $0x200  }
.LBB2_2:
0x12: {  	p0 =	sne.s32 s20, $0xFE00;
	[tilespmem:s19+$0x3070] =	vst v0  }
0x13: {  	[tilespmem:s19+$0x3000] =	vst v0  }
0x14: {  	[tilespmem:s19+$0x3010] =	vst v0  }
.Ltmp0:
0x15: {  	[tilespmem:s19+$0x3020] =	vst v0;
	(pc) =	sbr.rel @p0 .LBB2_2-.Ltmp0, $4  }
0x16: {  	[tilespmem:s19+$0x3030] =	vst v0  }
0x17: {  	[tilespmem:s19+$0x3040] =	vst v0  }
0x18: {  	[tilespmem:s19+$0x3050] =	vst v0  }
0x19: {  	[tilespmem:s19+$0x3060] =	vst v0;
	s19 =	sshra.s32 s20, $0x2;
	s20 =	sadd.s32 $0x200, s20  }
0x1a: {  	[tilespmem:s19+$0x3070] =	vst v0  }
0x1b: {  	[tilespmem:s19+$0x3000] =	vst v0  }
0x1c: {  	[tilespmem:s19+$0x3010] =	vst v0  }
0x1d: {  	[tilespmem:s19+$0x3020] =	vst v0  }
0x1e: {  	[tilespmem:s19+$0x3030] =	vst v0  }
0x1f: {  	[tilespmem:s19+$0x3040] =	vst v0  }
0x20: {  	[tilespmem:s19+$0x3050] =	vst v0  }
0x21: {  	[tilespmem:s19+$0x3060] =	vst v0  }
0x22: {  	[spmem:s5] =	stream.linear.scatter [tilespmem:s11], [sflag:$0x3], $0x4000, $0x38;
	[tilespmem:$0xF000] =	vst v63  }
0x23: {  	_ =	swait.ge [sflag:s12], $0x4000  }
0x24: {  	[sflag:s12] =	ssyncset.done $0x0  }
0x25: {  	[sflag:s12] =	ssyncadd.s32 $0xFFFFC000  }
0x26: {  	s19 =	simm.s32 $0x0;
	[bflag:$0x0] =	sbarrier.arrive $0xFFFF  }
0x27: {  	[tilespmem:s19], [sflag:$0x3] =	stream.linear.gather [hbm4b:s6+s19], $0x1000, $0x38;
	[tilespmem:$0xF000] =	vst v63  }
0x28: {  	_ =	swait.ge [sflag:s12], $0x1000  }
0x29: {  	[sflag:s12] =	ssyncset.done $0x0  }
0x2a: {  	[sflag:s12] =	ssyncadd.s32 $0xFFFFF000  }
0x2b: {  	[tilespmem:s13], [sflag:$0x3] =	stream.linear.gather [hbm4b:s7+s19], $0x1000, $0x38;
	[tilespmem:$0xF000] =	vst v63  }
0x2c: {  	_ =	swait.ge [sflag:s12], $0x1000  }
0x2d: {  	[sflag:s12] =	ssyncset.done $0x0  }
0x2e: {  	s20 =	simm.s32 $0x2000;
	[sflag:s12] =	ssyncadd.s32 $0xFFFFF000  }
0x2f: {  	[tilespmem:s20], [sflag:$0x3] =	stream.strided.gather [hbm4b:s8+s14], $0x1000, s15, s14, $0x38;
	[tilespmem:$0xF000] =	vst v63  }
0x30: {  	_ =	swait.ge [sflag:s12], $0x1000  }
0x31: {  	[sflag:s12] =	ssyncset.done $0x0  }
0x32: {  	s21 =	simm.s32 $0x2080;
	[sflag:s12] =	ssyncadd.s32 $0xFFFFF000  }
0x33: {  	[tilespmem:s11], [sflag:$0x1] =	stream.indirect.gather [hbm4b:s4+s14], $0x80, s19, s14, $0xb8;
	[tilespmem:$0xF000] =	vst v63  }
.LBB2_4:
0x34: {  	_ =	swait.ge [sflag:s16], $0x4000;
	v18 =	vmov s20  }
0x35: {  	s22 =	sshll.u32 s19, $0x8;
	[sflag:s16] =	ssyncset.done $0x0  }
0x36: {  	s24 =	simm.s32 $0x3400;
	s22 =	sor.u32 $0x80, s22;
	[sflag:s16] =	ssyncadd.s32 $0xFFFFC000  }
0x37: {  	[tilespmem:s17], [sflag:$0x2] =	stream.indirect.gather [hbm4b:s4+s14], $0x80, s22, s14, $0xb8;
	[tilespmem:$0xF000] =	vst v63  }
0x38: {  	s23 =	sshll.u32 s19, $0xA;
	s26 =	simm.s32 $0x0;
	s25 =	simm.s32 $0x40;
	v17 =	vld [tilespmem:s24+$0x3B0]  }
.LBB2_5:
0x39: {  	p0 =	sne.s32 s25, $0x1C0;
	v26 =	vld.idx.msk [tilespmem:v18+s26+$0x0 ss:$0x1], $0xffff  }
0x3a: {  	v19 =	vld [tilespmem:s24+$0x390]  }
0x3b: {  	v20 =	vld [tilespmem:s24+$0x2B0]  }
0x3c: {  	v21 =	vld [tilespmem:s24+$0x290]  }
0x3d: {  	v22 =	vld [tilespmem:s24+$0x1B0]  }
0x3e: {  	v23 =	vld [tilespmem:s24+$0x190]  }
0x3f: {  	v27 =	vmul.f32 v1, v26;
	v29 =	vmul.f32 v2, v26;
	v24 =	vld [tilespmem:s24+$0xB0]  }
0x40: {  	v33 =	vmul.f32 v3, v26;
	v34 =	vmul.f32 v4, v26;
	v25 =	vld [tilespmem:s24+$0x90]  }
0x41: {  	v35 =	vmul.f32 v5, v26;
	v36 =	vmul.f32 v6, v26;
	v28 =	vld [tilespmem:s24+$0xFFFFFFB0];
	(xrf2) =	vadd.scan.msk.f32 $0xffff, v27  }
0x42: {  	v37 =	vmul.f32 v7, v26;
	v38 =	vmul.f32 v8, v26;
	v30 =	vld [tilespmem:s24+$0xFFFFFF90]  }
0x43: {  	v40 =	vmul.f32 v9, v26;
	v41 =	vmul.f32 v10, v26;
	v39 =	vld [tilespmem:s24+$0xFFFFFEB0]  }
0x44: {  	v43 =	vmul.f32 v11, v26;
	v32 =	vmul.f32 v12, v26;
	v42 =	vld [tilespmem:s24+$0xFFFFFE90];
	(xrf2) =	vadd.scan.msk.f32 $0xffff, v29  }
0x45: {  	v31 =	vmul.f32 v13, v26;
	v29 =	vmul.f32 v14, v26;
	v44 =	vld [tilespmem:s24+$0xFFFFFDB0]  }
0x46: {  	v27 =	vmul.f32 v15, v26;
	v26 =	vmul.f32 v16, v26;
	v45 =	vld [tilespmem:s24+$0xFFFFFD90]  }
0x47: {  	v46 =	vld [tilespmem:s24+$0xFFFFFC30];
	(xrf2) =	vadd.scan.msk.f32 $0xffff, v33  }
0x48: {  	v33 =	vld [tilespmem:s24+$0xFFFFFC10]  }
0x49: {  	v47 =	vld [tilespmem:s24+$0xFFFFFC00]  }
0x4a: {  	v48 =	vld [tilespmem:s24+$0xFFFFFC20];
	(xrf2) =	vadd.scan.msk.f32 $0xffff, v34  }
0x4b: {  	v34 =	vld [tilespmem:s24+$0xFFFFFCB0];
	v49, _, _ =	vpop (xrf2)  }
0x4c: {  	v49 =	vbroadcast v49, $0xF;
	v50 =	vld [tilespmem:s24+$0xFFFFFC90]  }
0x4d: {  	v51 =	vld [tilespmem:s24+$0xFFFFFC80];
	(xrf2) =	vadd.scan.msk.f32 $0xffff, v35  }
0x4e: {  	v35 =	vmul.f32 v49, v47;
	v33 =	vmul.f32 v49, v33;
	v47 =	vld [tilespmem:s24+$0xFFFFFCA0];
	v52, _, _ =	vpop (xrf2)  }
0x4f: {  	v46 =	vmul.f32 v46, v49;
	v48 =	vmul.f32 v48, v49;
	v49 =	vld [tilespmem:s24+$0xFFFFFD30]  }
0x50: {  	[tilespmem:s24+$0xFFFFFC00] =	vst v35;
	v35 =	vbroadcast v52, $0xF;
	v52 =	vld [tilespmem:s24+$0xFFFFFD10];
	(xrf2) =	vadd.scan.msk.f32 $0xffff, v36  }
0x51: {  	[tilespmem:s24+$0xFFFFFC10] =	vst v33;
	v33 =	vld [tilespmem:s24+$0xFFFFFD00];
	v36, _, _ =	vpop (xrf2)  }
0x52: {  	[tilespmem:s24+$0xFFFFFC20] =	vst v48;
	v48 =	vmul.f32 v51, v35;
	v50 =	vmul.f32 v50, v35;
	v51 =	vld [tilespmem:s24+$0xFFFFFD20]  }
0x53: {  	v34 =	vmul.f32 v34, v35;
	[tilespmem:s24+$0xFFFFFC30] =	vst v46;
	v46 =	vmul.f32 v47, v35;
	v35 =	vld [tilespmem:s24+$0xFFFFFD80];
	(xrf2) =	vadd.scan.msk.f32 $0xffff, v37  }
0x54: {  	v36 =	vbroadcast v36, $0xF;
	[tilespmem:s24+$0xFFFFFC80] =	vst v48;
	v37 =	vld [tilespmem:s24+$0xFFFFFDA0];
	v47, _, _ =	vpop (xrf2)  }
0x55: {  	[tilespmem:s24+$0xFFFFFC90] =	vst v50;
	v47 =	vbroadcast v47, $0xF;
	v48 =	vld [tilespmem:s24+$0xFFFFFE30]  }
0x56: {  	[tilespmem:s24+$0xFFFFFCA0] =	vst v46;
	v33 =	vmul.f32 v33, v36;
	v46 =	vmul.f32 v52, v36;
	v50 =	vld [tilespmem:s24+$0xFFFFFE10];
	(xrf2) =	vadd.scan.msk.f32 $0xffff, v38  }
0x57: {  	[tilespmem:s24+$0xFFFFFCB0] =	vst v34;
	v34 =	vmul.f32 v51, v36;
	v36 =	vmul.f32 v49, v36;
	v38 =	vld [tilespmem:s24+$0xFFFFFE00];
	v49, _, _ =	vpop (xrf2)  }
0x58: {  	[tilespmem:s24+$0xFFFFFD00] =	vst v33;
	v33 =	vmul.f32 v35, v47;
	v35 =	vmul.f32 v45, v47;
	v45 =	vld [tilespmem:s24+$0xFFFFFE20]  }
0x59: {  	v44 =	vmul.f32 v44, v47;
	[tilespmem:s24+$0xFFFFFD10] =	vst v46;
	v37 =	vmul.f32 v37, v47;
	v46 =	vld [tilespmem:s24+$0xFFFFFE80];
	(xrf2) =	vadd.scan.msk.f32 $0xffff, v40  }
0x5a: {  	[tilespmem:s24+$0xFFFFFD20] =	vst v34;
	v34 =	vbroadcast v49, $0xF;
	v40 =	vld [tilespmem:s24+$0xFFFFFEA0];
	v47, _, _ =	vpop (xrf2)  }
0x5b: {  	[tilespmem:s24+$0xFFFFFD30] =	vst v36;
	v36 =	vbroadcast v47, $0xF;
	v47 =	vld [tilespmem:s24+$0xFFFFFF30]  }
0x5c: {  	[tilespmem:s24+$0xFFFFFD80] =	vst v33;
	v33 =	vmul.f32 v38, v34;
	v38 =	vmul.f32 v50, v34;
	v49 =	vld [tilespmem:s24+$0xFFFFFF10];
	(xrf2) =	vadd.scan.msk.f32 $0xffff, v41  }
0x5d: {  	[tilespmem:s24+$0xFFFFFD90] =	vst v35;
	v35 =	vmul.f32 v45, v34;
	v34 =	vmul.f32 v48, v34;
	v41 =	vld [tilespmem:s24+$0xFFFFFF00];
	v45, _, _ =	vpop (xrf2)  }
0x5e: {  	v42 =	vmul.f32 v42, v36;
	[tilespmem:s24+$0xFFFFFDA0] =	vst v37;
	v37 =	vmul.f32 v46, v36;
	v46 =	vld [tilespmem:s24+$0xFFFFFF20]  }
0x5f: {  	[tilespmem:s24+$0xFFFFFDB0] =	vst v44;
	v40 =	vmul.f32 v40, v36;
	v36 =	vmul.f32 v39, v36;
	v39 =	vld [tilespmem:s24+$0xFFFFFF80];
	(xrf2) =	vadd.scan.msk.f32 $0xffff, v43  }
0x60: {  	[tilespmem:s24+$0xFFFFFE00] =	vst v33;
	v33 =	vbroadcast v45, $0xF;
	v43 =	vld [tilespmem:s24+$0xFFFFFFA0];
	v44, _, _ =	vpop (xrf2)  }
0x61: {  	[tilespmem:s24+$0xFFFFFE10] =	vst v38;
	v38 =	vbroadcast v44, $0xF;
	v44 =	vld [tilespmem:s24+$0x30]  }
0x62: {  	[tilespmem:s24+$0xFFFFFE20] =	vst v35;
	v35 =	vmul.f32 v41, v33;
	v41 =	vmul.f32 v49, v33;
	v45 =	vld [tilespmem:s24+$0x10];
	(xrf2) =	vadd.scan.msk.f32 $0xffff, v32  }
0x63: {  	[tilespmem:s24+$0xFFFFFE30] =	vst v34;
	v32 =	vmul.f32 v46, v33;
	v33 =	vmul.f32 v47, v33;
	v34 =	vld [tilespmem:s24+$0x0];
	v46, _, _ =	vpop (xrf2)  }
0x64: {  	v30 =	vmul.f32 v30, v38;
	[tilespmem:s24+$0xFFFFFE80] =	vst v37;
	v37 =	vmul.f32 v39, v38;
	v39 =	vld [tilespmem:s24+$0x20]  }
0x65: {  	v28 =	vmul.f32 v28, v38;
	[tilespmem:s24+$0xFFFFFE90] =	vst v42;
	v42 =	vmul.f32 v43, v38;
	v38 =	vld [tilespmem:s24+$0x80];
	(xrf2) =	vadd.scan.msk.f32 $0xffff, v31  }
0x66: {  	v31 =	vbroadcast v46, $0xF;
	[tilespmem:s24+$0xFFFFFEA0] =	vst v40;
	v40 =	vld [tilespmem:s24+$0xA0];
	v43, _, _ =	vpop (xrf2)  }
0x67: {  	[tilespmem:s24+$0xFFFFFEB0] =	vst v36;
	v36 =	vbroadcast v43, $0xF;
	v43 =	vld [tilespmem:s24+$0x130]  }
0x68: {  	[tilespmem:s24+$0xFFFFFF00] =	vst v35;
	v34 =	vmul.f32 v34, v31;
	v35 =	vmul.f32 v45, v31;
	v45 =	vld [tilespmem:s24+$0x110];
	(xrf2) =	vadd.scan.msk.f32 $0xffff, v29  }
0x69: {  	[tilespmem:s24+$0xFFFFFF10] =	vst v41;
	v29 =	vmul.f32 v39, v31;
	v31 =	vmul.f32 v44, v31;
	v39 =	vld [tilespmem:s24+$0x100];
	v41, _, _ =	vpop (xrf2)  }
0x6a: {  	v25 =	vmul.f32 v25, v36;
	[tilespmem:s24+$0xFFFFFF20] =	vst v32;
	v32 =	vmul.f32 v38, v36;
	v38 =	vld [tilespmem:s24+$0x120]  }
0x6b: {  	v24 =	vmul.f32 v24, v36;
	[tilespmem:s24+$0xFFFFFF30] =	vst v33;
	v33 =	vmul.f32 v40, v36;
	v36 =	vld [tilespmem:s24+$0x180];
	(xrf2) =	vadd.scan.msk.f32 $0xffff, v27  }
0x6c: {  	v27 =	vbroadcast v41, $0xF;
	[tilespmem:s24+$0xFFFFFF80] =	vst v37;
	v37 =	vld [tilespmem:s24+$0x1A0];
	v40, _, _ =	vpop (xrf2)  }
0x6d: {  	[tilespmem:s24+$0xFFFFFF90] =	vst v30;
	v30 =	vbroadcast v40, $0xF;
	v40 =	vld [tilespmem:s24+$0x230]  }
0x6e: {  	v41 =	vmul.f32 v45, v27;
	[tilespmem:s24+$0xFFFFFFA0] =	vst v42;
	v39 =	vmul.f32 v39, v27;
	v42 =	vld [tilespmem:s24+$0x210];
	(xrf2) =	vadd.scan.msk.f32 $0xffff, v26  }
0x6f: {  	[tilespmem:s24+$0xFFFFFFB0] =	vst v28;
	v26 =	vmul.f32 v38, v27;
	v27 =	vmul.f32 v43, v27;
	v28 =	vld [tilespmem:s24+$0x200];
	v38, _, _ =	vpop (xrf2)  }
0x70: {  	v23 =	vmul.f32 v23, v30;
	[tilespmem:s24+$0x0] =	vst v34;
	v34 =	vmul.f32 v36, v30;
	v36 =	vld [tilespmem:s24+$0x220]  }
0x71: {  	v22 =	vmul.f32 v22, v30;
	[tilespmem:s24+$0x10] =	vst v35;
	v35 =	vmul.f32 v37, v30;
	v30 =	vld [tilespmem:s24+$0x280]  }
0x72: {  	[tilespmem:s24+$0x20] =	vst v29;
	v29 =	vbroadcast v38, $0xF;
	v37 =	vld [tilespmem:s24+$0x2A0];
	v38, _, _ =	vpop (xrf2)  }
0x73: {  	[tilespmem:s24+$0x30] =	vst v31;
	v31 =	vbroadcast v38, $0xF;
	v38 =	vld [tilespmem:s24+$0x330]  }
0x74: {  	[tilespmem:s24+$0x80] =	vst v32;
	v28 =	vmul.f32 v28, v29;
	v32 =	vmul.f32 v42, v29;
	v42 =	vld [tilespmem:s24+$0x310]  }
0x75: {  	[tilespmem:s24+$0x90] =	vst v25;
	v25 =	vmul.f32 v36, v29;
	v29 =	vmul.f32 v40, v29;
	v36 =	vld [tilespmem:s24+$0x300];
	v40, _, _ =	vpop (xrf2)  }
0x76: {  	v21 =	vmul.f32 v21, v31;
	[tilespmem:s24+$0xA0] =	vst v33;
	v30 =	vmul.f32 v30, v31;
	v33 =	vld [tilespmem:s24+$0x320]  }
0x77: {  	v20 =	vmul.f32 v20, v31;
	[tilespmem:s24+$0xB0] =	vst v24;
	v24 =	vmul.f32 v37, v31;
	v31 =	vld [tilespmem:s24+$0x380]  }
0x78: {  	v37 =	vbroadcast v40, $0xF;
	[tilespmem:s24+$0x100] =	vst v39;
	v39 =	vld [tilespmem:s24+$0x3A0];
	v40, _, _ =	vpop (xrf2)  }
0x79: {  	[tilespmem:s24+$0x110] =	vst v41;
	v40 =	vbroadcast v40, $0xF  }
0x7a: {  	[tilespmem:s24+$0x120] =	vst v26;
	v26 =	vmul.f32 v36, v37;
	v36 =	vmul.f32 v42, v37  }
0x7b: {  	[tilespmem:s24+$0x130] =	vst v27;
	v27 =	vmul.f32 v33, v37;
	v33 =	vmul.f32 v38, v37  }
0x7c: {  	v19 =	vmul.f32 v19, v40;
	[tilespmem:s24+$0x180] =	vst v34;
	v31 =	vmul.f32 v31, v40  }
0x7d: {  	v17 =	vmul.f32 v17, v40;
	[tilespmem:s24+$0x190] =	vst v23;
	v23 =	vmul.f32 v39, v40  }
0x7e: {  	[tilespmem:s24+$0x1A0] =	vst v35  }
0x7f: {  	[tilespmem:s24+$0x1B0] =	vst v22  }
0x80: {  	[tilespmem:s24+$0x200] =	vst v28  }
0x81: {  	[tilespmem:s24+$0x210] =	vst v32  }
0x82: {  	[tilespmem:s24+$0x220] =	vst v25  }
0x83: {  	[tilespmem:s24+$0x230] =	vst v29  }
0x84: {  	[tilespmem:s24+$0x280] =	vst v30  }
0x85: {  	[tilespmem:s24+$0x290] =	vst v21  }
0x86: {  	[tilespmem:s24+$0x2A0] =	vst v24  }
0x87: {  	[tilespmem:s24+$0x2B0] =	vst v20  }
0x88: {  	[tilespmem:s24+$0x300] =	vst v26  }
0x89: {  	[tilespmem:s24+$0x310] =	vst v36  }
0x8a: {  	[tilespmem:s24+$0x320] =	vst v27  }
0x8b: {  	[tilespmem:s24+$0x330] =	vst v33  }
.Ltmp1:
0x8c: {  	[tilespmem:s24+$0x380] =	vst v31;
	(pc) =	sbr.rel @p0 .LBB2_5-.Ltmp1, $4  }
0x8d: {  	[tilespmem:s24+$0x390] =	vst v19  }
0x8e: {  	[tilespmem:s24+$0x3A0] =	vst v23  }
0x8f: {  	[tilespmem:s24+$0x3B0] =	vst v17;
	s24 =	sadd.s32 $0x800, s24  }
0x90: {  	s26 =	sshra.s32 s25, $0x2;
	s25 =	sadd.s32 $0x40, s25;
	v17 =	vld [tilespmem:s24+$0x3B0]  }
0x91: {  	_ =	sdelay $0x3  }
0x92: {  	v18 =	vld.idx.msk [tilespmem:v18+s26+$0x0 ss:$0x1], $0xffff;
	_ =	sdelay $0x4  }
0x93: {  	v19 =	vmul.f32 v1, v18;
	_ =	sdelay $0x1  }
0x94: {  	(xrf2) =	vadd.scan.msk.f32 $0xffff, v19;
	_ =	sdelay $0x1  }
0x95: {  	v19 =	vmul.f32 v2, v18;
	_ =	sdelay $0x1  }
0x96: {  	(xrf2) =	vadd.scan.msk.f32 $0xffff, v19;
	_ =	sdelay $0x1  }
0x97: {  	v19 =	vmul.f32 v3, v18;
	_ =	sdelay $0x1  }
0x98: {  	(xrf2) =	vadd.scan.msk.f32 $0xffff, v19;
	v19 =	vld [tilespmem:s24+$0xFFFFFC00]  }
0x99: {  	v20 =	vld [tilespmem:s24+$0xFFFFFC10]  }
0x9a: {  	v22 =	vld [tilespmem:s24+$0xFFFFFC20];
	v21 =	vmul.f32 v4, v18;
	v23, _, _ =	vpop (xrf2)  }
0x9b: {  	v24 =	vld [tilespmem:s24+$0xFFFFFC30];
	v23 =	vbroadcast v23, $0xF  }
0x9c: {  	v61 =	vld [tilespmem:s24+$0xFFFFFC80];
	(xrf2) =	vadd.scan.msk.f32 $0xffff, v21  }
0x9d: {  	v25 =	vld [tilespmem:s24+$0xFFFFFC90];
	v19 =	vmul.f32 v23, v19  }
0x9e: {  	v27 =	vld [tilespmem:s24+$0xFFFFFCA0];
	v26 =	vmul.f32 v5, v18;
	v28, _, _ =	vpop (xrf2);
	v20 =	vmul.f32 v23, v20  }
0x9f: {  	v29 =	vld [tilespmem:s24+$0xFFFFFCB0];
	v22 =	vmul.f32 v22, v23;
	[tilespmem:s24+$0xFFFFFC00] =	vst v19;
	v19 =	vbroadcast v28, $0xF  }
0xa0: {  	v62 =	vld [tilespmem:s24+$0xFFFFFD10];
	(xrf2) =	vadd.scan.msk.f32 $0xffff, v26;
	v23 =	vmul.f32 v24, v23;
	[tilespmem:s24+$0xFFFFFC10] =	vst v20  }
0xa1: {  	v63 =	vmul.f32 v6, v18;
	v20 =	vld [tilespmem:s24+$0xFFFFFD00];
	[tilespmem:s24+$0xFFFFFC20] =	vst v22;
	v21 =	vmul.f32 v61, v19  }
0xa2: {  	v33 =	vld [tilespmem:s24+$0xFFFFFD20];
	v32, _, _ =	vpop (xrf2);
	[tilespmem:s24+$0xFFFFFC30] =	vst v23;
	v25 =	vmul.f32 v25, v19  }
0xa3: {  	v34 =	vld [tilespmem:s24+$0xFFFFFD30];
	(xrf2) =	vadd.scan.msk.f32 $0xffff, v63;
	v35 =	vbroadcast v32, $0xF;
	v27 =	vmul.f32 v27, v19;
	[tilespmem:s24+$0xFFFFFC80] =	vst v21  }
0xa4: {  	v36 =	vld [tilespmem:s24+$0xFFFFFD80];
	v19 =	vmul.f32 v29, v19;
	[tilespmem:s24+$0xFFFFFC90] =	vst v25  }
0xa5: {  	v37 =	vld [tilespmem:s24+$0xFFFFFD90];
	v24 =	vmul.f32 v62, v35;
	[tilespmem:s24+$0xFFFFFCA0] =	vst v27  }
0xa6: {  	v39 =	vld [tilespmem:s24+$0xFFFFFDA0];
	v38 =	vmul.f32 v7, v18;
	[tilespmem:s24+$0xFFFFFCB0] =	vst v19;
	v20 =	vmul.f32 v20, v35;
	v40, _, _ =	vpop (xrf2)  }
0xa7: {  	v28 =	vmul.f32 v33, v35;
	v19 =	vld [tilespmem:s24+$0xFFFFFDB0];
	[tilespmem:s24+$0xFFFFFD10] =	vst v24;
	v29 =	vbroadcast v40, $0xF  }
0xa8: {  	v41 =	vld [tilespmem:s24+$0xFFFFFE00];
	(xrf2) =	vadd.scan.msk.f32 $0xffff, v38;
	[tilespmem:s24+$0xFFFFFD00] =	vst v20;
	v20 =	vmul.f32 v34, v35  }
0xa9: {  	v42 =	vld [tilespmem:s24+$0xFFFFFE10];
	v43 =	vmul.f32 v8, v18;
	[tilespmem:s24+$0xFFFFFD20] =	vst v28;
	v22 =	vmul.f32 v36, v29  }
0xaa: {  	v45 =	vld [tilespmem:s24+$0xFFFFFE20];
	v44, _, _ =	vpop (xrf2);
	v25 =	vmul.f32 v37, v29;
	[tilespmem:s24+$0xFFFFFD30] =	vst v20  }
0xab: {  	v46 =	vld [tilespmem:s24+$0xFFFFFE80];
	(xrf2) =	vadd.scan.msk.f32 $0xffff, v43;
	v27 =	vmul.f32 v39, v29;
	v26 =	vbroadcast v44, $0xF;
	[tilespmem:s24+$0xFFFFFD80] =	vst v22  }
0xac: {  	v47 =	vld [tilespmem:s24+$0xFFFFFE90];
	v19 =	vmul.f32 v19, v29;
	[tilespmem:s24+$0xFFFFFD90] =	vst v25  }
0xad: {  	v48 =	vmul.f32 v9, v18;
	v20 =	vld [tilespmem:s24+$0xFFFFFE30];
	v50, _, _ =	vpop (xrf2);
	v21 =	vmul.f32 v41, v26;
	[tilespmem:s24+$0xFFFFFDA0] =	vst v27  }
0xae: {  	v49 =	vld [tilespmem:s24+$0xFFFFFEA0];
	v23 =	vmul.f32 v42, v26;
	v29 =	vbroadcast v50, $0xF;
	[tilespmem:s24+$0xFFFFFDB0] =	vst v19  }
0xaf: {  	v28 =	vmul.f32 v45, v26;
	v19 =	vld [tilespmem:s24+$0xFFFFFEB0];
	[tilespmem:s24+$0xFFFFFE00] =	vst v21  }
0xb0: {  	v51 =	vld [tilespmem:s24+$0xFFFFFF00];
	(xrf2) =	vadd.scan.msk.f32 $0xffff, v48;
	[tilespmem:s24+$0xFFFFFE10] =	vst v23;
	v22 =	vmul.f32 v46, v29  }
0xb1: {  	v52 =	vld [tilespmem:s24+$0xFFFFFF10];
	[tilespmem:s24+$0xFFFFFE20] =	vst v28;
	v24 =	vmul.f32 v47, v29  }
0xb2: {  	v55 =	vld [tilespmem:s24+$0xFFFFFF20];
	v53 =	vmul.f32 v10, v18;
	v20 =	vmul.f32 v20, v26;
	[tilespmem:s24+$0xFFFFFE80] =	vst v22;
	v54, _, _ =	vpop (xrf2)  }
0xb3: {  	v56 =	vld [tilespmem:s24+$0xFFFFFF80];
	v27 =	vmul.f32 v49, v29;
	[tilespmem:s24+$0xFFFFFE90] =	vst v24;
	v26 =	vbroadcast v54, $0xF  }
0xb4: {  	(xrf2) =	vadd.scan.msk.f32 $0xffff, v53;
	[tilespmem:s24+$0xFFFFFE30] =	vst v20;
	v20 =	vld [tilespmem:s24+$0xFFFFFF30];
	v19 =	vmul.f32 v19, v29  }
0xb5: {  	v57 =	vld [tilespmem:s24+$0xFFFFFF90];
	v58 =	vmul.f32 v11, v18;
	[tilespmem:s24+$0xFFFFFEA0] =	vst v27;
	v60, _, _ =	vpop (xrf2);
	v21 =	vmul.f32 v51, v26  }
0xb6: {  	v59 =	vld [tilespmem:s24+$0xFFFFFFA0];
	v23 =	vmul.f32 v52, v26;
	[tilespmem:s24+$0xFFFFFEB0] =	vst v19;
	v29 =	vbroadcast v60, $0xF  }
0xb7: {  	v19 =	vld [tilespmem:s24+$0xFFFFFFB0];
	v28 =	vmul.f32 v55, v26;
	[tilespmem:s24+$0xFFFFFF00] =	vst v21  }
0xb8: {  	v61 =	vld [tilespmem:s24+$0x0];
	(xrf2) =	vadd.scan.msk.f32 $0xffff, v58;
	[tilespmem:s24+$0xFFFFFF10] =	vst v23;
	v22 =	vmul.f32 v56, v29  }
0xb9: {  	v63 =	vmul.f32 v12, v18;
	v62 =	vld [tilespmem:s24+$0x10];
	[tilespmem:s24+$0xFFFFFF20] =	vst v28;
	v20 =	vmul.f32 v20, v26  }
0xba: {  	v33 =	vld [tilespmem:s24+$0x20];
	v32, _, _ =	vpop (xrf2);
	v24 =	vmul.f32 v57, v29;
	[tilespmem:s24+$0xFFFFFF80] =	vst v22  }
0xbb: {  	(xrf2) =	vadd.scan.msk.f32 $0xffff, v63;
	v27 =	vmul.f32 v59, v29;
	v26 =	vbroadcast v32, $0xF;
	[tilespmem:s24+$0xFFFFFF30] =	vst v20;
	v20 =	vld [tilespmem:s24+$0x30]  }
0xbc: {  	v34 =	vld [tilespmem:s24+$0x80];
	[tilespmem:s24+$0xFFFFFF90] =	vst v24;
	v19 =	vmul.f32 v19, v29  }
0xbd: {  	v35 =	vld [tilespmem:s24+$0x90];
	[tilespmem:s24+$0xFFFFFFA0] =	vst v27;
	v21 =	vmul.f32 v61, v26  }
0xbe: {  	v36 =	vmul.f32 v13, v18;
	v37 =	vld [tilespmem:s24+$0xA0];
	v23 =	vmul.f32 v62, v26;
	v38, _, _ =	vpop (xrf2);
	[tilespmem:s24+$0xFFFFFFB0] =	vst v19  }
0xbf: {  	v28 =	vmul.f32 v33, v26;
	v19 =	vld [tilespmem:s24+$0xB0];
	[tilespmem:s24+$0x0] =	vst v21;
	v29 =	vbroadcast v38, $0xF  }
0xc0: {  	v39 =	vld [tilespmem:s24+$0x100];
	(xrf2) =	vadd.scan.msk.f32 $0xffff, v36;
	[tilespmem:s24+$0x10] =	vst v23;
	v20 =	vmul.f32 v20, v26  }
0xc1: {  	v40 =	vld [tilespmem:s24+$0x110];
	v41 =	vmul.f32 v14, v18;
	[tilespmem:s24+$0x20] =	vst v28;
	v22 =	vmul.f32 v34, v29  }
0xc2: {  	v43 =	vld [tilespmem:s24+$0x120];
	v42, _, _ =	vpop (xrf2);
	v24 =	vmul.f32 v35, v29;
	[tilespmem:s24+$0x30] =	vst v20  }
0xc3: {  	v44 =	vld [tilespmem:s24+$0x180];
	(xrf2) =	vadd.scan.msk.f32 $0xffff, v41;
	v27 =	vmul.f32 v37, v29;
	v26 =	vbroadcast v42, $0xF;
	[tilespmem:s24+$0x80] =	vst v22  }
0xc4: {  	v45 =	vld [tilespmem:s24+$0x190];
	v19 =	vmul.f32 v19, v29;
	[tilespmem:s24+$0x90] =	vst v24  }
0xc5: {  	v46 =	vmul.f32 v15, v18;
	v47 =	vld [tilespmem:s24+$0x1A0];
	v48, _, _ =	vpop (xrf2);
	v21 =	vmul.f32 v39, v26;
	[tilespmem:s24+$0xA0] =	vst v27  }
0xc6: {  	v20 =	vld [tilespmem:s24+$0x130];
	v23 =	vmul.f32 v40, v26;
	v29 =	vbroadcast v48, $0xF;
	[tilespmem:s24+$0xB0] =	vst v19  }
0xc7: {  	v28 =	vmul.f32 v43, v26;
	v19 =	vld [tilespmem:s24+$0x1B0];
	[tilespmem:s24+$0x100] =	vst v21  }
0xc8: {  	v49 =	vld [tilespmem:s24+$0x200];
	(xrf2) =	vadd.scan.msk.f32 $0xffff, v46;
	[tilespmem:s24+$0x110] =	vst v23;
	v22 =	vmul.f32 v44, v29  }
0xc9: {  	v50 =	vld [tilespmem:s24+$0x210];
	v18 =	vmul.f32 v16, v18;
	[tilespmem:s24+$0x120] =	vst v28;
	v24 =	vmul.f32 v45, v29  }
0xca: {  	v52 =	vld [tilespmem:s24+$0x220];
	v27 =	vmul.f32 v47, v29;
	[tilespmem:s24+$0x180] =	vst v22;
	v51, _, _ =	vpop (xrf2)  }
0xcb: {  	v53 =	vld [tilespmem:s24+$0x290];
	[tilespmem:s24+$0x190] =	vst v24;
	v20 =	vmul.f32 v20, v26;
	(xrf2) =	vadd.scan.msk.f32 $0xffff, v18;
	v25 =	vbroadcast v51, $0xF  }
0xcc: {  	v54 =	vld [tilespmem:s24+$0x2A0];
	[tilespmem:s24+$0x1A0] =	vst v27;
	v18 =	vmul.f32 v19, v29  }
0xcd: {  	[tilespmem:s24+$0x130] =	vst v20;
	v20 =	vld [tilespmem:s24+$0x230];
	v55, _, _ =	vpop (xrf2);
	v21 =	vmul.f32 v49, v25  }
0xce: {  	v19 =	vld [tilespmem:s24+$0x280];
	v23 =	vmul.f32 v50, v25;
	v27 =	vbroadcast v55, $0xF;
	[tilespmem:s24+$0x1B0] =	vst v18  }
0xcf: {  	v26 =	vmul.f32 v52, v25;
	v18 =	vld [tilespmem:s24+$0x2B0];
	[tilespmem:s24+$0x200] =	vst v21  }
0xd0: {  	v56 =	vld [tilespmem:s24+$0x300];
	[tilespmem:s24+$0x210] =	vst v23;
	v22 =	vmul.f32 v53, v27  }
0xd1: {  	v57 =	vld [tilespmem:s24+$0x310];
	[tilespmem:s24+$0x220] =	vst v26;
	v24 =	vmul.f32 v54, v27  }
0xd2: {  	v59 =	vld [tilespmem:s24+$0x320];
	v58, _, _ =	vpop (xrf2);
	v20 =	vmul.f32 v20, v25;
	[tilespmem:s24+$0x290] =	vst v22  }
0xd3: {  	v60 =	vld [tilespmem:s24+$0x390];
	v19 =	vmul.f32 v19, v27;
	v25 =	vbroadcast v58, $0xF;
	[tilespmem:s24+$0x2A0] =	vst v24  }
0xd4: {  	[tilespmem:s24+$0x230] =	vst v20;
	v18 =	vmul.f32 v18, v27  }
0xd5: {  	v20 =	vld [tilespmem:s24+$0x330];
	[tilespmem:s24+$0x280] =	vst v19;
	v21 =	vmul.f32 v56, v25;
	v62, _, _ =	vpop (xrf2)  }
0xd6: {  	v19 =	vld [tilespmem:s24+$0x380];
	v23 =	vmul.f32 v57, v25;
	[tilespmem:s24+$0x2B0] =	vst v18;
	v18 =	vbroadcast v62, $0xF  }
0xd7: {  	v61 =	vld [tilespmem:s24+$0x3A0];
	v26 =	vmul.f32 v59, v25;
	[tilespmem:s24+$0x300] =	vst v21  }
0xd8: {  	[tilespmem:s24+$0x310] =	vst v23;
	v63 =	vmul.f32 v60, v18  }
0xd9: {  	[tilespmem:s24+$0x320] =	vst v26;
	v17 =	vmul.f32 v17, v18  }
0xda: {  	v20 =	vmul.f32 v20, v25;
	[tilespmem:s24+$0x390] =	vst v63  }
0xdb: {  	v19 =	vmul.f32 v19, v18;
	[tilespmem:s24+$0x3B0] =	vst v17  }
0xdc: {  	[tilespmem:s24+$0x330] =	vst v20;
	v20 =	vmul.f32 v61, v18  }
0xdd: {  	s25 =	sshrl.u32 s23, $0x2;
	[tilespmem:s24+$0x380] =	vst v19  }
0xde: {  	s31 =	sadd.s32 $0x1000, s25;
	[tilespmem:s24+$0x3A0] =	vst v20  }
0xdf: {  	[spmem:s2] =	stream.indirect.scatter.add.f32 [tilespmem:s11], [sflag:$0x3], $0x80, s31, s14, $0xb8;
	[tilespmem:$0xF000] =	vst v63  }
0xe0: {  	_ =	swait.ge [sflag:s12], $0x4000  }
0xe1: {  	[sflag:s12] =	ssyncset.done $0x0  }
0xe2: {  	[sflag:s12] =	ssyncadd.s32 $0xFFFFC000  }
0xe3: {  	p0 =	seq.s32 s19, $0xF;
	_ =	swait.ge [sflag:s18], $0x4000  }
0xe4: {  	s23 =	sshrl.u32 @!p0 s23, $0x2;
	s25 =	simm.s32 @!p0 $0x3000;
	v18 =	vmov s21;
	[sflag:s18] =	ssyncset.done $0x0  }
0xe5: {  	s23 =	sadd.s32 @!p0 $0x100, s23;
	s24 =	simm.s32 @!p0 $0x80;
	[sflag:s18] =	ssyncadd.s32 $0xFFFFC000  }
0xe6: {  	[tilespmem:s25], [sflag:$0x1] =	stream.indirect.gather @!p0 [hbm4b:s4+s24], $0x80, s23, s24, $0xb8;
	[tilespmem:$0xF000] =	vst v63  }
0xe7: {  	s23 =	simm.s32 $0x7400  }
0xe8: {  	s25 =	simm.s32 $0x0;
	s24 =	simm.s32 $0x40;
	v17 =	vld [tilespmem:s23+$0x3B0]  }
.LBB2_7:
0xe9: {  	p0 =	sne.s32 s24, $0x1C0;
	v26 =	vld.idx.msk [tilespmem:v18+s25+$0x0 ss:$0x1], $0xffff  }
0xea: {  	v19 =	vld [tilespmem:s23+$0x390]  }
0xeb: {  	v20 =	vld [tilespmem:s23+$0x2B0]  }
0xec: {  	v21 =	vld [tilespmem:s23+$0x290]  }
0xed: {  	v22 =	vld [tilespmem:s23+$0x1B0]  }
0xee: {  	v23 =	vld [tilespmem:s23+$0x190]  }
0xef: {  	v27 =	vmul.f32 v1, v26;
	v29 =	vmul.f32 v2, v26;
	v24 =	vld [tilespmem:s23+$0xB0]  }
0xf0: {  	v33 =	vmul.f32 v3, v26;
	v34 =	vmul.f32 v4, v26;
	v25 =	vld [tilespmem:s23+$0x90]  }
0xf1: {  	v35 =	vmul.f32 v5, v26;
	v36 =	vmul.f32 v6, v26;
	v28 =	vld [tilespmem:s23+$0xFFFFFFB0];
	(xrf2) =	vadd.scan.msk.f32 $0xffff, v27  }
0xf2: {  	v37 =	vmul.f32 v7, v26;
	v38 =	vmul.f32 v8, v26;
	v30 =	vld [tilespmem:s23+$0xFFFFFF90]  }
0xf3: {  	v40 =	vmul.f32 v9, v26;
	v41 =	vmul.f32 v10, v26;
	v39 =	vld [tilespmem:s23+$0xFFFFFEB0]  }
0xf4: {  	v43 =	vmul.f32 v11, v26;
	v32 =	vmul.f32 v12, v26;
	v42 =	vld [tilespmem:s23+$0xFFFFFE90];
	(xrf2) =	vadd.scan.msk.f32 $0xffff, v29  }
0xf5: {  	v31 =	vmul.f32 v13, v26;
	v29 =	vmul.f32 v14, v26;
	v44 =	vld [tilespmem:s23+$0xFFFFFDB0]  }
0xf6: {  	v27 =	vmul.f32 v15, v26;
	v26 =	vmul.f32 v16, v26;
	v45 =	vld [tilespmem:s23+$0xFFFFFD90]  }
0xf7: {  	v46 =	vld [tilespmem:s23+$0xFFFFFC30];
	(xrf2) =	vadd.scan.msk.f32 $0xffff, v33  }
0xf8: {  	v33 =	vld [tilespmem:s23+$0xFFFFFC10]  }
0xf9: {  	v47 =	vld [tilespmem:s23+$0xFFFFFC00]  }
0xfa: {  	v48 =	vld [tilespmem:s23+$0xFFFFFC20];
	(xrf2) =	vadd.scan.msk.f32 $0xffff, v34  }
0xfb: {  	v34 =	vld [tilespmem:s23+$0xFFFFFCB0];
	v49, _, _ =	vpop (xrf2)  }
0xfc: {  	v49 =	vbroadcast v49, $0xF;
	v50 =	vld [tilespmem:s23+$0xFFFFFC90]  }
0xfd: {  	v51 =	vld [tilespmem:s23+$0xFFFFFC80];
	(xrf2) =	vadd.scan.msk.f32 $0xffff, v35  }
0xfe: {  	v35 =	vmul.f32 v49, v47;
	v33 =	vmul.f32 v49, v33;
	v47 =	vld [tilespmem:s23+$0xFFFFFCA0];
	v52, _, _ =	vpop (xrf2)  }
0xff: {  	v46 =	vmul.f32 v46, v49;
	v48 =	vmul.f32 v48, v49;
	v49 =	vld [tilespmem:s23+$0xFFFFFD30]  }
0x100: {  	[tilespmem:s23+$0xFFFFFC00] =	vst v35;
	v35 =	vbroadcast v52, $0xF;
	v52 =	vld [tilespmem:s23+$0xFFFFFD10];
	(xrf2) =	vadd.scan.msk.f32 $0xffff, v36  }
0x101: {  	[tilespmem:s23+$0xFFFFFC10] =	vst v33;
	v33 =	vld [tilespmem:s23+$0xFFFFFD00];
	v36, _, _ =	vpop (xrf2)  }
0x102: {  	[tilespmem:s23+$0xFFFFFC20] =	vst v48;
	v48 =	vmul.f32 v51, v35;
	v50 =	vmul.f32 v50, v35;
	v51 =	vld [tilespmem:s23+$0xFFFFFD20]  }
0x103: {  	v34 =	vmul.f32 v34, v35;
	[tilespmem:s23+$0xFFFFFC30] =	vst v46;
	v46 =	vmul.f32 v47, v35;
	v35 =	vld [tilespmem:s23+$0xFFFFFD80];
	(xrf2) =	vadd.scan.msk.f32 $0xffff, v37  }
0x104: {  	v36 =	vbroadcast v36, $0xF;
	[tilespmem:s23+$0xFFFFFC80] =	vst v48;
	v37 =	vld [tilespmem:s23+$0xFFFFFDA0];
	v47, _, _ =	vpop (xrf2)  }
0x105: {  	[tilespmem:s23+$0xFFFFFC90] =	vst v50;
	v47 =	vbroadcast v47, $0xF;
	v48 =	vld [tilespmem:s23+$0xFFFFFE30]  }
0x106: {  	[tilespmem:s23+$0xFFFFFCA0] =	vst v46;
	v33 =	vmul.f32 v33, v36;
	v46 =	vmul.f32 v52, v36;
	v50 =	vld [tilespmem:s23+$0xFFFFFE10];
	(xrf2) =	vadd.scan.msk.f32 $0xffff, v38  }
0x107: {  	[tilespmem:s23+$0xFFFFFCB0] =	vst v34;
	v34 =	vmul.f32 v51, v36;
	v36 =	vmul.f32 v49, v36;
	v38 =	vld [tilespmem:s23+$0xFFFFFE00];
	v49, _, _ =	vpop (xrf2)  }
0x108: {  	[tilespmem:s23+$0xFFFFFD00] =	vst v33;
	v33 =	vmul.f32 v35, v47;
	v35 =	vmul.f32 v45, v47;
	v45 =	vld [tilespmem:s23+$0xFFFFFE20]  }
0x109: {  	v44 =	vmul.f32 v44, v47;
	[tilespmem:s23+$0xFFFFFD10] =	vst v46;
	v37 =	vmul.f32 v37, v47;
	v46 =	vld [tilespmem:s23+$0xFFFFFE80];
	(xrf2) =	vadd.scan.msk.f32 $0xffff, v40  }
0x10a: {  	[tilespmem:s23+$0xFFFFFD20] =	vst v34;
	v34 =	vbroadcast v49, $0xF;
	v40 =	vld [tilespmem:s23+$0xFFFFFEA0];
	v47, _, _ =	vpop (xrf2)  }
0x10b: {  	[tilespmem:s23+$0xFFFFFD30] =	vst v36;
	v36 =	vbroadcast v47, $0xF;
	v47 =	vld [tilespmem:s23+$0xFFFFFF30]  }
0x10c: {  	[tilespmem:s23+$0xFFFFFD80] =	vst v33;
	v33 =	vmul.f32 v38, v34;
	v38 =	vmul.f32 v50, v34;
	v49 =	vld [tilespmem:s23+$0xFFFFFF10];
	(xrf2) =	vadd.scan.msk.f32 $0xffff, v41  }
0x10d: {  	[tilespmem:s23+$0xFFFFFD90] =	vst v35;
	v35 =	vmul.f32 v45, v34;
	v34 =	vmul.f32 v48, v34;
	v41 =	vld [tilespmem:s23+$0xFFFFFF00];
	v45, _, _ =	vpop (xrf2)  }
0x10e: {  	v42 =	vmul.f32 v42, v36;
	[tilespmem:s23+$0xFFFFFDA0] =	vst v37;
	v37 =	vmul.f32 v46, v36;
	v46 =	vld [tilespmem:s23+$0xFFFFFF20]  }
0x10f: {  	[tilespmem:s23+$0xFFFFFDB0] =	vst v44;
	v40 =	vmul.f32 v40, v36;
	v36 =	vmul.f32 v39, v36;
	v39 =	vld [tilespmem:s23+$0xFFFFFF80];
	(xrf2) =	vadd.scan.msk.f32 $0xffff, v43  }
0x110: {  	[tilespmem:s23+$0xFFFFFE00] =	vst v33;
	v33 =	vbroadcast v45, $0xF;
	v43 =	vld [tilespmem:s23+$0xFFFFFFA0];
	v44, _, _ =	vpop (xrf2)  }
0x111: {  	[tilespmem:s23+$0xFFFFFE10] =	vst v38;
	v38 =	vbroadcast v44, $0xF;
	v44 =	vld [tilespmem:s23+$0x30]  }
0x112: {  	[tilespmem:s23+$0xFFFFFE20] =	vst v35;
	v35 =	vmul.f32 v41, v33;
	v41 =	vmul.f32 v49, v33;
	v45 =	vld [tilespmem:s23+$0x10];
	(xrf2) =	vadd.scan.msk.f32 $0xffff, v32  }
0x113: {  	[tilespmem:s23+$0xFFFFFE30] =	vst v34;
	v32 =	vmul.f32 v46, v33;
	v33 =	vmul.f32 v47, v33;
	v34 =	vld [tilespmem:s23+$0x0];
	v46, _, _ =	vpop (xrf2)  }
0x114: {  	v30 =	vmul.f32 v30, v38;
	[tilespmem:s23+$0xFFFFFE80] =	vst v37;
	v37 =	vmul.f32 v39, v38;
	v39 =	vld [tilespmem:s23+$0x20]  }
0x115: {  	v28 =	vmul.f32 v28, v38;
	[tilespmem:s23+$0xFFFFFE90] =	vst v42;
	v42 =	vmul.f32 v43, v38;
	v38 =	vld [tilespmem:s23+$0x80];
	(xrf2) =	vadd.scan.msk.f32 $0xffff, v31  }
0x116: {  	v31 =	vbroadcast v46, $0xF;
	[tilespmem:s23+$0xFFFFFEA0] =	vst v40;
	v40 =	vld [tilespmem:s23+$0xA0];
	v43, _, _ =	vpop (xrf2)  }
0x117: {  	[tilespmem:s23+$0xFFFFFEB0] =	vst v36;
	v36 =	vbroadcast v43, $0xF;
	v43 =	vld [tilespmem:s23+$0x130]  }
0x118: {  	[tilespmem:s23+$0xFFFFFF00] =	vst v35;
	v34 =	vmul.f32 v34, v31;
	v35 =	vmul.f32 v45, v31;
	v45 =	vld [tilespmem:s23+$0x110];
	(xrf2) =	vadd.scan.msk.f32 $0xffff, v29  }
0x119: {  	[tilespmem:s23+$0xFFFFFF10] =	vst v41;
	v29 =	vmul.f32 v39, v31;
	v31 =	vmul.f32 v44, v31;
	v39 =	vld [tilespmem:s23+$0x100];
	v41, _, _ =	vpop (xrf2)  }
0x11a: {  	v25 =	vmul.f32 v25, v36;
	[tilespmem:s23+$0xFFFFFF20] =	vst v32;
	v32 =	vmul.f32 v38, v36;
	v38 =	vld [tilespmem:s23+$0x120]  }
0x11b: {  	v24 =	vmul.f32 v24, v36;
	[tilespmem:s23+$0xFFFFFF30] =	vst v33;
	v33 =	vmul.f32 v40, v36;
	v36 =	vld [tilespmem:s23+$0x180];
	(xrf2) =	vadd.scan.msk.f32 $0xffff, v27  }
0x11c: {  	v27 =	vbroadcast v41, $0xF;
	[tilespmem:s23+$0xFFFFFF80] =	vst v37;
	v37 =	vld [tilespmem:s23+$0x1A0];
	v40, _, _ =	vpop (xrf2)  }
0x11d: {  	[tilespmem:s23+$0xFFFFFF90] =	vst v30;
	v30 =	vbroadcast v40, $0xF;
	v40 =	vld [tilespmem:s23+$0x230]  }
0x11e: {  	v41 =	vmul.f32 v45, v27;
	[tilespmem:s23+$0xFFFFFFA0] =	vst v42;
	v39 =	vmul.f32 v39, v27;
	v42 =	vld [tilespmem:s23+$0x210];
	(xrf2) =	vadd.scan.msk.f32 $0xffff, v26  }
0x11f: {  	[tilespmem:s23+$0xFFFFFFB0] =	vst v28;
	v26 =	vmul.f32 v38, v27;
	v27 =	vmul.f32 v43, v27;
	v28 =	vld [tilespmem:s23+$0x200];
	v38, _, _ =	vpop (xrf2)  }
0x120: {  	v23 =	vmul.f32 v23, v30;
	[tilespmem:s23+$0x0] =	vst v34;
	v34 =	vmul.f32 v36, v30;
	v36 =	vld [tilespmem:s23+$0x220]  }
0x121: {  	v22 =	vmul.f32 v22, v30;
	[tilespmem:s23+$0x10] =	vst v35;
	v35 =	vmul.f32 v37, v30;
	v30 =	vld [tilespmem:s23+$0x280]  }
0x122: {  	[tilespmem:s23+$0x20] =	vst v29;
	v29 =	vbroadcast v38, $0xF;
	v37 =	vld [tilespmem:s23+$0x2A0];
	v38, _, _ =	vpop (xrf2)  }
0x123: {  	[tilespmem:s23+$0x30] =	vst v31;
	v31 =	vbroadcast v38, $0xF;
	v38 =	vld [tilespmem:s23+$0x330]  }
0x124: {  	[tilespmem:s23+$0x80] =	vst v32;
	v28 =	vmul.f32 v28, v29;
	v32 =	vmul.f32 v42, v29;
	v42 =	vld [tilespmem:s23+$0x310]  }
0x125: {  	[tilespmem:s23+$0x90] =	vst v25;
	v25 =	vmul.f32 v36, v29;
	v29 =	vmul.f32 v40, v29;
	v36 =	vld [tilespmem:s23+$0x300];
	v40, _, _ =	vpop (xrf2)  }
0x126: {  	v21 =	vmul.f32 v21, v31;
	[tilespmem:s23+$0xA0] =	vst v33;
	v30 =	vmul.f32 v30, v31;
	v33 =	vld [tilespmem:s23+$0x320]  }
0x127: {  	v20 =	vmul.f32 v20, v31;
	[tilespmem:s23+$0xB0] =	vst v24;
	v24 =	vmul.f32 v37, v31;
	v31 =	vld [tilespmem:s23+$0x380]  }
0x128: {  	v37 =	vbroadcast v40, $0xF;
	[tilespmem:s23+$0x100] =	vst v39;
	v39 =	vld [tilespmem:s23+$0x3A0];
	v40, _, _ =	vpop (xrf2)  }
0x129: {  	[tilespmem:s23+$0x110] =	vst v41;
	v40 =	vbroadcast v40, $0xF  }
0x12a: {  	[tilespmem:s23+$0x120] =	vst v26;
	v26 =	vmul.f32 v36, v37;
	v36 =	vmul.f32 v42, v37  }
0x12b: {  	[tilespmem:s23+$0x130] =	vst v27;
	v27 =	vmul.f32 v33, v37;
	v33 =	vmul.f32 v38, v37  }
0x12c: {  	v19 =	vmul.f32 v19, v40;
	[tilespmem:s23+$0x180] =	vst v34;
	v31 =	vmul.f32 v31, v40  }
0x12d: {  	v17 =	vmul.f32 v17, v40;
	[tilespmem:s23+$0x190] =	vst v23;
	v23 =	vmul.f32 v39, v40  }
0x12e: {  	[tilespmem:s23+$0x1A0] =	vst v35  }
0x12f: {  	[tilespmem:s23+$0x1B0] =	vst v22  }
0x130: {  	[tilespmem:s23+$0x200] =	vst v28  }
0x131: {  	[tilespmem:s23+$0x210] =	vst v32  }
0x132: {  	[tilespmem:s23+$0x220] =	vst v25  }
0x133: {  	[tilespmem:s23+$0x230] =	vst v29  }
0x134: {  	[tilespmem:s23+$0x280] =	vst v30  }
0x135: {  	[tilespmem:s23+$0x290] =	vst v21  }
0x136: {  	[tilespmem:s23+$0x2A0] =	vst v24  }
0x137: {  	[tilespmem:s23+$0x2B0] =	vst v20  }
0x138: {  	[tilespmem:s23+$0x300] =	vst v26  }
0x139: {  	[tilespmem:s23+$0x310] =	vst v36  }
0x13a: {  	[tilespmem:s23+$0x320] =	vst v27  }
0x13b: {  	[tilespmem:s23+$0x330] =	vst v33  }
.Ltmp2:
0x13c: {  	[tilespmem:s23+$0x380] =	vst v31;
	(pc) =	sbr.rel @p0 .LBB2_7-.Ltmp2, $4  }
0x13d: {  	[tilespmem:s23+$0x390] =	vst v19  }
0x13e: {  	[tilespmem:s23+$0x3A0] =	vst v23  }
0x13f: {  	[tilespmem:s23+$0x3B0] =	vst v17;
	s23 =	sadd.s32 $0x800, s23  }
0x140: {  	s25 =	sshra.s32 s24, $0x2;
	s24 =	sadd.s32 $0x40, s24;
	v17 =	vld [tilespmem:s23+$0x3B0]  }
0x141: {  	_ =	sdelay $0x3  }
0x142: {  	v18 =	vld.idx.msk [tilespmem:v18+s25+$0x0 ss:$0x1], $0xffff;
	_ =	sdelay $0x4  }
0x143: {  	v19 =	vmul.f32 v1, v18;
	_ =	sdelay $0x1  }
0x144: {  	(xrf2) =	vadd.scan.msk.f32 $0xffff, v19;
	_ =	sdelay $0x1  }
0x145: {  	v19 =	vmul.f32 v2, v18;
	_ =	sdelay $0x1  }
0x146: {  	(xrf2) =	vadd.scan.msk.f32 $0xffff, v19;
	_ =	sdelay $0x1  }
0x147: {  	v19 =	vmul.f32 v3, v18;
	_ =	sdelay $0x1  }
0x148: {  	(xrf2) =	vadd.scan.msk.f32 $0xffff, v19;
	v19 =	vld [tilespmem:s23+$0xFFFFFC00]  }
0x149: {  	v20 =	vld [tilespmem:s23+$0xFFFFFC10]  }
0x14a: {  	v22 =	vld [tilespmem:s23+$0xFFFFFC20];
	v21 =	vmul.f32 v4, v18;
	v23, _, _ =	vpop (xrf2)  }
0x14b: {  	v24 =	vld [tilespmem:s23+$0xFFFFFC30];
	v23 =	vbroadcast v23, $0xF  }
0x14c: {  	v52 =	vld [tilespmem:s23+$0xFFFFFC80];
	(xrf2) =	vadd.scan.msk.f32 $0xffff, v21  }
0x14d: {  	v25 =	vld [tilespmem:s23+$0xFFFFFC90];
	v19 =	vmul.f32 v23, v19  }
0x14e: {  	v27 =	vld [tilespmem:s23+$0xFFFFFCA0];
	v26 =	vmul.f32 v5, v18;
	v28, _, _ =	vpop (xrf2);
	v20 =	vmul.f32 v23, v20  }
0x14f: {  	v29 =	vld [tilespmem:s23+$0xFFFFFCB0];
	v22 =	vmul.f32 v22, v23;
	[tilespmem:s23+$0xFFFFFC00] =	vst v19;
	v19 =	vbroadcast v28, $0xF  }
0x150: {  	v53 =	vld [tilespmem:s23+$0xFFFFFD00];
	(xrf2) =	vadd.scan.msk.f32 $0xffff, v26;
	v23 =	vmul.f32 v24, v23;
	[tilespmem:s23+$0xFFFFFC10] =	vst v20  }
0x151: {  	v54 =	vld [tilespmem:s23+$0xFFFFFD10];
	[tilespmem:s23+$0xFFFFFC20] =	vst v22;
	v21 =	vmul.f32 v52, v19  }
0x152: {  	v57 =	vld [tilespmem:s23+$0xFFFFFD20];
	v55 =	vmul.f32 v6, v18;
	v56, _, _ =	vpop (xrf2);
	[tilespmem:s23+$0xFFFFFC30] =	vst v23;
	v25 =	vmul.f32 v25, v19  }
0x153: {  	v58 =	vld [tilespmem:s23+$0xFFFFFD30];
	v59 =	vbroadcast v56, $0xF;
	v27 =	vmul.f32 v27, v19;
	[tilespmem:s23+$0xFFFFFC80] =	vst v21  }
0x154: {  	v60 =	vld [tilespmem:s23+$0xFFFFFD80];
	(xrf2) =	vadd.scan.msk.f32 $0xffff, v55;
	v19 =	vmul.f32 v29, v19;
	[tilespmem:s23+$0xFFFFFC90] =	vst v25  }
0x155: {  	v61 =	vld [tilespmem:s23+$0xFFFFFD90];
	v20 =	vmul.f32 v53, v59;
	[tilespmem:s23+$0xFFFFFCA0] =	vst v27  }
0x156: {  	v63 =	vld [tilespmem:s23+$0xFFFFFDA0];
	v62 =	vmul.f32 v7, v18;
	v24 =	vmul.f32 v54, v59;
	[tilespmem:s23+$0xFFFFFCB0] =	vst v19;
	v32, _, _ =	vpop (xrf2)  }
0x157: {  	v28 =	vmul.f32 v57, v59;
	v19 =	vld [tilespmem:s23+$0xFFFFFDB0];
	[tilespmem:s23+$0xFFFFFD00] =	vst v20;
	v29 =	vbroadcast v32, $0xF  }
0x158: {  	v34 =	vld [tilespmem:s23+$0xFFFFFE00];
	v33 =	vmul.f32 v58, v59;
	[tilespmem:s23+$0xFFFFFD10] =	vst v24;
	(xrf2) =	vadd.scan.msk.f32 $0xffff, v62  }
0x159: {  	v35 =	vld [tilespmem:s23+$0xFFFFFE10];
	[tilespmem:s23+$0xFFFFFD20] =	vst v28;
	v22 =	vmul.f32 v60, v29  }
0x15a: {  	v38 =	vld [tilespmem:s23+$0xFFFFFE20];
	v36 =	vmul.f32 v8, v18;
	[tilespmem:s23+$0xFFFFFD30] =	vst v33;
	v37, _, _ =	vpop (xrf2);
	v25 =	vmul.f32 v61, v29  }
0x15b: {  	v39 =	vld [tilespmem:s23+$0xFFFFFE30];
	v27 =	vmul.f32 v63, v29;
	v26 =	vbroadcast v37, $0xF;
	[tilespmem:s23+$0xFFFFFD80] =	vst v22  }
0x15c: {  	v40 =	vld [tilespmem:s23+$0xFFFFFE80];
	(xrf2) =	vadd.scan.msk.f32 $0xffff, v36;
	v19 =	vmul.f32 v19, v29;
	[tilespmem:s23+$0xFFFFFD90] =	vst v25  }
0x15d: {  	v41 =	vld [tilespmem:s23+$0xFFFFFE90];
	v42 =	vmul.f32 v9, v18;
	v21 =	vmul.f32 v34, v26;
	[tilespmem:s23+$0xFFFFFDA0] =	vst v27  }
0x15e: {  	v43 =	vld [tilespmem:s23+$0xFFFFFEA0];
	v44, _, _ =	vpop (xrf2);
	v23 =	vmul.f32 v35, v26;
	[tilespmem:s23+$0xFFFFFDB0] =	vst v19  }
0x15f: {  	(xrf2) =	vadd.scan.msk.f32 $0xffff, v42;
	v29 =	vbroadcast v44, $0xF;
	v28 =	vmul.f32 v38, v26;
	v19 =	vld [tilespmem:s23+$0xFFFFFEB0];
	[tilespmem:s23+$0xFFFFFE00] =	vst v21  }
0x160: {  	v45 =	vld [tilespmem:s23+$0xFFFFFF00];
	v20 =	vmul.f32 v39, v26;
	[tilespmem:s23+$0xFFFFFE10] =	vst v23  }
0x161: {  	v46 =	vld [tilespmem:s23+$0xFFFFFF10];
	v22 =	vmul.f32 v40, v29;
	[tilespmem:s23+$0xFFFFFE20] =	vst v28  }
0x162: {  	v49 =	vld [tilespmem:s23+$0xFFFFFF20];
	v47 =	vmul.f32 v10, v18;
	v24 =	vmul.f32 v41, v29;
	[tilespmem:s23+$0xFFFFFE30] =	vst v20;
	v48, _, _ =	vpop (xrf2)  }
0x163: {  	v50 =	vld [tilespmem:s23+$0xFFFFFF30];
	v27 =	vmul.f32 v43, v29;
	[tilespmem:s23+$0xFFFFFE80] =	vst v22;
	v26 =	vbroadcast v48, $0xF  }
0x164: {  	v51 =	vld [tilespmem:s23+$0xFFFFFF80];
	[tilespmem:s23+$0xFFFFFE90] =	vst v24;
	(xrf2) =	vadd.scan.msk.f32 $0xffff, v47;
	v19 =	vmul.f32 v19, v29  }
0x165: {  	v52 =	vld [tilespmem:s23+$0xFFFFFF90];
	[tilespmem:s23+$0xFFFFFEA0] =	vst v27;
	v21 =	vmul.f32 v45, v26  }
0x166: {  	v53 =	vmul.f32 v11, v18;
	v54 =	vld [tilespmem:s23+$0xFFFFFFA0];
	v55, _, _ =	vpop (xrf2);
	v23 =	vmul.f32 v46, v26;
	[tilespmem:s23+$0xFFFFFEB0] =	vst v19  }
0x167: {  	v56 =	vld [tilespmem:s23+$0x0];
	v29 =	vbroadcast v55, $0xF;
	v28 =	vmul.f32 v49, v26;
	[tilespmem:s23+$0xFFFFFF00] =	vst v21  }
0x168: {  	(xrf2) =	vadd.scan.msk.f32 $0xffff, v53;
	v19 =	vld [tilespmem:s23+$0xFFFFFFB0];
	v20 =	vmul.f32 v50, v26;
	[tilespmem:s23+$0xFFFFFF10] =	vst v23  }
0x169: {  	v57 =	vld [tilespmem:s23+$0x10];
	v58 =	vmul.f32 v12, v18;
	v59, _, _ =	vpop (xrf2);
	v22 =	vmul.f32 v51, v29;
	[tilespmem:s23+$0xFFFFFF20] =	vst v28  }
0x16a: {  	v60 =	vld [tilespmem:s23+$0x20];
	v24 =	vmul.f32 v52, v29;
	[tilespmem:s23+$0xFFFFFF30] =	vst v20;
	v26 =	vbroadcast v59, $0xF  }
0x16b: {  	v61 =	vld [tilespmem:s23+$0x30];
	v27 =	vmul.f32 v54, v29;
	[tilespmem:s23+$0xFFFFFF80] =	vst v22  }
0x16c: {  	v62 =	vld [tilespmem:s23+$0x80];
	(xrf2) =	vadd.scan.msk.f32 $0xffff, v58;
	[tilespmem:s23+$0xFFFFFF90] =	vst v24;
	v21 =	vmul.f32 v56, v26  }
0x16d: {  	v63 =	vld [tilespmem:s23+$0x90];
	[tilespmem:s23+$0xFFFFFFA0] =	vst v27;
	v19 =	vmul.f32 v19, v29  }
0x16e: {  	v33 =	vld [tilespmem:s23+$0xA0];
	v32 =	vmul.f32 v13, v18;
	v23 =	vmul.f32 v57, v26;
	[tilespmem:s23+$0x0] =	vst v21;
	v34, _, _ =	vpop (xrf2)  }
0x16f: {  	v28 =	vmul.f32 v60, v26;
	[tilespmem:s23+$0xFFFFFFB0] =	vst v19;
	v19 =	vld [tilespmem:s23+$0xB0];
	v29 =	vbroadcast v34, $0xF  }
0x170: {  	v35 =	vld [tilespmem:s23+$0x100];
	v20 =	vmul.f32 v61, v26;
	[tilespmem:s23+$0x10] =	vst v23;
	(xrf2) =	vadd.scan.msk.f32 $0xffff, v32  }
0x171: {  	v36 =	vld [tilespmem:s23+$0x110];
	[tilespmem:s23+$0x20] =	vst v28;
	v22 =	vmul.f32 v62, v29  }
0x172: {  	v37 =	vmul.f32 v14, v18;
	v39 =	vld [tilespmem:s23+$0x120];
	[tilespmem:s23+$0x30] =	vst v20;
	v38, _, _ =	vpop (xrf2);
	v24 =	vmul.f32 v63, v29  }
0x173: {  	v40 =	vld [tilespmem:s23+$0x130];
	v27 =	vmul.f32 v33, v29;
	v26 =	vbroadcast v38, $0xF;
	[tilespmem:s23+$0x80] =	vst v22  }
0x174: {  	v41 =	vld [tilespmem:s23+$0x180];
	(xrf2) =	vadd.scan.msk.f32 $0xffff, v37;
	v19 =	vmul.f32 v19, v29;
	[tilespmem:s23+$0x90] =	vst v24  }
0x175: {  	v42 =	vld [tilespmem:s23+$0x190];
	v43 =	vmul.f32 v15, v18;
	v21 =	vmul.f32 v35, v26;
	[tilespmem:s23+$0xA0] =	vst v27  }
0x176: {  	v44 =	vld [tilespmem:s23+$0x1A0];
	v45, _, _ =	vpop (xrf2);
	v23 =	vmul.f32 v36, v26;
	[tilespmem:s23+$0xB0] =	vst v19  }
0x177: {  	(xrf2) =	vadd.scan.msk.f32 $0xffff, v43;
	v29 =	vbroadcast v45, $0xF;
	v28 =	vmul.f32 v39, v26;
	v19 =	vld [tilespmem:s23+$0x1B0];
	[tilespmem:s23+$0x100] =	vst v21  }
0x178: {  	v46 =	vld [tilespmem:s23+$0x200];
	v20 =	vmul.f32 v40, v26;
	[tilespmem:s23+$0x110] =	vst v23  }
0x179: {  	v47 =	vld [tilespmem:s23+$0x210];
	v22 =	vmul.f32 v41, v29;
	[tilespmem:s23+$0x120] =	vst v28  }
0x17a: {  	v18 =	vmul.f32 v16, v18;
	v49 =	vld [tilespmem:s23+$0x220];
	v24 =	vmul.f32 v42, v29;
	[tilespmem:s23+$0x130] =	vst v20;
	v48, _, _ =	vpop (xrf2)  }
0x17b: {  	v50 =	vld [tilespmem:s23+$0x230];
	v27 =	vmul.f32 v44, v29;
	[tilespmem:s23+$0x180] =	vst v22;
	v25 =	vbroadcast v48, $0xF  }
0x17c: {  	v51 =	vld [tilespmem:s23+$0x290];
	[tilespmem:s23+$0x190] =	vst v24;
	(xrf2) =	vadd.scan.msk.f32 $0xffff, v18;
	v18 =	vmul.f32 v19, v29  }
0x17d: {  	v52 =	vld [tilespmem:s23+$0x2A0];
	[tilespmem:s23+$0x1A0] =	vst v27;
	v21 =	vmul.f32 v46, v25  }
0x17e: {  	v19 =	vld [tilespmem:s23+$0x280];
	v53, _, _ =	vpop (xrf2);
	v23 =	vmul.f32 v47, v25;
	[tilespmem:s23+$0x1B0] =	vst v18  }
0x17f: {  	v54 =	vld [tilespmem:s23+$0x300];
	v27 =	vbroadcast v53, $0xF;
	v26 =	vmul.f32 v49, v25;
	[tilespmem:s23+$0x200] =	vst v21  }
0x180: {  	v20 =	vmul.f32 v50, v25;
	v18 =	vld [tilespmem:s23+$0x2B0];
	[tilespmem:s23+$0x210] =	vst v23  }
0x181: {  	v55 =	vld [tilespmem:s23+$0x310];
	v56, _, _ =	vpop (xrf2);
	[tilespmem:s23+$0x220] =	vst v26;
	v22 =	vmul.f32 v51, v27  }
0x182: {  	v57 =	vld [tilespmem:s23+$0x320];
	[tilespmem:s23+$0x230] =	vst v20;
	v24 =	vmul.f32 v52, v27;
	v25 =	vbroadcast v56, $0xF  }
0x183: {  	v58 =	vld [tilespmem:s23+$0x330];
	v19 =	vmul.f32 v19, v27;
	[tilespmem:s23+$0x290] =	vst v22  }
0x184: {  	v59 =	vld [tilespmem:s23+$0x390];
	v21 =	vmul.f32 v54, v25;
	[tilespmem:s23+$0x2A0] =	vst v24  }
0x185: {  	v60 =	vld [tilespmem:s23+$0x3A0];
	[tilespmem:s23+$0x280] =	vst v19;
	v18 =	vmul.f32 v18, v27  }
0x186: {  	v23 =	vmul.f32 v55, v25;
	[tilespmem:s23+$0x300] =	vst v21;
	v61, _, _ =	vpop (xrf2)  }
0x187: {  	v26 =	vmul.f32 v57, v25;
	v19 =	vld [tilespmem:s23+$0x380];
	[tilespmem:s23+$0x2B0] =	vst v18;
	v18 =	vbroadcast v61, $0xF  }
0x188: {  	v20 =	vmul.f32 v58, v25;
	[tilespmem:s23+$0x310] =	vst v23  }
0x189: {  	[tilespmem:s23+$0x320] =	vst v26;
	v62 =	vmul.f32 v59, v18  }
0x18a: {  	[tilespmem:s23+$0x330] =	vst v20;
	v63 =	vmul.f32 v60, v18  }
0x18b: {  	v17 =	vmul.f32 v17, v18;
	[tilespmem:s23+$0x390] =	vst v62  }
0x18c: {  	s19 =	sadd.s32 $0x1, s19;
	v19 =	vmul.f32 v19, v18;
	[tilespmem:s23+$0x3A0] =	vst v63  }
0x18d: {  	p0 =	sne.s32 s19, $0x10;
	[tilespmem:s23+$0x3B0] =	vst v17  }
.Ltmp3:
0x18e: {  	s22 =	sadd.s32 $0x1000, s22;
	[tilespmem:s23+$0x380] =	vst v19;
	(pc) =	sbr.rel @p0 .LBB2_4-.Ltmp3, $4  }
0x18f: {  	[spmem:s2] =	stream.indirect.scatter.add.f32 [tilespmem:s17], [sflag:$0x3], $0x80, s22, s14, $0xb8;
	[tilespmem:$0xF000] =	vst v63  }
0x190: {  	_ =	swait.ge [sflag:s12], $0x4000  }
0x191: {  	[sflag:s12] =	ssyncset.done $0x0  }
0x192: {  	s20 =	sadd.s32 $0x100, s20;
	s21 =	sadd.s32 $0x100, s21;
	[sflag:s12] =	ssyncadd.s32 $0xFFFFC000  }
0x193: {  	s3 =	sadd.s32 $0x1, s3  }
0x194: {  	s19 =	sshll.u32 s1, $0x6;
	[bflag:$0x0] =	sbarrier.arrive $0xFFFF;
	p0 =	sne.s32 s3, s10  }
.Ltmp4:
0x195: {  	s20 =	sshrl.u32 s5, $0x3;
	s19 =	sor.u32 $0x1C03, s19;
	(pc) =	sbr.rel @p0 .LBB2_1-.Ltmp4, $4  }
0x196: {  	[hbm:s9], [sflag:s19] =	dma.local [spmem:s20], $0x800  }
0x197: {  	_ =	swait.ge [sflag:s12], $0x800  }
0x198: {  	[sflag:s12] =	ssyncset.done $0x0  }
0x199: {  	[sflag:s12] =	ssyncadd.s32 $0xFFFFF800  }
0x19a: {  	_ =	sfence.sel $0x180000  }
0x19b: {  	[bflag:$0x0] =	sbarrier.arrive $0xFFFF  }
0x19c: {  	p0 =	sne.s32 s1, $0x0;
	_ =	strace $0x9000004A  }
0x19d: {  	s0 =	sadd.s32 @!p0 $0x100000, s0;
	[bflag:$0x2] =	sbarrier.arrive $0xFFFF  }
0x19e: {  	[sflag:s0] =	ssyncadd.tile.s32 @!p0 $0x1;
	_ =	shalt  }
.Lfunc_end2:
_tile_overlayer_lowered:
.L_overlay_start_2:
0x19f: {  	(tag) =	ssettag $0x2  }
0x1a0: {  	s0 =	rddreg [dreg:$0x0];
	s2 =	stileid.u32  }
0x1a1: {  	s1 =	rddreg [dreg:$0x1];
	p0 =	sne.s32 s2, $0x0  }
0x1a2: {  	s3 =	rddreg [dreg:$0x2];
	[bflag:$0x3] =	sbarrier.arrive $0xFFFF;
	s2 =	simm.s32 @!p0 $0x1C03  }
0x1a3: {  	[timem:s3], [sflag:s2] =	dma.local @!p0 [hbm:s0], s1  }
0x1a4: {  	s0 =	simm.s32 @!p0 $0x3  }
0x1a5: {  	_ =	swait.ge @!p0 [sflag:s0], s1  }
0x1a6: {  	s1 =	ssub.s32 @!p0 $0x0, s1;
	[sflag:s0] =	ssyncset.done @!p0 $0x0  }
0x1a7: {  	[sflag:s0] =	ssyncadd.s32 @!p0 s1  }
0x1a8: {  	[bflag:$0x3] =	sbarrier.arrive $0xFFFF  }
0x1a9: {  	_ =	shalt  }

// kernel: kernel.14.cloned.1.call-start
scs
__scs_entry_jumppad:
0x0: {  	(pc) =	sbr.rel $0x88, $3  }
0x1: {  	(tag) =	ssettag $0x0;
	lr =	simm.s32 $0x1  }
0x2: {  	[smem:$0x3F84] =	sst lr;
	_ =	strace $0xD0000000  }
0x3: {  	_ = 	snop  }
0x4: {  	_ = 	snop  }
0x5: {  	_ = 	snop  }
0x6: {  	_ = 	snop  }
0x7: {  	_ = 	snop  }
__scs_overlays_trampoline_lowered:
0x8: {  	[smem:$0x3F93] =	sst s0  }
0x9: {  	[smem:$0x3F94] =	sst s1  }
0xa: {  	[smem:$0x3F95] =	sst s2  }
0xb: {  	[smem:$0x3F96] =	sst s3  }
0xc: {  	[smem:$0x3F97] =	sst s4  }
0xd: {  	[smem:$0x3F98] =	sst s5  }
0xe: {  	[smem:$0x3F99] =	sst s6  }
0xf: {  	[smem:$0x3F9A] =	sst s7  }
0x10: {  	[smem:$0x3F9B] =	sst s8  }
0x11: {  	[smem:$0x3F9C] =	sst s9;
	s0 =	simm.s32 @!p0 $0x0  }
0x12: {  	s1 =	sld [smem:$0x3F82];
	s0 =	simm.s32 @p0 $0x1  }
0x13: {  	[smem:$0x3F9D] =	sst s0;
	s0 =	simm.s32 @!p1 $0x0  }
0x14: {  	s2 =	sld [smem:$0x3F81];
	s0 =	simm.s32 @p1 $0x1  }
0x15: {  	[smem:$0x3F9E] =	sst s0;
	s0 =	simm.s32 @!p2 $0x0  }
0x16: {  	s3 =	sld [smem:$0x3FDB];
	s0 =	simm.s32 @p2 $0x1  }
0x17: {  	s4 =	simm.s32 $0x1BF5;
	[smem:$0x3FA0] =	sst s0  }
0x18: {  	s0 =	sld [smem:$0x3F83];
	_ =	swait.ge [sflag:s4], $0x0  }
0x19: {  	s7 =	sld [smem:$0x3F84]  }
0x1a: {  	s8 =	sadd.s32 $0xFFFFE003, lr  }
0x1b: {  	s9 =	sadd.s32 $0xFFFFFEF7, lr;
	s5 =	simm.s32 $0xFFFFFFFF;
	p2 =	slt.u32 s8, $0xFFFFF086  }
0x1c: {  	p1 =	slt.u32 s9, $0xF7A;
	s5 =	simm.s32 @!p2 $0x0  }
0x1d: {  	s5 =	simm.s32 @p1 $0x1;
	p0 =	seq.s32 s7, s2  }
0x1e: {  	s7 =	smul.u32 @!p0 $0xF7A, s2;
	p2 =	seq.s32 @!p0 s5, $0x0  }
0x1f: {  	s9 =	smul.u32 $0xF7A, s1;
	s8 =	simm.s32 @!p0 $0x1BF5;
	p2 =	por !p2, p0  }
0x20: {  	[sflag:s8] =	ssyncset.s32 @!p0 $0xFFFFF086;
	s6 =	sadd.s32 @!p0 s3, s7;
	s7 =	simm.s32 @!p0 $0x108  }
0x21: {  	s3 =	sadd.s32 s3, s9;
	s6 =	sadd.s32 @!p0 $0x88, s6;
	s7 =	simm.s32 @p2 $0x1082  }
0x22: {  	[simem:s7], [sflag:s8] =	dma.local @!p0 [hbm:s6], $0xF7A  }
0x23: {  	s9 =	sor.u32 $0xD0000000, s2;
	s6 =	simm.s32 $0x108;
	_ =	swait.ge @!p0 [sflag:s8], $0x0  }
0x24: {  	s3 =	sadd.s32 $0x88, s3;
	s6 =	simm.s32 @!p1 $0x1082;
	[sflag:s4] =	ssyncset.s32 $0xFFFFF086  }
0x25: {  	[simem:s6], [sflag:s4] =	dma.local [hbm:s3], $0xF7A  }
0x26: {  	[smem:$0x3F84] =	sst s1;
	(tag) =	ssettag s2;
	_ =	strace s9  }
0x27: {  	s1 =	sld [smem:$0x3F94]  }
0x28: {  	s2 =	sld [smem:$0x3F95]  }
0x29: {  	s4 =	sld [smem:$0x3F97]  }
0x2a: {  	p0 =	seq.s32 s5, $0x0;
	s5 =	sld [smem:$0x3F98]  }
0x2b: {  	s6 =	sld [smem:$0x3F99]  }
0x2c: {  	s7 =	sld [smem:$0x3F9A]  }
0x2d: {  	s3 =	simm.s32 $0x108;
	s8 =	sld [smem:$0x3F9B]  }
0x2e: {  	s3 =	simm.s32 @!p0 $0x1082;
	s9 =	sld [smem:$0x3F9C]  }
0x2f: {  	lr =	sadd.s32 s0, s3;
	s0 =	sld [smem:$0x3F93]  }
0x30: {  	s3 =	sld [smem:$0x3F96]  }
0x31: {  	[smem:$0x3F9F] =	sst s10  }
0x32: {  	s10 =	sld [smem:$0x3F9D];
	_ =	sdelay $0x3  }
0x33: {  	p0 =	seq.s32 s10, $0x1;
	s10 =	sld [smem:$0x3F9F];
	_ =	sdelay $0x3  }
0x34: {  	[smem:$0x3F9F] =	sst s10  }
0x35: {  	s10 =	sld [smem:$0x3F9E];
	_ =	sdelay $0x3  }
0x36: {  	p1 =	seq.s32 s10, $0x1;
	s10 =	sld [smem:$0x3F9F];
	_ =	sdelay $0x3  }
0x37: {  	[smem:$0x3F9F] =	sst s10  }
0x38: {  	s10 =	sld [smem:$0x3FA0]  }
0x39: {  	_ = 	snop;
	(pc) =	sbr.ind lr, $3  }
0x3a: {  	_ = 	snop  }
0x3b: {  	_ = 	snop  }
0x3c: {  	p2 =	seq.s32 s10, $0x1;
	s10 =	sld [smem:$0x3F9F]  }
0x3d: {  	_ =	shalt  }
0x3e: {  	_ =	shalt  }
0x3f: {  	_ =	shalt  }
0x40: {  	_ =	shalt  }
0x41: {  	_ =	shalt  }
0x42: {  	_ =	shalt  }
0x43: {  	_ =	shalt  }
0x44: {  	_ =	shalt  }
0x45: {  	_ =	shalt  }
0x46: {  	_ =	shalt  }
0x47: {  	_ =	shalt  }
0x48: {  	_ =	shalt  }
0x49: {  	_ =	shalt  }
0x4a: {  	_ =	shalt  }
0x4b: {  	_ =	shalt  }
0x4c: {  	_ =	shalt  }
0x4d: {  	_ =	shalt  }
0x4e: {  	_ =	shalt  }
0x4f: {  	_ =	shalt  }
0x50: {  	_ =	shalt  }
0x51: {  	_ =	shalt  }
0x52: {  	_ =	shalt  }
0x53: {  	_ =	shalt  }
0x54: {  	_ =	shalt  }
0x55: {  	_ =	shalt  }
0x56: {  	_ =	shalt  }
0x57: {  	_ =	shalt  }
0x58: {  	_ =	shalt  }
0x59: {  	_ =	shalt  }
0x5a: {  	_ =	shalt  }
0x5b: {  	_ =	shalt  }
0x5c: {  	_ =	shalt  }
0x5d: {  	_ =	shalt  }
0x5e: {  	_ =	shalt  }
0x5f: {  	_ =	shalt  }
0x60: {  	_ =	shalt  }
0x61: {  	_ =	shalt  }
0x62: {  	_ =	shalt  }
0x63: {  	_ =	shalt  }
0x64: {  	_ =	shalt  }
0x65: {  	_ =	shalt  }
0x66: {  	_ =	shalt  }
0x67: {  	_ =	shalt  }
0x68: {  	_ =	shalt  }
0x69: {  	_ =	shalt  }
0x6a: {  	_ =	shalt  }
0x6b: {  	_ =	shalt  }
0x6c: {  	_ =	shalt  }
0x6d: {  	_ =	shalt  }
0x6e: {  	_ =	shalt  }
0x6f: {  	_ =	shalt  }
0x70: {  	_ =	shalt  }
0x71: {  	_ =	shalt  }
0x72: {  	_ =	shalt  }
0x73: {  	_ =	shalt  }
0x74: {  	_ =	shalt  }
0x75: {  	_ =	shalt  }
0x76: {  	_ =	shalt  }
0x77: {  	_ =	shalt  }
0x78: {  	_ =	shalt  }
0x79: {  	_ =	shalt  }
0x7a: {  	_ =	shalt  }
0x7b: {  	_ =	shalt  }
0x7c: {  	_ =	shalt  }
0x7d: {  	_ =	shalt  }
0x7e: {  	_ =	shalt  }
0x7f: {  	_ =	shalt  }
0x80: {  	_ =	shalt  }
0x81: {  	_ =	shalt  }
0x82: {  	_ =	shalt  }
0x83: {  	_ =	shalt  }
0x84: {  	_ =	shalt  }
0x85: {  	_ =	shalt  }
0x86: {  	_ =	shalt  }
0x87: {  	_ =	shalt  }
.Lfunc_end0:
.L_simem_size_0:
called_computation.2_lowered:
.L_overlay_start_0:
0x88: {  	s2 =	sld [smem:$0x3FD9]  }
0x89: {  	s3 =	sld [smem:$0x3FFE];
	_ =	sdelay $0x1  }
0x8a: {  	s1 =	srdreg.scid  }
0x8b: {  	s0 =	sand.u32 $0x1, s1  }
0x8c: {  	s16 =	sshll.u32 s0, $0xA;
	s2 =	sadd.s32 s3, s2  }
0x8d: {  	s2 =	sadd.s32 s2, s16  }
0x8e: {  	[smem:$0x3FAB] =	sst s2  }
0x8f: {  	_ = 	snop  }
0x90: {  	(tm) =	ssettm $0x1  }
0x91: {  	s17 =	sld [smem:$0x3FFB];
	_ =	sdelay $0x3  }
0x92: {  	_ =	strace s17  }
0x93: {  	s2 =	sld [smem:$0x3FFC];
	_ =	sdelay $0x3  }
0x94: {  	_ =	strace s2  }
0x95: {  	s2 =	sld [smem:$0x3FFD];
	_ =	sdelay $0x3  }
0x96: {  	_ =	strace s2  }
0x97: {  	_ =	strace $0x8FFFFFFF  }
0x98: {  	s18 =	sld [smem:$0x3FDB];
	_ =	sdelay $0x1  }
0x99: {  	s19 =	simm.s32 $_scs_section_size  }
0x9a: {  	s4 =	simm.s32 $_size__tile_overlayer_lowered;
	s5 =	simm.s32 $_tile_overlayer_lowered  }
0x9b: {  	s22 =	simm.s32 $0x1BFF;
	s21 =	sshll.u32 s5, $0x1;
	s2 =	sadd.s32 s19, s18  }
0x9c: {  	s6 =	simm.s32 $0x0;
	s20 =	sshll.u32 s4, $0x1;
	s4 =	sadd.s32 s21, s2  }
0x9d: {  	[timem:s6], [sflag:s22] =	dma.local [hbm:s4], s20  }
0x9e: {  	_ =	swait.ge [sflag:s22], s20  }
0x9f: {  	s3 =	ssub.s32 $0x0, s20;
	[sflag:s22] =	ssyncset.done $0x0  }
0xa0: {  	[sflag:s22] =	ssyncadd.s32 s3;
	_ =	sdelay $0x1  }
0xa1: {  	s23 =	simm.s32 $0x1B8B  }
0xa2: {  	_ =	swait.ge [sflag:s23], $0x1  }
0xa3: {  	[sflag:s23] =	ssyncset.done $0x0  }
0xa4: {  	s25 =	simm.s32 $0x1B8E;
	s24 =	sld [smem:$0x3FFE];
	[sflag:s23] =	ssyncadd.s32 $0xFFFFFFFF  }
0xa5: {  	s26 =	simm.s32 $execute0_lowered;
	[smem:$0x3FD2] =	sst s25  }
0xa6: {  	s4 =	sshll.u32 s26, $0x1;
	_ =	strace $0x8000004C;
	[dreg:$0x1] =	wrdreg $0xFFFFFFFF  }
0xa7: {  	s28 =	simm.s32 $_size_execute0_lowered;
	s2 =	sadd.s32 s2, s4;
	[dreg:$0x0] =	wrdreg $0x0  }
0xa8: {  	s4 =	sshll.u32 s28, $0x1;
	[dreg:$0x2] =	wrdreg s2  }
0xa9: {  	[dreg:$0x3] =	wrdreg s4  }
0xaa: {  	[dreg:$0x4] =	wrdreg $0xC0  }
0xab: {  	_ =	task [dreg:s6], $0x5FFFF  }
0xac: {  	[dreg:$0x1] =	wrdreg $0xFFFFFFFF  }
0xad: {  	[dreg:$0x0] =	wrdreg $0x60  }
0xae: {  	[dreg:$0x2] =	wrdreg s24  }
0xaf: {  	[dreg:$0x3] =	wrdreg $0xB0000  }
0xb0: {  	[dreg:$0x4] =	wrdreg $0x9  }
0xb1: {  	_ =	task.clear_ibuf [dreg:s6], $0x5FFFF;
	_ =	strace $0x9000004C  }
0xb2: {  	s29 =	simm.s32 $0x9;
	_ =	strace $0x8000004E  }
0xb3: {  	_ =	swait.ge [sflag:s29], $0x1  }
0xb4: {  	[sflag:s29] =	ssyncadd.s32 $0xFFFFFFFF  }
0xb5: {  	_ =	strace $0x9000004E  }
0xb6: {  	_ =	sfence  }
0xb7: {  	s30 =	sld [smem:$0x0];
	_ =	sdelay $0x2  }
0xb8: {  	s31 =	sshll.u32 s1, $0xD;
	s1 =	sshrl.u32 s1, $0x2  }
0xb9: {  	s3 =	sand.u32 $0x4000, s31;
	s1 =	sadd.s32 s1, s30  }
0xba: {  	s0 =	sor.u32 s3, s0;
	s1 =	sshll.u32 s1, $0x11  }
0xbb: {  	s0 =	sor.u32 s1, s0  }
0xbc: {  	s0 =	sadd.s32 $0x8F2B, s0  }
0xbd: {  	[sflag:s0] =	ssyncadd.remote.s32 $0x1  }
0xbe: {  	_ =	sfence.sel $0xFFFF  }
0xbf: {  	[dreg:$0x0] =	wrdreg $0xFFFFFFFF;
	(pc) =	sbr.abs _section_cstart, $3  }
0xc0: {  	[dreg:$0x1] =	wrdreg $0xFFFFFFFF  }
0xc1: {  	_ =	task.clear_ibuf [dreg:s6], $0x2FFFF;
	_ =	strace $0x9FFFFFFF  }
0xc2: {  	(tm) =	ssettm $0x7FFFFFFF  }
0xc3: {  	_ =	shalt  }
tec
execute0_lowered:
.L_overlay_start_1:
0x0: {  	(tag) =	ssettag $0x1  }
0x1: {  	s5 =	rddreg [dreg:$0x0]  }
0x2: {  	s2 =	rddreg [dreg:$0x1]  }
0x3: {  	s0 =	rddreg [dreg:$0x2]  }
0x4: {  	s4 =	srdreg.scid;
	s1 =	stileid.u32;
	s3 =	simm.s32 $0x0  }
0x5: {  	v0 =	vimm.f32 $0.0e+00;
	s13 =	simm.s32 $0x1000;
	s14 =	simm.s32 $0x80;
	s15 =	simm.s32 $0x400  }
0x6: {  	vm0 =	vcmask $0x300;
	vm15 =	vcmask $0x704;
	vm4 =	vcmask $0xB08;
	s16 =	simm.s32 $0x1;
	s17 =	simm.s32 $0x7000;
	s18 =	simm.s32 $0x2  }
0x7: {  	vm1 =	vcmask $0xF0C;
	vm5 =	vcmask $0x1310;
	vm6 =	vcmask $0x1714;
	s6 =	sand.u32 $0x1, s4;
	s29 =	sshll.u32 s1, $0x1;
	[smem:$0x7FF] =	sst s3  }
0x8: {  	vm7 =	vcmask $0x1B18;
	vm8 =	vcmask $0x1F1C;
	vm9 =	vcmask $0x2320;
	s4 =	sadd.s32 $0x13200, s5;
	s9 =	sshll.u32 s1, $0xA;
	s10 =	sshll.u32 s1, $0xB  }
0x9: {  	vm10 =	vcmask $0x2724;
	vm11 =	vcmask $0x2B28;
	vm12 =	vcmask $0x2F2C;
	s31 =	sshll.u32 s1, $0xE;
	s7 =	sor.u32 s6, s29;
	_ =	strace $0x8000004D  }
0xa: {  	vm13 =	vcmask $0x3330;
	vm14 =	vcmask $0x3734;
	v16 =	vimm.f32 $1.000000000e+00;
	s9 =	sand.u32 $0x3000, s9;
	s11 =	ssub.s32 $0x2, s6;
	s10 =	sadd.s32 s10, s5  }
0xb: {  	vm2 =	vcmask $0x3B00;
	v1 =	vsel vm0, $0x3F800000, v0;
	v2 =	vsel vm15, $0x3F800000, v0;
	s12 =	sshll.u32 s6, $0xF;
	s8 =	sshll.u32 s7, $0x9;
	s9 =	sadd.s32 s9, s5  }
0xc: {  	v3 =	vsel vm4, $0x3F800000, v0;
	v4 =	vsel vm1, $0x3F800000, v0;
	v5 =	vsel vm5, $0x3F800000, v0;
	s30 =	sshrl.u32 s11, $0x1;
	s7 =	sshll.u32 s7, $0x4;
	s10 =	sadd.s32 s12, s10  }
0xd: {  	v6 =	vsel vm6, $0x3F800000, v0;
	v7 =	vsel vm7, $0x3F800000, v0;
	v8 =	vsel vm8, $0x3F800000, v0;
	s12 =	simm.s32 $0x3;
	s8 =	sadd.s32 s8, s5;
	s7 =	sand.u32 $0x70, s7  }
0xe: {  	v9 =	vsel vm9, $0x3F800000, v0;
	v10 =	vsel vm10, $0x3F800000, v0;
	v11 =	vsel vm11, $0x3F800000, v0;
	s11 =	ssub.s32 s11, s30;
	s5 =	sadd.s32 s31, s2;
	s9 =	sadd.s32 s7, s9  }
0xf: {  	v12 =	vsel vm12, $0x3F800000, v0;
	v13 =	vsel vm13, $0x3F800000, v0;
	vm15 =	vcmask $0x3B38;
	s6 =	sadd.s32 $0x7200, s8;
	s7 =	sadd.s32 $0xB200, s8;
	s8 =	sadd.s32 $0xF200, s9  }
0x10: {  	v14 =	vsel vm14, $0x3F800000, v0;
	v16 =	vsel vm2, $0x0, v16;
	v15 =	vsel vm15, $0x3F800000, v0;
	s9 =	sadd.s32 $0x23200, s10;
	s10 =	smax.u32 s11, $0x1;
	s11 =	simm.s32 $0x3000  }
.LBB2_1:
0x11: {  	s19 =	simm.s32 $0x0;
	s20 =	simm.s32 $0x200  }
.LBB2_2:
0x12: {  	p0 =	sne.s32 s20, $0xFE00;
	[tilespmem:s19+$0x3070] =	vst v0  }
0x13: {  	[tilespmem:s19+$0x3000] =	vst v0  }
0x14: {  	[tilespmem:s19+$0x3010] =	vst v0  }
.Ltmp0:
0x15: {  	[tilespmem:s19+$0x3020] =	vst v0;
	(pc) =	sbr.rel @p0 .LBB2_2-.Ltmp0, $4  }
0x16: {  	[tilespmem:s19+$0x3030] =	vst v0  }
0x17: {  	[tilespmem:s19+$0x3040] =	vst v0  }
0x18: {  	[tilespmem:s19+$0x3050] =	vst v0  }
0x19: {  	[tilespmem:s19+$0x3060] =	vst v0;
	s19 =	sshra.s32 s20, $0x2;
	s20 =	sadd.s32 $0x200, s20  }
0x1a: {  	[tilespmem:s19+$0x3070] =	vst v0  }
0x1b: {  	[tilespmem:s19+$0x3000] =	vst v0  }
0x1c: {  	[tilespmem:s19+$0x3010] =	vst v0  }
0x1d: {  	[tilespmem:s19+$0x3020] =	vst v0  }
0x1e: {  	[tilespmem:s19+$0x3030] =	vst v0  }
0x1f: {  	[tilespmem:s19+$0x3040] =	vst v0  }
0x20: {  	[tilespmem:s19+$0x3050] =	vst v0  }
0x21: {  	[tilespmem:s19+$0x3060] =	vst v0  }
0x22: {  	[spmem:s5] =	stream.linear.scatter [tilespmem:s11], [sflag:$0x3], $0x4000, $0x38;
	[tilespmem:$0xF000] =	vst v63  }
0x23: {  	_ =	swait.ge [sflag:s12], $0x4000  }
0x24: {  	[sflag:s12] =	ssyncset.done $0x0  }
0x25: {  	[sflag:s12] =	ssyncadd.s32 $0xFFFFC000  }
0x26: {  	s19 =	simm.s32 $0x0;
	[bflag:$0x0] =	sbarrier.arrive $0xFFFF  }
0x27: {  	[tilespmem:s19], [sflag:$0x3] =	stream.linear.gather [hbm4b:s6+s19], $0x1000, $0x38;
	[tilespmem:$0xF000] =	vst v63  }
0x28: {  	_ =	swait.ge [sflag:s12], $0x1000  }
0x29: {  	[sflag:s12] =	ssyncset.done $0x0  }
0x2a: {  	[sflag:s12] =	ssyncadd.s32 $0xFFFFF000  }
0x2b: {  	[tilespmem:s13], [sflag:$0x3] =	stream.linear.gather [hbm4b:s7+s19], $0x1000, $0x38;
	[tilespmem:$0xF000] =	vst v63  }
0x2c: {  	_ =	swait.ge [sflag:s12], $0x1000  }
0x2d: {  	[sflag:s12] =	ssyncset.done $0x0  }
0x2e: {  	s20 =	simm.s32 $0x2000;
	[sflag:s12] =	ssyncadd.s32 $0xFFFFF000  }
0x2f: {  	[tilespmem:s20], [sflag:$0x3] =	stream.strided.gather [hbm4b:s8+s14], $0x1000, s15, s14, $0x38;
	[tilespmem:$0xF000] =	vst v63  }
0x30: {  	_ =	swait.ge [sflag:s12], $0x1000  }
0x31: {  	[sflag:s12] =	ssyncset.done $0x0  }
0x32: {  	s21 =	simm.s32 $0x2080;
	[sflag:s12] =	ssyncadd.s32 $0xFFFFF000  }
0x33: {  	[tilespmem:s11], [sflag:$0x1] =	stream.indirect.gather [hbm4b:s4+s14], $0x80, s19, s14, $0xb8;
	[tilespmem:$0xF000] =	vst v63  }
.LBB2_4:
0x34: {  	_ =	swait.ge [sflag:s16], $0x4000;
	v18 =	vmov s20  }
0x35: {  	s22 =	sshll.u32 s19, $0x8;
	[sflag:s16] =	ssyncset.done $0x0  }
0x36: {  	s24 =	simm.s32 $0x3400;
	s22 =	sor.u32 $0x80, s22;
	[sflag:s16] =	ssyncadd.s32 $0xFFFFC000  }
0x37: {  	[tilespmem:s17], [sflag:$0x2] =	stream.indirect.gather [hbm4b:s4+s14], $0x80, s22, s14, $0xb8;
	[tilespmem:$0xF000] =	vst v63  }
0x38: {  	s23 =	sshll.u32 s19, $0xA;
	s26 =	simm.s32 $0x0;
	s25 =	simm.s32 $0x40;
	v17 =	vld [tilespmem:s24+$0x3B0]  }
.LBB2_5:
0x39: {  	p0 =	sne.s32 s25, $0x1C0;
	v26 =	vld.idx.msk [tilespmem:v18+s26+$0x0 ss:$0x1], $0xffff  }
0x3a: {  	v19 =	vld [tilespmem:s24+$0x390]  }
0x3b: {  	v20 =	vld [tilespmem:s24+$0x2B0]  }
0x3c: {  	v21 =	vld [tilespmem:s24+$0x290]  }
0x3d: {  	v22 =	vld [tilespmem:s24+$0x1B0]  }
0x3e: {  	v23 =	vld [tilespmem:s24+$0x190]  }
0x3f: {  	v27 =	vmul.f32 v1, v26;
	v29 =	vmul.f32 v2, v26;
	v24 =	vld [tilespmem:s24+$0xB0]  }
0x40: {  	v33 =	vmul.f32 v3, v26;
	v34 =	vmul.f32 v4, v26;
	v25 =	vld [tilespmem:s24+$0x90]  }
0x41: {  	v35 =	vmul.f32 v5, v26;
	v36 =	vmul.f32 v6, v26;
	v28 =	vld [tilespmem:s24+$0xFFFFFFB0];
	(xrf2) =	vadd.scan.msk.f32 $0xffff, v27  }
0x42: {  	v37 =	vmul.f32 v7, v26;
	v38 =	vmul.f32 v8, v26;
	v30 =	vld [tilespmem:s24+$0xFFFFFF90]  }
0x43: {  	v40 =	vmul.f32 v9, v26;
	v41 =	vmul.f32 v10, v26;
	v39 =	vld [tilespmem:s24+$0xFFFFFEB0]  }
0x44: {  	v43 =	vmul.f32 v11, v26;
	v32 =	vmul.f32 v12, v26;
	v42 =	vld [tilespmem:s24+$0xFFFFFE90];
	(xrf2) =	vadd.scan.msk.f32 $0xffff, v29  }
0x45: {  	v31 =	vmul.f32 v13, v26;
	v29 =	vmul.f32 v14, v26;
	v44 =	vld [tilespmem:s24+$0xFFFFFDB0]  }
0x46: {  	v27 =	vmul.f32 v15, v26;
	v26 =	vmul.f32 v16, v26;
	v45 =	vld [tilespmem:s24+$0xFFFFFD90]  }
0x47: {  	v46 =	vld [tilespmem:s24+$0xFFFFFC30];
	(xrf2) =	vadd.scan.msk.f32 $0xffff, v33  }
0x48: {  	v33 =	vld [tilespmem:s24+$0xFFFFFC10]  }
0x49: {  	v47 =	vld [tilespmem:s24+$0xFFFFFC00]  }
0x4a: {  	v48 =	vld [tilespmem:s24+$0xFFFFFC20];
	(xrf2) =	vadd.scan.msk.f32 $0xffff, v34  }
0x4b: {  	v34 =	vld [tilespmem:s24+$0xFFFFFCB0];
	v49, _, _ =	vpop (xrf2)  }
0x4c: {  	v49 =	vbroadcast v49, $0xF;
	v50 =	vld [tilespmem:s24+$0xFFFFFC90]  }
0x4d: {  	v51 =	vld [tilespmem:s24+$0xFFFFFC80];
	(xrf2) =	vadd.scan.msk.f32 $0xffff, v35  }
0x4e: {  	v35 =	vmul.f32 v49, v47;
	v33 =	vmul.f32 v49, v33;
	v47 =	vld [tilespmem:s24+$0xFFFFFCA0];
	v52, _, _ =	vpop (xrf2)  }
0x4f: {  	v46 =	vmul.f32 v46, v49;
	v48 =	vmul.f32 v48, v49;
	v49 =	vld [tilespmem:s24+$0xFFFFFD30]  }
0x50: {  	[tilespmem:s24+$0xFFFFFC00] =	vst v35;
	v35 =	vbroadcast v52, $0xF;
	v52 =	vld [tilespmem:s24+$0xFFFFFD10];
	(xrf2) =	vadd.scan.msk.f32 $0xffff, v36  }
0x51: {  	[tilespmem:s24+$0xFFFFFC10] =	vst v33;
	v33 =	vld [tilespmem:s24+$0xFFFFFD00];
	v36, _, _ =	vpop (xrf2)  }
0x52: {  	[tilespmem:s24+$0xFFFFFC20] =	vst v48;
	v48 =	vmul.f32 v51, v35;
	v50 =	vmul.f32 v50, v35;
	v51 =	vld [tilespmem:s24+$0xFFFFFD20]  }
0x53: {  	v34 =	vmul.f32 v34, v35;
	[tilespmem:s24+$0xFFFFFC30] =	vst v46;
	v46 =	vmul.f32 v47, v35;
	v35 =	vld [tilespmem:s24+$0xFFFFFD80];
	(xrf2) =	vadd.scan.msk.f32 $0xffff, v37  }
0x54: {  	v36 =	vbroadcast v36, $0xF;
	[tilespmem:s24+$0xFFFFFC80] =	vst v48;
	v37 =	vld [tilespmem:s24+$0xFFFFFDA0];
	v47, _, _ =	vpop (xrf2)  }
0x55: {  	[tilespmem:s24+$0xFFFFFC90] =	vst v50;
	v47 =	vbroadcast v47, $0xF;
	v48 =	vld [tilespmem:s24+$0xFFFFFE30]  }
0x56: {  	[tilespmem:s24+$0xFFFFFCA0] =	vst v46;
	v33 =	vmul.f32 v33, v36;
	v46 =	vmul.f32 v52, v36;
	v50 =	vld [tilespmem:s24+$0xFFFFFE10];
	(xrf2) =	vadd.scan.msk.f32 $0xffff, v38  }
0x57: {  	[tilespmem:s24+$0xFFFFFCB0] =	vst v34;
	v34 =	vmul.f32 v51, v36;
	v36 =	vmul.f32 v49, v36;
	v38 =	vld [tilespmem:s24+$0xFFFFFE00];
	v49, _, _ =	vpop (xrf2)  }
0x58: {  	[tilespmem:s24+$0xFFFFFD00] =	vst v33;
	v33 =	vmul.f32 v35, v47;
	v35 =	vmul.f32 v45, v47;
	v45 =	vld [tilespmem:s24+$0xFFFFFE20]  }
0x59: {  	v44 =	vmul.f32 v44, v47;
	[tilespmem:s24+$0xFFFFFD10] =	vst v46;
	v37 =	vmul.f32 v37, v47;
	v46 =	vld [tilespmem:s24+$0xFFFFFE80];
	(xrf2) =	vadd.scan.msk.f32 $0xffff, v40  }
0x5a: {  	[tilespmem:s24+$0xFFFFFD20] =	vst v34;
	v34 =	vbroadcast v49, $0xF;
	v40 =	vld [tilespmem:s24+$0xFFFFFEA0];
	v47, _, _ =	vpop (xrf2)  }
0x5b: {  	[tilespmem:s24+$0xFFFFFD30] =	vst v36;
	v36 =	vbroadcast v47, $0xF;
	v47 =	vld [tilespmem:s24+$0xFFFFFF30]  }
0x5c: {  	[tilespmem:s24+$0xFFFFFD80] =	vst v33;
	v33 =	vmul.f32 v38, v34;
	v38 =	vmul.f32 v50, v34;
	v49 =	vld [tilespmem:s24+$0xFFFFFF10];
	(xrf2) =	vadd.scan.msk.f32 $0xffff, v41  }
0x5d: {  	[tilespmem:s24+$0xFFFFFD90] =	vst v35;
	v35 =	vmul.f32 v45, v34;
	v34 =	vmul.f32 v48, v34;
	v41 =	vld [tilespmem:s24+$0xFFFFFF00];
	v45, _, _ =	vpop (xrf2)  }
0x5e: {  	v42 =	vmul.f32 v42, v36;
	[tilespmem:s24+$0xFFFFFDA0] =	vst v37;
	v37 =	vmul.f32 v46, v36;
	v46 =	vld [tilespmem:s24+$0xFFFFFF20]  }
0x5f: {  	[tilespmem:s24+$0xFFFFFDB0] =	vst v44;
	v40 =	vmul.f32 v40, v36;
	v36 =	vmul.f32 v39, v36;
	v39 =	vld [tilespmem:s24+$0xFFFFFF80];
	(xrf2) =	vadd.scan.msk.f32 $0xffff, v43  }
0x60: {  	[tilespmem:s24+$0xFFFFFE00] =	vst v33;
	v33 =	vbroadcast v45, $0xF;
	v43 =	vld [tilespmem:s24+$0xFFFFFFA0];
	v44, _, _ =	vpop (xrf2)  }
0x61: {  	[tilespmem:s24+$0xFFFFFE10] =	vst v38;
	v38 =	vbroadcast v44, $0xF;
	v44 =	vld [tilespmem:s24+$0x30]  }
0x62: {  	[tilespmem:s24+$0xFFFFFE20] =	vst v35;
	v35 =	vmul.f32 v41, v33;
	v41 =	vmul.f32 v49, v33;
	v45 =	vld [tilespmem:s24+$0x10];
	(xrf2) =	vadd.scan.msk.f32 $0xffff, v32  }
0x63: {  	[tilespmem:s24+$0xFFFFFE30] =	vst v34;
	v32 =	vmul.f32 v46, v33;
	v33 =	vmul.f32 v47, v33;
	v34 =	vld [tilespmem:s24+$0x0];
	v46, _, _ =	vpop (xrf2)  }
0x64: {  	v30 =	vmul.f32 v30, v38;
	[tilespmem:s24+$0xFFFFFE80] =	vst v37;
	v37 =	vmul.f32 v39, v38;
	v39 =	vld [tilespmem:s24+$0x20]  }
0x65: {  	v28 =	vmul.f32 v28, v38;
	[tilespmem:s24+$0xFFFFFE90] =	vst v42;
	v42 =	vmul.f32 v43, v38;
	v38 =	vld [tilespmem:s24+$0x80];
	(xrf2) =	vadd.scan.msk.f32 $0xffff, v31  }
0x66: {  	v31 =	vbroadcast v46, $0xF;
	[tilespmem:s24+$0xFFFFFEA0] =	vst v40;
	v40 =	vld [tilespmem:s24+$0xA0];
	v43, _, _ =	vpop (xrf2)  }
0x67: {  	[tilespmem:s24+$0xFFFFFEB0] =	vst v36;
	v36 =	vbroadcast v43, $0xF;
	v43 =	vld [tilespmem:s24+$0x130]  }
0x68: {  	[tilespmem:s24+$0xFFFFFF00] =	vst v35;
	v34 =	vmul.f32 v34, v31;
	v35 =	vmul.f32 v45, v31;
	v45 =	vld [tilespmem:s24+$0x110];
	(xrf2) =	vadd.scan.msk.f32 $0xffff, v29  }
0x69: {  	[tilespmem:s24+$0xFFFFFF10] =	vst v41;
	v29 =	vmul.f32 v39, v31;
	v31 =	vmul.f32 v44, v31;
	v39 =	vld [tilespmem:s24+$0x100];
	v41, _, _ =	vpop (xrf2)  }
0x6a: {  	v25 =	vmul.f32 v25, v36;
	[tilespmem:s24+$0xFFFFFF20] =	vst v32;
	v32 =	vmul.f32 v38, v36;
	v38 =	vld [tilespmem:s24+$0x120]  }
0x6b: {  	v24 =	vmul.f32 v24, v36;
	[tilespmem:s24+$0xFFFFFF30] =	vst v33;
	v33 =	vmul.f32 v40, v36;
	v36 =	vld [tilespmem:s24+$0x180];
	(xrf2) =	vadd.scan.msk.f32 $0xffff, v27  }
0x6c: {  	v27 =	vbroadcast v41, $0xF;
	[tilespmem:s24+$0xFFFFFF80] =	vst v37;
	v37 =	vld [tilespmem:s24+$0x1A0];
	v40, _, _ =	vpop (xrf2)  }
0x6d: {  	[tilespmem:s24+$0xFFFFFF90] =	vst v30;
	v30 =	vbroadcast v40, $0xF;
	v40 =	vld [tilespmem:s24+$0x230]  }
0x6e: {  	v41 =	vmul.f32 v45, v27;
	[tilespmem:s24+$0xFFFFFFA0] =	vst v42;
	v39 =	vmul.f32 v39, v27;
	v42 =	vld [tilespmem:s24+$0x210];
	(xrf2) =	vadd.scan.msk.f32 $0xffff, v26  }
0x6f: {  	[tilespmem:s24+$0xFFFFFFB0] =	vst v28;
	v26 =	vmul.f32 v38, v27;
	v27 =	vmul.f32 v43, v27;
	v28 =	vld [tilespmem:s24+$0x200];
	v38, _, _ =	vpop (xrf2)  }
0x70: {  	v23 =	vmul.f32 v23, v30;
	[tilespmem:s24+$0x0] =	vst v34;
	v34 =	vmul.f32 v36, v30;
	v36 =	vld [tilespmem:s24+$0x220]  }
0x71: {  	v22 =	vmul.f32 v22, v30;
	[tilespmem:s24+$0x10] =	vst v35;
	v35 =	vmul.f32 v37, v30;
	v30 =	vld [tilespmem:s24+$0x280]  }
0x72: {  	[tilespmem:s24+$0x20] =	vst v29;
	v29 =	vbroadcast v38, $0xF;
	v37 =	vld [tilespmem:s24+$0x2A0];
	v38, _, _ =	vpop (xrf2)  }
0x73: {  	[tilespmem:s24+$0x30] =	vst v31;
	v31 =	vbroadcast v38, $0xF;
	v38 =	vld [tilespmem:s24+$0x330]  }
0x74: {  	[tilespmem:s24+$0x80] =	vst v32;
	v28 =	vmul.f32 v28, v29;
	v32 =	vmul.f32 v42, v29;
	v42 =	vld [tilespmem:s24+$0x310]  }
0x75: {  	[tilespmem:s24+$0x90] =	vst v25;
	v25 =	vmul.f32 v36, v29;
	v29 =	vmul.f32 v40, v29;
	v36 =	vld [tilespmem:s24+$0x300];
	v40, _, _ =	vpop (xrf2)  }
0x76: {  	v21 =	vmul.f32 v21, v31;
	[tilespmem:s24+$0xA0] =	vst v33;
	v30 =	vmul.f32 v30, v31;
	v33 =	vld [tilespmem:s24+$0x320]  }
0x77: {  	v20 =	vmul.f32 v20, v31;
	[tilespmem:s24+$0xB0] =	vst v24;
	v24 =	vmul.f32 v37, v31;
	v31 =	vld [tilespmem:s24+$0x380]  }
0x78: {  	v37 =	vbroadcast v40, $0xF;
	[tilespmem:s24+$0x100] =	vst v39;
	v39 =	vld [tilespmem:s24+$0x3A0];
	v40, _, _ =	vpop (xrf2)  }
0x79: {  	[tilespmem:s24+$0x110] =	vst v41;
	v40 =	vbroadcast v40, $0xF  }
0x7a: {  	[tilespmem:s24+$0x120] =	vst v26;
	v26 =	vmul.f32 v36, v37;
	v36 =	vmul.f32 v42, v37  }
0x7b: {  	[tilespmem:s24+$0x130] =	vst v27;
	v27 =	vmul.f32 v33, v37;
	v33 =	vmul.f32 v38, v37  }
0x7c: {  	v19 =	vmul.f32 v19, v40;
	[tilespmem:s24+$0x180] =	vst v34;
	v31 =	vmul.f32 v31, v40  }
0x7d: {  	v17 =	vmul.f32 v17, v40;
	[tilespmem:s24+$0x190] =	vst v23;
	v23 =	vmul.f32 v39, v40  }
0x7e: {  	[tilespmem:s24+$0x1A0] =	vst v35  }
0x7f: {  	[tilespmem:s24+$0x1B0] =	vst v22  }
0x80: {  	[tilespmem:s24+$0x200] =	vst v28  }
0x81: {  	[tilespmem:s24+$0x210] =	vst v32  }
0x82: {  	[tilespmem:s24+$0x220] =	vst v25  }
0x83: {  	[tilespmem:s24+$0x230] =	vst v29  }
0x84: {  	[tilespmem:s24+$0x280] =	vst v30  }
0x85: {  	[tilespmem:s24+$0x290] =	vst v21  }
0x86: {  	[tilespmem:s24+$0x2A0] =	vst v24  }
0x87: {  	[tilespmem:s24+$0x2B0] =	vst v20  }
0x88: {  	[tilespmem:s24+$0x300] =	vst v26  }
0x89: {  	[tilespmem:s24+$0x310] =	vst v36  }
0x8a: {  	[tilespmem:s24+$0x320] =	vst v27  }
0x8b: {  	[tilespmem:s24+$0x330] =	vst v33  }
.Ltmp1:
0x8c: {  	[tilespmem:s24+$0x380] =	vst v31;
	(pc) =	sbr.rel @p0 .LBB2_5-.Ltmp1, $4  }
0x8d: {  	[tilespmem:s24+$0x390] =	vst v19  }
0x8e: {  	[tilespmem:s24+$0x3A0] =	vst v23  }
0x8f: {  	[tilespmem:s24+$0x3B0] =	vst v17;
	s24 =	sadd.s32 $0x800, s24  }
0x90: {  	s26 =	sshra.s32 s25, $0x2;
	s25 =	sadd.s32 $0x40, s25;
	v17 =	vld [tilespmem:s24+$0x3B0]  }
0x91: {  	_ =	sdelay $0x3  }
0x92: {  	v18 =	vld.idx.msk [tilespmem:v18+s26+$0x0 ss:$0x1], $0xffff;
	_ =	sdelay $0x4  }
0x93: {  	v19 =	vmul.f32 v1, v18;
	_ =	sdelay $0x1  }
0x94: {  	(xrf2) =	vadd.scan.msk.f32 $0xffff, v19;
	_ =	sdelay $0x1  }
0x95: {  	v19 =	vmul.f32 v2, v18;
	_ =	sdelay $0x1  }
0x96: {  	(xrf2) =	vadd.scan.msk.f32 $0xffff, v19;
	_ =	sdelay $0x1  }
0x97: {  	v19 =	vmul.f32 v3, v18;
	_ =	sdelay $0x1  }
0x98: {  	(xrf2) =	vadd.scan.msk.f32 $0xffff, v19;
	v19 =	vld [tilespmem:s24+$0xFFFFFC00]  }
0x99: {  	v20 =	vld [tilespmem:s24+$0xFFFFFC10]  }
0x9a: {  	v22 =	vld [tilespmem:s24+$0xFFFFFC20];
	v21 =	vmul.f32 v4, v18;
	v23, _, _ =	vpop (xrf2)  }
0x9b: {  	v24 =	vld [tilespmem:s24+$0xFFFFFC30];
	v23 =	vbroadcast v23, $0xF  }
0x9c: {  	v61 =	vld [tilespmem:s24+$0xFFFFFC80];
	(xrf2) =	vadd.scan.msk.f32 $0xffff, v21  }
0x9d: {  	v25 =	vld [tilespmem:s24+$0xFFFFFC90];
	v19 =	vmul.f32 v23, v19  }
0x9e: {  	v27 =	vld [tilespmem:s24+$0xFFFFFCA0];
	v26 =	vmul.f32 v5, v18;
	v28, _, _ =	vpop (xrf2);
	v20 =	vmul.f32 v23, v20  }
0x9f: {  	v29 =	vld [tilespmem:s24+$0xFFFFFCB0];
	v22 =	vmul.f32 v22, v23;
	[tilespmem:s24+$0xFFFFFC00] =	vst v19;
	v19 =	vbroadcast v28, $0xF  }
0xa0: {  	v62 =	vld [tilespmem:s24+$0xFFFFFD10];
	(xrf2) =	vadd.scan.msk.f32 $0xffff, v26;
	v23 =	vmul.f32 v24, v23;
	[tilespmem:s24+$0xFFFFFC10] =	vst v20  }
0xa1: {  	v63 =	vmul.f32 v6, v18;
	v20 =	vld [tilespmem:s24+$0xFFFFFD00];
	[tilespmem:s24+$0xFFFFFC20] =	vst v22;
	v21 =	vmul.f32 v61, v19  }
0xa2: {  	v33 =	vld [tilespmem:s24+$0xFFFFFD20];
	v32, _, _ =	vpop (xrf2);
	[tilespmem:s24+$0xFFFFFC30] =	vst v23;
	v25 =	vmul.f32 v25, v19  }
0xa3: {  	v34 =	vld [tilespmem:s24+$0xFFFFFD30];
	(xrf2) =	vadd.scan.msk.f32 $0xffff, v63;
	v35 =	vbroadcast v32, $0xF;
	v27 =	vmul.f32 v27, v19;
	[tilespmem:s24+$0xFFFFFC80] =	vst v21  }
0xa4: {  	v36 =	vld [tilespmem:s24+$0xFFFFFD80];
	v19 =	vmul.f32 v29, v19;
	[tilespmem:s24+$0xFFFFFC90] =	vst v25  }
0xa5: {  	v37 =	vld [tilespmem:s24+$0xFFFFFD90];
	v24 =	vmul.f32 v62, v35;
	[tilespmem:s24+$0xFFFFFCA0] =	vst v27  }
0xa6: {  	v39 =	vld [tilespmem:s24+$0xFFFFFDA0];
	v38 =	vmul.f32 v7, v18;
	[tilespmem:s24+$0xFFFFFCB0] =	vst v19;
	v20 =	vmul.f32 v20, v35;
	v40, _, _ =	vpop (xrf2)  }
0xa7: {  	v28 =	vmul.f32 v33, v35;
	v19 =	vld [tilespmem:s24+$0xFFFFFDB0];
	[tilespmem:s24+$0xFFFFFD10] =	vst v24;
	v29 =	vbroadcast v40, $0xF  }
0xa8: {  	v41 =	vld [tilespmem:s24+$0xFFFFFE00];
	(xrf2) =	vadd.scan.msk.f32 $0xffff, v38;
	[tilespmem:s24+$0xFFFFFD00] =	vst v20;
	v20 =	vmul.f32 v34, v35  }
0xa9: {  	v42 =	vld [tilespmem:s24+$0xFFFFFE10];
	v43 =	vmul.f32 v8, v18;
	[tilespmem:s24+$0xFFFFFD20] =	vst v28;
	v22 =	vmul.f32 v36, v29  }
0xaa: {  	v45 =	vld [tilespmem:s24+$0xFFFFFE20];
	v44, _, _ =	vpop (xrf2);
	v25 =	vmul.f32 v37, v29;
	[tilespmem:s24+$0xFFFFFD30] =	vst v20  }
0xab: {  	v46 =	vld [tilespmem:s24+$0xFFFFFE80];
	(xrf2) =	vadd.scan.msk.f32 $0xffff, v43;
	v27 =	vmul.f32 v39, v29;
	v26 =	vbroadcast v44, $0xF;
	[tilespmem:s24+$0xFFFFFD80] =	vst v22  }
0xac: {  	v47 =	vld [tilespmem:s24+$0xFFFFFE90];
	v19 =	vmul.f32 v19, v29;
	[tilespmem:s24+$0xFFFFFD90] =	vst v25  }
0xad: {  	v48 =	vmul.f32 v9, v18;
	v20 =	vld [tilespmem:s24+$0xFFFFFE30];
	v50, _, _ =	vpop (xrf2);
	v21 =	vmul.f32 v41, v26;
	[tilespmem:s24+$0xFFFFFDA0] =	vst v27  }
0xae: {  	v49 =	vld [tilespmem:s24+$0xFFFFFEA0];
	v23 =	vmul.f32 v42, v26;
	v29 =	vbroadcast v50, $0xF;
	[tilespmem:s24+$0xFFFFFDB0] =	vst v19  }
0xaf: {  	v28 =	vmul.f32 v45, v26;
	v19 =	vld [tilespmem:s24+$0xFFFFFEB0];
	[tilespmem:s24+$0xFFFFFE00] =	vst v21  }
0xb0: {  	v51 =	vld [tilespmem:s24+$0xFFFFFF00];
	(xrf2) =	vadd.scan.msk.f32 $0xffff, v48;
	[tilespmem:s24+$0xFFFFFE10] =	vst v23;
	v22 =	vmul.f32 v46, v29  }
0xb1: {  	v52 =	vld [tilespmem:s24+$0xFFFFFF10];
	[tilespmem:s24+$0xFFFFFE20] =	vst v28;
	v24 =	vmul.f32 v47, v29  }
0xb2: {  	v55 =	vld [tilespmem:s24+$0xFFFFFF20];
	v53 =	vmul.f32 v10, v18;
	v20 =	vmul.f32 v20, v26;
	[tilespmem:s24+$0xFFFFFE80] =	vst v22;
	v54, _, _ =	vpop (xrf2)  }
0xb3: {  	v56 =	vld [tilespmem:s24+$0xFFFFFF80];
	v27 =	vmul.f32 v49, v29;
	[tilespmem:s24+$0xFFFFFE90] =	vst v24;
	v26 =	vbroadcast v54, $0xF  }
0xb4: {  	(xrf2) =	vadd.scan.msk.f32 $0xffff, v53;
	[tilespmem:s24+$0xFFFFFE30] =	vst v20;
	v20 =	vld [tilespmem:s24+$0xFFFFFF30];
	v19 =	vmul.f32 v19, v29  }
0xb5: {  	v57 =	vld [tilespmem:s24+$0xFFFFFF90];
	v58 =	vmul.f32 v11, v18;
	[tilespmem:s24+$0xFFFFFEA0] =	vst v27;
	v60, _, _ =	vpop (xrf2);
	v21 =	vmul.f32 v51, v26  }
0xb6: {  	v59 =	vld [tilespmem:s24+$0xFFFFFFA0];
	v23 =	vmul.f32 v52, v26;
	[tilespmem:s24+$0xFFFFFEB0] =	vst v19;
	v29 =	vbroadcast v60, $0xF  }
0xb7: {  	v19 =	vld [tilespmem:s24+$0xFFFFFFB0];
	v28 =	vmul.f32 v55, v26;
	[tilespmem:s24+$0xFFFFFF00] =	vst v21  }
0xb8: {  	v61 =	vld [tilespmem:s24+$0x0];
	(xrf2) =	vadd.scan.msk.f32 $0xffff, v58;
	[tilespmem:s24+$0xFFFFFF10] =	vst v23;
	v22 =	vmul.f32 v56, v29  }
0xb9: {  	v63 =	vmul.f32 v12, v18;
	v62 =	vld [tilespmem:s24+$0x10];
	[tilespmem:s24+$0xFFFFFF20] =	vst v28;
	v20 =	vmul.f32 v20, v26  }
0xba: {  	v33 =	vld [tilespmem:s24+$0x20];
	v32, _, _ =	vpop (xrf2);
	v24 =	vmul.f32 v57, v29;
	[tilespmem:s24+$0xFFFFFF80] =	vst v22  }
0xbb: {  	(xrf2) =	vadd.scan.msk.f32 $0xffff, v63;
	v27 =	vmul.f32 v59, v29;
	v26 =	vbroadcast v32, $0xF;
	[tilespmem:s24+$0xFFFFFF30] =	vst v20;
	v20 =	vld [tilespmem:s24+$0x30]  }
0xbc: {  	v34 =	vld [tilespmem:s24+$0x80];
	[tilespmem:s24+$0xFFFFFF90] =	vst v24;
	v19 =	vmul.f32 v19, v29  }
0xbd: {  	v35 =	vld [tilespmem:s24+$0x90];
	[tilespmem:s24+$0xFFFFFFA0] =	vst v27;
	v21 =	vmul.f32 v61, v26  }
0xbe: {  	v36 =	vmul.f32 v13, v18;
	v37 =	vld [tilespmem:s24+$0xA0];
	v23 =	vmul.f32 v62, v26;
	v38, _, _ =	vpop (xrf2);
	[tilespmem:s24+$0xFFFFFFB0] =	vst v19  }
0xbf: {  	v28 =	vmul.f32 v33, v26;
	v19 =	vld [tilespmem:s24+$0xB0];
	[tilespmem:s24+$0x0] =	vst v21;
	v29 =	vbroadcast v38, $0xF  }
0xc0: {  	v39 =	vld [tilespmem:s24+$0x100];
	(xrf2) =	vadd.scan.msk.f32 $0xffff, v36;
	[tilespmem:s24+$0x10] =	vst v23;
	v20 =	vmul.f32 v20, v26  }
0xc1: {  	v40 =	vld [tilespmem:s24+$0x110];
	v41 =	vmul.f32 v14, v18;
	[tilespmem:s24+$0x20] =	vst v28;
	v22 =	vmul.f32 v34, v29  }
0xc2: {  	v43 =	vld [tilespmem:s24+$0x120];
	v42, _, _ =	vpop (xrf2);
	v24 =	vmul.f32 v35, v29;
	[tilespmem:s24+$0x30] =	vst v20  }
0xc3: {  	v44 =	vld [tilespmem:s24+$0x180];
	(xrf2) =	vadd.scan.msk.f32 $0xffff, v41;
	v27 =	vmul.f32 v37, v29;
	v26 =	vbroadcast v42, $0xF;
	[tilespmem:s24+$0x80] =	vst v22  }
0xc4: {  	v45 =	vld [tilespmem:s24+$0x190];
	v19 =	vmul.f32 v19, v29;
	[tilespmem:s24+$0x90] =	vst v24  }
0xc5: {  	v46 =	vmul.f32 v15, v18;
	v47 =	vld [tilespmem:s24+$0x1A0];
	v48, _, _ =	vpop (xrf2);
	v21 =	vmul.f32 v39, v26;
	[tilespmem:s24+$0xA0] =	vst v27  }
0xc6: {  	v20 =	vld [tilespmem:s24+$0x130];
	v23 =	vmul.f32 v40, v26;
	v29 =	vbroadcast v48, $0xF;
	[tilespmem:s24+$0xB0] =	vst v19  }
0xc7: {  	v28 =	vmul.f32 v43, v26;
	v19 =	vld [tilespmem:s24+$0x1B0];
	[tilespmem:s24+$0x100] =	vst v21  }
0xc8: {  	v49 =	vld [tilespmem:s24+$0x200];
	(xrf2) =	vadd.scan.msk.f32 $0xffff, v46;
	[tilespmem:s24+$0x110] =	vst v23;
	v22 =	vmul.f32 v44, v29  }
0xc9: {  	v50 =	vld [tilespmem:s24+$0x210];
	v18 =	vmul.f32 v16, v18;
	[tilespmem:s24+$0x120] =	vst v28;
	v24 =	vmul.f32 v45, v29  }
0xca: {  	v52 =	vld [tilespmem:s24+$0x220];
	v27 =	vmul.f32 v47, v29;
	[tilespmem:s24+$0x180] =	vst v22;
	v51, _, _ =	vpop (xrf2)  }
0xcb: {  	v53 =	vld [tilespmem:s24+$0x290];
	[tilespmem:s24+$0x190] =	vst v24;
	v20 =	vmul.f32 v20, v26;
	(xrf2) =	vadd.scan.msk.f32 $0xffff, v18;
	v25 =	vbroadcast v51, $0xF  }
0xcc: {  	v54 =	vld [tilespmem:s24+$0x2A0];
	[tilespmem:s24+$0x1A0] =	vst v27;
	v18 =	vmul.f32 v19, v29  }
0xcd: {  	[tilespmem:s24+$0x130] =	vst v20;
	v20 =	vld [tilespmem:s24+$0x230];
	v55, _, _ =	vpop (xrf2);
	v21 =	vmul.f32 v49, v25  }
0xce: {  	v19 =	vld [tilespmem:s24+$0x280];
	v23 =	vmul.f32 v50, v25;
	v27 =	vbroadcast v55, $0xF;
	[tilespmem:s24+$0x1B0] =	vst v18  }
0xcf: {  	v26 =	vmul.f32 v52, v25;
	v18 =	vld [tilespmem:s24+$0x2B0];
	[tilespmem:s24+$0x200] =	vst v21  }
0xd0: {  	v56 =	vld [tilespmem:s24+$0x300];
	[tilespmem:s24+$0x210] =	vst v23;
	v22 =	vmul.f32 v53, v27  }
0xd1: {  	v57 =	vld [tilespmem:s24+$0x310];
	[tilespmem:s24+$0x220] =	vst v26;
	v24 =	vmul.f32 v54, v27  }
0xd2: {  	v59 =	vld [tilespmem:s24+$0x320];
	v58, _, _ =	vpop (xrf2);
	v20 =	vmul.f32 v20, v25;
	[tilespmem:s24+$0x290] =	vst v22  }
0xd3: {  	v60 =	vld [tilespmem:s24+$0x390];
	v19 =	vmul.f32 v19, v27;
	v25 =	vbroadcast v58, $0xF;
	[tilespmem:s24+$0x2A0] =	vst v24  }
0xd4: {  	[tilespmem:s24+$0x230] =	vst v20;
	v18 =	vmul.f32 v18, v27  }
0xd5: {  	v20 =	vld [tilespmem:s24+$0x330];
	[tilespmem:s24+$0x280] =	vst v19;
	v21 =	vmul.f32 v56, v25;
	v62, _, _ =	vpop (xrf2)  }
0xd6: {  	v19 =	vld [tilespmem:s24+$0x380];
	v23 =	vmul.f32 v57, v25;
	[tilespmem:s24+$0x2B0] =	vst v18;
	v18 =	vbroadcast v62, $0xF  }
0xd7: {  	v61 =	vld [tilespmem:s24+$0x3A0];
	v26 =	vmul.f32 v59, v25;
	[tilespmem:s24+$0x300] =	vst v21  }
0xd8: {  	[tilespmem:s24+$0x310] =	vst v23;
	v63 =	vmul.f32 v60, v18  }
0xd9: {  	[tilespmem:s24+$0x320] =	vst v26;
	v17 =	vmul.f32 v17, v18  }
0xda: {  	v20 =	vmul.f32 v20, v25;
	[tilespmem:s24+$0x390] =	vst v63  }
0xdb: {  	v19 =	vmul.f32 v19, v18;
	[tilespmem:s24+$0x3B0] =	vst v17  }
0xdc: {  	[tilespmem:s24+$0x330] =	vst v20;
	v20 =	vmul.f32 v61, v18  }
0xdd: {  	s25 =	sshrl.u32 s23, $0x2;
	[tilespmem:s24+$0x380] =	vst v19  }
0xde: {  	s31 =	sadd.s32 $0x1000, s25;
	[tilespmem:s24+$0x3A0] =	vst v20  }
0xdf: {  	[spmem:s2] =	stream.indirect.scatter.add.f32 [tilespmem:s11], [sflag:$0x3], $0x80, s31, s14, $0xb8;
	[tilespmem:$0xF000] =	vst v63  }
0xe0: {  	_ =	swait.ge [sflag:s12], $0x4000  }
0xe1: {  	[sflag:s12] =	ssyncset.done $0x0  }
0xe2: {  	[sflag:s12] =	ssyncadd.s32 $0xFFFFC000  }
0xe3: {  	p0 =	seq.s32 s19, $0xF;
	_ =	swait.ge [sflag:s18], $0x4000  }
0xe4: {  	s23 =	sshrl.u32 @!p0 s23, $0x2;
	s25 =	simm.s32 @!p0 $0x3000;
	v18 =	vmov s21;
	[sflag:s18] =	ssyncset.done $0x0  }
0xe5: {  	s23 =	sadd.s32 @!p0 $0x100, s23;
	s24 =	simm.s32 @!p0 $0x80;
	[sflag:s18] =	ssyncadd.s32 $0xFFFFC000  }
0xe6: {  	[tilespmem:s25], [sflag:$0x1] =	stream.indirect.gather @!p0 [hbm4b:s4+s24], $0x80, s23, s24, $0xb8;
	[tilespmem:$0xF000] =	vst v63  }
0xe7: {  	s23 =	simm.s32 $0x7400  }
0xe8: {  	s25 =	simm.s32 $0x0;
	s24 =	simm.s32 $0x40;
	v17 =	vld [tilespmem:s23+$0x3B0]  }
.LBB2_7:
0xe9: {  	p0 =	sne.s32 s24, $0x1C0;
	v26 =	vld.idx.msk [tilespmem:v18+s25+$0x0 ss:$0x1], $0xffff  }
0xea: {  	v19 =	vld [tilespmem:s23+$0x390]  }
0xeb: {  	v20 =	vld [tilespmem:s23+$0x2B0]  }
0xec: {  	v21 =	vld [tilespmem:s23+$0x290]  }
0xed: {  	v22 =	vld [tilespmem:s23+$0x1B0]  }
0xee: {  	v23 =	vld [tilespmem:s23+$0x190]  }
0xef: {  	v27 =	vmul.f32 v1, v26;
	v29 =	vmul.f32 v2, v26;
	v24 =	vld [tilespmem:s23+$0xB0]  }
0xf0: {  	v33 =	vmul.f32 v3, v26;
	v34 =	vmul.f32 v4, v26;
	v25 =	vld [tilespmem:s23+$0x90]  }
0xf1: {  	v35 =	vmul.f32 v5, v26;
	v36 =	vmul.f32 v6, v26;
	v28 =	vld [tilespmem:s23+$0xFFFFFFB0];
	(xrf2) =	vadd.scan.msk.f32 $0xffff, v27  }
0xf2: {  	v37 =	vmul.f32 v7, v26;
	v38 =	vmul.f32 v8, v26;
	v30 =	vld [tilespmem:s23+$0xFFFFFF90]  }
0xf3: {  	v40 =	vmul.f32 v9, v26;
	v41 =	vmul.f32 v10, v26;
	v39 =	vld [tilespmem:s23+$0xFFFFFEB0]  }
0xf4: {  	v43 =	vmul.f32 v11, v26;
	v32 =	vmul.f32 v12, v26;
	v42 =	vld [tilespmem:s23+$0xFFFFFE90];
	(xrf2) =	vadd.scan.msk.f32 $0xffff, v29  }
0xf5: {  	v31 =	vmul.f32 v13, v26;
	v29 =	vmul.f32 v14, v26;
	v44 =	vld [tilespmem:s23+$0xFFFFFDB0]  }
0xf6: {  	v27 =	vmul.f32 v15, v26;
	v26 =	vmul.f32 v16, v26;
	v45 =	vld [tilespmem:s23+$0xFFFFFD90]  }
0xf7: {  	v46 =	vld [tilespmem:s23+$0xFFFFFC30];
	(xrf2) =	vadd.scan.msk.f32 $0xffff, v33  }
0xf8: {  	v33 =	vld [tilespmem:s23+$0xFFFFFC10]  }
0xf9: {  	v47 =	vld [tilespmem:s23+$0xFFFFFC00]  }
0xfa: {  	v48 =	vld [tilespmem:s23+$0xFFFFFC20];
	(xrf2) =	vadd.scan.msk.f32 $0xffff, v34  }
0xfb: {  	v34 =	vld [tilespmem:s23+$0xFFFFFCB0];
	v49, _, _ =	vpop (xrf2)  }
0xfc: {  	v49 =	vbroadcast v49, $0xF;
	v50 =	vld [tilespmem:s23+$0xFFFFFC90]  }
0xfd: {  	v51 =	vld [tilespmem:s23+$0xFFFFFC80];
	(xrf2) =	vadd.scan.msk.f32 $0xffff, v35  }
0xfe: {  	v35 =	vmul.f32 v49, v47;
	v33 =	vmul.f32 v49, v33;
	v47 =	vld [tilespmem:s23+$0xFFFFFCA0];
	v52, _, _ =	vpop (xrf2)  }
0xff: {  	v46 =	vmul.f32 v46, v49;
	v48 =	vmul.f32 v48, v49;
	v49 =	vld [tilespmem:s23+$0xFFFFFD30]  }
0x100: {  	[tilespmem:s23+$0xFFFFFC00] =	vst v35;
	v35 =	vbroadcast v52, $0xF;
	v52 =	vld [tilespmem:s23+$0xFFFFFD10];
	(xrf2) =	vadd.scan.msk.f32 $0xffff, v36  }
0x101: {  	[tilespmem:s23+$0xFFFFFC10] =	vst v33;
	v33 =	vld [tilespmem:s23+$0xFFFFFD00];
	v36, _, _ =	vpop (xrf2)  }
0x102: {  	[tilespmem:s23+$0xFFFFFC20] =	vst v48;
	v48 =	vmul.f32 v51, v35;
	v50 =	vmul.f32 v50, v35;
	v51 =	vld [tilespmem:s23+$0xFFFFFD20]  }
0x103: {  	v34 =	vmul.f32 v34, v35;
	[tilespmem:s23+$0xFFFFFC30] =	vst v46;
	v46 =	vmul.f32 v47, v35;
	v35 =	vld [tilespmem:s23+$0xFFFFFD80];
	(xrf2) =	vadd.scan.msk.f32 $0xffff, v37  }
0x104: {  	v36 =	vbroadcast v36, $0xF;
	[tilespmem:s23+$0xFFFFFC80] =	vst v48;
	v37 =	vld [tilespmem:s23+$0xFFFFFDA0];
	v47, _, _ =	vpop (xrf2)  }
0x105: {  	[tilespmem:s23+$0xFFFFFC90] =	vst v50;
	v47 =	vbroadcast v47, $0xF;
	v48 =	vld [tilespmem:s23+$0xFFFFFE30]  }
0x106: {  	[tilespmem:s23+$0xFFFFFCA0] =	vst v46;
	v33 =	vmul.f32 v33, v36;
	v46 =	vmul.f32 v52, v36;
	v50 =	vld [tilespmem:s23+$0xFFFFFE10];
	(xrf2) =	vadd.scan.msk.f32 $0xffff, v38  }
0x107: {  	[tilespmem:s23+$0xFFFFFCB0] =	vst v34;
	v34 =	vmul.f32 v51, v36;
	v36 =	vmul.f32 v49, v36;
	v38 =	vld [tilespmem:s23+$0xFFFFFE00];
	v49, _, _ =	vpop (xrf2)  }
0x108: {  	[tilespmem:s23+$0xFFFFFD00] =	vst v33;
	v33 =	vmul.f32 v35, v47;
	v35 =	vmul.f32 v45, v47;
	v45 =	vld [tilespmem:s23+$0xFFFFFE20]  }
0x109: {  	v44 =	vmul.f32 v44, v47;
	[tilespmem:s23+$0xFFFFFD10] =	vst v46;
	v37 =	vmul.f32 v37, v47;
	v46 =	vld [tilespmem:s23+$0xFFFFFE80];
	(xrf2) =	vadd.scan.msk.f32 $0xffff, v40  }
0x10a: {  	[tilespmem:s23+$0xFFFFFD20] =	vst v34;
	v34 =	vbroadcast v49, $0xF;
	v40 =	vld [tilespmem:s23+$0xFFFFFEA0];
	v47, _, _ =	vpop (xrf2)  }
0x10b: {  	[tilespmem:s23+$0xFFFFFD30] =	vst v36;
	v36 =	vbroadcast v47, $0xF;
	v47 =	vld [tilespmem:s23+$0xFFFFFF30]  }
0x10c: {  	[tilespmem:s23+$0xFFFFFD80] =	vst v33;
	v33 =	vmul.f32 v38, v34;
	v38 =	vmul.f32 v50, v34;
	v49 =	vld [tilespmem:s23+$0xFFFFFF10];
	(xrf2) =	vadd.scan.msk.f32 $0xffff, v41  }
0x10d: {  	[tilespmem:s23+$0xFFFFFD90] =	vst v35;
	v35 =	vmul.f32 v45, v34;
	v34 =	vmul.f32 v48, v34;
	v41 =	vld [tilespmem:s23+$0xFFFFFF00];
	v45, _, _ =	vpop (xrf2)  }
0x10e: {  	v42 =	vmul.f32 v42, v36;
	[tilespmem:s23+$0xFFFFFDA0] =	vst v37;
	v37 =	vmul.f32 v46, v36;
	v46 =	vld [tilespmem:s23+$0xFFFFFF20]  }
0x10f: {  	[tilespmem:s23+$0xFFFFFDB0] =	vst v44;
	v40 =	vmul.f32 v40, v36;
	v36 =	vmul.f32 v39, v36;
	v39 =	vld [tilespmem:s23+$0xFFFFFF80];
	(xrf2) =	vadd.scan.msk.f32 $0xffff, v43  }
0x110: {  	[tilespmem:s23+$0xFFFFFE00] =	vst v33;
	v33 =	vbroadcast v45, $0xF;
	v43 =	vld [tilespmem:s23+$0xFFFFFFA0];
	v44, _, _ =	vpop (xrf2)  }
0x111: {  	[tilespmem:s23+$0xFFFFFE10] =	vst v38;
	v38 =	vbroadcast v44, $0xF;
	v44 =	vld [tilespmem:s23+$0x30]  }
0x112: {  	[tilespmem:s23+$0xFFFFFE20] =	vst v35;
	v35 =	vmul.f32 v41, v33;
	v41 =	vmul.f32 v49, v33;
	v45 =	vld [tilespmem:s23+$0x10];
	(xrf2) =	vadd.scan.msk.f32 $0xffff, v32  }
0x113: {  	[tilespmem:s23+$0xFFFFFE30] =	vst v34;
	v32 =	vmul.f32 v46, v33;
	v33 =	vmul.f32 v47, v33;
	v34 =	vld [tilespmem:s23+$0x0];
	v46, _, _ =	vpop (xrf2)  }
0x114: {  	v30 =	vmul.f32 v30, v38;
	[tilespmem:s23+$0xFFFFFE80] =	vst v37;
	v37 =	vmul.f32 v39, v38;
	v39 =	vld [tilespmem:s23+$0x20]  }
0x115: {  	v28 =	vmul.f32 v28, v38;
	[tilespmem:s23+$0xFFFFFE90] =	vst v42;
	v42 =	vmul.f32 v43, v38;
	v38 =	vld [tilespmem:s23+$0x80];
	(xrf2) =	vadd.scan.msk.f32 $0xffff, v31  }
0x116: {  	v31 =	vbroadcast v46, $0xF;
	[tilespmem:s23+$0xFFFFFEA0] =	vst v40;
	v40 =	vld [tilespmem:s23+$0xA0];
	v43, _, _ =	vpop (xrf2)  }
0x117: {  	[tilespmem:s23+$0xFFFFFEB0] =	vst v36;
	v36 =	vbroadcast v43, $0xF;
	v43 =	vld [tilespmem:s23+$0x130]  }
0x118: {  	[tilespmem:s23+$0xFFFFFF00] =	vst v35;
	v34 =	vmul.f32 v34, v31;
	v35 =	vmul.f32 v45, v31;
	v45 =	vld [tilespmem:s23+$0x110];
	(xrf2) =	vadd.scan.msk.f32 $0xffff, v29  }
0x119: {  	[tilespmem:s23+$0xFFFFFF10] =	vst v41;
	v29 =	vmul.f32 v39, v31;
	v31 =	vmul.f32 v44, v31;
	v39 =	vld [tilespmem:s23+$0x100];
	v41, _, _ =	vpop (xrf2)  }
0x11a: {  	v25 =	vmul.f32 v25, v36;
	[tilespmem:s23+$0xFFFFFF20] =	vst v32;
	v32 =	vmul.f32 v38, v36;
	v38 =	vld [tilespmem:s23+$0x120]  }
0x11b: {  	v24 =	vmul.f32 v24, v36;
	[tilespmem:s23+$0xFFFFFF30] =	vst v33;
	v33 =	vmul.f32 v40, v36;
	v36 =	vld [tilespmem:s23+$0x180];
	(xrf2) =	vadd.scan.msk.f32 $0xffff, v27  }
0x11c: {  	v27 =	vbroadcast v41, $0xF;
	[tilespmem:s23+$0xFFFFFF80] =	vst v37;
	v37 =	vld [tilespmem:s23+$0x1A0];
	v40, _, _ =	vpop (xrf2)  }
0x11d: {  	[tilespmem:s23+$0xFFFFFF90] =	vst v30;
	v30 =	vbroadcast v40, $0xF;
	v40 =	vld [tilespmem:s23+$0x230]  }
0x11e: {  	v41 =	vmul.f32 v45, v27;
	[tilespmem:s23+$0xFFFFFFA0] =	vst v42;
	v39 =	vmul.f32 v39, v27;
	v42 =	vld [tilespmem:s23+$0x210];
	(xrf2) =	vadd.scan.msk.f32 $0xffff, v26  }
0x11f: {  	[tilespmem:s23+$0xFFFFFFB0] =	vst v28;
	v26 =	vmul.f32 v38, v27;
	v27 =	vmul.f32 v43, v27;
	v28 =	vld [tilespmem:s23+$0x200];
	v38, _, _ =	vpop (xrf2)  }
0x120: {  	v23 =	vmul.f32 v23, v30;
	[tilespmem:s23+$0x0] =	vst v34;
	v34 =	vmul.f32 v36, v30;
	v36 =	vld [tilespmem:s23+$0x220]  }
0x121: {  	v22 =	vmul.f32 v22, v30;
	[tilespmem:s23+$0x10] =	vst v35;
	v35 =	vmul.f32 v37, v30;
	v30 =	vld [tilespmem:s23+$0x280]  }
0x122: {  	[tilespmem:s23+$0x20] =	vst v29;
	v29 =	vbroadcast v38, $0xF;
	v37 =	vld [tilespmem:s23+$0x2A0];
	v38, _, _ =	vpop (xrf2)  }
0x123: {  	[tilespmem:s23+$0x30] =	vst v31;
	v31 =	vbroadcast v38, $0xF;
	v38 =	vld [tilespmem:s23+$0x330]  }
0x124: {  	[tilespmem:s23+$0x80] =	vst v32;
	v28 =	vmul.f32 v28, v29;
	v32 =	vmul.f32 v42, v29;
	v42 =	vld [tilespmem:s23+$0x310]  }
0x125: {  	[tilespmem:s23+$0x90] =	vst v25;
	v25 =	vmul.f32 v36, v29;
	v29 =	vmul.f32 v40, v29;
	v36 =	vld [tilespmem:s23+$0x300];
	v40, _, _ =	vpop (xrf2)  }
0x126: {  	v21 =	vmul.f32 v21, v31;
	[tilespmem:s23+$0xA0] =	vst v33;
	v30 =	vmul.f32 v30, v31;
	v33 =	vld [tilespmem:s23+$0x320]  }
0x127: {  	v20 =	vmul.f32 v20, v31;
	[tilespmem:s23+$0xB0] =	vst v24;
	v24 =	vmul.f32 v37, v31;
	v31 =	vld [tilespmem:s23+$0x380]  }
0x128: {  	v37 =	vbroadcast v40, $0xF;
	[tilespmem:s23+$0x100] =	vst v39;
	v39 =	vld [tilespmem:s23+$0x3A0];
	v40, _, _ =	vpop (xrf2)  }
0x129: {  	[tilespmem:s23+$0x110] =	vst v41;
	v40 =	vbroadcast v40, $0xF  }
0x12a: {  	[tilespmem:s23+$0x120] =	vst v26;
	v26 =	vmul.f32 v36, v37;
	v36 =	vmul.f32 v42, v37  }
0x12b: {  	[tilespmem:s23+$0x130] =	vst v27;
	v27 =	vmul.f32 v33, v37;
	v33 =	vmul.f32 v38, v37  }
0x12c: {  	v19 =	vmul.f32 v19, v40;
	[tilespmem:s23+$0x180] =	vst v34;
	v31 =	vmul.f32 v31, v40  }
0x12d: {  	v17 =	vmul.f32 v17, v40;
	[tilespmem:s23+$0x190] =	vst v23;
	v23 =	vmul.f32 v39, v40  }
0x12e: {  	[tilespmem:s23+$0x1A0] =	vst v35  }
0x12f: {  	[tilespmem:s23+$0x1B0] =	vst v22  }
0x130: {  	[tilespmem:s23+$0x200] =	vst v28  }
0x131: {  	[tilespmem:s23+$0x210] =	vst v32  }
0x132: {  	[tilespmem:s23+$0x220] =	vst v25  }
0x133: {  	[tilespmem:s23+$0x230] =	vst v29  }
0x134: {  	[tilespmem:s23+$0x280] =	vst v30  }
0x135: {  	[tilespmem:s23+$0x290] =	vst v21  }
0x136: {  	[tilespmem:s23+$0x2A0] =	vst v24  }
0x137: {  	[tilespmem:s23+$0x2B0] =	vst v20  }
0x138: {  	[tilespmem:s23+$0x300] =	vst v26  }
0x139: {  	[tilespmem:s23+$0x310] =	vst v36  }
0x13a: {  	[tilespmem:s23+$0x320] =	vst v27  }
0x13b: {  	[tilespmem:s23+$0x330] =	vst v33  }
.Ltmp2:
0x13c: {  	[tilespmem:s23+$0x380] =	vst v31;
	(pc) =	sbr.rel @p0 .LBB2_7-.Ltmp2, $4  }
0x13d: {  	[tilespmem:s23+$0x390] =	vst v19  }
0x13e: {  	[tilespmem:s23+$0x3A0] =	vst v23  }
0x13f: {  	[tilespmem:s23+$0x3B0] =	vst v17;
	s23 =	sadd.s32 $0x800, s23  }
0x140: {  	s25 =	sshra.s32 s24, $0x2;
	s24 =	sadd.s32 $0x40, s24;
	v17 =	vld [tilespmem:s23+$0x3B0]  }
0x141: {  	_ =	sdelay $0x3  }
0x142: {  	v18 =	vld.idx.msk [tilespmem:v18+s25+$0x0 ss:$0x1], $0xffff;
	_ =	sdelay $0x4  }
0x143: {  	v19 =	vmul.f32 v1, v18;
	_ =	sdelay $0x1  }
0x144: {  	(xrf2) =	vadd.scan.msk.f32 $0xffff, v19;
	_ =	sdelay $0x1  }
0x145: {  	v19 =	vmul.f32 v2, v18;
	_ =	sdelay $0x1  }
0x146: {  	(xrf2) =	vadd.scan.msk.f32 $0xffff, v19;
	_ =	sdelay $0x1  }
0x147: {  	v19 =	vmul.f32 v3, v18;
	_ =	sdelay $0x1  }
0x148: {  	(xrf2) =	vadd.scan.msk.f32 $0xffff, v19;
	v19 =	vld [tilespmem:s23+$0xFFFFFC00]  }
0x149: {  	v20 =	vld [tilespmem:s23+$0xFFFFFC10]  }
0x14a: {  	v22 =	vld [tilespmem:s23+$0xFFFFFC20];
	v21 =	vmul.f32 v4, v18;
	v23, _, _ =	vpop (xrf2)  }
0x14b: {  	v24 =	vld [tilespmem:s23+$0xFFFFFC30];
	v23 =	vbroadcast v23, $0xF  }
0x14c: {  	v52 =	vld [tilespmem:s23+$0xFFFFFC80];
	(xrf2) =	vadd.scan.msk.f32 $0xffff, v21  }
0x14d: {  	v25 =	vld [tilespmem:s23+$0xFFFFFC90];
	v19 =	vmul.f32 v23, v19  }
0x14e: {  	v27 =	vld [tilespmem:s23+$0xFFFFFCA0];
	v26 =	vmul.f32 v5, v18;
	v28, _, _ =	vpop (xrf2);
	v20 =	vmul.f32 v23, v20  }
0x14f: {  	v29 =	vld [tilespmem:s23+$0xFFFFFCB0];
	v22 =	vmul.f32 v22, v23;
	[tilespmem:s23+$0xFFFFFC00] =	vst v19;
	v19 =	vbroadcast v28, $0xF  }
0x150: {  	v53 =	vld [tilespmem:s23+$0xFFFFFD00];
	(xrf2) =	vadd.scan.msk.f32 $0xffff, v26;
	v23 =	vmul.f32 v24, v23;
	[tilespmem:s23+$0xFFFFFC10] =	vst v20  }
0x151: {  	v54 =	vld [tilespmem:s23+$0xFFFFFD10];
	[tilespmem:s23+$0xFFFFFC20] =	vst v22;
	v21 =	vmul.f32 v52, v19  }
0x152: {  	v57 =	vld [tilespmem:s23+$0xFFFFFD20];
	v55 =	vmul.f32 v6, v18;
	v56, _, _ =	vpop (xrf2);
	[tilespmem:s23+$0xFFFFFC30] =	vst v23;
	v25 =	vmul.f32 v25, v19  }
0x153: {  	v58 =	vld [tilespmem:s23+$0xFFFFFD30];
	v59 =	vbroadcast v56, $0xF;
	v27 =	vmul.f32 v27, v19;
	[tilespmem:s23+$0xFFFFFC80] =	vst v21  }
0x154: {  	v60 =	vld [tilespmem:s23+$0xFFFFFD80];
	(xrf2) =	vadd.scan.msk.f32 $0xffff, v55;
	v19 =	vmul.f32 v29, v19;
	[tilespmem:s23+$0xFFFFFC90] =	vst v25  }
0x155: {  	v61 =	vld [tilespmem:s23+$0xFFFFFD90];
	v20 =	vmul.f32 v53, v59;
	[tilespmem:s23+$0xFFFFFCA0] =	vst v27  }
0x156: {  	v63 =	vld [tilespmem:s23+$0xFFFFFDA0];
	v62 =	vmul.f32 v7, v18;
	v24 =	vmul.f32 v54, v59;
	[tilespmem:s23+$0xFFFFFCB0] =	vst v19;
	v32, _, _ =	vpop (xrf2)  }
0x157: {  	v28 =	vmul.f32 v57, v59;
	v19 =	vld [tilespmem:s23+$0xFFFFFDB0];
	[tilespmem:s23+$0xFFFFFD00] =	vst v20;
	v29 =	vbroadcast v32, $0xF  }
0x158: {  	v34 =	vld [tilespmem:s23+$0xFFFFFE00];
	v33 =	vmul.f32 v58, v59;
	[tilespmem:s23+$0xFFFFFD10] =	vst v24;
	(xrf2) =	vadd.scan.msk.f32 $0xffff, v62  }
0x159: {  	v35 =	vld [tilespmem:s23+$0xFFFFFE10];
	[tilespmem:s23+$0xFFFFFD20] =	vst v28;
	v22 =	vmul.f32 v60, v29  }
0x15a: {  	v38 =	vld [tilespmem:s23+$0xFFFFFE20];
	v36 =	vmul.f32 v8, v18;
	[tilespmem:s23+$0xFFFFFD30] =	vst v33;
	v37, _, _ =	vpop (xrf2);
	v25 =	vmul.f32 v61, v29  }
0x15b: {  	v39 =	vld [tilespmem:s23+$0xFFFFFE30];
	v27 =	vmul.f32 v63, v29;
	v26 =	vbroadcast v37, $0xF;
	[tilespmem:s23+$0xFFFFFD80] =	vst v22  }
0x15c: {  	v40 =	vld [tilespmem:s23+$0xFFFFFE80];
	(xrf2) =	vadd.scan.msk.f32 $0xffff, v36;
	v19 =	vmul.f32 v19, v29;
	[tilespmem:s23+$0xFFFFFD90] =	vst v25  }
0x15d: {  	v41 =	vld [tilespmem:s23+$0xFFFFFE90];
	v42 =	vmul.f32 v9, v18;
	v21 =	vmul.f32 v34, v26;
	[tilespmem:s23+$0xFFFFFDA0] =	vst v27  }
0x15e: {  	v43 =	vld [tilespmem:s23+$0xFFFFFEA0];
	v44, _, _ =	vpop (xrf2);
	v23 =	vmul.f32 v35, v26;
	[tilespmem:s23+$0xFFFFFDB0] =	vst v19  }
0x15f: {  	(xrf2) =	vadd.scan.msk.f32 $0xffff, v42;
	v29 =	vbroadcast v44, $0xF;
	v28 =	vmul.f32 v38, v26;
	v19 =	vld [tilespmem:s23+$0xFFFFFEB0];
	[tilespmem:s23+$0xFFFFFE00] =	vst v21  }
0x160: {  	v45 =	vld [tilespmem:s23+$0xFFFFFF00];
	v20 =	vmul.f32 v39, v26;
	[tilespmem:s23+$0xFFFFFE10] =	vst v23  }
0x161: {  	v46 =	vld [tilespmem:s23+$0xFFFFFF10];
	v22 =	vmul.f32 v40, v29;
	[tilespmem:s23+$0xFFFFFE20] =	vst v28  }
0x162: {  	v49 =	vld [tilespmem:s23+$0xFFFFFF20];
	v47 =	vmul.f32 v10, v18;
	v24 =	vmul.f32 v41, v29;
	[tilespmem:s23+$0xFFFFFE30] =	vst v20;
	v48, _, _ =	vpop (xrf2)  }
0x163: {  	v50 =	vld [tilespmem:s23+$0xFFFFFF30];
	v27 =	vmul.f32 v43, v29;
	[tilespmem:s23+$0xFFFFFE80] =	vst v22;
	v26 =	vbroadcast v48, $0xF  }
0x164: {  	v51 =	vld [tilespmem:s23+$0xFFFFFF80];
	[tilespmem:s23+$0xFFFFFE90] =	vst v24;
	(xrf2) =	vadd.scan.msk.f32 $0xffff, v47;
	v19 =	vmul.f32 v19, v29  }
0x165: {  	v52 =	vld [tilespmem:s23+$0xFFFFFF90];
	[tilespmem:s23+$0xFFFFFEA0] =	vst v27;
	v21 =	vmul.f32 v45, v26  }
0x166: {  	v53 =	vmul.f32 v11, v18;
	v54 =	vld [tilespmem:s23+$0xFFFFFFA0];
	v55, _, _ =	vpop (xrf2);
	v23 =	vmul.f32 v46, v26;
	[tilespmem:s23+$0xFFFFFEB0] =	vst v19  }
0x167: {  	v56 =	vld [tilespmem:s23+$0x0];
	v29 =	vbroadcast v55, $0xF;
	v28 =	vmul.f32 v49, v26;
	[tilespmem:s23+$0xFFFFFF00] =	vst v21  }
0x168: {  	(xrf2) =	vadd.scan.msk.f32 $0xffff, v53;
	v19 =	vld [tilespmem:s23+$0xFFFFFFB0];
	v20 =	vmul.f32 v50, v26;
	[tilespmem:s23+$0xFFFFFF10] =	vst v23  }
0x169: {  	v57 =	vld [tilespmem:s23+$0x10];
	v58 =	vmul.f32 v12, v18;
	v59, _, _ =	vpop (xrf2);
	v22 =	vmul.f32 v51, v29;
	[tilespmem:s23+$0xFFFFFF20] =	vst v28  }
0x16a: {  	v60 =	vld [tilespmem:s23+$0x20];
	v24 =	vmul.f32 v52, v29;
	[tilespmem:s23+$0xFFFFFF30] =	vst v20;
	v26 =	vbroadcast v59, $0xF  }
0x16b: {  	v61 =	vld [tilespmem:s23+$0x30];
	v27 =	vmul.f32 v54, v29;
	[tilespmem:s23+$0xFFFFFF80] =	vst v22  }
0x16c: {  	v62 =	vld [tilespmem:s23+$0x80];
	(xrf2) =	vadd.scan.msk.f32 $0xffff, v58;
	[tilespmem:s23+$0xFFFFFF90] =	vst v24;
	v21 =	vmul.f32 v56, v26  }
0x16d: {  	v63 =	vld [tilespmem:s23+$0x90];
	[tilespmem:s23+$0xFFFFFFA0] =	vst v27;
	v19 =	vmul.f32 v19, v29  }
0x16e: {  	v33 =	vld [tilespmem:s23+$0xA0];
	v32 =	vmul.f32 v13, v18;
	v23 =	vmul.f32 v57, v26;
	[tilespmem:s23+$0x0] =	vst v21;
	v34, _, _ =	vpop (xrf2)  }
0x16f: {  	v28 =	vmul.f32 v60, v26;
	[tilespmem:s23+$0xFFFFFFB0] =	vst v19;
	v19 =	vld [tilespmem:s23+$0xB0];
	v29 =	vbroadcast v34, $0xF  }
0x170: {  	v35 =	vld [tilespmem:s23+$0x100];
	v20 =	vmul.f32 v61, v26;
	[tilespmem:s23+$0x10] =	vst v23;
	(xrf2) =	vadd.scan.msk.f32 $0xffff, v32  }
0x171: {  	v36 =	vld [tilespmem:s23+$0x110];
	[tilespmem:s23+$0x20] =	vst v28;
	v22 =	vmul.f32 v62, v29  }
0x172: {  	v37 =	vmul.f32 v14, v18;
	v39 =	vld [tilespmem:s23+$0x120];
	[tilespmem:s23+$0x30] =	vst v20;
	v38, _, _ =	vpop (xrf2);
	v24 =	vmul.f32 v63, v29  }
0x173: {  	v40 =	vld [tilespmem:s23+$0x130];
	v27 =	vmul.f32 v33, v29;
	v26 =	vbroadcast v38, $0xF;
	[tilespmem:s23+$0x80] =	vst v22  }
0x174: {  	v41 =	vld [tilespmem:s23+$0x180];
	(xrf2) =	vadd.scan.msk.f32 $0xffff, v37;
	v19 =	vmul.f32 v19, v29;
	[tilespmem:s23+$0x90] =	vst v24  }
0x175: {  	v42 =	vld [tilespmem:s23+$0x190];
	v43 =	vmul.f32 v15, v18;
	v21 =	vmul.f32 v35, v26;
	[tilespmem:s23+$0xA0] =	vst v27  }
0x176: {  	v44 =	vld [tilespmem:s23+$0x1A0];
	v45, _, _ =	vpop (xrf2);
	v23 =	vmul.f32 v36, v26;
	[tilespmem:s23+$0xB0] =	vst v19  }
0x177: {  	(xrf2) =	vadd.scan.msk.f32 $0xffff, v43;
	v29 =	vbroadcast v45, $0xF;
	v28 =	vmul.f32 v39, v26;
	v19 =	vld [tilespmem:s23+$0x1B0];
	[tilespmem:s23+$0x100] =	vst v21  }
0x178: {  	v46 =	vld [tilespmem:s23+$0x200];
	v20 =	vmul.f32 v40, v26;
	[tilespmem:s23+$0x110] =	vst v23  }
0x179: {  	v47 =	vld [tilespmem:s23+$0x210];
	v22 =	vmul.f32 v41, v29;
	[tilespmem:s23+$0x120] =	vst v28  }
0x17a: {  	v18 =	vmul.f32 v16, v18;
	v49 =	vld [tilespmem:s23+$0x220];
	v24 =	vmul.f32 v42, v29;
	[tilespmem:s23+$0x130] =	vst v20;
	v48, _, _ =	vpop (xrf2)  }
0x17b: {  	v50 =	vld [tilespmem:s23+$0x230];
	v27 =	vmul.f32 v44, v29;
	[tilespmem:s23+$0x180] =	vst v22;
	v25 =	vbroadcast v48, $0xF  }
0x17c: {  	v51 =	vld [tilespmem:s23+$0x290];
	[tilespmem:s23+$0x190] =	vst v24;
	(xrf2) =	vadd.scan.msk.f32 $0xffff, v18;
	v18 =	vmul.f32 v19, v29  }
0x17d: {  	v52 =	vld [tilespmem:s23+$0x2A0];
	[tilespmem:s23+$0x1A0] =	vst v27;
	v21 =	vmul.f32 v46, v25  }
0x17e: {  	v19 =	vld [tilespmem:s23+$0x280];
	v53, _, _ =	vpop (xrf2);
	v23 =	vmul.f32 v47, v25;
	[tilespmem:s23+$0x1B0] =	vst v18  }
0x17f: {  	v54 =	vld [tilespmem:s23+$0x300];
	v27 =	vbroadcast v53, $0xF;
	v26 =	vmul.f32 v49, v25;
	[tilespmem:s23+$0x200] =	vst v21  }
0x180: {  	v20 =	vmul.f32 v50, v25;
	v18 =	vld [tilespmem:s23+$0x2B0];
	[tilespmem:s23+$0x210] =	vst v23  }
0x181: {  	v55 =	vld [tilespmem:s23+$0x310];
	v56, _, _ =	vpop (xrf2);
	[tilespmem:s23+$0x220] =	vst v26;
	v22 =	vmul.f32 v51, v27  }
0x182: {  	v57 =	vld [tilespmem:s23+$0x320];
	[tilespmem:s23+$0x230] =	vst v20;
	v24 =	vmul.f32 v52, v27;
	v25 =	vbroadcast v56, $0xF  }
0x183: {  	v58 =	vld [tilespmem:s23+$0x330];
	v19 =	vmul.f32 v19, v27;
	[tilespmem:s23+$0x290] =	vst v22  }
0x184: {  	v59 =	vld [tilespmem:s23+$0x390];
	v21 =	vmul.f32 v54, v25;
	[tilespmem:s23+$0x2A0] =	vst v24  }
0x185: {  	v60 =	vld [tilespmem:s23+$0x3A0];
	[tilespmem:s23+$0x280] =	vst v19;
	v18 =	vmul.f32 v18, v27  }
0x186: {  	v23 =	vmul.f32 v55, v25;
	[tilespmem:s23+$0x300] =	vst v21;
	v61, _, _ =	vpop (xrf2)  }
0x187: {  	v26 =	vmul.f32 v57, v25;
	v19 =	vld [tilespmem:s23+$0x380];
	[tilespmem:s23+$0x2B0] =	vst v18;
	v18 =	vbroadcast v61, $0xF  }
0x188: {  	v20 =	vmul.f32 v58, v25;
	[tilespmem:s23+$0x310] =	vst v23  }
0x189: {  	[tilespmem:s23+$0x320] =	vst v26;
	v62 =	vmul.f32 v59, v18  }
0x18a: {  	[tilespmem:s23+$0x330] =	vst v20;
	v63 =	vmul.f32 v60, v18  }
0x18b: {  	v17 =	vmul.f32 v17, v18;
	[tilespmem:s23+$0x390] =	vst v62  }
0x18c: {  	s19 =	sadd.s32 $0x1, s19;
	v19 =	vmul.f32 v19, v18;
	[tilespmem:s23+$0x3A0] =	vst v63  }
0x18d: {  	p0 =	sne.s32 s19, $0x10;
	[tilespmem:s23+$0x3B0] =	vst v17  }
.Ltmp3:
0x18e: {  	s22 =	sadd.s32 $0x1000, s22;
	[tilespmem:s23+$0x380] =	vst v19;
	(pc) =	sbr.rel @p0 .LBB2_4-.Ltmp3, $4  }
0x18f: {  	[spmem:s2] =	stream.indirect.scatter.add.f32 [tilespmem:s17], [sflag:$0x3], $0x80, s22, s14, $0xb8;
	[tilespmem:$0xF000] =	vst v63  }
0x190: {  	_ =	swait.ge [sflag:s12], $0x4000  }
0x191: {  	[sflag:s12] =	ssyncset.done $0x0  }
0x192: {  	s20 =	sadd.s32 $0x100, s20;
	s21 =	sadd.s32 $0x100, s21;
	[sflag:s12] =	ssyncadd.s32 $0xFFFFC000  }
0x193: {  	s3 =	sadd.s32 $0x1, s3  }
0x194: {  	s19 =	sshll.u32 s1, $0x6;
	[bflag:$0x0] =	sbarrier.arrive $0xFFFF;
	p0 =	sne.s32 s3, s10  }
.Ltmp4:
0x195: {  	s20 =	sshrl.u32 s5, $0x3;
	s19 =	sor.u32 $0x1C03, s19;
	(pc) =	sbr.rel @p0 .LBB2_1-.Ltmp4, $4  }
0x196: {  	[hbm:s9], [sflag:s19] =	dma.local [spmem:s20], $0x800  }
0x197: {  	_ =	swait.ge [sflag:s12], $0x800  }
0x198: {  	[sflag:s12] =	ssyncset.done $0x0  }
0x199: {  	[sflag:s12] =	ssyncadd.s32 $0xFFFFF800  }
0x19a: {  	_ =	sfence.sel $0x180000  }
0x19b: {  	[bflag:$0x0] =	sbarrier.arrive $0xFFFF  }
0x19c: {  	p0 =	sne.s32 s1, $0x0;
	_ =	strace $0x9000004D  }
0x19d: {  	s0 =	sadd.s32 @!p0 $0x100000, s0;
	[bflag:$0x2] =	sbarrier.arrive $0xFFFF  }
0x19e: {  	[sflag:s0] =	ssyncadd.tile.s32 @!p0 $0x1;
	_ =	shalt  }
.Lfunc_end2:
_tile_overlayer_lowered:
.L_overlay_start_2:
0x19f: {  	(tag) =	ssettag $0x2  }
0x1a0: {  	s0 =	rddreg [dreg:$0x0];
	s2 =	stileid.u32  }
0x1a1: {  	s1 =	rddreg [dreg:$0x1];
	p0 =	sne.s32 s2, $0x0  }
0x1a2: {  	s3 =	rddreg [dreg:$0x2];
	[bflag:$0x3] =	sbarrier.arrive $0xFFFF;
	s2 =	simm.s32 @!p0 $0x1C03  }
0x1a3: {  	[timem:s3], [sflag:s2] =	dma.local @!p0 [hbm:s0], s1  }
0x1a4: {  	s0 =	simm.s32 @!p0 $0x3  }
0x1a5: {  	_ =	swait.ge @!p0 [sflag:s0], s1  }
0x1a6: {  	s1 =	ssub.s32 @!p0 $0x0, s1;
	[sflag:s0] =	ssyncset.done @!p0 $0x0  }
0x1a7: {  	[sflag:s0] =	ssyncadd.s32 @!p0 s1  }
0x1a8: {  	[bflag:$0x3] =	sbarrier.arrive $0xFFFF  }
0x1a9: {  	_ =	shalt  }

// kernel: kernel.8.cloned.1.call-start
scs
__scs_entry_jumppad:
0x0: {  	(pc) =	sbr.rel $0x88, $3  }
0x1: {  	(tag) =	ssettag $0x0;
	lr =	simm.s32 $0x1  }
0x2: {  	[smem:$0x3F84] =	sst lr;
	_ =	strace $0xD0000000  }
0x3: {  	_ = 	snop  }
0x4: {  	_ = 	snop  }
0x5: {  	_ = 	snop  }
0x6: {  	_ = 	snop  }
0x7: {  	_ = 	snop  }
__scs_overlays_trampoline_lowered:
0x8: {  	[smem:$0x3F93] =	sst s0  }
0x9: {  	[smem:$0x3F94] =	sst s1  }
0xa: {  	[smem:$0x3F95] =	sst s2  }
0xb: {  	[smem:$0x3F96] =	sst s3  }
0xc: {  	[smem:$0x3F97] =	sst s4  }
0xd: {  	[smem:$0x3F98] =	sst s5  }
0xe: {  	[smem:$0x3F99] =	sst s6  }
0xf: {  	[smem:$0x3F9A] =	sst s7  }
0x10: {  	[smem:$0x3F9B] =	sst s8  }
0x11: {  	[smem:$0x3F9C] =	sst s9;
	s0 =	simm.s32 @!p0 $0x0  }
0x12: {  	s1 =	sld [smem:$0x3F82];
	s0 =	simm.s32 @p0 $0x1  }
0x13: {  	[smem:$0x3F9D] =	sst s0;
	s0 =	simm.s32 @!p1 $0x0  }
0x14: {  	s2 =	sld [smem:$0x3F81];
	s0 =	simm.s32 @p1 $0x1  }
0x15: {  	[smem:$0x3F9E] =	sst s0;
	s0 =	simm.s32 @!p2 $0x0  }
0x16: {  	s3 =	sld [smem:$0x3FDB];
	s0 =	simm.s32 @p2 $0x1  }
0x17: {  	s4 =	simm.s32 $0x1BF5;
	[smem:$0x3FA0] =	sst s0  }
0x18: {  	s0 =	sld [smem:$0x3F83];
	_ =	swait.ge [sflag:s4], $0x0  }
0x19: {  	s7 =	sld [smem:$0x3F84]  }
0x1a: {  	s8 =	sadd.s32 $0xFFFFE003, lr  }
0x1b: {  	s9 =	sadd.s32 $0xFFFFFEF7, lr;
	s5 =	simm.s32 $0xFFFFFFFF;
	p2 =	slt.u32 s8, $0xFFFFF086  }
0x1c: {  	p1 =	slt.u32 s9, $0xF7A;
	s5 =	simm.s32 @!p2 $0x0  }
0x1d: {  	s5 =	simm.s32 @p1 $0x1;
	p0 =	seq.s32 s7, s2  }
0x1e: {  	s7 =	smul.u32 @!p0 $0xF7A, s2;
	p2 =	seq.s32 @!p0 s5, $0x0  }
0x1f: {  	s9 =	smul.u32 $0xF7A, s1;
	s8 =	simm.s32 @!p0 $0x1BF5;
	p2 =	por !p2, p0  }
0x20: {  	[sflag:s8] =	ssyncset.s32 @!p0 $0xFFFFF086;
	s6 =	sadd.s32 @!p0 s3, s7;
	s7 =	simm.s32 @!p0 $0x108  }
0x21: {  	s3 =	sadd.s32 s3, s9;
	s6 =	sadd.s32 @!p0 $0x88, s6;
	s7 =	simm.s32 @p2 $0x1082  }
0x22: {  	[simem:s7], [sflag:s8] =	dma.local @!p0 [hbm:s6], $0xF7A  }
0x23: {  	s9 =	sor.u32 $0xD0000000, s2;
	s6 =	simm.s32 $0x108;
	_ =	swait.ge @!p0 [sflag:s8], $0x0  }
0x24: {  	s3 =	sadd.s32 $0x88, s3;
	s6 =	simm.s32 @!p1 $0x1082;
	[sflag:s4] =	ssyncset.s32 $0xFFFFF086  }
0x25: {  	[simem:s6], [sflag:s4] =	dma.local [hbm:s3], $0xF7A  }
0x26: {  	[smem:$0x3F84] =	sst s1;
	(tag) =	ssettag s2;
	_ =	strace s9  }
0x27: {  	s1 =	sld [smem:$0x3F94]  }
0x28: {  	s2 =	sld [smem:$0x3F95]  }
0x29: {  	s4 =	sld [smem:$0x3F97]  }
0x2a: {  	p0 =	seq.s32 s5, $0x0;
	s5 =	sld [smem:$0x3F98]  }
0x2b: {  	s6 =	sld [smem:$0x3F99]  }
0x2c: {  	s7 =	sld [smem:$0x3F9A]  }
0x2d: {  	s3 =	simm.s32 $0x108;
	s8 =	sld [smem:$0x3F9B]  }
0x2e: {  	s3 =	simm.s32 @!p0 $0x1082;
	s9 =	sld [smem:$0x3F9C]  }
0x2f: {  	lr =	sadd.s32 s0, s3;
	s0 =	sld [smem:$0x3F93]  }
0x30: {  	s3 =	sld [smem:$0x3F96]  }
0x31: {  	[smem:$0x3F9F] =	sst s10  }
0x32: {  	s10 =	sld [smem:$0x3F9D];
	_ =	sdelay $0x3  }
0x33: {  	p0 =	seq.s32 s10, $0x1;
	s10 =	sld [smem:$0x3F9F];
	_ =	sdelay $0x3  }
0x34: {  	[smem:$0x3F9F] =	sst s10  }
0x35: {  	s10 =	sld [smem:$0x3F9E];
	_ =	sdelay $0x3  }
0x36: {  	p1 =	seq.s32 s10, $0x1;
	s10 =	sld [smem:$0x3F9F];
	_ =	sdelay $0x3  }
0x37: {  	[smem:$0x3F9F] =	sst s10  }
0x38: {  	s10 =	sld [smem:$0x3FA0]  }
0x39: {  	_ = 	snop;
	(pc) =	sbr.ind lr, $3  }
0x3a: {  	_ = 	snop  }
0x3b: {  	_ = 	snop  }
0x3c: {  	p2 =	seq.s32 s10, $0x1;
	s10 =	sld [smem:$0x3F9F]  }
0x3d: {  	_ =	shalt  }
0x3e: {  	_ =	shalt  }
0x3f: {  	_ =	shalt  }
0x40: {  	_ =	shalt  }
0x41: {  	_ =	shalt  }
0x42: {  	_ =	shalt  }
0x43: {  	_ =	shalt  }
0x44: {  	_ =	shalt  }
0x45: {  	_ =	shalt  }
0x46: {  	_ =	shalt  }
0x47: {  	_ =	shalt  }
0x48: {  	_ =	shalt  }
0x49: {  	_ =	shalt  }
0x4a: {  	_ =	shalt  }
0x4b: {  	_ =	shalt  }
0x4c: {  	_ =	shalt  }
0x4d: {  	_ =	shalt  }
0x4e: {  	_ =	shalt  }
0x4f: {  	_ =	shalt  }
0x50: {  	_ =	shalt  }
0x51: {  	_ =	shalt  }
0x52: {  	_ =	shalt  }
0x53: {  	_ =	shalt  }
0x54: {  	_ =	shalt  }
0x55: {  	_ =	shalt  }
0x56: {  	_ =	shalt  }
0x57: {  	_ =	shalt  }
0x58: {  	_ =	shalt  }
0x59: {  	_ =	shalt  }
0x5a: {  	_ =	shalt  }
0x5b: {  	_ =	shalt  }
0x5c: {  	_ =	shalt  }
0x5d: {  	_ =	shalt  }
0x5e: {  	_ =	shalt  }
0x5f: {  	_ =	shalt  }
0x60: {  	_ =	shalt  }
0x61: {  	_ =	shalt  }
0x62: {  	_ =	shalt  }
0x63: {  	_ =	shalt  }
0x64: {  	_ =	shalt  }
0x65: {  	_ =	shalt  }
0x66: {  	_ =	shalt  }
0x67: {  	_ =	shalt  }
0x68: {  	_ =	shalt  }
0x69: {  	_ =	shalt  }
0x6a: {  	_ =	shalt  }
0x6b: {  	_ =	shalt  }
0x6c: {  	_ =	shalt  }
0x6d: {  	_ =	shalt  }
0x6e: {  	_ =	shalt  }
0x6f: {  	_ =	shalt  }
0x70: {  	_ =	shalt  }
0x71: {  	_ =	shalt  }
0x72: {  	_ =	shalt  }
0x73: {  	_ =	shalt  }
0x74: {  	_ =	shalt  }
0x75: {  	_ =	shalt  }
0x76: {  	_ =	shalt  }
0x77: {  	_ =	shalt  }
0x78: {  	_ =	shalt  }
0x79: {  	_ =	shalt  }
0x7a: {  	_ =	shalt  }
0x7b: {  	_ =	shalt  }
0x7c: {  	_ =	shalt  }
0x7d: {  	_ =	shalt  }
0x7e: {  	_ =	shalt  }
0x7f: {  	_ =	shalt  }
0x80: {  	_ =	shalt  }
0x81: {  	_ =	shalt  }
0x82: {  	_ =	shalt  }
0x83: {  	_ =	shalt  }
0x84: {  	_ =	shalt  }
0x85: {  	_ =	shalt  }
0x86: {  	_ =	shalt  }
0x87: {  	_ =	shalt  }
.Lfunc_end0:
.L_simem_size_0:
called_computation_lowered:
.L_overlay_start_0:
0x88: {  	s2 =	sld [smem:$0x3FD9]  }
0x89: {  	s3 =	sld [smem:$0x3FFE];
	_ =	sdelay $0x1  }
0x8a: {  	s1 =	srdreg.scid  }
0x8b: {  	s0 =	sand.u32 $0x1, s1  }
0x8c: {  	s16 =	sshll.u32 s0, $0xA;
	s2 =	sadd.s32 s3, s2  }
0x8d: {  	s2 =	sadd.s32 s2, s16  }
0x8e: {  	[smem:$0x3FAB] =	sst s2  }
0x8f: {  	_ = 	snop  }
0x90: {  	(tm) =	ssettm $0x1  }
0x91: {  	s17 =	sld [smem:$0x3FFB];
	_ =	sdelay $0x3  }
0x92: {  	_ =	strace s17  }
0x93: {  	s2 =	sld [smem:$0x3FFC];
	_ =	sdelay $0x3  }
0x94: {  	_ =	strace s2  }
0x95: {  	s2 =	sld [smem:$0x3FFD];
	_ =	sdelay $0x3  }
0x96: {  	_ =	strace s2  }
0x97: {  	_ =	strace $0x8FFFFFFF  }
0x98: {  	s18 =	sld [smem:$0x3FDB];
	_ =	sdelay $0x1  }
0x99: {  	s19 =	simm.s32 $_scs_section_size  }
0x9a: {  	s4 =	simm.s32 $_size__tile_overlayer_lowered;
	s5 =	simm.s32 $_tile_overlayer_lowered  }
0x9b: {  	s22 =	simm.s32 $0x1BFF;
	s21 =	sshll.u32 s5, $0x1;
	s2 =	sadd.s32 s19, s18  }
0x9c: {  	s6 =	simm.s32 $0x0;
	s20 =	sshll.u32 s4, $0x1;
	s4 =	sadd.s32 s21, s2  }
0x9d: {  	[timem:s6], [sflag:s22] =	dma.local [hbm:s4], s20  }
0x9e: {  	_ =	swait.ge [sflag:s22], s20  }
0x9f: {  	s3 =	ssub.s32 $0x0, s20;
	[sflag:s22] =	ssyncset.done $0x0  }
0xa0: {  	[sflag:s22] =	ssyncadd.s32 s3;
	_ =	sdelay $0x1  }
0xa1: {  	s23 =	simm.s32 $0x1B8B  }
0xa2: {  	_ =	swait.ge [sflag:s23], $0x1  }
0xa3: {  	[sflag:s23] =	ssyncset.done $0x0  }
0xa4: {  	s25 =	simm.s32 $0x1B8E;
	s24 =	sld [smem:$0x3FFE];
	[sflag:s23] =	ssyncadd.s32 $0xFFFFFFFF  }
0xa5: {  	s26 =	simm.s32 $execute0_lowered;
	[smem:$0x3FD2] =	sst s25  }
0xa6: {  	s4 =	sshll.u32 s26, $0x1;
	_ =	strace $0x80000046;
	[dreg:$0x1] =	wrdreg $0xFFFFFFFF  }
0xa7: {  	s28 =	simm.s32 $_size_execute0_lowered;
	s2 =	sadd.s32 s2, s4;
	[dreg:$0x0] =	wrdreg $0x0  }
0xa8: {  	s4 =	sshll.u32 s28, $0x1;
	[dreg:$0x2] =	wrdreg s2  }
0xa9: {  	[dreg:$0x3] =	wrdreg s4  }
0xaa: {  	[dreg:$0x4] =	wrdreg $0xC0  }
0xab: {  	_ =	task [dreg:s6], $0x5FFFF  }
0xac: {  	[dreg:$0x1] =	wrdreg $0xFFFFFFFF  }
0xad: {  	[dreg:$0x0] =	wrdreg $0x60  }
0xae: {  	[dreg:$0x2] =	wrdreg s24  }
0xaf: {  	[dreg:$0x3] =	wrdreg $0x20800  }
0xb0: {  	[dreg:$0x4] =	wrdreg $0x9  }
0xb1: {  	_ =	task.clear_ibuf [dreg:s6], $0x5FFFF;
	_ =	strace $0x90000046  }
0xb2: {  	s29 =	simm.s32 $0x9;
	_ =	strace $0x80000048  }
0xb3: {  	_ =	swait.ge [sflag:s29], $0x1  }
0xb4: {  	[sflag:s29] =	ssyncadd.s32 $0xFFFFFFFF  }
0xb5: {  	_ =	strace $0x90000048  }
0xb6: {  	_ =	sfence  }
0xb7: {  	s30 =	sld [smem:$0x0];
	_ =	sdelay $0x2  }
0xb8: {  	s31 =	sshll.u32 s1, $0xD;
	s1 =	sshrl.u32 s1, $0x2  }
0xb9: {  	s3 =	sand.u32 $0x4000, s31;
	s1 =	sadd.s32 s1, s30  }
0xba: {  	s0 =	sor.u32 s3, s0;
	s1 =	sshll.u32 s1, $0x11  }
0xbb: {  	s0 =	sor.u32 s1, s0  }
0xbc: {  	s0 =	sadd.s32 $0x8F2B, s0  }
0xbd: {  	[sflag:s0] =	ssyncadd.remote.s32 $0x1  }
0xbe: {  	_ =	sfence.sel $0xFFFF  }
0xbf: {  	[dreg:$0x0] =	wrdreg $0xFFFFFFFF;
	(pc) =	sbr.abs _section_cstart, $3  }
0xc0: {  	[dreg:$0x1] =	wrdreg $0xFFFFFFFF  }
0xc1: {  	_ =	task.clear_ibuf [dreg:s6], $0x2FFFF;
	_ =	strace $0x9FFFFFFF  }
0xc2: {  	(tm) =	ssettm $0x7FFFFFFF  }
0xc3: {  	_ =	shalt  }
tec
execute0_lowered:
.L_overlay_start_1:
0x0: {  	(tag) =	ssettag $0x1  }
0x1: {  	s4 =	rddreg [dreg:$0x0];
	s1 =	srdreg.scid  }
0x2: {  	s0 =	stileid.u32;
	s2 =	rddreg [dreg:$0x1];
	s3 =	simm.s32 $0x0  }
0x3: {  	s12 =	simm.s32 $0x400;
	s13 =	simm.s32 $0x1000;
	s16 =	simm.s32 $0x0  }
0x4: {  	s5 =	sand.u32 $0x1, s1;
	s6 =	sshll.u32 s0, $0x1;
	s1 =	rddreg [dreg:$0x2]  }
0x5: {  	[smem:$0x7FF] =	sst s3;
	s8 =	sshll.u32 s0, $0xA;
	s29 =	sshll.u32 s0, $0x7  }
0x6: {  	s11 =	sshll.u32 s0, $0x5;
	s14 =	sshll.u32 s0, $0x6;
	s6 =	sor.u32 s5, s6  }
0x7: {  	_ =	strace $0x80000047;
	s8 =	sand.u32 $0x3000, s8;
	s9 =	sshll.u32 s5, $0x4  }
0x8: {  	s5 =	ssub.s32 $0x2, s5;
	s14 =	sor.u32 $0x1C01, s14;
	s7 =	sshll.u32 s6, $0x9  }
0x9: {  	s8 =	sadd.s32 s8, s4;
	s9 =	sadd.s32 s9, s4;
	s28 =	sshrl.u32 s5, $0x1  }
0xa: {  	s30 =	sshll.u32 s6, $0x4;
	s7 =	sadd.s32 s7, s4;
	s10 =	ssub.s32 s5, s28  }
0xb: {  	s4 =	sadd.s32 s29, s2;
	s6 =	sand.u32 $0x70, s30;
	s31 =	sadd.s32 s11, s9  }
0xc: {  	s9 =	simm.s32 $0x2000;
	s11 =	simm.s32 $0x80;
	s5 =	sadd.s32 $0xB200, s7  }
0xd: {  	s6 =	sadd.s32 s6, s8;
	s7 =	sadd.s32 $0x13200, s31;
	s8 =	smax.u32 s10, $0x1  }
0xe: {  	v0 =	vimm.f32 $0.0e+00;
	s10 =	simm.s32 $0x1;
	s15 =	sshrl.u32 s4, $0x3;
	s6 =	sadd.s32 $0xF200, s6  }
.LBB2_1:
0xf: {  	[tilespmem:$0x2000] =	vst v0  }
0x10: {  	[tilespmem:$0x2010] =	vst v0  }
0x11: {  	[tilespmem:$0x2020] =	vst v0  }
0x12: {  	[tilespmem:$0x2030] =	vst v0  }
0x13: {  	[tilespmem:$0x2040] =	vst v0  }
0x14: {  	[tilespmem:$0x2050] =	vst v0  }
0x15: {  	[tilespmem:$0x2060] =	vst v0  }
0x16: {  	[tilespmem:$0x2070] =	vst v0  }
0x17: {  	[spmem:s4] =	stream.linear.scatter [tilespmem:s9], [sflag:$0x1], $0x80, $0x38;
	[tilespmem:$0x2100] =	vst v63  }
0x18: {  	_ =	swait.ge [sflag:s10], $0x80  }
0x19: {  	[sflag:s10] =	ssyncset.done $0x0  }
0x1a: {  	[sflag:s10] =	ssyncadd.s32 $0xFFFFFF80  }
0x1b: {  	[bflag:$0x0] =	sbarrier.arrive $0xFFFF  }
0x1c: {  	[tilespmem:s3], [sflag:$0x1] =	stream.linear.gather [hbm4b:s5+s3], $0x1000, $0x38;
	[tilespmem:$0x2100] =	vst v63  }
0x1d: {  	_ =	swait.ge [sflag:s10], $0x1000  }
0x1e: {  	[sflag:s10] =	ssyncset.done $0x0  }
0x1f: {  	[sflag:s10] =	ssyncadd.s32 $0xFFFFF000  }
0x20: {  	[tilespmem:s13], [sflag:$0x1] =	stream.strided.gather [hbm4b:s6+s11], $0x1000, s12, s11, $0x38;
	[tilespmem:$0x2100] =	vst v63  }
0x21: {  	_ =	swait.ge [sflag:s10], $0x1000  }
0x22: {  	[sflag:s10] =	ssyncset.done $0x0  }
0x23: {  	s17 =	simm.s32 $0x0;
	s18 =	simm.s32 $0x1000;
	[sflag:s10] =	ssyncadd.s32 $0xFFFFF000  }
0x24: {  	[spmem:s2] =	stream.indirect.scatter.add.f32 [tilespmem:s18], [sflag:$0x1], $0x1, s17, s11, $0xb8;
	[tilespmem:$0x2100] =	vst v63  }
0x25: {  	s17 =	simm.s32 $0x200;
	_ =	swait.ge [sflag:s10], $0x80  }
.LBB2_2:
0x26: {  	s18 =	sshra.s32 s17, $0x2;
	[sflag:s10] =	ssyncset.done $0x0;
	p0 =	sne.s32 s17, $0x3E00  }
.Ltmp0:
0x27: {  	s19 =	sadd.s32 $0x1000, s18;
	[sflag:s10] =	ssyncadd.s32 $0xFFFFFF80;
	(pc) =	sbr.rel @p0 .LBB2_2-.Ltmp0, $3  }
0x28: {  	[spmem:s2] =	stream.indirect.scatter.add.f32 [tilespmem:s19], [sflag:$0x1], $0x1, s18, s11, $0xb8;
	[tilespmem:$0x2100] =	vst v63  }
0x29: {  	s17 =	sadd.s32 $0x200, s17;
	_ =	sdelay $0x1  }
0x2a: {  	_ =	swait.ge [sflag:s10], $0x80  }
0x2b: {  	[sflag:s10] =	ssyncset.done $0x0;
	s16 =	sadd.s32 $0x1, s16  }
0x2c: {  	[sflag:s10] =	ssyncadd.s32 $0xFFFFFF80;
	p0 =	sne.s32 s16, s8  }
.Ltmp1:
0x2d: {  	[bflag:$0x0] =	sbarrier.arrive $0xFFFF;
	(pc) =	sbr.rel @p0 .LBB2_1-.Ltmp1, $4  }
0x2e: {  	[hbm:s7], [sflag:s14] =	dma.local [spmem:s15], $0x10  }
0x2f: {  	_ =	swait.ge [sflag:s10], $0x10  }
0x30: {  	[sflag:s10] =	ssyncset.done $0x0  }
0x31: {  	[sflag:s10] =	ssyncadd.s32 $0xFFFFFFF0  }
0x32: {  	_ =	sfence.sel $0x180000  }
0x33: {  	[bflag:$0x0] =	sbarrier.arrive $0xFFFF  }
0x34: {  	p0 =	sne.s32 s0, $0x0;
	_ =	strace $0x90000047  }
0x35: {  	s0 =	sadd.s32 @!p0 $0x100000, s1;
	[bflag:$0x2] =	sbarrier.arrive $0xFFFF  }
0x36: {  	[sflag:s0] =	ssyncadd.tile.s32 @!p0 $0x1;
	_ =	shalt  }
.Lfunc_end2:
_tile_overlayer_lowered:
.L_overlay_start_2:
0x37: {  	(tag) =	ssettag $0x2  }
0x38: {  	s0 =	rddreg [dreg:$0x0];
	s2 =	stileid.u32  }
0x39: {  	s1 =	rddreg [dreg:$0x1];
	p0 =	sne.s32 s2, $0x0  }
0x3a: {  	s3 =	rddreg [dreg:$0x2];
	[bflag:$0x3] =	sbarrier.arrive $0xFFFF;
	s2 =	simm.s32 @!p0 $0x1C01  }
0x3b: {  	[timem:s3], [sflag:s2] =	dma.local @!p0 [hbm:s0], s1  }
0x3c: {  	s0 =	simm.s32 @!p0 $0x1  }
0x3d: {  	_ =	swait.ge @!p0 [sflag:s0], s1  }
0x3e: {  	s1 =	ssub.s32 @!p0 $0x0, s1;
	[sflag:s0] =	ssyncset.done @!p0 $0x0  }
0x3f: {  	[sflag:s0] =	ssyncadd.s32 @!p0 s1  }
0x40: {  	[bflag:$0x3] =	sbarrier.arrive $0xFFFF  }
0x41: {  	_ =	shalt  }

</sc_bundles>
